<compile_context>
chip_gen: v7x
topology: tpu7x:2x2x1
jax: 0.10.2.dev20260603
libtpu: 0.0.44.dev20260713+nightly
codegen_flags: <defaults>
</compile_context>

<pallas_src>
import jax
import jax.numpy as jnp
from jax.experimental import pallas as pl
from jax.experimental.pallas import tpu as pltpu
from jax.experimental.pallas import tpu_sc as plsc
import functools

B, S, D = 1, 2048, 1024
H, DH = 8, 128
BLKQ, BLKK = 128, 64
NQ, NK = S // BLKQ, S // BLKK
KSEL = 4
SCALE = DH ** -0.5
TS = 256
QB = 16

_BF = jnp.bfloat16
_F32 = jnp.float32


def _bdot(a, b):
    return jnp.dot(a.astype(_BF), b.astype(_BF), preferred_element_type=_F32)


def _bdot_t(a, b):
    return jax.lax.dot_general(a.astype(_BF), b.astype(_BF),
                               (((1,), (1,)), ((), ())),
                               preferred_element_type=_F32)


def _roll(x, shift):
    if shift == -1:
        return jnp.concatenate([x[:, 1:], x[:, :1]], axis=1)
    return jnp.concatenate([x[:, -1:], x[:, :-1]], axis=1)


def _norm_rope(x, nw, c, s):
    var = jnp.mean(x * x, axis=-1, keepdims=True)
    r = x * jax.lax.rsqrt(var + 1e-6) * nw
    lane = jax.lax.broadcasted_iota(jnp.int32, r.shape, 1)
    even = (lane % 2) == 0
    shifted = jnp.where(even, -_roll(r, -1), _roll(r, 1))
    return r * c + shifted * s


def _qkv_body(hs_ref, w_ref, b_ref, nqw_ref, nkw_ref, c_ref, s_ref,
              m2_ref, m4_ref, q_ref, k_ref, v_ref, qb_ref, kb_ref):
    x3 = jnp.dot(hs_ref[:], w_ref[:], preferred_element_type=_F32)
    x3 = x3 + b_ref[0]
    c = jnp.tile(c_ref[:], (1, H))
    s = jnp.tile(s_ref[:], (1, H))
    qr = _norm_rope(x3[:, :D], nqw_ref[0], c, s)
    kr = _norm_rope(x3[:, D:2 * D], nkw_ref[0], c, s)
    q_ref[:] = qr.astype(_BF)
    k_ref[:] = kr.astype(_BF)
    v_ref[:] = x3[:, 2 * D:].astype(_BF)
    qb_ref[0] = jnp.dot(m2_ref[:], qr, preferred_element_type=_F32,
                        precision=jax.lax.Precision.HIGHEST)
    kb_ref[0] = jnp.dot(m4_ref[:], kr, preferred_element_type=_F32,
                        precision=jax.lax.Precision.HIGHEST)


def _score_body(qb_ref, kb_ref, sc_ref):
    for h in range(H):
        qb = qb_ref[:, h * DH:(h + 1) * DH]
        kb = kb_ref[:, h * DH:(h + 1) * DH]
        sc_ref[h] = _bdot_t(kb, qb)


def _sc_topk_body(sc_hbm, idx_hbm, row_v, out_v):
    info = plsc.get_sparse_core_info()
    wid = jax.lax.axis_index("s") * info.num_cores + jax.lax.axis_index("c")
    ntiles = (H * NQ) // 16

    @pl.when(wid < ntiles)
    def _():
        pltpu.sync_copy(sc_hbm.at[wid], row_v)
        m = [jnp.full((16,), -3e38, _F32) for _ in range(KSEL)]
        ix = [jnp.zeros((16,), jnp.int32) for _ in range(KSEL)]
        for c in range(NK):
            v = row_v[c, :]
            vi = jnp.zeros((16,), jnp.int32) + c
            for s in range(KSEL):
                gt = v > m[s]
                m[s], v = jnp.where(gt, v, m[s]), jnp.where(gt, m[s], v)
                ix[s], vi = jnp.where(gt, vi, ix[s]), jnp.where(gt, ix[s], vi)
        for s in range(KSEL):
            out_v[s, :] = ix[s]
        pltpu.sync_copy(out_v, idx_hbm.at[wid])


def _attn_body(idx_sref, q_ref, k_ref, v_ref, o_ref,
               kv_scr, ks_scr, kvt_scr, kst_scr):
    h = pl.program_id(0)
    qg = pl.program_id(1)

    @pl.when(qg == 0)
    def _():
        vh = v_ref[:]
        phik = jax.nn.softmax(k_ref[:].astype(_F32), axis=-1)
        kvt = jnp.zeros((DH, DH), _F32)
        kst = jnp.zeros((1, DH), _F32)
        for n in range(NK):
            pb = phik[n * BLKK:(n + 1) * BLKK, :]
            vb = vh[n * BLKK:(n + 1) * BLKK, :]
            kv = jax.lax.dot_general(pb.astype(_BF), vb,
                                     (((0,), (0,)), ((), ())),
                                     preferred_element_type=_F32)
            kvb = kv.astype(_BF)
            ksn = jnp.sum(pb, axis=0, keepdims=True)
            kv_scr[n] = kvb
            ks_scr[n] = ksn
            kvt = kvt + kvb.astype(_F32)
            kst = kst + ksn
        kvt_scr[:] = kvt
        kst_scr[:] = kst

    @pl.when(qg > 0)
    def _():
        kvt = kvt_scr[:]
        kst = kst_scr[:]
        for qq in range(QB):
            qi = (qg - 1) * QB + qq
            q = q_ref[qq * BLKQ:(qq + 1) * BLKQ, :]
            kvq = kvt
            ksq = kst
            ksl = []
            vsl = []
            for j in range(KSEL):
                bi = idx_sref[h, qi, j]
                ksl.append(k_ref[pl.ds(bi * BLKK, BLKK), :])
                vsl.append(v_ref[pl.ds(bi * BLKK, BLKK), :])
                kvq = kvq - kv_scr[pl.ds(bi, 1), :, :][0].astype(_F32)
                ksq = ksq - ks_scr[pl.ds(bi, 1), 0, :]
            ksel = jnp.concatenate(ksl, axis=0)
            vsel = jnp.concatenate(vsl, axis=0)
            logits = _bdot_t(q, ksel) * SCALE
            m = jnp.max(logits, axis=-1, keepdims=True)
            p = jnp.exp(logits - m)
            attn = p / jnp.sum(p, axis=-1, keepdims=True)
            o_sp = jnp.dot(attn.astype(_BF), vsel, preferred_element_type=_F32)
            phiq = jax.nn.softmax(q.astype(_F32), axis=-1)
            num = _bdot(phiq, kvq)
            den = jnp.sum(phiq * ksq, axis=-1, keepdims=True) + 1e-6
            o_ref[0, qq * BLKQ:(qq + 1) * BLKQ, :] = \
                (o_sp + num / den).astype(_BF)


def _oproj_body(o_ref, wo_ref, bo_ref, out_ref):
    acc = jnp.zeros((TS, D), _F32) + bo_ref[0, 0]
    for h in range(H):
        acc = acc + jnp.dot(o_ref[h], wo_ref[h], preferred_element_type=_F32)
    out_ref[:] = acc


def kernel(hidden_states, freqs_cos, freqs_sin, Wq, bq, Wk, bk, Wv, bv,
           Wo, bo, norm_q_w, norm_k_w):
    hs2 = hidden_states.reshape(S, D).astype(_BF)
    cos_e = freqs_cos.reshape(S, DH)[:, 0::2]
    sin_o = freqs_sin.reshape(S, DH)[:, 1::2]
    chead = jnp.repeat(cos_e, 2, axis=1)
    shead = jnp.repeat(sin_o, 2, axis=1)
    wcat = jnp.concatenate([Wq, Wk, Wv], axis=1).astype(_BF)
    bcat = jnp.concatenate([bq, bk, bv]).reshape(1, 3 * D)
    nqw = norm_q_w.reshape(1, D)
    nkw = norm_k_w.reshape(1, D)
    nqt = TS // BLKQ
    nkt = TS // BLKK
    m2 = jnp.repeat(jnp.eye(nqt, dtype=_F32), BLKQ, axis=1) / BLKQ
    m4 = jnp.repeat(jnp.eye(nkt, dtype=_F32), BLKK, axis=1) / BLKK

    q2, k2, v2, qb3, kb3 = pl.pallas_call(
        _qkv_body,
        grid=(S // TS,),
        in_specs=[
            pl.BlockSpec((TS, D), lambda i: (i, 0)),
            pl.BlockSpec((D, 3 * D), lambda i: (0, 0)),
            pl.BlockSpec((1, 3 * D), lambda i: (0, 0)),
            pl.BlockSpec((1, D), lambda i: (0, 0)),
            pl.BlockSpec((1, D), lambda i: (0, 0)),
            pl.BlockSpec((TS, DH), lambda i: (i, 0)),
            pl.BlockSpec((TS, DH), lambda i: (i, 0)),
            pl.BlockSpec((nqt, TS), lambda i: (0, 0)),
            pl.BlockSpec((nkt, TS), lambda i: (0, 0)),
        ],
        out_specs=[
            pl.BlockSpec((TS, D), lambda i: (i, 0)),
            pl.BlockSpec((TS, D), lambda i: (i, 0)),
            pl.BlockSpec((TS, D), lambda i: (i, 0)),
            pl.BlockSpec((1, nqt, D), lambda i: (i, 0, 0)),
            pl.BlockSpec((1, nkt, D), lambda i: (i, 0, 0)),
        ],
        out_shape=[
            jax.ShapeDtypeStruct((S, D), _BF),
            jax.ShapeDtypeStruct((S, D), _BF),
            jax.ShapeDtypeStruct((S, D), _BF),
            jax.ShapeDtypeStruct((S // TS, nqt, D), _F32),
            jax.ShapeDtypeStruct((S // TS, nkt, D), _F32),
        ],
    )(hs2, wcat, bcat, nqw, nkw, chead, shead, m2, m4)
    qb_all = qb3.reshape(NQ, D)
    kb_all = kb3.reshape(NK, D)

    bscore = pl.pallas_call(
        _score_body,
        grid=(1,),
        in_specs=[
            pl.BlockSpec((NQ, D), lambda i: (0, 0)),
            pl.BlockSpec((NK, D), lambda i: (0, 0)),
        ],
        out_specs=pl.BlockSpec((H, NK, NQ), lambda i: (0, 0, 0)),
        out_shape=jax.ShapeDtypeStruct((H, NK, NQ), _F32),
    )(qb_all, kb_all)

    sc_topk = functools.partial(
        pl.kernel,
        mesh=plsc.VectorSubcoreMesh(core_axis_name="c", subcore_axis_name="s"),
        out_type=jax.ShapeDtypeStruct((H, KSEL, NQ), jnp.int32),
        scratch_types=[
            pltpu.VMEM((NK, 16), _F32),
            pltpu.VMEM((KSEL, 16), jnp.int32),
        ],
    )(_sc_topk_body)
    idx = sc_topk(bscore).transpose(0, 2, 1)

    o_heads = pl.pallas_call(
        _attn_body,
        grid_spec=pltpu.PrefetchScalarGridSpec(
            num_scalar_prefetch=1,
            grid=(H, 1 + NQ // QB),
            in_specs=[
                pl.BlockSpec((QB * BLKQ, DH),
                             lambda h, qg, *_: (jnp.maximum(qg - 1, 0), h)),
                pl.BlockSpec((S, DH), lambda h, qg, *_: (0, h)),
                pl.BlockSpec((S, DH), lambda h, qg, *_: (0, h)),
            ],
            out_specs=pl.BlockSpec(
                (1, QB * BLKQ, DH),
                lambda h, qg, *_: (h, jnp.maximum(qg - 1, 0), 0)),
            scratch_shapes=[
                pltpu.VMEM((NK, DH, DH), _BF),
                pltpu.VMEM((NK, 1, DH), _F32),
                pltpu.VMEM((DH, DH), _F32),
                pltpu.VMEM((1, DH), _F32),
            ],
        ),
        out_shape=jax.ShapeDtypeStruct((H, S, DH), _BF),
    )(idx, q2, k2, v2)

    wo_r = Wo.reshape(H, DH, D).astype(_BF)
    out = pl.pallas_call(
        _oproj_body,
        grid=(S // TS,),
        in_specs=[
            pl.BlockSpec((H, TS, DH), lambda i: (0, i, 0)),
            pl.BlockSpec((H, DH, D), lambda i: (0, 0, 0)),
            pl.BlockSpec((1, 1, D), lambda i: (0, 0, 0)),
        ],
        out_specs=pl.BlockSpec((TS, D), lambda i: (i, 0)),
        out_shape=jax.ShapeDtypeStruct((S, D), _F32),
    )(o_heads, wo_r, bo.reshape(1, 1, D))

    return out.reshape(B, S, D)

# --- scband reference (transcript-rebuilt; emitter-appended) ---
"""Pipeline reference for scband-wan-slaprocessor-82334523064717 (READ-ONLY COPY).

The authoritative reference and input builder live on the scoring server;
editing this copy changes nothing except your own understanding.
"""

import jax, jax.numpy as jnp
import numpy as np

B, S, D = 1, 2048, 1024
H, DH = 8, 128
BLKQ, BLKK = 128, 64
TOPK = 0.1


def _rms_norm(x, w):
    var = jnp.mean(x * x, axis=-1, keepdims=True)
    return (x * jax.lax.rsqrt(var + 1e-6)) * w


def _apply_rotary(x, freqs_cos, freqs_sin):
    x1 = x[..., 0::2]
    x2 = x[..., 1::2]
    cos = freqs_cos[..., 0::2]
    sin = freqs_sin[..., 1::2]
    o1 = x1 * cos - x2 * sin
    o2 = x1 * sin + x2 * cos
    return jnp.stack([o1, o2], axis=-1).reshape(x.shape).astype(x.dtype)


def setup_inputs(seed: int = 0) -> dict:
    key = jax.random.key(seed)
    ks = jax.random.split(key, 12)
    hidden_states = jax.random.normal(ks[0], (B, S, D), dtype=jnp.float32)
    freqs_cos = jax.random.uniform(ks[1], (1, S, 1, DH), dtype=jnp.float32)
    freqs_sin = jax.random.uniform(ks[2], (1, S, 1, DH), dtype=jnp.float32)
    sc = 0.02
    Wq = jax.random.normal(ks[3], (D, D), dtype=jnp.float32) * sc
    Wk = jax.random.normal(ks[4], (D, D), dtype=jnp.float32) * sc
    Wv = jax.random.normal(ks[5], (D, D), dtype=jnp.float32) * sc
    Wo = jax.random.normal(ks[6], (D, D), dtype=jnp.float32) * sc
    bq = jnp.zeros((D,), dtype=jnp.float32)
    bk = jnp.zeros((D,), dtype=jnp.float32)
    bv = jnp.zeros((D,), dtype=jnp.float32)
    bo = jnp.zeros((D,), dtype=jnp.float32)
    norm_q_w = jnp.ones((D,), dtype=jnp.float32)
    norm_k_w = jnp.ones((D,), dtype=jnp.float32)
    return {"hidden_states": hidden_states, "freqs_cos": freqs_cos, "freqs_sin": freqs_sin,
            "Wq": Wq, "bq": bq, "Wk": Wk, "bk": bk, "Wv": Wv, "bv": bv,
            "Wo": Wo, "bo": bo, "norm_q_w": norm_q_w, "norm_k_w": norm_k_w}


def reference(hidden_states, freqs_cos, freqs_sin, Wq, bq, Wk, bk, Wv, bv, Wo, bo, norm_q_w, norm_k_w):
    # qkv projections + RMS norms (Wan self-attention path, no cross/image branch)
    q = _rms_norm(hidden_states @ Wq + bq, norm_q_w)
    k = _rms_norm(hidden_states @ Wk + bk, norm_k_w)
    v = hidden_states @ Wv + bv
    q = q.reshape(B, S, H, DH)
    k = k.reshape(B, S, H, DH)
    v = v.reshape(B, S, H, DH)
    q = _apply_rotary(q, freqs_cos, freqs_sin)
    k = _apply_rotary(k, freqs_cos, freqs_sin)
    q = q.transpose(0, 2, 1, 3)
    k = k.transpose(0, 2, 1, 3)
    v = v.transpose(0, 2, 1, 3)
    # Sparse Linear Attention (SLA): block top-k sparse softmax + linear attention on the rest
    nQ, nK = S // BLKQ, S // BLKK
    kcnt = int(np.ceil(TOPK * nK))
    qb = q.reshape(B, H, nQ, BLKQ, DH).mean(axis=3)
    kb = k.reshape(B, H, nK, BLKK, DH).mean(axis=3)
    bscore = jnp.einsum('bhqd,bhkd->bhqk', qb, kb)
    _, idx = jax.lax.top_k(bscore, kcnt)
    bmask = jax.nn.one_hot(idx, nK, dtype=jnp.float32).sum(axis=-2) > 0
    tmask = jnp.repeat(jnp.repeat(bmask, BLKQ, axis=2), BLKK, axis=3)
    scale = DH ** -0.5
    logits = jnp.einsum('bhqd,bhkd->bhqk', q, k) * scale
    logits = jnp.where(tmask, logits, -1e9)
    attn = jax.nn.softmax(logits, axis=-1)
    o_sparse = jnp.einsum('bhqk,bhkd->bhqd', attn, v)
    # linear attention over the non-selected blocks (feature_map='softmax')
    phiq = jax.nn.softmax(q, axis=-1)
    phik = jax.nn.softmax(k, axis=-1)
    phik_b = phik.reshape(B, H, nK, BLKK, DH)
    v_b = v.reshape(B, H, nK, BLKK, DH)
    kv_blk = jnp.einsum('bhntd,bhnte->bhnde', phik_b, v_b)
    ks_blk = phik_b.sum(axis=3)
    nm = (~bmask).astype(jnp.float32)
    kv_q = jnp.einsum('bhqn,bhnde->bhqde', nm, kv_blk)
    ks_q = jnp.einsum('bhqn,bhnd->bhqd', nm, ks_blk)
    phiq_b = phiq.reshape(B, H, nQ, BLKQ, DH)
    num = jnp.einsum('bhqtd,bhqde->bhqte', phiq_b, kv_q)
    den = jnp.einsum('bhqtd,bhqd->bhqt', phiq_b, ks_q) + 1e-6
    o_lin = (num / den[..., None]).reshape(B, H, S, DH)
    o = o_sparse + o_lin
    o = o.transpose(0, 2, 1, 3).reshape(B, S, D)
    return o @ Wo + bo

if __name__ == "__main__":
    import jax
    _d = setup_inputs()
    print(jax.jit(kernel)(*tuple(_d.values())))

</pallas_src>

<mosaic_0001>
#map = affine_map<(d0, d1) -> (0, 0, 0)>
module attributes {stable_mosaic.version = 14 : i64} {
  func.func @_sc_topk_body(%arg0: i32, %arg1: i32, %arg2: memref<8x32x16xf32, #tpu.memory_space<hbm>>, %arg3: memref<8x4x16xi32, #tpu.memory_space<hbm>>, %arg4: memref<32x16xf32, #tpu.memory_space<vmem>>, %arg5: memref<4x16xi32, #tpu.memory_space<vmem>>) attributes {dimension_semantics = [#tpu.dimension_semantics<core_parallel>, #tpu.dimension_semantics<subcore_parallel>], iteration_bounds = array<i64: 2, 16>, scalar_prefetch = 0 : i64, scratch_operands = 2 : i64, tpu.core_type = #tpu.core_type<sc_vector_subcore>, window_params = [{transform_indices = #map}, {transform_indices = #map}]} {
    %mul3A = arith.constant 2 : i32
    %mul3A_0 = arith.muli %arg1, %mul3A : i32
    %add3A = arith.addi %mul3A_0, %arg0 : i32
    %lt3A = arith.constant 8 : i32
    %lt3A_1 = arith.cmpi slt, %add3A, %lt3A : i32
    %convert_element_type3A = arith.extui %lt3A_1 : i1 to i32
    %cond3A = arith.constant 0 : i32
    %cond3A_2 = arith.cmpi ne, %convert_element_type3A, %cond3A : i32
    scf.if %cond3A_2 {
      "tpu.region"() ({
        %run_scoped3A = tpu.sem_alloc : memref<!tpu.dma_semaphore, #tpu.memory_space<semaphore_mem>>
        %dma_start3A = arith.constant 0 : i32
        %dma_start3A_998 = arith.constant 0 : i32
        %dma_start3A_999 = tpu.memref_slice %arg2[%add3A, %dma_start3A, %dma_start3A_998] : memref<8x32x16xf32, #tpu.memory_space<hbm>> -> memref<1x32x16xf32, #tpu.memory_space<hbm>>
        %dma_start3A_1000 = tpu.memref_squeeze %dma_start3A_999 : memref<1x32x16xf32, #tpu.memory_space<hbm>> -> memref<32x16xf32, #tpu.memory_space<hbm>>
        %dma_start3A_1001 = arith.constant 0 : i32
        %dma_start3A_1002 = arith.constant 0 : i32
        %dma_start3A_1003 = tpu.memref_slice %arg2[%add3A, %dma_start3A_1001, %dma_start3A_1002] : memref<8x32x16xf32, #tpu.memory_space<hbm>> -> memref<1x32x16xf32, #tpu.memory_space<hbm>>
        %dma_start3A_1004 = tpu.memref_squeeze %dma_start3A_1003 : memref<1x32x16xf32, #tpu.memory_space<hbm>> -> memref<32x16xf32, #tpu.memory_space<hbm>>
        tpu.enqueue_dma source(%dma_start3A_1004 : memref<32x16xf32, #tpu.memory_space<hbm>>) target(%arg4 : memref<32x16xf32, #tpu.memory_space<vmem>>) target_semaphore(%run_scoped3A : memref<!tpu.dma_semaphore, #tpu.memory_space<semaphore_mem>>)
        %dma_wait3A = arith.constant 0 : i32
        %dma_wait3A_1005 = arith.constant 0 : i32
        %dma_wait3A_1006 = tpu.memref_slice %arg2[%add3A, %dma_wait3A, %dma_wait3A_1005] : memref<8x32x16xf32, #tpu.memory_space<hbm>> -> memref<1x32x16xf32, #tpu.memory_space<hbm>>
        %dma_wait3A_1007 = tpu.memref_squeeze %dma_wait3A_1006 : memref<1x32x16xf32, #tpu.memory_space<hbm>> -> memref<32x16xf32, #tpu.memory_space<hbm>>
        %dma_wait3A_1008 = arith.constant 0 : i32
        %dma_wait3A_1009 = arith.constant 0 : i32
        %dma_wait3A_1010 = tpu.memref_slice %arg2[%add3A, %dma_wait3A_1008, %dma_wait3A_1009] : memref<8x32x16xf32, #tpu.memory_space<hbm>> -> memref<1x32x16xf32, #tpu.memory_space<hbm>>
        %dma_wait3A_1011 = tpu.memref_squeeze %dma_wait3A_1010 : memref<1x32x16xf32, #tpu.memory_space<hbm>> -> memref<32x16xf32, #tpu.memory_space<hbm>>
        tpu.wait_dma2 semaphore(%run_scoped3A : memref<!tpu.dma_semaphore, #tpu.memory_space<semaphore_mem>>) src(%dma_wait3A_1011 : memref<32x16xf32, #tpu.memory_space<hbm>>) dst(%arg4 : memref<32x16xf32, #tpu.memory_space<vmem>>)
        tpu.yield
      }) : () -> ()
      %broadcast_in_dim3A = arith.constant -3.000000e+38 : f32
      %broadcast_in_dim3A_3 = vector.broadcast %broadcast_in_dim3A : f32 to vector<16xf32>
      %broadcast_in_dim3A_4 = arith.constant -3.000000e+38 : f32
      %broadcast_in_dim3A_5 = vector.broadcast %broadcast_in_dim3A_4 : f32 to vector<16xf32>
      %broadcast_in_dim3A_6 = arith.constant -3.000000e+38 : f32
      %broadcast_in_dim3A_7 = vector.broadcast %broadcast_in_dim3A_6 : f32 to vector<16xf32>
      %broadcast_in_dim3A_8 = arith.constant -3.000000e+38 : f32
      %broadcast_in_dim3A_9 = vector.broadcast %broadcast_in_dim3A_8 : f32 to vector<16xf32>
      %broadcast_in_dim3A_10 = arith.constant 0 : i32
      %broadcast_in_dim3A_11 = vector.broadcast %broadcast_in_dim3A_10 : i32 to vector<16xi32>
      %broadcast_in_dim3A_12 = arith.constant 0 : i32
      %broadcast_in_dim3A_13 = vector.broadcast %broadcast_in_dim3A_12 : i32 to vector<16xi32>
      %broadcast_in_dim3A_14 = arith.constant 0 : i32
      %broadcast_in_dim3A_15 = vector.broadcast %broadcast_in_dim3A_14 : i32 to vector<16xi32>
      %broadcast_in_dim3A_16 = arith.constant 0 : i32
      %broadcast_in_dim3A_17 = vector.broadcast %broadcast_in_dim3A_16 : i32 to vector<16xi32>
      %get3A = arith.constant 0 : i32
      %get3A_18 = arith.index_cast %get3A : i32 to index
      %get3A_19 = arith.constant 0 : index
      %get3A_20 = tpu.vector_load %arg4[%get3A_18, %get3A_19] {strides = array<i32>} : memref<32x16xf32, #tpu.memory_space<vmem>>, vector<1x16xf32>,
      %get3A_21 = vector.shape_cast %get3A_20 : vector<1x16xf32> to vector<16xf32>
      %broadcast_in_dim3A_22 = arith.constant 0 : i32
      %broadcast_in_dim3A_23 = vector.broadcast %broadcast_in_dim3A_22 : i32 to vector<16xi32>
      %add3A_24 = arith.constant 0 : i32
      %add3A_25 = vector.broadcast %add3A_24 : i32 to vector<16xi32>
      %add3A_26 = arith.addi %broadcast_in_dim3A_23, %add3A_25 : vector<16xi32>
      %gt3A = arith.cmpf ogt, %get3A_21, %broadcast_in_dim3A_3 : vector<16xf32>
      %select_n3A = arith.select %gt3A, %get3A_21, %broadcast_in_dim3A_3 : vector<16xi1>, vector<16xf32>
      %select_n3A_27 = arith.select %gt3A, %broadcast_in_dim3A_3, %get3A_21 : vector<16xi1>, vector<16xf32>
      %select_n3A_28 = arith.select %gt3A, %add3A_26, %broadcast_in_dim3A_11 : vector<16xi1>, vector<16xi32>
      %select_n3A_29 = arith.select %gt3A, %broadcast_in_dim3A_11, %add3A_26 : vector<16xi1>, vector<16xi32>
      %gt3A_30 = arith.cmpf ogt, %select_n3A_27, %broadcast_in_dim3A_5 : vector<16xf32>
      %select_n3A_31 = arith.select %gt3A_30, %select_n3A_27, %broadcast_in_dim3A_5 : vector<16xi1>, vector<16xf32>
      %select_n3A_32 = arith.select %gt3A_30, %broadcast_in_dim3A_5, %select_n3A_27 : vector<16xi1>, vector<16xf32>
      %select_n3A_33 = arith.select %gt3A_30, %select_n3A_29, %broadcast_in_dim3A_13 : vector<16xi1>, vector<16xi32>
      %select_n3A_34 = arith.select %gt3A_30, %broadcast_in_dim3A_13, %select_n3A_29 : vector<16xi1>, vector<16xi32>
      %gt3A_35 = arith.cmpf ogt, %select_n3A_32, %broadcast_in_dim3A_7 : vector<16xf32>
      %select_n3A_36 = arith.select %gt3A_35, %select_n3A_32, %broadcast_in_dim3A_7 : vector<16xi1>, vector<16xf32>
      %select_n3A_37 = arith.select %gt3A_35, %broadcast_in_dim3A_7, %select_n3A_32 : vector<16xi1>, vector<16xf32>
      %select_n3A_38 = arith.select %gt3A_35, %select_n3A_34, %broadcast_in_dim3A_15 : vector<16xi1>, vector<16xi32>
      %select_n3A_39 = arith.select %gt3A_35, %broadcast_in_dim3A_15, %select_n3A_34 : vector<16xi1>, vector<16xi32>
      %gt3A_40 = arith.cmpf ogt, %select_n3A_37, %broadcast_in_dim3A_9 : vector<16xf32>
      %select_n3A_41 = arith.select %gt3A_40, %select_n3A_37, %broadcast_in_dim3A_9 : vector<16xi1>, vector<16xf32>
      %select_n3A_42 = arith.select %gt3A_40, %broadcast_in_dim3A_9, %select_n3A_37 : vector<16xi1>, vector<16xf32>
      %select_n3A_43 = arith.select %gt3A_40, %select_n3A_39, %broadcast_in_dim3A_17 : vector<16xi1>, vector<16xi32>
      %select_n3A_44 = arith.select %gt3A_40, %broadcast_in_dim3A_17, %select_n3A_39 : vector<16xi1>, vector<16xi32>
      %get3A_45 = arith.constant 1 : i32
      %get3A_46 = arith.index_cast %get3A_45 : i32 to index
      %get3A_47 = arith.constant 0 : index
      %get3A_48 = tpu.vector_load %arg4[%get3A_46, %get3A_47] {strides = array<i32>} : memref<32x16xf32, #tpu.memory_space<vmem>>, vector<1x16xf32>,
      %get3A_49 = vector.shape_cast %get3A_48 : vector<1x16xf32> to vector<16xf32>
      %broadcast_in_dim3A_50 = arith.constant 0 : i32
      %broadcast_in_dim3A_51 = vector.broadcast %broadcast_in_dim3A_50 : i32 to vector<16xi32>
      %add3A_52 = arith.constant 1 : i32
      %add3A_53 = vector.broadcast %add3A_52 : i32 to vector<16xi32>
      %add3A_54 = arith.addi %broadcast_in_dim3A_51, %add3A_53 : vector<16xi32>
      %gt3A_55 = arith.cmpf ogt, %get3A_49, %select_n3A : vector<16xf32>
      %select_n3A_56 = arith.select %gt3A_55, %get3A_49, %select_n3A : vector<16xi1>, vector<16xf32>
      %select_n3A_57 = arith.select %gt3A_55, %select_n3A, %get3A_49 : vector<16xi1>, vector<16xf32>
      %select_n3A_58 = arith.select %gt3A_55, %add3A_54, %select_n3A_28 : vector<16xi1>, vector<16xi32>
      %select_n3A_59 = arith.select %gt3A_55, %select_n3A_28, %add3A_54 : vector<16xi1>, vector<16xi32>
      %gt3A_60 = arith.cmpf ogt, %select_n3A_57, %select_n3A_31 : vector<16xf32>
      %select_n3A_61 = arith.select %gt3A_60, %select_n3A_57, %select_n3A_31 : vector<16xi1>, vector<16xf32>
      %select_n3A_62 = arith.select %gt3A_60, %select_n3A_31, %select_n3A_57 : vector<16xi1>, vector<16xf32>
      %select_n3A_63 = arith.select %gt3A_60, %select_n3A_59, %select_n3A_33 : vector<16xi1>, vector<16xi32>
      %select_n3A_64 = arith.select %gt3A_60, %select_n3A_33, %select_n3A_59 : vector<16xi1>, vector<16xi32>
      %gt3A_65 = arith.cmpf ogt, %select_n3A_62, %select_n3A_36 : vector<16xf32>
      %select_n3A_66 = arith.select %gt3A_65, %select_n3A_62, %select_n3A_36 : vector<16xi1>, vector<16xf32>
      %select_n3A_67 = arith.select %gt3A_65, %select_n3A_36, %select_n3A_62 : vector<16xi1>, vector<16xf32>
      %select_n3A_68 = arith.select %gt3A_65, %select_n3A_64, %select_n3A_38 : vector<16xi1>, vector<16xi32>
      %select_n3A_69 = arith.select %gt3A_65, %select_n3A_38, %select_n3A_64 : vector<16xi1>, vector<16xi32>
      %gt3A_70 = arith.cmpf ogt, %select_n3A_67, %select_n3A_41 : vector<16xf32>
      %select_n3A_71 = arith.select %gt3A_70, %select_n3A_67, %select_n3A_41 : vector<16xi1>, vector<16xf32>
      %select_n3A_72 = arith.select %gt3A_70, %select_n3A_41, %select_n3A_67 : vector<16xi1>, vector<16xf32>
      %select_n3A_73 = arith.select %gt3A_70, %select_n3A_69, %select_n3A_43 : vector<16xi1>, vector<16xi32>
      %select_n3A_74 = arith.select %gt3A_70, %select_n3A_43, %select_n3A_69 : vector<16xi1>, vector<16xi32>
      %get3A_75 = arith.constant 2 : i32
      %get3A_76 = arith.index_cast %get3A_75 : i32 to index
      %get3A_77 = arith.constant 0 : index
      %get3A_78 = tpu.vector_load %arg4[%get3A_76, %get3A_77] {strides = array<i32>} : memref<32x16xf32, #tpu.memory_space<vmem>>, vector<1x16xf32>,
      %get3A_79 = vector.shape_cast %get3A_78 : vector<1x16xf32> to vector<16xf32>
      %broadcast_in_dim3A_80 = arith.constant 0 : i32
      %broadcast_in_dim3A_81 = vector.broadcast %broadcast_in_dim3A_80 : i32 to vector<16xi32>
      %add3A_82 = arith.constant 2 : i32
      %add3A_83 = vector.broadcast %add3A_82 : i32 to vector<16xi32>
      %add3A_84 = arith.addi %broadcast_in_dim3A_81, %add3A_83 : vector<16xi32>
      %gt3A_85 = arith.cmpf ogt, %get3A_79, %select_n3A_56 : vector<16xf32>
      %select_n3A_86 = arith.select %gt3A_85, %get3A_79, %select_n3A_56 : vector<16xi1>, vector<16xf32>
      %select_n3A_87 = arith.select %gt3A_85, %select_n3A_56, %get3A_79 : vector<16xi1>, vector<16xf32>
      %select_n3A_88 = arith.select %gt3A_85, %add3A_84, %select_n3A_58 : vector<16xi1>, vector<16xi32>
      %select_n3A_89 = arith.select %gt3A_85, %select_n3A_58, %add3A_84 : vector<16xi1>, vector<16xi32>
      %gt3A_90 = arith.cmpf ogt, %select_n3A_87, %select_n3A_61 : vector<16xf32>
      %select_n3A_91 = arith.select %gt3A_90, %select_n3A_87, %select_n3A_61 : vector<16xi1>, vector<16xf32>
      %select_n3A_92 = arith.select %gt3A_90, %select_n3A_61, %select_n3A_87 : vector<16xi1>, vector<16xf32>
      %select_n3A_93 = arith.select %gt3A_90, %select_n3A_89, %select_n3A_63 : vector<16xi1>, vector<16xi32>
      %select_n3A_94 = arith.select %gt3A_90, %select_n3A_63, %select_n3A_89 : vector<16xi1>, vector<16xi32>
      %gt3A_95 = arith.cmpf ogt, %select_n3A_92, %select_n3A_66 : vector<16xf32>
      %select_n3A_96 = arith.select %gt3A_95, %select_n3A_92, %select_n3A_66 : vector<16xi1>, vector<16xf32>
      %select_n3A_97 = arith.select %gt3A_95, %select_n3A_66, %select_n3A_92 : vector<16xi1>, vector<16xf32>
      %select_n3A_98 = arith.select %gt3A_95, %select_n3A_94, %select_n3A_68 : vector<16xi1>, vector<16xi32>
      %select_n3A_99 = arith.select %gt3A_95, %select_n3A_68, %select_n3A_94 : vector<16xi1>, vector<16xi32>
      %gt3A_100 = arith.cmpf ogt, %select_n3A_97, %select_n3A_71 : vector<16xf32>
      %select_n3A_101 = arith.select %gt3A_100, %select_n3A_97, %select_n3A_71 : vector<16xi1>, vector<16xf32>
      %select_n3A_102 = arith.select %gt3A_100, %select_n3A_71, %select_n3A_97 : vector<16xi1>, vector<16xf32>
      %select_n3A_103 = arith.select %gt3A_100, %select_n3A_99, %select_n3A_73 : vector<16xi1>, vector<16xi32>
      %select_n3A_104 = arith.select %gt3A_100, %select_n3A_73, %select_n3A_99 : vector<16xi1>, vector<16xi32>
      %get3A_105 = arith.constant 3 : i32
      %get3A_106 = arith.index_cast %get3A_105 : i32 to index
      %get3A_107 = arith.constant 0 : index
      %get3A_108 = tpu.vector_load %arg4[%get3A_106, %get3A_107] {strides = array<i32>} : memref<32x16xf32, #tpu.memory_space<vmem>>, vector<1x16xf32>,
      %get3A_109 = vector.shape_cast %get3A_108 : vector<1x16xf32> to vector<16xf32>
      %broadcast_in_dim3A_110 = arith.constant 0 : i32
      %broadcast_in_dim3A_111 = vector.broadcast %broadcast_in_dim3A_110 : i32 to vector<16xi32>
      %add3A_112 = arith.constant 3 : i32
      %add3A_113 = vector.broadcast %add3A_112 : i32 to vector<16xi32>
      %add3A_114 = arith.addi %broadcast_in_dim3A_111, %add3A_113 : vector<16xi32>
      %gt3A_115 = arith.cmpf ogt, %get3A_109, %select_n3A_86 : vector<16xf32>
      %select_n3A_116 = arith.select %gt3A_115, %get3A_109, %select_n3A_86 : vector<16xi1>, vector<16xf32>
      %select_n3A_117 = arith.select %gt3A_115, %select_n3A_86, %get3A_109 : vector<16xi1>, vector<16xf32>
      %select_n3A_118 = arith.select %gt3A_115, %add3A_114, %select_n3A_88 : vector<16xi1>, vector<16xi32>
      %select_n3A_119 = arith.select %gt3A_115, %select_n3A_88, %add3A_114 : vector<16xi1>, vector<16xi32>
      %gt3A_120 = arith.cmpf ogt, %select_n3A_117, %select_n3A_91 : vector<16xf32>
      %select_n3A_121 = arith.select %gt3A_120, %select_n3A_117, %select_n3A_91 : vector<16xi1>, vector<16xf32>
      %select_n3A_122 = arith.select %gt3A_120, %select_n3A_91, %select_n3A_117 : vector<16xi1>, vector<16xf32>
      %select_n3A_123 = arith.select %gt3A_120, %select_n3A_119, %select_n3A_93 : vector<16xi1>, vector<16xi32>
      %select_n3A_124 = arith.select %gt3A_120, %select_n3A_93, %select_n3A_119 : vector<16xi1>, vector<16xi32>
      %gt3A_125 = arith.cmpf ogt, %select_n3A_122, %select_n3A_96 : vector<16xf32>
      %select_n3A_126 = arith.select %gt3A_125, %select_n3A_122, %select_n3A_96 : vector<16xi1>, vector<16xf32>
      %select_n3A_127 = arith.select %gt3A_125, %select_n3A_96, %select_n3A_122 : vector<16xi1>, vector<16xf32>
      %select_n3A_128 = arith.select %gt3A_125, %select_n3A_124, %select_n3A_98 : vector<16xi1>, vector<16xi32>
      %select_n3A_129 = arith.select %gt3A_125, %select_n3A_98, %select_n3A_124 : vector<16xi1>, vector<16xi32>
      %gt3A_130 = arith.cmpf ogt, %select_n3A_127, %select_n3A_101 : vector<16xf32>
      %select_n3A_131 = arith.select %gt3A_130, %select_n3A_127, %select_n3A_101 : vector<16xi1>, vector<16xf32>
      %select_n3A_132 = arith.select %gt3A_130, %select_n3A_101, %select_n3A_127 : vector<16xi1>, vector<16xf32>
      %select_n3A_133 = arith.select %gt3A_130, %select_n3A_129, %select_n3A_103 : vector<16xi1>, vector<16xi32>
      %select_n3A_134 = arith.select %gt3A_130, %select_n3A_103, %select_n3A_129 : vector<16xi1>, vector<16xi32>
      %get3A_135 = arith.constant 4 : i32
      %get3A_136 = arith.index_cast %get3A_135 : i32 to index
      %get3A_137 = arith.constant 0 : index
      %get3A_138 = tpu.vector_load %arg4[%get3A_136, %get3A_137] {strides = array<i32>} : memref<32x16xf32, #tpu.memory_space<vmem>>, vector<1x16xf32>,
      %get3A_139 = vector.shape_cast %get3A_138 : vector<1x16xf32> to vector<16xf32>
      %broadcast_in_dim3A_140 = arith.constant 0 : i32
      %broadcast_in_dim3A_141 = vector.broadcast %broadcast_in_dim3A_140 : i32 to vector<16xi32>
      %add3A_142 = arith.constant 4 : i32
      %add3A_143 = vector.broadcast %add3A_142 : i32 to vector<16xi32>
      %add3A_144 = arith.addi %broadcast_in_dim3A_141, %add3A_143 : vector<16xi32>
      %gt3A_145 = arith.cmpf ogt, %get3A_139, %select_n3A_116 : vector<16xf32>
      %select_n3A_146 = arith.select %gt3A_145, %get3A_139, %select_n3A_116 : vector<16xi1>, vector<16xf32>
      %select_n3A_147 = arith.select %gt3A_145, %select_n3A_116, %get3A_139 : vector<16xi1>, vector<16xf32>
      %select_n3A_148 = arith.select %gt3A_145, %add3A_144, %select_n3A_118 : vector<16xi1>, vector<16xi32>
      %select_n3A_149 = arith.select %gt3A_145, %select_n3A_118, %add3A_144 : vector<16xi1>, vector<16xi32>
      %gt3A_150 = arith.cmpf ogt, %select_n3A_147, %select_n3A_121 : vector<16xf32>
      %select_n3A_151 = arith.select %gt3A_150, %select_n3A_147, %select_n3A_121 : vector<16xi1>, vector<16xf32>
      %select_n3A_152 = arith.select %gt3A_150, %select_n3A_121, %select_n3A_147 : vector<16xi1>, vector<16xf32>
      %select_n3A_153 = arith.select %gt3A_150, %select_n3A_149, %select_n3A_123 : vector<16xi1>, vector<16xi32>
      %select_n3A_154 = arith.select %gt3A_150, %select_n3A_123, %select_n3A_149 : vector<16xi1>, vector<16xi32>
      %gt3A_155 = arith.cmpf ogt, %select_n3A_152, %select_n3A_126 : vector<16xf32>
      %select_n3A_156 = arith.select %gt3A_155, %select_n3A_152, %select_n3A_126 : vector<16xi1>, vector<16xf32>
      %select_n3A_157 = arith.select %gt3A_155, %select_n3A_126, %select_n3A_152 : vector<16xi1>, vector<16xf32>
      %select_n3A_158 = arith.select %gt3A_155, %select_n3A_154, %select_n3A_128 : vector<16xi1>, vector<16xi32>
      %select_n3A_159 = arith.select %gt3A_155, %select_n3A_128, %select_n3A_154 : vector<16xi1>, vector<16xi32>
      %gt3A_160 = arith.cmpf ogt, %select_n3A_157, %select_n3A_131 : vector<16xf32>
      %select_n3A_161 = arith.select %gt3A_160, %select_n3A_157, %select_n3A_131 : vector<16xi1>, vector<16xf32>
      %select_n3A_162 = arith.select %gt3A_160, %select_n3A_131, %select_n3A_157 : vector<16xi1>, vector<16xf32>
      %select_n3A_163 = arith.select %gt3A_160, %select_n3A_159, %select_n3A_133 : vector<16xi1>, vector<16xi32>
      %select_n3A_164 = arith.select %gt3A_160, %select_n3A_133, %select_n3A_159 : vector<16xi1>, vector<16xi32>
      %get3A_165 = arith.constant 5 : i32
      %get3A_166 = arith.index_cast %get3A_165 : i32 to index
      %get3A_167 = arith.constant 0 : index
      %get3A_168 = tpu.vector_load %arg4[%get3A_166, %get3A_167] {strides = array<i32>} : memref<32x16xf32, #tpu.memory_space<vmem>>, vector<1x16xf32>,
      %get3A_169 = vector.shape_cast %get3A_168 : vector<1x16xf32> to vector<16xf32>
      %broadcast_in_dim3A_170 = arith.constant 0 : i32
      %broadcast_in_dim3A_171 = vector.broadcast %broadcast_in_dim3A_170 : i32 to vector<16xi32>
      %add3A_172 = arith.constant 5 : i32
      %add3A_173 = vector.broadcast %add3A_172 : i32 to vector<16xi32>
      %add3A_174 = arith.addi %broadcast_in_dim3A_171, %add3A_173 : vector<16xi32>
      %gt3A_175 = arith.cmpf ogt, %get3A_169, %select_n3A_146 : vector<16xf32>
      %select_n3A_176 = arith.select %gt3A_175, %get3A_169, %select_n3A_146 : vector<16xi1>, vector<16xf32>
      %select_n3A_177 = arith.select %gt3A_175, %select_n3A_146, %get3A_169 : vector<16xi1>, vector<16xf32>
      %select_n3A_178 = arith.select %gt3A_175, %add3A_174, %select_n3A_148 : vector<16xi1>, vector<16xi32>
      %select_n3A_179 = arith.select %gt3A_175, %select_n3A_148, %add3A_174 : vector<16xi1>, vector<16xi32>
      %gt3A_180 = arith.cmpf ogt, %select_n3A_177, %select_n3A_151 : vector<16xf32>
      %select_n3A_181 = arith.select %gt3A_180, %select_n3A_177, %select_n3A_151 : vector<16xi1>, vector<16xf32>
      %select_n3A_182 = arith.select %gt3A_180, %select_n3A_151, %select_n3A_177 : vector<16xi1>, vector<16xf32>
      %select_n3A_183 = arith.select %gt3A_180, %select_n3A_179, %select_n3A_153 : vector<16xi1>, vector<16xi32>
      %select_n3A_184 = arith.select %gt3A_180, %select_n3A_153, %select_n3A_179 : vector<16xi1>, vector<16xi32>
      %gt3A_185 = arith.cmpf ogt, %select_n3A_182, %select_n3A_156 : vector<16xf32>
      %select_n3A_186 = arith.select %gt3A_185, %select_n3A_182, %select_n3A_156 : vector<16xi1>, vector<16xf32>
      %select_n3A_187 = arith.select %gt3A_185, %select_n3A_156, %select_n3A_182 : vector<16xi1>, vector<16xf32>
      %select_n3A_188 = arith.select %gt3A_185, %select_n3A_184, %select_n3A_158 : vector<16xi1>, vector<16xi32>
      %select_n3A_189 = arith.select %gt3A_185, %select_n3A_158, %select_n3A_184 : vector<16xi1>, vector<16xi32>
      %gt3A_190 = arith.cmpf ogt, %select_n3A_187, %select_n3A_161 : vector<16xf32>
      %select_n3A_191 = arith.select %gt3A_190, %select_n3A_187, %select_n3A_161 : vector<16xi1>, vector<16xf32>
      %select_n3A_192 = arith.select %gt3A_190, %select_n3A_161, %select_n3A_187 : vector<16xi1>, vector<16xf32>
      %select_n3A_193 = arith.select %gt3A_190, %select_n3A_189, %select_n3A_163 : vector<16xi1>, vector<16xi32>
      %select_n3A_194 = arith.select %gt3A_190, %select_n3A_163, %select_n3A_189 : vector<16xi1>, vector<16xi32>
      %get3A_195 = arith.constant 6 : i32
      %get3A_196 = arith.index_cast %get3A_195 : i32 to index
      %get3A_197 = arith.constant 0 : index
      %get3A_198 = tpu.vector_load %arg4[%get3A_196, %get3A_197] {strides = array<i32>} : memref<32x16xf32, #tpu.memory_space<vmem>>, vector<1x16xf32>,
      %get3A_199 = vector.shape_cast %get3A_198 : vector<1x16xf32> to vector<16xf32>
      %broadcast_in_dim3A_200 = arith.constant 0 : i32
      %broadcast_in_dim3A_201 = vector.broadcast %broadcast_in_dim3A_200 : i32 to vector<16xi32>
      %add3A_202 = arith.constant 6 : i32
      %add3A_203 = vector.broadcast %add3A_202 : i32 to vector<16xi32>
      %add3A_204 = arith.addi %broadcast_in_dim3A_201, %add3A_203 : vector<16xi32>
      %gt3A_205 = arith.cmpf ogt, %get3A_199, %select_n3A_176 : vector<16xf32>
      %select_n3A_206 = arith.select %gt3A_205, %get3A_199, %select_n3A_176 : vector<16xi1>, vector<16xf32>
      %select_n3A_207 = arith.select %gt3A_205, %select_n3A_176, %get3A_199 : vector<16xi1>, vector<16xf32>
      %select_n3A_208 = arith.select %gt3A_205, %add3A_204, %select_n3A_178 : vector<16xi1>, vector<16xi32>
      %select_n3A_209 = arith.select %gt3A_205, %select_n3A_178, %add3A_204 : vector<16xi1>, vector<16xi32>
      %gt3A_210 = arith.cmpf ogt, %select_n3A_207, %select_n3A_181 : vector<16xf32>
      %select_n3A_211 = arith.select %gt3A_210, %select_n3A_207, %select_n3A_181 : vector<16xi1>, vector<16xf32>
      %select_n3A_212 = arith.select %gt3A_210, %select_n3A_181, %select_n3A_207 : vector<16xi1>, vector<16xf32>
      %select_n3A_213 = arith.select %gt3A_210, %select_n3A_209, %select_n3A_183 : vector<16xi1>, vector<16xi32>
      %select_n3A_214 = arith.select %gt3A_210, %select_n3A_183, %select_n3A_209 : vector<16xi1>, vector<16xi32>
      %gt3A_215 = arith.cmpf ogt, %select_n3A_212, %select_n3A_186 : vector<16xf32>
      %select_n3A_216 = arith.select %gt3A_215, %select_n3A_212, %select_n3A_186 : vector<16xi1>, vector<16xf32>
      %select_n3A_217 = arith.select %gt3A_215, %select_n3A_186, %select_n3A_212 : vector<16xi1>, vector<16xf32>
      %select_n3A_218 = arith.select %gt3A_215, %select_n3A_214, %select_n3A_188 : vector<16xi1>, vector<16xi32>
      %select_n3A_219 = arith.select %gt3A_215, %select_n3A_188, %select_n3A_214 : vector<16xi1>, vector<16xi32>
      %gt3A_220 = arith.cmpf ogt, %select_n3A_217, %select_n3A_191 : vector<16xf32>
      %select_n3A_221 = arith.select %gt3A_220, %select_n3A_217, %select_n3A_191 : vector<16xi1>, vector<16xf32>
      %select_n3A_222 = arith.select %gt3A_220, %select_n3A_191, %select_n3A_217 : vector<16xi1>, vector<16xf32>
      %select_n3A_223 = arith.select %gt3A_220, %select_n3A_219, %select_n3A_193 : vector<16xi1>, vector<16xi32>
      %select_n3A_224 = arith.select %gt3A_220, %select_n3A_193, %select_n3A_219 : vector<16xi1>, vector<16xi32>
      %get3A_225 = arith.constant 7 : i32
      %get3A_226 = arith.index_cast %get3A_225 : i32 to index
      %get3A_227 = arith.constant 0 : index
      %get3A_228 = tpu.vector_load %arg4[%get3A_226, %get3A_227] {strides = array<i32>} : memref<32x16xf32, #tpu.memory_space<vmem>>, vector<1x16xf32>,
      %get3A_229 = vector.shape_cast %get3A_228 : vector<1x16xf32> to vector<16xf32>
      %broadcast_in_dim3A_230 = arith.constant 0 : i32
      %broadcast_in_dim3A_231 = vector.broadcast %broadcast_in_dim3A_230 : i32 to vector<16xi32>
      %add3A_232 = arith.constant 7 : i32
      %add3A_233 = vector.broadcast %add3A_232 : i32 to vector<16xi32>
      %add3A_234 = arith.addi %broadcast_in_dim3A_231, %add3A_233 : vector<16xi32>
      %gt3A_235 = arith.cmpf ogt, %get3A_229, %select_n3A_206 : vector<16xf32>
      %select_n3A_236 = arith.select %gt3A_235, %get3A_229, %select_n3A_206 : vector<16xi1>, vector<16xf32>
      %select_n3A_237 = arith.select %gt3A_235, %select_n3A_206, %get3A_229 : vector<16xi1>, vector<16xf32>
      %select_n3A_238 = arith.select %gt3A_235, %add3A_234, %select_n3A_208 : vector<16xi1>, vector<16xi32>
      %select_n3A_239 = arith.select %gt3A_235, %select_n3A_208, %add3A_234 : vector<16xi1>, vector<16xi32>
      %gt3A_240 = arith.cmpf ogt, %select_n3A_237, %select_n3A_211 : vector<16xf32>
      %select_n3A_241 = arith.select %gt3A_240, %select_n3A_237, %select_n3A_211 : vector<16xi1>, vector<16xf32>
      %select_n3A_242 = arith.select %gt3A_240, %select_n3A_211, %select_n3A_237 : vector<16xi1>, vector<16xf32>
      %select_n3A_243 = arith.select %gt3A_240, %select_n3A_239, %select_n3A_213 : vector<16xi1>, vector<16xi32>
      %select_n3A_244 = arith.select %gt3A_240, %select_n3A_213, %select_n3A_239 : vector<16xi1>, vector<16xi32>
      %gt3A_245 = arith.cmpf ogt, %select_n3A_242, %select_n3A_216 : vector<16xf32>
      %select_n3A_246 = arith.select %gt3A_245, %select_n3A_242, %select_n3A_216 : vector<16xi1>, vector<16xf32>
      %select_n3A_247 = arith.select %gt3A_245, %select_n3A_216, %select_n3A_242 : vector<16xi1>, vector<16xf32>
      %select_n3A_248 = arith.select %gt3A_245, %select_n3A_244, %select_n3A_218 : vector<16xi1>, vector<16xi32>
      %select_n3A_249 = arith.select %gt3A_245, %select_n3A_218, %select_n3A_244 : vector<16xi1>, vector<16xi32>
      %gt3A_250 = arith.cmpf ogt, %select_n3A_247, %select_n3A_221 : vector<16xf32>
      %select_n3A_251 = arith.select %gt3A_250, %select_n3A_247, %select_n3A_221 : vector<16xi1>, vector<16xf32>
      %select_n3A_252 = arith.select %gt3A_250, %select_n3A_221, %select_n3A_247 : vector<16xi1>, vector<16xf32>
      %select_n3A_253 = arith.select %gt3A_250, %select_n3A_249, %select_n3A_223 : vector<16xi1>, vector<16xi32>
      %select_n3A_254 = arith.select %gt3A_250, %select_n3A_223, %select_n3A_249 : vector<16xi1>, vector<16xi32>
      %get3A_255 = arith.constant 8 : i32
      %get3A_256 = arith.index_cast %get3A_255 : i32 to index
      %get3A_257 = arith.constant 0 : index
      %get3A_258 = tpu.vector_load %arg4[%get3A_256, %get3A_257] {strides = array<i32>} : memref<32x16xf32, #tpu.memory_space<vmem>>, vector<1x16xf32>,
      %get3A_259 = vector.shape_cast %get3A_258 : vector<1x16xf32> to vector<16xf32>
      %broadcast_in_dim3A_260 = arith.constant 0 : i32
      %broadcast_in_dim3A_261 = vector.broadcast %broadcast_in_dim3A_260 : i32 to vector<16xi32>
      %add3A_262 = arith.constant 8 : i32
      %add3A_263 = vector.broadcast %add3A_262 : i32 to vector<16xi32>
      %add3A_264 = arith.addi %broadcast_in_dim3A_261, %add3A_263 : vector<16xi32>
      %gt3A_265 = arith.cmpf ogt, %get3A_259, %select_n3A_236 : vector<16xf32>
      %select_n3A_266 = arith.select %gt3A_265, %get3A_259, %select_n3A_236 : vector<16xi1>, vector<16xf32>
      %select_n3A_267 = arith.select %gt3A_265, %select_n3A_236, %get3A_259 : vector<16xi1>, vector<16xf32>
      %select_n3A_268 = arith.select %gt3A_265, %add3A_264, %select_n3A_238 : vector<16xi1>, vector<16xi32>
      %select_n3A_269 = arith.select %gt3A_265, %select_n3A_238, %add3A_264 : vector<16xi1>, vector<16xi32>
      %gt3A_270 = arith.cmpf ogt, %select_n3A_267, %select_n3A_241 : vector<16xf32>
      %select_n3A_271 = arith.select %gt3A_270, %select_n3A_267, %select_n3A_241 : vector<16xi1>, vector<16xf32>
      %select_n3A_272 = arith.select %gt3A_270, %select_n3A_241, %select_n3A_267 : vector<16xi1>, vector<16xf32>
      %select_n3A_273 = arith.select %gt3A_270, %select_n3A_269, %select_n3A_243 : vector<16xi1>, vector<16xi32>
      %select_n3A_274 = arith.select %gt3A_270, %select_n3A_243, %select_n3A_269 : vector<16xi1>, vector<16xi32>
      %gt3A_275 = arith.cmpf ogt, %select_n3A_272, %select_n3A_246 : vector<16xf32>
      %select_n3A_276 = arith.select %gt3A_275, %select_n3A_272, %select_n3A_246 : vector<16xi1>, vector<16xf32>
      %select_n3A_277 = arith.select %gt3A_275, %select_n3A_246, %select_n3A_272 : vector<16xi1>, vector<16xf32>
      %select_n3A_278 = arith.select %gt3A_275, %select_n3A_274, %select_n3A_248 : vector<16xi1>, vector<16xi32>
      %select_n3A_279 = arith.select %gt3A_275, %select_n3A_248, %select_n3A_274 : vector<16xi1>, vector<16xi32>
      %gt3A_280 = arith.cmpf ogt, %select_n3A_277, %select_n3A_251 : vector<16xf32>
      %select_n3A_281 = arith.select %gt3A_280, %select_n3A_277, %select_n3A_251 : vector<16xi1>, vector<16xf32>
      %select_n3A_282 = arith.select %gt3A_280, %select_n3A_251, %select_n3A_277 : vector<16xi1>, vector<16xf32>
      %select_n3A_283 = arith.select %gt3A_280, %select_n3A_279, %select_n3A_253 : vector<16xi1>, vector<16xi32>
      %select_n3A_284 = arith.select %gt3A_280, %select_n3A_253, %select_n3A_279 : vector<16xi1>, vector<16xi32>
      %get3A_285 = arith.constant 9 : i32
      %get3A_286 = arith.index_cast %get3A_285 : i32 to index
      %get3A_287 = arith.constant 0 : index
      %get3A_288 = tpu.vector_load %arg4[%get3A_286, %get3A_287] {strides = array<i32>} : memref<32x16xf32, #tpu.memory_space<vmem>>, vector<1x16xf32>,
      %get3A_289 = vector.shape_cast %get3A_288 : vector<1x16xf32> to vector<16xf32>
      %broadcast_in_dim3A_290 = arith.constant 0 : i32
      %broadcast_in_dim3A_291 = vector.broadcast %broadcast_in_dim3A_290 : i32 to vector<16xi32>
      %add3A_292 = arith.constant 9 : i32
      %add3A_293 = vector.broadcast %add3A_292 : i32 to vector<16xi32>
      %add3A_294 = arith.addi %broadcast_in_dim3A_291, %add3A_293 : vector<16xi32>
      %gt3A_295 = arith.cmpf ogt, %get3A_289, %select_n3A_266 : vector<16xf32>
      %select_n3A_296 = arith.select %gt3A_295, %get3A_289, %select_n3A_266 : vector<16xi1>, vector<16xf32>
      %select_n3A_297 = arith.select %gt3A_295, %select_n3A_266, %get3A_289 : vector<16xi1>, vector<16xf32>
      %select_n3A_298 = arith.select %gt3A_295, %add3A_294, %select_n3A_268 : vector<16xi1>, vector<16xi32>
      %select_n3A_299 = arith.select %gt3A_295, %select_n3A_268, %add3A_294 : vector<16xi1>, vector<16xi32>
      %gt3A_300 = arith.cmpf ogt, %select_n3A_297, %select_n3A_271 : vector<16xf32>
      %select_n3A_301 = arith.select %gt3A_300, %select_n3A_297, %select_n3A_271 : vector<16xi1>, vector<16xf32>
      %select_n3A_302 = arith.select %gt3A_300, %select_n3A_271, %select_n3A_297 : vector<16xi1>, vector<16xf32>
      %select_n3A_303 = arith.select %gt3A_300, %select_n3A_299, %select_n3A_273 : vector<16xi1>, vector<16xi32>
      %select_n3A_304 = arith.select %gt3A_300, %select_n3A_273, %select_n3A_299 : vector<16xi1>, vector<16xi32>
      %gt3A_305 = arith.cmpf ogt, %select_n3A_302, %select_n3A_276 : vector<16xf32>
      %select_n3A_306 = arith.select %gt3A_305, %select_n3A_302, %select_n3A_276 : vector<16xi1>, vector<16xf32>
      %select_n3A_307 = arith.select %gt3A_305, %select_n3A_276, %select_n3A_302 : vector<16xi1>, vector<16xf32>
      %select_n3A_308 = arith.select %gt3A_305, %select_n3A_304, %select_n3A_278 : vector<16xi1>, vector<16xi32>
      %select_n3A_309 = arith.select %gt3A_305, %select_n3A_278, %select_n3A_304 : vector<16xi1>, vector<16xi32>
      %gt3A_310 = arith.cmpf ogt, %select_n3A_307, %select_n3A_281 : vector<16xf32>
      %select_n3A_311 = arith.select %gt3A_310, %select_n3A_307, %select_n3A_281 : vector<16xi1>, vector<16xf32>
      %select_n3A_312 = arith.select %gt3A_310, %select_n3A_281, %select_n3A_307 : vector<16xi1>, vector<16xf32>
      %select_n3A_313 = arith.select %gt3A_310, %select_n3A_309, %select_n3A_283 : vector<16xi1>, vector<16xi32>
      %select_n3A_314 = arith.select %gt3A_310, %select_n3A_283, %select_n3A_309 : vector<16xi1>, vector<16xi32>
      %get3A_315 = arith.constant 10 : i32
      %get3A_316 = arith.index_cast %get3A_315 : i32 to index
      %get3A_317 = arith.constant 0 : index
      %get3A_318 = tpu.vector_load %arg4[%get3A_316, %get3A_317] {strides = array<i32>} : memref<32x16xf32, #tpu.memory_space<vmem>>, vector<1x16xf32>,
      %get3A_319 = vector.shape_cast %get3A_318 : vector<1x16xf32> to vector<16xf32>
      %broadcast_in_dim3A_320 = arith.constant 0 : i32
      %broadcast_in_dim3A_321 = vector.broadcast %broadcast_in_dim3A_320 : i32 to vector<16xi32>
      %add3A_322 = arith.constant 10 : i32
      %add3A_323 = vector.broadcast %add3A_322 : i32 to vector<16xi32>
      %add3A_324 = arith.addi %broadcast_in_dim3A_321, %add3A_323 : vector<16xi32>
      %gt3A_325 = arith.cmpf ogt, %get3A_319, %select_n3A_296 : vector<16xf32>
      %select_n3A_326 = arith.select %gt3A_325, %get3A_319, %select_n3A_296 : vector<16xi1>, vector<16xf32>
      %select_n3A_327 = arith.select %gt3A_325, %select_n3A_296, %get3A_319 : vector<16xi1>, vector<16xf32>
      %select_n3A_328 = arith.select %gt3A_325, %add3A_324, %select_n3A_298 : vector<16xi1>, vector<16xi32>
      %select_n3A_329 = arith.select %gt3A_325, %select_n3A_298, %add3A_324 : vector<16xi1>, vector<16xi32>
      %gt3A_330 = arith.cmpf ogt, %select_n3A_327, %select_n3A_301 : vector<16xf32>
      %select_n3A_331 = arith.select %gt3A_330, %select_n3A_327, %select_n3A_301 : vector<16xi1>, vector<16xf32>
      %select_n3A_332 = arith.select %gt3A_330, %select_n3A_301, %select_n3A_327 : vector<16xi1>, vector<16xf32>
      %select_n3A_333 = arith.select %gt3A_330, %select_n3A_329, %select_n3A_303 : vector<16xi1>, vector<16xi32>
      %select_n3A_334 = arith.select %gt3A_330, %select_n3A_303, %select_n3A_329 : vector<16xi1>, vector<16xi32>
      %gt3A_335 = arith.cmpf ogt, %select_n3A_332, %select_n3A_306 : vector<16xf32>
      %select_n3A_336 = arith.select %gt3A_335, %select_n3A_332, %select_n3A_306 : vector<16xi1>, vector<16xf32>
      %select_n3A_337 = arith.select %gt3A_335, %select_n3A_306, %select_n3A_332 : vector<16xi1>, vector<16xf32>
      %select_n3A_338 = arith.select %gt3A_335, %select_n3A_334, %select_n3A_308 : vector<16xi1>, vector<16xi32>
      %select_n3A_339 = arith.select %gt3A_335, %select_n3A_308, %select_n3A_334 : vector<16xi1>, vector<16xi32>
      %gt3A_340 = arith.cmpf ogt, %select_n3A_337, %select_n3A_311 : vector<16xf32>
      %select_n3A_341 = arith.select %gt3A_340, %select_n3A_337, %select_n3A_311 : vector<16xi1>, vector<16xf32>
      %select_n3A_342 = arith.select %gt3A_340, %select_n3A_311, %select_n3A_337 : vector<16xi1>, vector<16xf32>
      %select_n3A_343 = arith.select %gt3A_340, %select_n3A_339, %select_n3A_313 : vector<16xi1>, vector<16xi32>
      %select_n3A_344 = arith.select %gt3A_340, %select_n3A_313, %select_n3A_339 : vector<16xi1>, vector<16xi32>
      %get3A_345 = arith.constant 11 : i32
      %get3A_346 = arith.index_cast %get3A_345 : i32 to index
      %get3A_347 = arith.constant 0 : index
      %get3A_348 = tpu.vector_load %arg4[%get3A_346, %get3A_347] {strides = array<i32>} : memref<32x16xf32, #tpu.memory_space<vmem>>, vector<1x16xf32>,
      %get3A_349 = vector.shape_cast %get3A_348 : vector<1x16xf32> to vector<16xf32>
      %broadcast_in_dim3A_350 = arith.constant 0 : i32
      %broadcast_in_dim3A_351 = vector.broadcast %broadcast_in_dim3A_350 : i32 to vector<16xi32>
      %add3A_352 = arith.constant 11 : i32
      %add3A_353 = vector.broadcast %add3A_352 : i32 to vector<16xi32>
      %add3A_354 = arith.addi %broadcast_in_dim3A_351, %add3A_353 : vector<16xi32>
      %gt3A_355 = arith.cmpf ogt, %get3A_349, %select_n3A_326 : vector<16xf32>
      %select_n3A_356 = arith.select %gt3A_355, %get3A_349, %select_n3A_326 : vector<16xi1>, vector<16xf32>
      %select_n3A_357 = arith.select %gt3A_355, %select_n3A_326, %get3A_349 : vector<16xi1>, vector<16xf32>
      %select_n3A_358 = arith.select %gt3A_355, %add3A_354, %select_n3A_328 : vector<16xi1>, vector<16xi32>
      %select_n3A_359 = arith.select %gt3A_355, %select_n3A_328, %add3A_354 : vector<16xi1>, vector<16xi32>
      %gt3A_360 = arith.cmpf ogt, %select_n3A_357, %select_n3A_331 : vector<16xf32>
      %select_n3A_361 = arith.select %gt3A_360, %select_n3A_357, %select_n3A_331 : vector<16xi1>, vector<16xf32>
      %select_n3A_362 = arith.select %gt3A_360, %select_n3A_331, %select_n3A_357 : vector<16xi1>, vector<16xf32>
      %select_n3A_363 = arith.select %gt3A_360, %select_n3A_359, %select_n3A_333 : vector<16xi1>, vector<16xi32>
      %select_n3A_364 = arith.select %gt3A_360, %select_n3A_333, %select_n3A_359 : vector<16xi1>, vector<16xi32>
      %gt3A_365 = arith.cmpf ogt, %select_n3A_362, %select_n3A_336 : vector<16xf32>
      %select_n3A_366 = arith.select %gt3A_365, %select_n3A_362, %select_n3A_336 : vector<16xi1>, vector<16xf32>
      %select_n3A_367 = arith.select %gt3A_365, %select_n3A_336, %select_n3A_362 : vector<16xi1>, vector<16xf32>
      %select_n3A_368 = arith.select %gt3A_365, %select_n3A_364, %select_n3A_338 : vector<16xi1>, vector<16xi32>
      %select_n3A_369 = arith.select %gt3A_365, %select_n3A_338, %select_n3A_364 : vector<16xi1>, vector<16xi32>
      %gt3A_370 = arith.cmpf ogt, %select_n3A_367, %select_n3A_341 : vector<16xf32>
      %select_n3A_371 = arith.select %gt3A_370, %select_n3A_367, %select_n3A_341 : vector<16xi1>, vector<16xf32>
      %select_n3A_372 = arith.select %gt3A_370, %select_n3A_341, %select_n3A_367 : vector<16xi1>, vector<16xf32>
      %select_n3A_373 = arith.select %gt3A_370, %select_n3A_369, %select_n3A_343 : vector<16xi1>, vector<16xi32>
      %select_n3A_374 = arith.select %gt3A_370, %select_n3A_343, %select_n3A_369 : vector<16xi1>, vector<16xi32>
      %get3A_375 = arith.constant 12 : i32
      %get3A_376 = arith.index_cast %get3A_375 : i32 to index
      %get3A_377 = arith.constant 0 : index
      %get3A_378 = tpu.vector_load %arg4[%get3A_376, %get3A_377] {strides = array<i32>} : memref<32x16xf32, #tpu.memory_space<vmem>>, vector<1x16xf32>,
      %get3A_379 = vector.shape_cast %get3A_378 : vector<1x16xf32> to vector<16xf32>
      %broadcast_in_dim3A_380 = arith.constant 0 : i32
      %broadcast_in_dim3A_381 = vector.broadcast %broadcast_in_dim3A_380 : i32 to vector<16xi32>
      %add3A_382 = arith.constant 12 : i32
      %add3A_383 = vector.broadcast %add3A_382 : i32 to vector<16xi32>
      %add3A_384 = arith.addi %broadcast_in_dim3A_381, %add3A_383 : vector<16xi32>
      %gt3A_385 = arith.cmpf ogt, %get3A_379, %select_n3A_356 : vector<16xf32>
      %select_n3A_386 = arith.select %gt3A_385, %get3A_379, %select_n3A_356 : vector<16xi1>, vector<16xf32>
      %select_n3A_387 = arith.select %gt3A_385, %select_n3A_356, %get3A_379 : vector<16xi1>, vector<16xf32>
      %select_n3A_388 = arith.select %gt3A_385, %add3A_384, %select_n3A_358 : vector<16xi1>, vector<16xi32>
      %select_n3A_389 = arith.select %gt3A_385, %select_n3A_358, %add3A_384 : vector<16xi1>, vector<16xi32>
      %gt3A_390 = arith.cmpf ogt, %select_n3A_387, %select_n3A_361 : vector<16xf32>
      %select_n3A_391 = arith.select %gt3A_390, %select_n3A_387, %select_n3A_361 : vector<16xi1>, vector<16xf32>
      %select_n3A_392 = arith.select %gt3A_390, %select_n3A_361, %select_n3A_387 : vector<16xi1>, vector<16xf32>
      %select_n3A_393 = arith.select %gt3A_390, %select_n3A_389, %select_n3A_363 : vector<16xi1>, vector<16xi32>
      %select_n3A_394 = arith.select %gt3A_390, %select_n3A_363, %select_n3A_389 : vector<16xi1>, vector<16xi32>
      %gt3A_395 = arith.cmpf ogt, %select_n3A_392, %select_n3A_366 : vector<16xf32>
      %select_n3A_396 = arith.select %gt3A_395, %select_n3A_392, %select_n3A_366 : vector<16xi1>, vector<16xf32>
      %select_n3A_397 = arith.select %gt3A_395, %select_n3A_366, %select_n3A_392 : vector<16xi1>, vector<16xf32>
      %select_n3A_398 = arith.select %gt3A_395, %select_n3A_394, %select_n3A_368 : vector<16xi1>, vector<16xi32>
      %select_n3A_399 = arith.select %gt3A_395, %select_n3A_368, %select_n3A_394 : vector<16xi1>, vector<16xi32>
      %gt3A_400 = arith.cmpf ogt, %select_n3A_397, %select_n3A_371 : vector<16xf32>
      %select_n3A_401 = arith.select %gt3A_400, %select_n3A_397, %select_n3A_371 : vector<16xi1>, vector<16xf32>
      %select_n3A_402 = arith.select %gt3A_400, %select_n3A_371, %select_n3A_397 : vector<16xi1>, vector<16xf32>
      %select_n3A_403 = arith.select %gt3A_400, %select_n3A_399, %select_n3A_373 : vector<16xi1>, vector<16xi32>
      %select_n3A_404 = arith.select %gt3A_400, %select_n3A_373, %select_n3A_399 : vector<16xi1>, vector<16xi32>
      %get3A_405 = arith.constant 13 : i32
      %get3A_406 = arith.index_cast %get3A_405 : i32 to index
      %get3A_407 = arith.constant 0 : index
      %get3A_408 = tpu.vector_load %arg4[%get3A_406, %get3A_407] {strides = array<i32>} : memref<32x16xf32, #tpu.memory_space<vmem>>, vector<1x16xf32>,
      %get3A_409 = vector.shape_cast %get3A_408 : vector<1x16xf32> to vector<16xf32>
      %broadcast_in_dim3A_410 = arith.constant 0 : i32
      %broadcast_in_dim3A_411 = vector.broadcast %broadcast_in_dim3A_410 : i32 to vector<16xi32>
      %add3A_412 = arith.constant 13 : i32
      %add3A_413 = vector.broadcast %add3A_412 : i32 to vector<16xi32>
      %add3A_414 = arith.addi %broadcast_in_dim3A_411, %add3A_413 : vector<16xi32>
      %gt3A_415 = arith.cmpf ogt, %get3A_409, %select_n3A_386 : vector<16xf32>
      %select_n3A_416 = arith.select %gt3A_415, %get3A_409, %select_n3A_386 : vector<16xi1>, vector<16xf32>
      %select_n3A_417 = arith.select %gt3A_415, %select_n3A_386, %get3A_409 : vector<16xi1>, vector<16xf32>
      %select_n3A_418 = arith.select %gt3A_415, %add3A_414, %select_n3A_388 : vector<16xi1>, vector<16xi32>
      %select_n3A_419 = arith.select %gt3A_415, %select_n3A_388, %add3A_414 : vector<16xi1>, vector<16xi32>
      %gt3A_420 = arith.cmpf ogt, %select_n3A_417, %select_n3A_391 : vector<16xf32>
      %select_n3A_421 = arith.select %gt3A_420, %select_n3A_417, %select_n3A_391 : vector<16xi1>, vector<16xf32>
      %select_n3A_422 = arith.select %gt3A_420, %select_n3A_391, %select_n3A_417 : vector<16xi1>, vector<16xf32>
      %select_n3A_423 = arith.select %gt3A_420, %select_n3A_419, %select_n3A_393 : vector<16xi1>, vector<16xi32>
      %select_n3A_424 = arith.select %gt3A_420, %select_n3A_393, %select_n3A_419 : vector<16xi1>, vector<16xi32>
      %gt3A_425 = arith.cmpf ogt, %select_n3A_422, %select_n3A_396 : vector<16xf32>
      %select_n3A_426 = arith.select %gt3A_425, %select_n3A_422, %select_n3A_396 : vector<16xi1>, vector<16xf32>
      %select_n3A_427 = arith.select %gt3A_425, %select_n3A_396, %select_n3A_422 : vector<16xi1>, vector<16xf32>
      %select_n3A_428 = arith.select %gt3A_425, %select_n3A_424, %select_n3A_398 : vector<16xi1>, vector<16xi32>
      %select_n3A_429 = arith.select %gt3A_425, %select_n3A_398, %select_n3A_424 : vector<16xi1>, vector<16xi32>
      %gt3A_430 = arith.cmpf ogt, %select_n3A_427, %select_n3A_401 : vector<16xf32>
      %select_n3A_431 = arith.select %gt3A_430, %select_n3A_427, %select_n3A_401 : vector<16xi1>, vector<16xf32>
      %select_n3A_432 = arith.select %gt3A_430, %select_n3A_401, %select_n3A_427 : vector<16xi1>, vector<16xf32>
      %select_n3A_433 = arith.select %gt3A_430, %select_n3A_429, %select_n3A_403 : vector<16xi1>, vector<16xi32>
      %select_n3A_434 = arith.select %gt3A_430, %select_n3A_403, %select_n3A_429 : vector<16xi1>, vector<16xi32>
      %get3A_435 = arith.constant 14 : i32
      %get3A_436 = arith.index_cast %get3A_435 : i32 to index
      %get3A_437 = arith.constant 0 : index
      %get3A_438 = tpu.vector_load %arg4[%get3A_436, %get3A_437] {strides = array<i32>} : memref<32x16xf32, #tpu.memory_space<vmem>>, vector<1x16xf32>,
      %get3A_439 = vector.shape_cast %get3A_438 : vector<1x16xf32> to vector<16xf32>
      %broadcast_in_dim3A_440 = arith.constant 0 : i32
      %broadcast_in_dim3A_441 = vector.broadcast %broadcast_in_dim3A_440 : i32 to vector<16xi32>
      %add3A_442 = arith.constant 14 : i32
      %add3A_443 = vector.broadcast %add3A_442 : i32 to vector<16xi32>
      %add3A_444 = arith.addi %broadcast_in_dim3A_441, %add3A_443 : vector<16xi32>
      %gt3A_445 = arith.cmpf ogt, %get3A_439, %select_n3A_416 : vector<16xf32>
      %select_n3A_446 = arith.select %gt3A_445, %get3A_439, %select_n3A_416 : vector<16xi1>, vector<16xf32>
      %select_n3A_447 = arith.select %gt3A_445, %select_n3A_416, %get3A_439 : vector<16xi1>, vector<16xf32>
      %select_n3A_448 = arith.select %gt3A_445, %add3A_444, %select_n3A_418 : vector<16xi1>, vector<16xi32>
      %select_n3A_449 = arith.select %gt3A_445, %select_n3A_418, %add3A_444 : vector<16xi1>, vector<16xi32>
      %gt3A_450 = arith.cmpf ogt, %select_n3A_447, %select_n3A_421 : vector<16xf32>
      %select_n3A_451 = arith.select %gt3A_450, %select_n3A_447, %select_n3A_421 : vector<16xi1>, vector<16xf32>
      %select_n3A_452 = arith.select %gt3A_450, %select_n3A_421, %select_n3A_447 : vector<16xi1>, vector<16xf32>
      %select_n3A_453 = arith.select %gt3A_450, %select_n3A_449, %select_n3A_423 : vector<16xi1>, vector<16xi32>
      %select_n3A_454 = arith.select %gt3A_450, %select_n3A_423, %select_n3A_449 : vector<16xi1>, vector<16xi32>
      %gt3A_455 = arith.cmpf ogt, %select_n3A_452, %select_n3A_426 : vector<16xf32>
      %select_n3A_456 = arith.select %gt3A_455, %select_n3A_452, %select_n3A_426 : vector<16xi1>, vector<16xf32>
      %select_n3A_457 = arith.select %gt3A_455, %select_n3A_426, %select_n3A_452 : vector<16xi1>, vector<16xf32>
      %select_n3A_458 = arith.select %gt3A_455, %select_n3A_454, %select_n3A_428 : vector<16xi1>, vector<16xi32>
      %select_n3A_459 = arith.select %gt3A_455, %select_n3A_428, %select_n3A_454 : vector<16xi1>, vector<16xi32>
      %gt3A_460 = arith.cmpf ogt, %select_n3A_457, %select_n3A_431 : vector<16xf32>
      %select_n3A_461 = arith.select %gt3A_460, %select_n3A_457, %select_n3A_431 : vector<16xi1>, vector<16xf32>
      %select_n3A_462 = arith.select %gt3A_460, %select_n3A_431, %select_n3A_457 : vector<16xi1>, vector<16xf32>
      %select_n3A_463 = arith.select %gt3A_460, %select_n3A_459, %select_n3A_433 : vector<16xi1>, vector<16xi32>
      %select_n3A_464 = arith.select %gt3A_460, %select_n3A_433, %select_n3A_459 : vector<16xi1>, vector<16xi32>
      %get3A_465 = arith.constant 15 : i32
      %get3A_466 = arith.index_cast %get3A_465 : i32 to index
      %get3A_467 = arith.constant 0 : index
      %get3A_468 = tpu.vector_load %arg4[%get3A_466, %get3A_467] {strides = array<i32>} : memref<32x16xf32, #tpu.memory_space<vmem>>, vector<1x16xf32>,
      %get3A_469 = vector.shape_cast %get3A_468 : vector<1x16xf32> to vector<16xf32>
      %broadcast_in_dim3A_470 = arith.constant 0 : i32
      %broadcast_in_dim3A_471 = vector.broadcast %broadcast_in_dim3A_470 : i32 to vector<16xi32>
      %add3A_472 = arith.constant 15 : i32
      %add3A_473 = vector.broadcast %add3A_472 : i32 to vector<16xi32>
      %add3A_474 = arith.addi %broadcast_in_dim3A_471, %add3A_473 : vector<16xi32>
      %gt3A_475 = arith.cmpf ogt, %get3A_469, %select_n3A_446 : vector<16xf32>
      %select_n3A_476 = arith.select %gt3A_475, %get3A_469, %select_n3A_446 : vector<16xi1>, vector<16xf32>
      %select_n3A_477 = arith.select %gt3A_475, %select_n3A_446, %get3A_469 : vector<16xi1>, vector<16xf32>
      %select_n3A_478 = arith.select %gt3A_475, %add3A_474, %select_n3A_448 : vector<16xi1>, vector<16xi32>
      %select_n3A_479 = arith.select %gt3A_475, %select_n3A_448, %add3A_474 : vector<16xi1>, vector<16xi32>
      %gt3A_480 = arith.cmpf ogt, %select_n3A_477, %select_n3A_451 : vector<16xf32>
      %select_n3A_481 = arith.select %gt3A_480, %select_n3A_477, %select_n3A_451 : vector<16xi1>, vector<16xf32>
      %select_n3A_482 = arith.select %gt3A_480, %select_n3A_451, %select_n3A_477 : vector<16xi1>, vector<16xf32>
      %select_n3A_483 = arith.select %gt3A_480, %select_n3A_479, %select_n3A_453 : vector<16xi1>, vector<16xi32>
      %select_n3A_484 = arith.select %gt3A_480, %select_n3A_453, %select_n3A_479 : vector<16xi1>, vector<16xi32>
      %gt3A_485 = arith.cmpf ogt, %select_n3A_482, %select_n3A_456 : vector<16xf32>
      %select_n3A_486 = arith.select %gt3A_485, %select_n3A_482, %select_n3A_456 : vector<16xi1>, vector<16xf32>
      %select_n3A_487 = arith.select %gt3A_485, %select_n3A_456, %select_n3A_482 : vector<16xi1>, vector<16xf32>
      %select_n3A_488 = arith.select %gt3A_485, %select_n3A_484, %select_n3A_458 : vector<16xi1>, vector<16xi32>
      %select_n3A_489 = arith.select %gt3A_485, %select_n3A_458, %select_n3A_484 : vector<16xi1>, vector<16xi32>
      %gt3A_490 = arith.cmpf ogt, %select_n3A_487, %select_n3A_461 : vector<16xf32>
      %select_n3A_491 = arith.select %gt3A_490, %select_n3A_487, %select_n3A_461 : vector<16xi1>, vector<16xf32>
      %select_n3A_492 = arith.select %gt3A_490, %select_n3A_461, %select_n3A_487 : vector<16xi1>, vector<16xf32>
      %select_n3A_493 = arith.select %gt3A_490, %select_n3A_489, %select_n3A_463 : vector<16xi1>, vector<16xi32>
      %select_n3A_494 = arith.select %gt3A_490, %select_n3A_463, %select_n3A_489 : vector<16xi1>, vector<16xi32>
      %get3A_495 = arith.constant 16 : i32
      %get3A_496 = arith.index_cast %get3A_495 : i32 to index
      %get3A_497 = arith.constant 0 : index
      %get3A_498 = tpu.vector_load %arg4[%get3A_496, %get3A_497] {strides = array<i32>} : memref<32x16xf32, #tpu.memory_space<vmem>>, vector<1x16xf32>,
      %get3A_499 = vector.shape_cast %get3A_498 : vector<1x16xf32> to vector<16xf32>
      %broadcast_in_dim3A_500 = arith.constant 0 : i32
      %broadcast_in_dim3A_501 = vector.broadcast %broadcast_in_dim3A_500 : i32 to vector<16xi32>
      %add3A_502 = arith.constant 16 : i32
      %add3A_503 = vector.broadcast %add3A_502 : i32 to vector<16xi32>
      %add3A_504 = arith.addi %broadcast_in_dim3A_501, %add3A_503 : vector<16xi32>
      %gt3A_505 = arith.cmpf ogt, %get3A_499, %select_n3A_476 : vector<16xf32>
      %select_n3A_506 = arith.select %gt3A_505, %get3A_499, %select_n3A_476 : vector<16xi1>, vector<16xf32>
      %select_n3A_507 = arith.select %gt3A_505, %select_n3A_476, %get3A_499 : vector<16xi1>, vector<16xf32>
      %select_n3A_508 = arith.select %gt3A_505, %add3A_504, %select_n3A_478 : vector<16xi1>, vector<16xi32>
      %select_n3A_509 = arith.select %gt3A_505, %select_n3A_478, %add3A_504 : vector<16xi1>, vector<16xi32>
      %gt3A_510 = arith.cmpf ogt, %select_n3A_507, %select_n3A_481 : vector<16xf32>
      %select_n3A_511 = arith.select %gt3A_510, %select_n3A_507, %select_n3A_481 : vector<16xi1>, vector<16xf32>
      %select_n3A_512 = arith.select %gt3A_510, %select_n3A_481, %select_n3A_507 : vector<16xi1>, vector<16xf32>
      %select_n3A_513 = arith.select %gt3A_510, %select_n3A_509, %select_n3A_483 : vector<16xi1>, vector<16xi32>
      %select_n3A_514 = arith.select %gt3A_510, %select_n3A_483, %select_n3A_509 : vector<16xi1>, vector<16xi32>
      %gt3A_515 = arith.cmpf ogt, %select_n3A_512, %select_n3A_486 : vector<16xf32>
      %select_n3A_516 = arith.select %gt3A_515, %select_n3A_512, %select_n3A_486 : vector<16xi1>, vector<16xf32>
      %select_n3A_517 = arith.select %gt3A_515, %select_n3A_486, %select_n3A_512 : vector<16xi1>, vector<16xf32>
      %select_n3A_518 = arith.select %gt3A_515, %select_n3A_514, %select_n3A_488 : vector<16xi1>, vector<16xi32>
      %select_n3A_519 = arith.select %gt3A_515, %select_n3A_488, %select_n3A_514 : vector<16xi1>, vector<16xi32>
      %gt3A_520 = arith.cmpf ogt, %select_n3A_517, %select_n3A_491 : vector<16xf32>
      %select_n3A_521 = arith.select %gt3A_520, %select_n3A_517, %select_n3A_491 : vector<16xi1>, vector<16xf32>
      %select_n3A_522 = arith.select %gt3A_520, %select_n3A_491, %select_n3A_517 : vector<16xi1>, vector<16xf32>
      %select_n3A_523 = arith.select %gt3A_520, %select_n3A_519, %select_n3A_493 : vector<16xi1>, vector<16xi32>
      %select_n3A_524 = arith.select %gt3A_520, %select_n3A_493, %select_n3A_519 : vector<16xi1>, vector<16xi32>
      %get3A_525 = arith.constant 17 : i32
      %get3A_526 = arith.index_cast %get3A_525 : i32 to index
      %get3A_527 = arith.constant 0 : index
      %get3A_528 = tpu.vector_load %arg4[%get3A_526, %get3A_527] {strides = array<i32>} : memref<32x16xf32, #tpu.memory_space<vmem>>, vector<1x16xf32>,
      %get3A_529 = vector.shape_cast %get3A_528 : vector<1x16xf32> to vector<16xf32>
      %broadcast_in_dim3A_530 = arith.constant 0 : i32
      %broadcast_in_dim3A_531 = vector.broadcast %broadcast_in_dim3A_530 : i32 to vector<16xi32>
      %add3A_532 = arith.constant 17 : i32
      %add3A_533 = vector.broadcast %add3A_532 : i32 to vector<16xi32>
      %add3A_534 = arith.addi %broadcast_in_dim3A_531, %add3A_533 : vector<16xi32>
      %gt3A_535 = arith.cmpf ogt, %get3A_529, %select_n3A_506 : vector<16xf32>
      %select_n3A_536 = arith.select %gt3A_535, %get3A_529, %select_n3A_506 : vector<16xi1>, vector<16xf32>
      %select_n3A_537 = arith.select %gt3A_535, %select_n3A_506, %get3A_529 : vector<16xi1>, vector<16xf32>
      %select_n3A_538 = arith.select %gt3A_535, %add3A_534, %select_n3A_508 : vector<16xi1>, vector<16xi32>
      %select_n3A_539 = arith.select %gt3A_535, %select_n3A_508, %add3A_534 : vector<16xi1>, vector<16xi32>
      %gt3A_540 = arith.cmpf ogt, %select_n3A_537, %select_n3A_511 : vector<16xf32>
      %select_n3A_541 = arith.select %gt3A_540, %select_n3A_537, %select_n3A_511 : vector<16xi1>, vector<16xf32>
      %select_n3A_542 = arith.select %gt3A_540, %select_n3A_511, %select_n3A_537 : vector<16xi1>, vector<16xf32>
      %select_n3A_543 = arith.select %gt3A_540, %select_n3A_539, %select_n3A_513 : vector<16xi1>, vector<16xi32>
      %select_n3A_544 = arith.select %gt3A_540, %select_n3A_513, %select_n3A_539 : vector<16xi1>, vector<16xi32>
      %gt3A_545 = arith.cmpf ogt, %select_n3A_542, %select_n3A_516 : vector<16xf32>
      %select_n3A_546 = arith.select %gt3A_545, %select_n3A_542, %select_n3A_516 : vector<16xi1>, vector<16xf32>
      %select_n3A_547 = arith.select %gt3A_545, %select_n3A_516, %select_n3A_542 : vector<16xi1>, vector<16xf32>
      %select_n3A_548 = arith.select %gt3A_545, %select_n3A_544, %select_n3A_518 : vector<16xi1>, vector<16xi32>
      %select_n3A_549 = arith.select %gt3A_545, %select_n3A_518, %select_n3A_544 : vector<16xi1>, vector<16xi32>
      %gt3A_550 = arith.cmpf ogt, %select_n3A_547, %select_n3A_521 : vector<16xf32>
      %select_n3A_551 = arith.select %gt3A_550, %select_n3A_547, %select_n3A_521 : vector<16xi1>, vector<16xf32>
      %select_n3A_552 = arith.select %gt3A_550, %select_n3A_521, %select_n3A_547 : vector<16xi1>, vector<16xf32>
      %select_n3A_553 = arith.select %gt3A_550, %select_n3A_549, %select_n3A_523 : vector<16xi1>, vector<16xi32>
      %select_n3A_554 = arith.select %gt3A_550, %select_n3A_523, %select_n3A_549 : vector<16xi1>, vector<16xi32>
      %get3A_555 = arith.constant 18 : i32
      %get3A_556 = arith.index_cast %get3A_555 : i32 to index
      %get3A_557 = arith.constant 0 : index
      %get3A_558 = tpu.vector_load %arg4[%get3A_556, %get3A_557] {strides = array<i32>} : memref<32x16xf32, #tpu.memory_space<vmem>>, vector<1x16xf32>,
      %get3A_559 = vector.shape_cast %get3A_558 : vector<1x16xf32> to vector<16xf32>
      %broadcast_in_dim3A_560 = arith.constant 0 : i32
      %broadcast_in_dim3A_561 = vector.broadcast %broadcast_in_dim3A_560 : i32 to vector<16xi32>
      %add3A_562 = arith.constant 18 : i32
      %add3A_563 = vector.broadcast %add3A_562 : i32 to vector<16xi32>
      %add3A_564 = arith.addi %broadcast_in_dim3A_561, %add3A_563 : vector<16xi32>
      %gt3A_565 = arith.cmpf ogt, %get3A_559, %select_n3A_536 : vector<16xf32>
      %select_n3A_566 = arith.select %gt3A_565, %get3A_559, %select_n3A_536 : vector<16xi1>, vector<16xf32>
      %select_n3A_567 = arith.select %gt3A_565, %select_n3A_536, %get3A_559 : vector<16xi1>, vector<16xf32>
      %select_n3A_568 = arith.select %gt3A_565, %add3A_564, %select_n3A_538 : vector<16xi1>, vector<16xi32>
      %select_n3A_569 = arith.select %gt3A_565, %select_n3A_538, %add3A_564 : vector<16xi1>, vector<16xi32>
      %gt3A_570 = arith.cmpf ogt, %select_n3A_567, %select_n3A_541 : vector<16xf32>
      %select_n3A_571 = arith.select %gt3A_570, %select_n3A_567, %select_n3A_541 : vector<16xi1>, vector<16xf32>
      %select_n3A_572 = arith.select %gt3A_570, %select_n3A_541, %select_n3A_567 : vector<16xi1>, vector<16xf32>
      %select_n3A_573 = arith.select %gt3A_570, %select_n3A_569, %select_n3A_543 : vector<16xi1>, vector<16xi32>
      %select_n3A_574 = arith.select %gt3A_570, %select_n3A_543, %select_n3A_569 : vector<16xi1>, vector<16xi32>
      %gt3A_575 = arith.cmpf ogt, %select_n3A_572, %select_n3A_546 : vector<16xf32>
      %select_n3A_576 = arith.select %gt3A_575, %select_n3A_572, %select_n3A_546 : vector<16xi1>, vector<16xf32>
      %select_n3A_577 = arith.select %gt3A_575, %select_n3A_546, %select_n3A_572 : vector<16xi1>, vector<16xf32>
      %select_n3A_578 = arith.select %gt3A_575, %select_n3A_574, %select_n3A_548 : vector<16xi1>, vector<16xi32>
      %select_n3A_579 = arith.select %gt3A_575, %select_n3A_548, %select_n3A_574 : vector<16xi1>, vector<16xi32>
      %gt3A_580 = arith.cmpf ogt, %select_n3A_577, %select_n3A_551 : vector<16xf32>
      %select_n3A_581 = arith.select %gt3A_580, %select_n3A_577, %select_n3A_551 : vector<16xi1>, vector<16xf32>
      %select_n3A_582 = arith.select %gt3A_580, %select_n3A_551, %select_n3A_577 : vector<16xi1>, vector<16xf32>
      %select_n3A_583 = arith.select %gt3A_580, %select_n3A_579, %select_n3A_553 : vector<16xi1>, vector<16xi32>
      %select_n3A_584 = arith.select %gt3A_580, %select_n3A_553, %select_n3A_579 : vector<16xi1>, vector<16xi32>
      %get3A_585 = arith.constant 19 : i32
      %get3A_586 = arith.index_cast %get3A_585 : i32 to index
      %get3A_587 = arith.constant 0 : index
      %get3A_588 = tpu.vector_load %arg4[%get3A_586, %get3A_587] {strides = array<i32>} : memref<32x16xf32, #tpu.memory_space<vmem>>, vector<1x16xf32>,
      %get3A_589 = vector.shape_cast %get3A_588 : vector<1x16xf32> to vector<16xf32>
      %broadcast_in_dim3A_590 = arith.constant 0 : i32
      %broadcast_in_dim3A_591 = vector.broadcast %broadcast_in_dim3A_590 : i32 to vector<16xi32>
      %add3A_592 = arith.constant 19 : i32
      %add3A_593 = vector.broadcast %add3A_592 : i32 to vector<16xi32>
      %add3A_594 = arith.addi %broadcast_in_dim3A_591, %add3A_593 : vector<16xi32>
      %gt3A_595 = arith.cmpf ogt, %get3A_589, %select_n3A_566 : vector<16xf32>
      %select_n3A_596 = arith.select %gt3A_595, %get3A_589, %select_n3A_566 : vector<16xi1>, vector<16xf32>
      %select_n3A_597 = arith.select %gt3A_595, %select_n3A_566, %get3A_589 : vector<16xi1>, vector<16xf32>
      %select_n3A_598 = arith.select %gt3A_595, %add3A_594, %select_n3A_568 : vector<16xi1>, vector<16xi32>
      %select_n3A_599 = arith.select %gt3A_595, %select_n3A_568, %add3A_594 : vector<16xi1>, vector<16xi32>
      %gt3A_600 = arith.cmpf ogt, %select_n3A_597, %select_n3A_571 : vector<16xf32>
      %select_n3A_601 = arith.select %gt3A_600, %select_n3A_597, %select_n3A_571 : vector<16xi1>, vector<16xf32>
      %select_n3A_602 = arith.select %gt3A_600, %select_n3A_571, %select_n3A_597 : vector<16xi1>, vector<16xf32>
      %select_n3A_603 = arith.select %gt3A_600, %select_n3A_599, %select_n3A_573 : vector<16xi1>, vector<16xi32>
      %select_n3A_604 = arith.select %gt3A_600, %select_n3A_573, %select_n3A_599 : vector<16xi1>, vector<16xi32>
      %gt3A_605 = arith.cmpf ogt, %select_n3A_602, %select_n3A_576 : vector<16xf32>
      %select_n3A_606 = arith.select %gt3A_605, %select_n3A_602, %select_n3A_576 : vector<16xi1>, vector<16xf32>
      %select_n3A_607 = arith.select %gt3A_605, %select_n3A_576, %select_n3A_602 : vector<16xi1>, vector<16xf32>
      %select_n3A_608 = arith.select %gt3A_605, %select_n3A_604, %select_n3A_578 : vector<16xi1>, vector<16xi32>
      %select_n3A_609 = arith.select %gt3A_605, %select_n3A_578, %select_n3A_604 : vector<16xi1>, vector<16xi32>
      %gt3A_610 = arith.cmpf ogt, %select_n3A_607, %select_n3A_581 : vector<16xf32>
      %select_n3A_611 = arith.select %gt3A_610, %select_n3A_607, %select_n3A_581 : vector<16xi1>, vector<16xf32>
      %select_n3A_612 = arith.select %gt3A_610, %select_n3A_581, %select_n3A_607 : vector<16xi1>, vector<16xf32>
      %select_n3A_613 = arith.select %gt3A_610, %select_n3A_609, %select_n3A_583 : vector<16xi1>, vector<16xi32>
      %select_n3A_614 = arith.select %gt3A_610, %select_n3A_583, %select_n3A_609 : vector<16xi1>, vector<16xi32>
      %get3A_615 = arith.constant 20 : i32
      %get3A_616 = arith.index_cast %get3A_615 : i32 to index
      %get3A_617 = arith.constant 0 : index
      %get3A_618 = tpu.vector_load %arg4[%get3A_616, %get3A_617] {strides = array<i32>} : memref<32x16xf32, #tpu.memory_space<vmem>>, vector<1x16xf32>,
      %get3A_619 = vector.shape_cast %get3A_618 : vector<1x16xf32> to vector<16xf32>
      %broadcast_in_dim3A_620 = arith.constant 0 : i32
      %broadcast_in_dim3A_621 = vector.broadcast %broadcast_in_dim3A_620 : i32 to vector<16xi32>
      %add3A_622 = arith.constant 20 : i32
      %add3A_623 = vector.broadcast %add3A_622 : i32 to vector<16xi32>
      %add3A_624 = arith.addi %broadcast_in_dim3A_621, %add3A_623 : vector<16xi32>
      %gt3A_625 = arith.cmpf ogt, %get3A_619, %select_n3A_596 : vector<16xf32>
      %select_n3A_626 = arith.select %gt3A_625, %get3A_619, %select_n3A_596 : vector<16xi1>, vector<16xf32>
      %select_n3A_627 = arith.select %gt3A_625, %select_n3A_596, %get3A_619 : vector<16xi1>, vector<16xf32>
      %select_n3A_628 = arith.select %gt3A_625, %add3A_624, %select_n3A_598 : vector<16xi1>, vector<16xi32>
      %select_n3A_629 = arith.select %gt3A_625, %select_n3A_598, %add3A_624 : vector<16xi1>, vector<16xi32>
      %gt3A_630 = arith.cmpf ogt, %select_n3A_627, %select_n3A_601 : vector<16xf32>
      %select_n3A_631 = arith.select %gt3A_630, %select_n3A_627, %select_n3A_601 : vector<16xi1>, vector<16xf32>
      %select_n3A_632 = arith.select %gt3A_630, %select_n3A_601, %select_n3A_627 : vector<16xi1>, vector<16xf32>
      %select_n3A_633 = arith.select %gt3A_630, %select_n3A_629, %select_n3A_603 : vector<16xi1>, vector<16xi32>
      %select_n3A_634 = arith.select %gt3A_630, %select_n3A_603, %select_n3A_629 : vector<16xi1>, vector<16xi32>
      %gt3A_635 = arith.cmpf ogt, %select_n3A_632, %select_n3A_606 : vector<16xf32>
      %select_n3A_636 = arith.select %gt3A_635, %select_n3A_632, %select_n3A_606 : vector<16xi1>, vector<16xf32>
      %select_n3A_637 = arith.select %gt3A_635, %select_n3A_606, %select_n3A_632 : vector<16xi1>, vector<16xf32>
      %select_n3A_638 = arith.select %gt3A_635, %select_n3A_634, %select_n3A_608 : vector<16xi1>, vector<16xi32>
      %select_n3A_639 = arith.select %gt3A_635, %select_n3A_608, %select_n3A_634 : vector<16xi1>, vector<16xi32>
      %gt3A_640 = arith.cmpf ogt, %select_n3A_637, %select_n3A_611 : vector<16xf32>
      %select_n3A_641 = arith.select %gt3A_640, %select_n3A_637, %select_n3A_611 : vector<16xi1>, vector<16xf32>
      %select_n3A_642 = arith.select %gt3A_640, %select_n3A_611, %select_n3A_637 : vector<16xi1>, vector<16xf32>
      %select_n3A_643 = arith.select %gt3A_640, %select_n3A_639, %select_n3A_613 : vector<16xi1>, vector<16xi32>
      %select_n3A_644 = arith.select %gt3A_640, %select_n3A_613, %select_n3A_639 : vector<16xi1>, vector<16xi32>
      %get3A_645 = arith.constant 21 : i32
      %get3A_646 = arith.index_cast %get3A_645 : i32 to index
      %get3A_647 = arith.constant 0 : index
      %get3A_648 = tpu.vector_load %arg4[%get3A_646, %get3A_647] {strides = array<i32>} : memref<32x16xf32, #tpu.memory_space<vmem>>, vector<1x16xf32>,
      %get3A_649 = vector.shape_cast %get3A_648 : vector<1x16xf32> to vector<16xf32>
      %broadcast_in_dim3A_650 = arith.constant 0 : i32
      %broadcast_in_dim3A_651 = vector.broadcast %broadcast_in_dim3A_650 : i32 to vector<16xi32>
      %add3A_652 = arith.constant 21 : i32
      %add3A_653 = vector.broadcast %add3A_652 : i32 to vector<16xi32>
      %add3A_654 = arith.addi %broadcast_in_dim3A_651, %add3A_653 : vector<16xi32>
      %gt3A_655 = arith.cmpf ogt, %get3A_649, %select_n3A_626 : vector<16xf32>
      %select_n3A_656 = arith.select %gt3A_655, %get3A_649, %select_n3A_626 : vector<16xi1>, vector<16xf32>
      %select_n3A_657 = arith.select %gt3A_655, %select_n3A_626, %get3A_649 : vector<16xi1>, vector<16xf32>
      %select_n3A_658 = arith.select %gt3A_655, %add3A_654, %select_n3A_628 : vector<16xi1>, vector<16xi32>
      %select_n3A_659 = arith.select %gt3A_655, %select_n3A_628, %add3A_654 : vector<16xi1>, vector<16xi32>
      %gt3A_660 = arith.cmpf ogt, %select_n3A_657, %select_n3A_631 : vector<16xf32>
      %select_n3A_661 = arith.select %gt3A_660, %select_n3A_657, %select_n3A_631 : vector<16xi1>, vector<16xf32>
      %select_n3A_662 = arith.select %gt3A_660, %select_n3A_631, %select_n3A_657 : vector<16xi1>, vector<16xf32>
      %select_n3A_663 = arith.select %gt3A_660, %select_n3A_659, %select_n3A_633 : vector<16xi1>, vector<16xi32>
      %select_n3A_664 = arith.select %gt3A_660, %select_n3A_633, %select_n3A_659 : vector<16xi1>, vector<16xi32>
      %gt3A_665 = arith.cmpf ogt, %select_n3A_662, %select_n3A_636 : vector<16xf32>
      %select_n3A_666 = arith.select %gt3A_665, %select_n3A_662, %select_n3A_636 : vector<16xi1>, vector<16xf32>
      %select_n3A_667 = arith.select %gt3A_665, %select_n3A_636, %select_n3A_662 : vector<16xi1>, vector<16xf32>
      %select_n3A_668 = arith.select %gt3A_665, %select_n3A_664, %select_n3A_638 : vector<16xi1>, vector<16xi32>
      %select_n3A_669 = arith.select %gt3A_665, %select_n3A_638, %select_n3A_664 : vector<16xi1>, vector<16xi32>
      %gt3A_670 = arith.cmpf ogt, %select_n3A_667, %select_n3A_641 : vector<16xf32>
      %select_n3A_671 = arith.select %gt3A_670, %select_n3A_667, %select_n3A_641 : vector<16xi1>, vector<16xf32>
      %select_n3A_672 = arith.select %gt3A_670, %select_n3A_641, %select_n3A_667 : vector<16xi1>, vector<16xf32>
      %select_n3A_673 = arith.select %gt3A_670, %select_n3A_669, %select_n3A_643 : vector<16xi1>, vector<16xi32>
      %select_n3A_674 = arith.select %gt3A_670, %select_n3A_643, %select_n3A_669 : vector<16xi1>, vector<16xi32>
      %get3A_675 = arith.constant 22 : i32
      %get3A_676 = arith.index_cast %get3A_675 : i32 to index
      %get3A_677 = arith.constant 0 : index
      %get3A_678 = tpu.vector_load %arg4[%get3A_676, %get3A_677] {strides = array<i32>} : memref<32x16xf32, #tpu.memory_space<vmem>>, vector<1x16xf32>,
      %get3A_679 = vector.shape_cast %get3A_678 : vector<1x16xf32> to vector<16xf32>
      %broadcast_in_dim3A_680 = arith.constant 0 : i32
      %broadcast_in_dim3A_681 = vector.broadcast %broadcast_in_dim3A_680 : i32 to vector<16xi32>
      %add3A_682 = arith.constant 22 : i32
      %add3A_683 = vector.broadcast %add3A_682 : i32 to vector<16xi32>
      %add3A_684 = arith.addi %broadcast_in_dim3A_681, %add3A_683 : vector<16xi32>
      %gt3A_685 = arith.cmpf ogt, %get3A_679, %select_n3A_656 : vector<16xf32>
      %select_n3A_686 = arith.select %gt3A_685, %get3A_679, %select_n3A_656 : vector<16xi1>, vector<16xf32>
      %select_n3A_687 = arith.select %gt3A_685, %select_n3A_656, %get3A_679 : vector<16xi1>, vector<16xf32>
      %select_n3A_688 = arith.select %gt3A_685, %add3A_684, %select_n3A_658 : vector<16xi1>, vector<16xi32>
      %select_n3A_689 = arith.select %gt3A_685, %select_n3A_658, %add3A_684 : vector<16xi1>, vector<16xi32>
      %gt3A_690 = arith.cmpf ogt, %select_n3A_687, %select_n3A_661 : vector<16xf32>
      %select_n3A_691 = arith.select %gt3A_690, %select_n3A_687, %select_n3A_661 : vector<16xi1>, vector<16xf32>
      %select_n3A_692 = arith.select %gt3A_690, %select_n3A_661, %select_n3A_687 : vector<16xi1>, vector<16xf32>
      %select_n3A_693 = arith.select %gt3A_690, %select_n3A_689, %select_n3A_663 : vector<16xi1>, vector<16xi32>
      %select_n3A_694 = arith.select %gt3A_690, %select_n3A_663, %select_n3A_689 : vector<16xi1>, vector<16xi32>
      %gt3A_695 = arith.cmpf ogt, %select_n3A_692, %select_n3A_666 : vector<16xf32>
      %select_n3A_696 = arith.select %gt3A_695, %select_n3A_692, %select_n3A_666 : vector<16xi1>, vector<16xf32>
      %select_n3A_697 = arith.select %gt3A_695, %select_n3A_666, %select_n3A_692 : vector<16xi1>, vector<16xf32>
      %select_n3A_698 = arith.select %gt3A_695, %select_n3A_694, %select_n3A_668 : vector<16xi1>, vector<16xi32>
      %select_n3A_699 = arith.select %gt3A_695, %select_n3A_668, %select_n3A_694 : vector<16xi1>, vector<16xi32>
      %gt3A_700 = arith.cmpf ogt, %select_n3A_697, %select_n3A_671 : vector<16xf32>
      %select_n3A_701 = arith.select %gt3A_700, %select_n3A_697, %select_n3A_671 : vector<16xi1>, vector<16xf32>
      %select_n3A_702 = arith.select %gt3A_700, %select_n3A_671, %select_n3A_697 : vector<16xi1>, vector<16xf32>
      %select_n3A_703 = arith.select %gt3A_700, %select_n3A_699, %select_n3A_673 : vector<16xi1>, vector<16xi32>
      %select_n3A_704 = arith.select %gt3A_700, %select_n3A_673, %select_n3A_699 : vector<16xi1>, vector<16xi32>
      %get3A_705 = arith.constant 23 : i32
      %get3A_706 = arith.index_cast %get3A_705 : i32 to index
      %get3A_707 = arith.constant 0 : index
      %get3A_708 = tpu.vector_load %arg4[%get3A_706, %get3A_707] {strides = array<i32>} : memref<32x16xf32, #tpu.memory_space<vmem>>, vector<1x16xf32>,
      %get3A_709 = vector.shape_cast %get3A_708 : vector<1x16xf32> to vector<16xf32>
      %broadcast_in_dim3A_710 = arith.constant 0 : i32
      %broadcast_in_dim3A_711 = vector.broadcast %broadcast_in_dim3A_710 : i32 to vector<16xi32>
      %add3A_712 = arith.constant 23 : i32
      %add3A_713 = vector.broadcast %add3A_712 : i32 to vector<16xi32>
      %add3A_714 = arith.addi %broadcast_in_dim3A_711, %add3A_713 : vector<16xi32>
      %gt3A_715 = arith.cmpf ogt, %get3A_709, %select_n3A_686 : vector<16xf32>
      %select_n3A_716 = arith.select %gt3A_715, %get3A_709, %select_n3A_686 : vector<16xi1>, vector<16xf32>
      %select_n3A_717 = arith.select %gt3A_715, %select_n3A_686, %get3A_709 : vector<16xi1>, vector<16xf32>
      %select_n3A_718 = arith.select %gt3A_715, %add3A_714, %select_n3A_688 : vector<16xi1>, vector<16xi32>
      %select_n3A_719 = arith.select %gt3A_715, %select_n3A_688, %add3A_714 : vector<16xi1>, vector<16xi32>
      %gt3A_720 = arith.cmpf ogt, %select_n3A_717, %select_n3A_691 : vector<16xf32>
      %select_n3A_721 = arith.select %gt3A_720, %select_n3A_717, %select_n3A_691 : vector<16xi1>, vector<16xf32>
      %select_n3A_722 = arith.select %gt3A_720, %select_n3A_691, %select_n3A_717 : vector<16xi1>, vector<16xf32>
      %select_n3A_723 = arith.select %gt3A_720, %select_n3A_719, %select_n3A_693 : vector<16xi1>, vector<16xi32>
      %select_n3A_724 = arith.select %gt3A_720, %select_n3A_693, %select_n3A_719 : vector<16xi1>, vector<16xi32>
      %gt3A_725 = arith.cmpf ogt, %select_n3A_722, %select_n3A_696 : vector<16xf32>
      %select_n3A_726 = arith.select %gt3A_725, %select_n3A_722, %select_n3A_696 : vector<16xi1>, vector<16xf32>
      %select_n3A_727 = arith.select %gt3A_725, %select_n3A_696, %select_n3A_722 : vector<16xi1>, vector<16xf32>
      %select_n3A_728 = arith.select %gt3A_725, %select_n3A_724, %select_n3A_698 : vector<16xi1>, vector<16xi32>
      %select_n3A_729 = arith.select %gt3A_725, %select_n3A_698, %select_n3A_724 : vector<16xi1>, vector<16xi32>
      %gt3A_730 = arith.cmpf ogt, %select_n3A_727, %select_n3A_701 : vector<16xf32>
      %select_n3A_731 = arith.select %gt3A_730, %select_n3A_727, %select_n3A_701 : vector<16xi1>, vector<16xf32>
      %select_n3A_732 = arith.select %gt3A_730, %select_n3A_701, %select_n3A_727 : vector<16xi1>, vector<16xf32>
      %select_n3A_733 = arith.select %gt3A_730, %select_n3A_729, %select_n3A_703 : vector<16xi1>, vector<16xi32>
      %select_n3A_734 = arith.select %gt3A_730, %select_n3A_703, %select_n3A_729 : vector<16xi1>, vector<16xi32>
      %get3A_735 = arith.constant 24 : i32
      %get3A_736 = arith.index_cast %get3A_735 : i32 to index
      %get3A_737 = arith.constant 0 : index
      %get3A_738 = tpu.vector_load %arg4[%get3A_736, %get3A_737] {strides = array<i32>} : memref<32x16xf32, #tpu.memory_space<vmem>>, vector<1x16xf32>,
      %get3A_739 = vector.shape_cast %get3A_738 : vector<1x16xf32> to vector<16xf32>
      %broadcast_in_dim3A_740 = arith.constant 0 : i32
      %broadcast_in_dim3A_741 = vector.broadcast %broadcast_in_dim3A_740 : i32 to vector<16xi32>
      %add3A_742 = arith.constant 24 : i32
      %add3A_743 = vector.broadcast %add3A_742 : i32 to vector<16xi32>
      %add3A_744 = arith.addi %broadcast_in_dim3A_741, %add3A_743 : vector<16xi32>
      %gt3A_745 = arith.cmpf ogt, %get3A_739, %select_n3A_716 : vector<16xf32>
      %select_n3A_746 = arith.select %gt3A_745, %get3A_739, %select_n3A_716 : vector<16xi1>, vector<16xf32>
      %select_n3A_747 = arith.select %gt3A_745, %select_n3A_716, %get3A_739 : vector<16xi1>, vector<16xf32>
      %select_n3A_748 = arith.select %gt3A_745, %add3A_744, %select_n3A_718 : vector<16xi1>, vector<16xi32>
      %select_n3A_749 = arith.select %gt3A_745, %select_n3A_718, %add3A_744 : vector<16xi1>, vector<16xi32>
      %gt3A_750 = arith.cmpf ogt, %select_n3A_747, %select_n3A_721 : vector<16xf32>
      %select_n3A_751 = arith.select %gt3A_750, %select_n3A_747, %select_n3A_721 : vector<16xi1>, vector<16xf32>
      %select_n3A_752 = arith.select %gt3A_750, %select_n3A_721, %select_n3A_747 : vector<16xi1>, vector<16xf32>
      %select_n3A_753 = arith.select %gt3A_750, %select_n3A_749, %select_n3A_723 : vector<16xi1>, vector<16xi32>
      %select_n3A_754 = arith.select %gt3A_750, %select_n3A_723, %select_n3A_749 : vector<16xi1>, vector<16xi32>
      %gt3A_755 = arith.cmpf ogt, %select_n3A_752, %select_n3A_726 : vector<16xf32>
      %select_n3A_756 = arith.select %gt3A_755, %select_n3A_752, %select_n3A_726 : vector<16xi1>, vector<16xf32>
      %select_n3A_757 = arith.select %gt3A_755, %select_n3A_726, %select_n3A_752 : vector<16xi1>, vector<16xf32>
      %select_n3A_758 = arith.select %gt3A_755, %select_n3A_754, %select_n3A_728 : vector<16xi1>, vector<16xi32>
      %select_n3A_759 = arith.select %gt3A_755, %select_n3A_728, %select_n3A_754 : vector<16xi1>, vector<16xi32>
      %gt3A_760 = arith.cmpf ogt, %select_n3A_757, %select_n3A_731 : vector<16xf32>
      %select_n3A_761 = arith.select %gt3A_760, %select_n3A_757, %select_n3A_731 : vector<16xi1>, vector<16xf32>
      %select_n3A_762 = arith.select %gt3A_760, %select_n3A_731, %select_n3A_757 : vector<16xi1>, vector<16xf32>
      %select_n3A_763 = arith.select %gt3A_760, %select_n3A_759, %select_n3A_733 : vector<16xi1>, vector<16xi32>
      %select_n3A_764 = arith.select %gt3A_760, %select_n3A_733, %select_n3A_759 : vector<16xi1>, vector<16xi32>
      %get3A_765 = arith.constant 25 : i32
      %get3A_766 = arith.index_cast %get3A_765 : i32 to index
      %get3A_767 = arith.constant 0 : index
      %get3A_768 = tpu.vector_load %arg4[%get3A_766, %get3A_767] {strides = array<i32>} : memref<32x16xf32, #tpu.memory_space<vmem>>, vector<1x16xf32>,
      %get3A_769 = vector.shape_cast %get3A_768 : vector<1x16xf32> to vector<16xf32>
      %broadcast_in_dim3A_770 = arith.constant 0 : i32
      %broadcast_in_dim3A_771 = vector.broadcast %broadcast_in_dim3A_770 : i32 to vector<16xi32>
      %add3A_772 = arith.constant 25 : i32
      %add3A_773 = vector.broadcast %add3A_772 : i32 to vector<16xi32>
      %add3A_774 = arith.addi %broadcast_in_dim3A_771, %add3A_773 : vector<16xi32>
      %gt3A_775 = arith.cmpf ogt, %get3A_769, %select_n3A_746 : vector<16xf32>
      %select_n3A_776 = arith.select %gt3A_775, %get3A_769, %select_n3A_746 : vector<16xi1>, vector<16xf32>
      %select_n3A_777 = arith.select %gt3A_775, %select_n3A_746, %get3A_769 : vector<16xi1>, vector<16xf32>
      %select_n3A_778 = arith.select %gt3A_775, %add3A_774, %select_n3A_748 : vector<16xi1>, vector<16xi32>
      %select_n3A_779 = arith.select %gt3A_775, %select_n3A_748, %add3A_774 : vector<16xi1>, vector<16xi32>
      %gt3A_780 = arith.cmpf ogt, %select_n3A_777, %select_n3A_751 : vector<16xf32>
      %select_n3A_781 = arith.select %gt3A_780, %select_n3A_777, %select_n3A_751 : vector<16xi1>, vector<16xf32>
      %select_n3A_782 = arith.select %gt3A_780, %select_n3A_751, %select_n3A_777 : vector<16xi1>, vector<16xf32>
      %select_n3A_783 = arith.select %gt3A_780, %select_n3A_779, %select_n3A_753 : vector<16xi1>, vector<16xi32>
      %select_n3A_784 = arith.select %gt3A_780, %select_n3A_753, %select_n3A_779 : vector<16xi1>, vector<16xi32>
      %gt3A_785 = arith.cmpf ogt, %select_n3A_782, %select_n3A_756 : vector<16xf32>
      %select_n3A_786 = arith.select %gt3A_785, %select_n3A_782, %select_n3A_756 : vector<16xi1>, vector<16xf32>
      %select_n3A_787 = arith.select %gt3A_785, %select_n3A_756, %select_n3A_782 : vector<16xi1>, vector<16xf32>
      %select_n3A_788 = arith.select %gt3A_785, %select_n3A_784, %select_n3A_758 : vector<16xi1>, vector<16xi32>
      %select_n3A_789 = arith.select %gt3A_785, %select_n3A_758, %select_n3A_784 : vector<16xi1>, vector<16xi32>
      %gt3A_790 = arith.cmpf ogt, %select_n3A_787, %select_n3A_761 : vector<16xf32>
      %select_n3A_791 = arith.select %gt3A_790, %select_n3A_787, %select_n3A_761 : vector<16xi1>, vector<16xf32>
      %select_n3A_792 = arith.select %gt3A_790, %select_n3A_761, %select_n3A_787 : vector<16xi1>, vector<16xf32>
      %select_n3A_793 = arith.select %gt3A_790, %select_n3A_789, %select_n3A_763 : vector<16xi1>, vector<16xi32>
      %select_n3A_794 = arith.select %gt3A_790, %select_n3A_763, %select_n3A_789 : vector<16xi1>, vector<16xi32>
      %get3A_795 = arith.constant 26 : i32
      %get3A_796 = arith.index_cast %get3A_795 : i32 to index
      %get3A_797 = arith.constant 0 : index
      %get3A_798 = tpu.vector_load %arg4[%get3A_796, %get3A_797] {strides = array<i32>} : memref<32x16xf32, #tpu.memory_space<vmem>>, vector<1x16xf32>,
      %get3A_799 = vector.shape_cast %get3A_798 : vector<1x16xf32> to vector<16xf32>
      %broadcast_in_dim3A_800 = arith.constant 0 : i32
      %broadcast_in_dim3A_801 = vector.broadcast %broadcast_in_dim3A_800 : i32 to vector<16xi32>
      %add3A_802 = arith.constant 26 : i32
      %add3A_803 = vector.broadcast %add3A_802 : i32 to vector<16xi32>
      %add3A_804 = arith.addi %broadcast_in_dim3A_801, %add3A_803 : vector<16xi32>
      %gt3A_805 = arith.cmpf ogt, %get3A_799, %select_n3A_776 : vector<16xf32>
      %select_n3A_806 = arith.select %gt3A_805, %get3A_799, %select_n3A_776 : vector<16xi1>, vector<16xf32>
      %select_n3A_807 = arith.select %gt3A_805, %select_n3A_776, %get3A_799 : vector<16xi1>, vector<16xf32>
      %select_n3A_808 = arith.select %gt3A_805, %add3A_804, %select_n3A_778 : vector<16xi1>, vector<16xi32>
      %select_n3A_809 = arith.select %gt3A_805, %select_n3A_778, %add3A_804 : vector<16xi1>, vector<16xi32>
      %gt3A_810 = arith.cmpf ogt, %select_n3A_807, %select_n3A_781 : vector<16xf32>
      %select_n3A_811 = arith.select %gt3A_810, %select_n3A_807, %select_n3A_781 : vector<16xi1>, vector<16xf32>
      %select_n3A_812 = arith.select %gt3A_810, %select_n3A_781, %select_n3A_807 : vector<16xi1>, vector<16xf32>
      %select_n3A_813 = arith.select %gt3A_810, %select_n3A_809, %select_n3A_783 : vector<16xi1>, vector<16xi32>
      %select_n3A_814 = arith.select %gt3A_810, %select_n3A_783, %select_n3A_809 : vector<16xi1>, vector<16xi32>
      %gt3A_815 = arith.cmpf ogt, %select_n3A_812, %select_n3A_786 : vector<16xf32>
      %select_n3A_816 = arith.select %gt3A_815, %select_n3A_812, %select_n3A_786 : vector<16xi1>, vector<16xf32>
      %select_n3A_817 = arith.select %gt3A_815, %select_n3A_786, %select_n3A_812 : vector<16xi1>, vector<16xf32>
      %select_n3A_818 = arith.select %gt3A_815, %select_n3A_814, %select_n3A_788 : vector<16xi1>, vector<16xi32>
      %select_n3A_819 = arith.select %gt3A_815, %select_n3A_788, %select_n3A_814 : vector<16xi1>, vector<16xi32>
      %gt3A_820 = arith.cmpf ogt, %select_n3A_817, %select_n3A_791 : vector<16xf32>
      %select_n3A_821 = arith.select %gt3A_820, %select_n3A_817, %select_n3A_791 : vector<16xi1>, vector<16xf32>
      %select_n3A_822 = arith.select %gt3A_820, %select_n3A_791, %select_n3A_817 : vector<16xi1>, vector<16xf32>
      %select_n3A_823 = arith.select %gt3A_820, %select_n3A_819, %select_n3A_793 : vector<16xi1>, vector<16xi32>
      %select_n3A_824 = arith.select %gt3A_820, %select_n3A_793, %select_n3A_819 : vector<16xi1>, vector<16xi32>
      %get3A_825 = arith.constant 27 : i32
      %get3A_826 = arith.index_cast %get3A_825 : i32 to index
      %get3A_827 = arith.constant 0 : index
      %get3A_828 = tpu.vector_load %arg4[%get3A_826, %get3A_827] {strides = array<i32>} : memref<32x16xf32, #tpu.memory_space<vmem>>, vector<1x16xf32>,
      %get3A_829 = vector.shape_cast %get3A_828 : vector<1x16xf32> to vector<16xf32>
      %broadcast_in_dim3A_830 = arith.constant 0 : i32
      %broadcast_in_dim3A_831 = vector.broadcast %broadcast_in_dim3A_830 : i32 to vector<16xi32>
      %add3A_832 = arith.constant 27 : i32
      %add3A_833 = vector.broadcast %add3A_832 : i32 to vector<16xi32>
      %add3A_834 = arith.addi %broadcast_in_dim3A_831, %add3A_833 : vector<16xi32>
      %gt3A_835 = arith.cmpf ogt, %get3A_829, %select_n3A_806 : vector<16xf32>
      %select_n3A_836 = arith.select %gt3A_835, %get3A_829, %select_n3A_806 : vector<16xi1>, vector<16xf32>
      %select_n3A_837 = arith.select %gt3A_835, %select_n3A_806, %get3A_829 : vector<16xi1>, vector<16xf32>
      %select_n3A_838 = arith.select %gt3A_835, %add3A_834, %select_n3A_808 : vector<16xi1>, vector<16xi32>
      %select_n3A_839 = arith.select %gt3A_835, %select_n3A_808, %add3A_834 : vector<16xi1>, vector<16xi32>
      %gt3A_840 = arith.cmpf ogt, %select_n3A_837, %select_n3A_811 : vector<16xf32>
      %select_n3A_841 = arith.select %gt3A_840, %select_n3A_837, %select_n3A_811 : vector<16xi1>, vector<16xf32>
      %select_n3A_842 = arith.select %gt3A_840, %select_n3A_811, %select_n3A_837 : vector<16xi1>, vector<16xf32>
      %select_n3A_843 = arith.select %gt3A_840, %select_n3A_839, %select_n3A_813 : vector<16xi1>, vector<16xi32>
      %select_n3A_844 = arith.select %gt3A_840, %select_n3A_813, %select_n3A_839 : vector<16xi1>, vector<16xi32>
      %gt3A_845 = arith.cmpf ogt, %select_n3A_842, %select_n3A_816 : vector<16xf32>
      %select_n3A_846 = arith.select %gt3A_845, %select_n3A_842, %select_n3A_816 : vector<16xi1>, vector<16xf32>
      %select_n3A_847 = arith.select %gt3A_845, %select_n3A_816, %select_n3A_842 : vector<16xi1>, vector<16xf32>
      %select_n3A_848 = arith.select %gt3A_845, %select_n3A_844, %select_n3A_818 : vector<16xi1>, vector<16xi32>
      %select_n3A_849 = arith.select %gt3A_845, %select_n3A_818, %select_n3A_844 : vector<16xi1>, vector<16xi32>
      %gt3A_850 = arith.cmpf ogt, %select_n3A_847, %select_n3A_821 : vector<16xf32>
      %select_n3A_851 = arith.select %gt3A_850, %select_n3A_847, %select_n3A_821 : vector<16xi1>, vector<16xf32>
      %select_n3A_852 = arith.select %gt3A_850, %select_n3A_821, %select_n3A_847 : vector<16xi1>, vector<16xf32>
      %select_n3A_853 = arith.select %gt3A_850, %select_n3A_849, %select_n3A_823 : vector<16xi1>, vector<16xi32>
      %select_n3A_854 = arith.select %gt3A_850, %select_n3A_823, %select_n3A_849 : vector<16xi1>, vector<16xi32>
      %get3A_855 = arith.constant 28 : i32
      %get3A_856 = arith.index_cast %get3A_855 : i32 to index
      %get3A_857 = arith.constant 0 : index
      %get3A_858 = tpu.vector_load %arg4[%get3A_856, %get3A_857] {strides = array<i32>} : memref<32x16xf32, #tpu.memory_space<vmem>>, vector<1x16xf32>,
      %get3A_859 = vector.shape_cast %get3A_858 : vector<1x16xf32> to vector<16xf32>
      %broadcast_in_dim3A_860 = arith.constant 0 : i32
      %broadcast_in_dim3A_861 = vector.broadcast %broadcast_in_dim3A_860 : i32 to vector<16xi32>
      %add3A_862 = arith.constant 28 : i32
      %add3A_863 = vector.broadcast %add3A_862 : i32 to vector<16xi32>
      %add3A_864 = arith.addi %broadcast_in_dim3A_861, %add3A_863 : vector<16xi32>
      %gt3A_865 = arith.cmpf ogt, %get3A_859, %select_n3A_836 : vector<16xf32>
      %select_n3A_866 = arith.select %gt3A_865, %get3A_859, %select_n3A_836 : vector<16xi1>, vector<16xf32>
      %select_n3A_867 = arith.select %gt3A_865, %select_n3A_836, %get3A_859 : vector<16xi1>, vector<16xf32>
      %select_n3A_868 = arith.select %gt3A_865, %add3A_864, %select_n3A_838 : vector<16xi1>, vector<16xi32>
      %select_n3A_869 = arith.select %gt3A_865, %select_n3A_838, %add3A_864 : vector<16xi1>, vector<16xi32>
      %gt3A_870 = arith.cmpf ogt, %select_n3A_867, %select_n3A_841 : vector<16xf32>
      %select_n3A_871 = arith.select %gt3A_870, %select_n3A_867, %select_n3A_841 : vector<16xi1>, vector<16xf32>
      %select_n3A_872 = arith.select %gt3A_870, %select_n3A_841, %select_n3A_867 : vector<16xi1>, vector<16xf32>
      %select_n3A_873 = arith.select %gt3A_870, %select_n3A_869, %select_n3A_843 : vector<16xi1>, vector<16xi32>
      %select_n3A_874 = arith.select %gt3A_870, %select_n3A_843, %select_n3A_869 : vector<16xi1>, vector<16xi32>
      %gt3A_875 = arith.cmpf ogt, %select_n3A_872, %select_n3A_846 : vector<16xf32>
      %select_n3A_876 = arith.select %gt3A_875, %select_n3A_872, %select_n3A_846 : vector<16xi1>, vector<16xf32>
      %select_n3A_877 = arith.select %gt3A_875, %select_n3A_846, %select_n3A_872 : vector<16xi1>, vector<16xf32>
      %select_n3A_878 = arith.select %gt3A_875, %select_n3A_874, %select_n3A_848 : vector<16xi1>, vector<16xi32>
      %select_n3A_879 = arith.select %gt3A_875, %select_n3A_848, %select_n3A_874 : vector<16xi1>, vector<16xi32>
      %gt3A_880 = arith.cmpf ogt, %select_n3A_877, %select_n3A_851 : vector<16xf32>
      %select_n3A_881 = arith.select %gt3A_880, %select_n3A_877, %select_n3A_851 : vector<16xi1>, vector<16xf32>
      %select_n3A_882 = arith.select %gt3A_880, %select_n3A_851, %select_n3A_877 : vector<16xi1>, vector<16xf32>
      %select_n3A_883 = arith.select %gt3A_880, %select_n3A_879, %select_n3A_853 : vector<16xi1>, vector<16xi32>
      %select_n3A_884 = arith.select %gt3A_880, %select_n3A_853, %select_n3A_879 : vector<16xi1>, vector<16xi32>
      %get3A_885 = arith.constant 29 : i32
      %get3A_886 = arith.index_cast %get3A_885 : i32 to index
      %get3A_887 = arith.constant 0 : index
      %get3A_888 = tpu.vector_load %arg4[%get3A_886, %get3A_887] {strides = array<i32>} : memref<32x16xf32, #tpu.memory_space<vmem>>, vector<1x16xf32>,
      %get3A_889 = vector.shape_cast %get3A_888 : vector<1x16xf32> to vector<16xf32>
      %broadcast_in_dim3A_890 = arith.constant 0 : i32
      %broadcast_in_dim3A_891 = vector.broadcast %broadcast_in_dim3A_890 : i32 to vector<16xi32>
      %add3A_892 = arith.constant 29 : i32
      %add3A_893 = vector.broadcast %add3A_892 : i32 to vector<16xi32>
      %add3A_894 = arith.addi %broadcast_in_dim3A_891, %add3A_893 : vector<16xi32>
      %gt3A_895 = arith.cmpf ogt, %get3A_889, %select_n3A_866 : vector<16xf32>
      %select_n3A_896 = arith.select %gt3A_895, %get3A_889, %select_n3A_866 : vector<16xi1>, vector<16xf32>
      %select_n3A_897 = arith.select %gt3A_895, %select_n3A_866, %get3A_889 : vector<16xi1>, vector<16xf32>
      %select_n3A_898 = arith.select %gt3A_895, %add3A_894, %select_n3A_868 : vector<16xi1>, vector<16xi32>
      %select_n3A_899 = arith.select %gt3A_895, %select_n3A_868, %add3A_894 : vector<16xi1>, vector<16xi32>
      %gt3A_900 = arith.cmpf ogt, %select_n3A_897, %select_n3A_871 : vector<16xf32>
      %select_n3A_901 = arith.select %gt3A_900, %select_n3A_897, %select_n3A_871 : vector<16xi1>, vector<16xf32>
      %select_n3A_902 = arith.select %gt3A_900, %select_n3A_871, %select_n3A_897 : vector<16xi1>, vector<16xf32>
      %select_n3A_903 = arith.select %gt3A_900, %select_n3A_899, %select_n3A_873 : vector<16xi1>, vector<16xi32>
      %select_n3A_904 = arith.select %gt3A_900, %select_n3A_873, %select_n3A_899 : vector<16xi1>, vector<16xi32>
      %gt3A_905 = arith.cmpf ogt, %select_n3A_902, %select_n3A_876 : vector<16xf32>
      %select_n3A_906 = arith.select %gt3A_905, %select_n3A_902, %select_n3A_876 : vector<16xi1>, vector<16xf32>
      %select_n3A_907 = arith.select %gt3A_905, %select_n3A_876, %select_n3A_902 : vector<16xi1>, vector<16xf32>
      %select_n3A_908 = arith.select %gt3A_905, %select_n3A_904, %select_n3A_878 : vector<16xi1>, vector<16xi32>
      %select_n3A_909 = arith.select %gt3A_905, %select_n3A_878, %select_n3A_904 : vector<16xi1>, vector<16xi32>
      %gt3A_910 = arith.cmpf ogt, %select_n3A_907, %select_n3A_881 : vector<16xf32>
      %select_n3A_911 = arith.select %gt3A_910, %select_n3A_907, %select_n3A_881 : vector<16xi1>, vector<16xf32>
      %select_n3A_912 = arith.select %gt3A_910, %select_n3A_881, %select_n3A_907 : vector<16xi1>, vector<16xf32>
      %select_n3A_913 = arith.select %gt3A_910, %select_n3A_909, %select_n3A_883 : vector<16xi1>, vector<16xi32>
      %select_n3A_914 = arith.select %gt3A_910, %select_n3A_883, %select_n3A_909 : vector<16xi1>, vector<16xi32>
      %get3A_915 = arith.constant 30 : i32
      %get3A_916 = arith.index_cast %get3A_915 : i32 to index
      %get3A_917 = arith.constant 0 : index
      %get3A_918 = tpu.vector_load %arg4[%get3A_916, %get3A_917] {strides = array<i32>} : memref<32x16xf32, #tpu.memory_space<vmem>>, vector<1x16xf32>,
      %get3A_919 = vector.shape_cast %get3A_918 : vector<1x16xf32> to vector<16xf32>
      %broadcast_in_dim3A_920 = arith.constant 0 : i32
      %broadcast_in_dim3A_921 = vector.broadcast %broadcast_in_dim3A_920 : i32 to vector<16xi32>
      %add3A_922 = arith.constant 30 : i32
      %add3A_923 = vector.broadcast %add3A_922 : i32 to vector<16xi32>
      %add3A_924 = arith.addi %broadcast_in_dim3A_921, %add3A_923 : vector<16xi32>
      %gt3A_925 = arith.cmpf ogt, %get3A_919, %select_n3A_896 : vector<16xf32>
      %select_n3A_926 = arith.select %gt3A_925, %get3A_919, %select_n3A_896 : vector<16xi1>, vector<16xf32>
      %select_n3A_927 = arith.select %gt3A_925, %select_n3A_896, %get3A_919 : vector<16xi1>, vector<16xf32>
      %select_n3A_928 = arith.select %gt3A_925, %add3A_924, %select_n3A_898 : vector<16xi1>, vector<16xi32>
      %select_n3A_929 = arith.select %gt3A_925, %select_n3A_898, %add3A_924 : vector<16xi1>, vector<16xi32>
      %gt3A_930 = arith.cmpf ogt, %select_n3A_927, %select_n3A_901 : vector<16xf32>
      %select_n3A_931 = arith.select %gt3A_930, %select_n3A_927, %select_n3A_901 : vector<16xi1>, vector<16xf32>
      %select_n3A_932 = arith.select %gt3A_930, %select_n3A_901, %select_n3A_927 : vector<16xi1>, vector<16xf32>
      %select_n3A_933 = arith.select %gt3A_930, %select_n3A_929, %select_n3A_903 : vector<16xi1>, vector<16xi32>
      %select_n3A_934 = arith.select %gt3A_930, %select_n3A_903, %select_n3A_929 : vector<16xi1>, vector<16xi32>
      %gt3A_935 = arith.cmpf ogt, %select_n3A_932, %select_n3A_906 : vector<16xf32>
      %select_n3A_936 = arith.select %gt3A_935, %select_n3A_932, %select_n3A_906 : vector<16xi1>, vector<16xf32>
      %select_n3A_937 = arith.select %gt3A_935, %select_n3A_906, %select_n3A_932 : vector<16xi1>, vector<16xf32>
      %select_n3A_938 = arith.select %gt3A_935, %select_n3A_934, %select_n3A_908 : vector<16xi1>, vector<16xi32>
      %select_n3A_939 = arith.select %gt3A_935, %select_n3A_908, %select_n3A_934 : vector<16xi1>, vector<16xi32>
      %gt3A_940 = arith.cmpf ogt, %select_n3A_937, %select_n3A_911 : vector<16xf32>
      %select_n3A_941 = arith.select %gt3A_940, %select_n3A_937, %select_n3A_911 : vector<16xi1>, vector<16xf32>
      %select_n3A_942 = arith.select %gt3A_940, %select_n3A_911, %select_n3A_937 : vector<16xi1>, vector<16xf32>
      %select_n3A_943 = arith.select %gt3A_940, %select_n3A_939, %select_n3A_913 : vector<16xi1>, vector<16xi32>
      %select_n3A_944 = arith.select %gt3A_940, %select_n3A_913, %select_n3A_939 : vector<16xi1>, vector<16xi32>
      %get3A_945 = arith.constant 31 : i32
      %get3A_946 = arith.index_cast %get3A_945 : i32 to index
      %get3A_947 = arith.constant 0 : index
      %get3A_948 = tpu.vector_load %arg4[%get3A_946, %get3A_947] {strides = array<i32>} : memref<32x16xf32, #tpu.memory_space<vmem>>, vector<1x16xf32>,
      %get3A_949 = vector.shape_cast %get3A_948 : vector<1x16xf32> to vector<16xf32>
      %broadcast_in_dim3A_950 = arith.constant 0 : i32
      %broadcast_in_dim3A_951 = vector.broadcast %broadcast_in_dim3A_950 : i32 to vector<16xi32>
      %add3A_952 = arith.constant 31 : i32
      %add3A_953 = vector.broadcast %add3A_952 : i32 to vector<16xi32>
      %add3A_954 = arith.addi %broadcast_in_dim3A_951, %add3A_953 : vector<16xi32>
      %gt3A_955 = arith.cmpf ogt, %get3A_949, %select_n3A_926 : vector<16xf32>
      %select_n3A_956 = arith.select %gt3A_955, %get3A_949, %select_n3A_926 : vector<16xi1>, vector<16xf32>
      %select_n3A_957 = arith.select %gt3A_955, %select_n3A_926, %get3A_949 : vector<16xi1>, vector<16xf32>
      %select_n3A_958 = arith.select %gt3A_955, %add3A_954, %select_n3A_928 : vector<16xi1>, vector<16xi32>
      %select_n3A_959 = arith.select %gt3A_955, %select_n3A_928, %add3A_954 : vector<16xi1>, vector<16xi32>
      %gt3A_960 = arith.cmpf ogt, %select_n3A_957, %select_n3A_931 : vector<16xf32>
      %select_n3A_961 = arith.select %gt3A_960, %select_n3A_957, %select_n3A_931 : vector<16xi1>, vector<16xf32>
      %select_n3A_962 = arith.select %gt3A_960, %select_n3A_931, %select_n3A_957 : vector<16xi1>, vector<16xf32>
      %select_n3A_963 = arith.select %gt3A_960, %select_n3A_959, %select_n3A_933 : vector<16xi1>, vector<16xi32>
      %select_n3A_964 = arith.select %gt3A_960, %select_n3A_933, %select_n3A_959 : vector<16xi1>, vector<16xi32>
      %gt3A_965 = arith.cmpf ogt, %select_n3A_962, %select_n3A_936 : vector<16xf32>
      %select_n3A_966 = arith.select %gt3A_965, %select_n3A_962, %select_n3A_936 : vector<16xi1>, vector<16xf32>
      %select_n3A_967 = arith.select %gt3A_965, %select_n3A_936, %select_n3A_962 : vector<16xi1>, vector<16xf32>
      %select_n3A_968 = arith.select %gt3A_965, %select_n3A_964, %select_n3A_938 : vector<16xi1>, vector<16xi32>
      %select_n3A_969 = arith.select %gt3A_965, %select_n3A_938, %select_n3A_964 : vector<16xi1>, vector<16xi32>
      %gt3A_970 = arith.cmpf ogt, %select_n3A_967, %select_n3A_941 : vector<16xf32>
      %select_n3A_971 = arith.select %gt3A_970, %select_n3A_967, %select_n3A_941 : vector<16xi1>, vector<16xf32>
      %select_n3A_972 = arith.select %gt3A_970, %select_n3A_941, %select_n3A_967 : vector<16xi1>, vector<16xf32>
      %select_n3A_973 = arith.select %gt3A_970, %select_n3A_969, %select_n3A_943 : vector<16xi1>, vector<16xi32>
      %select_n3A_974 = arith.select %gt3A_970, %select_n3A_943, %select_n3A_969 : vector<16xi1>, vector<16xi32>
      %swap3A = arith.constant 0 : i32
      %swap3A_975 = arith.index_cast %swap3A : i32 to index
      %swap3A_976 = arith.constant 0 : index
      %swap3A_977 = tpu.vector_load %arg5[%swap3A_975, %swap3A_976] {strides = array<i32>} : memref<4x16xi32, #tpu.memory_space<vmem>>, vector<1x16xi32>,
      %swap3A_978 = vector.shape_cast %swap3A_977 : vector<1x16xi32> to vector<16xi32>
      %swap3A_979 = vector.shape_cast %select_n3A_958 : vector<16xi32> to vector<1x16xi32>
      tpu.vector_store %arg5[%swap3A_975, %swap3A_976], %swap3A_979 {strides = array<i32>} : memref<4x16xi32, #tpu.memory_space<vmem>>, vector<1x16xi32>,
      %swap3A_980 = arith.constant 1 : i32
      %swap3A_981 = arith.index_cast %swap3A_980 : i32 to index
      %swap3A_982 = arith.constant 0 : index
      %swap3A_983 = tpu.vector_load %arg5[%swap3A_981, %swap3A_982] {strides = array<i32>} : memref<4x16xi32, #tpu.memory_space<vmem>>, vector<1x16xi32>,
      %swap3A_984 = vector.shape_cast %swap3A_983 : vector<1x16xi32> to vector<16xi32>
      %swap3A_985 = vector.shape_cast %select_n3A_963 : vector<16xi32> to vector<1x16xi32>
      tpu.vector_store %arg5[%swap3A_981, %swap3A_982], %swap3A_985 {strides = array<i32>} : memref<4x16xi32, #tpu.memory_space<vmem>>, vector<1x16xi32>,
      %swap3A_986 = arith.constant 2 : i32
      %swap3A_987 = arith.index_cast %swap3A_986 : i32 to index
      %swap3A_988 = arith.constant 0 : index
      %swap3A_989 = tpu.vector_load %arg5[%swap3A_987, %swap3A_988] {strides = array<i32>} : memref<4x16xi32, #tpu.memory_space<vmem>>, vector<1x16xi32>,
      %swap3A_990 = vector.shape_cast %swap3A_989 : vector<1x16xi32> to vector<16xi32>
      %swap3A_991 = vector.shape_cast %select_n3A_968 : vector<16xi32> to vector<1x16xi32>
      tpu.vector_store %arg5[%swap3A_987, %swap3A_988], %swap3A_991 {strides = array<i32>} : memref<4x16xi32, #tpu.memory_space<vmem>>, vector<1x16xi32>,
      %swap3A_992 = arith.constant 3 : i32
      %swap3A_993 = arith.index_cast %swap3A_992 : i32 to index
      %swap3A_994 = arith.constant 0 : index
      %swap3A_995 = tpu.vector_load %arg5[%swap3A_993, %swap3A_994] {strides = array<i32>} : memref<4x16xi32, #tpu.memory_space<vmem>>, vector<1x16xi32>,
      %swap3A_996 = vector.shape_cast %swap3A_995 : vector<1x16xi32> to vector<16xi32>
      %swap3A_997 = vector.shape_cast %select_n3A_973 : vector<16xi32> to vector<1x16xi32>
      tpu.vector_store %arg5[%swap3A_993, %swap3A_994], %swap3A_997 {strides = array<i32>} : memref<4x16xi32, #tpu.memory_space<vmem>>, vector<1x16xi32>,
      "tpu.region"() ({
        %run_scoped3A = tpu.sem_alloc : memref<!tpu.dma_semaphore, #tpu.memory_space<semaphore_mem>>
        %dma_start3A = arith.constant 0 : i32
        %dma_start3A_998 = arith.constant 0 : i32
        %dma_start3A_999 = tpu.memref_slice %arg3[%add3A, %dma_start3A, %dma_start3A_998] : memref<8x4x16xi32, #tpu.memory_space<hbm>> -> memref<1x4x16xi32, #tpu.memory_space<hbm>>
        %dma_start3A_1000 = tpu.memref_squeeze %dma_start3A_999 : memref<1x4x16xi32, #tpu.memory_space<hbm>> -> memref<4x16xi32, #tpu.memory_space<hbm>>
        %dma_start3A_1001 = arith.constant 0 : i32
        %dma_start3A_1002 = arith.constant 0 : i32
        %dma_start3A_1003 = tpu.memref_slice %arg3[%add3A, %dma_start3A_1001, %dma_start3A_1002] : memref<8x4x16xi32, #tpu.memory_space<hbm>> -> memref<1x4x16xi32, #tpu.memory_space<hbm>>
        %dma_start3A_1004 = tpu.memref_squeeze %dma_start3A_1003 : memref<1x4x16xi32, #tpu.memory_space<hbm>> -> memref<4x16xi32, #tpu.memory_space<hbm>>
        tpu.enqueue_dma source(%arg5 : memref<4x16xi32, #tpu.memory_space<vmem>>) target(%dma_start3A_1004 : memref<4x16xi32, #tpu.memory_space<hbm>>) target_semaphore(%run_scoped3A : memref<!tpu.dma_semaphore, #tpu.memory_space<semaphore_mem>>)
        %dma_wait3A = arith.constant 0 : i32
        %dma_wait3A_1005 = arith.constant 0 : i32
        %dma_wait3A_1006 = tpu.memref_slice %arg3[%add3A, %dma_wait3A, %dma_wait3A_1005] : memref<8x4x16xi32, #tpu.memory_space<hbm>> -> memref<1x4x16xi32, #tpu.memory_space<hbm>>
        %dma_wait3A_1007 = tpu.memref_squeeze %dma_wait3A_1006 : memref<1x4x16xi32, #tpu.memory_space<hbm>> -> memref<4x16xi32, #tpu.memory_space<hbm>>
        %dma_wait3A_1008 = arith.constant 0 : i32
        %dma_wait3A_1009 = arith.constant 0 : i32
        %dma_wait3A_1010 = tpu.memref_slice %arg3[%add3A, %dma_wait3A_1008, %dma_wait3A_1009] : memref<8x4x16xi32, #tpu.memory_space<hbm>> -> memref<1x4x16xi32, #tpu.memory_space<hbm>>
        %dma_wait3A_1011 = tpu.memref_squeeze %dma_wait3A_1010 : memref<1x4x16xi32, #tpu.memory_space<hbm>> -> memref<4x16xi32, #tpu.memory_space<hbm>>
        tpu.wait_dma2 semaphore(%run_scoped3A : memref<!tpu.dma_semaphore, #tpu.memory_space<semaphore_mem>>) src(%arg5 : memref<4x16xi32, #tpu.memory_space<vmem>>) dst(%dma_wait3A_1011 : memref<4x16xi32, #tpu.memory_space<hbm>>)
        tpu.yield
      }) : () -> ()
    } else {
    }
    return
  }
}

module attributes {stable_mosaic.version = 14 : i64} {
  func.func @_qkv_body(%arg0: i32, %arg1: memref<256x1024xbf16, #tpu.memory_space<vmem>>, %arg2: memref<1024x3072xbf16, #tpu.memory_space<vmem>>, %arg3: memref<1x3072xf32, #tpu.memory_space<vmem>>, %arg4: memref<1x1024xf32, #tpu.memory_space<vmem>>, %arg5: memref<1x1024xf32, #tpu.memory_space<vmem>>, %arg6: memref<256x128xf32, #tpu.memory_space<vmem>>, %arg7: memref<256x128xf32, #tpu.memory_space<vmem>>, %arg8: memref<2x256xf32, #tpu.memory_space<vmem>>, %arg9: memref<4x256xf32, #tpu.memory_space<vmem>>, %arg10: memref<256x1024xbf16, #tpu.memory_space<vmem>>, %arg11: memref<256x1024xbf16, #tpu.memory_space<vmem>>, %arg12: memref<256x1024xbf16, #tpu.memory_space<vmem>>, %arg13: memref<1x2x1024xf32, #tpu.memory_space<vmem>>, %arg14: memref<1x4x1024xf32, #tpu.memory_space<vmem>>) attributes {dimension_semantics = [#tpu.dimension_semantics<arbitrary>], iteration_bounds = array<i64: 8>, scalar_prefetch = 0 : i64, scratch_operands = 0 : i64, tpu.core_type = #tpu.core_type<tc>, window_params = [{transform_indices = @transform_0, window_bounds = array<i64: 256, 1024>}, {pipeline_mode = #tpu.pipeline_mode<synchronous>, transform_indices = @transform_1, window_bounds = array<i64: 1024, 3072>}, {pipeline_mode = #tpu.pipeline_mode<synchronous>, transform_indices = @transform_2, window_bounds = array<i64: 1, 3072>}, {pipeline_mode = #tpu.pipeline_mode<synchronous>, transform_indices = @transform_3, window_bounds = array<i64: 1, 1024>}, {pipeline_mode = #tpu.pipeline_mode<synchronous>, transform_indices = @transform_4, window_bounds = array<i64: 1, 1024>}, {transform_indices = @transform_5, window_bounds = array<i64: 256, 128>}, {transform_indices = @transform_6, window_bounds = array<i64: 256, 128>}, {pipeline_mode = #tpu.pipeline_mode<synchronous>, transform_indices = @transform_7, window_bounds = array<i64: 2, 256>}, {pipeline_mode = #tpu.pipeline_mode<synchronous>, transform_indices = @transform_8, window_bounds = array<i64: 4, 256>}, {transform_indices = @transform_9, window_bounds = array<i64: 256, 1024>}, {transform_indices = @transform_10, window_bounds = array<i64: 256, 1024>}, {transform_indices = @transform_11, window_bounds = array<i64: 256, 1024>}, {transform_indices = @transform_12, window_bounds = array<i64: 1, 2, 1024>}, {transform_indices = @transform_13, window_bounds = array<i64: 1, 4, 1024>}]} {
    %get3A = arith.constant 0 : index
    %get3A_0 = arith.constant 0 : index
    %get3A_1 = vector.load %arg1[%get3A, %get3A_0] : memref<256x1024xbf16, #tpu.memory_space<vmem>>, vector<256x1024xbf16>
    %get3A_2 = arith.constant 0 : index
    %get3A_3 = arith.constant 0 : index
    %get3A_4 = vector.load %arg2[%get3A_2, %get3A_3] : memref<1024x3072xbf16, #tpu.memory_space<vmem>>, vector<1024x3072xbf16>
    %dot_general3A = arith.constant dense<0.000000e+00> : vector<256x3072xf32>
    %dot_general3A_5 = tpu.matmul %get3A_1, %get3A_4, %dot_general3A {dimension_numbers = #tpu.dot_dimension_numbers<[1], [0], [0], [1], [0, 0, 1, 1], [], []>, transpose_lhs_hint = false} : vector<256x1024xbf16>, vector<1024x3072xbf16>, vector<256x3072xf32> -> vector<256x3072xf32>
    %get3A_6 = arith.constant 0 : index
    %get3A_7 = arith.constant 0 : index
    %get3A_8 = vector.load %arg3[%get3A_6, %get3A_7] : memref<1x3072xf32, #tpu.memory_space<vmem>>, vector<1x3072xf32>
    %get3A_9 = vector.shape_cast %get3A_8 : vector<1x3072xf32> to vector<3072xf32>
    %broadcast_in_dim3A = vector.shape_cast %get3A_9 : vector<3072xf32> to vector<1x3072xf32>
    %add3A = vector.broadcast %broadcast_in_dim3A : vector<1x3072xf32> to vector<256x3072xf32>
    %add3A_10 = arith.addf %dot_general3A_5, %add3A : vector<256x3072xf32>
    %get3A_11 = arith.constant 0 : index
    %get3A_12 = arith.constant 0 : index
    %get3A_13 = vector.load %arg6[%get3A_11, %get3A_12] : memref<256x128xf32, #tpu.memory_space<vmem>>, vector<256x128xf32>
    %tile3A = tpu.concatenate %get3A_13, %get3A_13, %get3A_13, %get3A_13, %get3A_13, %get3A_13, %get3A_13, %get3A_13 in 1 : vector<256x128xf32>, vector<256x128xf32>, vector<256x128xf32>, vector<256x128xf32>, vector<256x128xf32>, vector<256x128xf32>, vector<256x128xf32>, vector<256x128xf32> -> vector<256x1024xf32>
    %get3A_14 = arith.constant 0 : index
    %get3A_15 = arith.constant 0 : index
    %get3A_16 = vector.load %arg7[%get3A_14, %get3A_15] : memref<256x128xf32, #tpu.memory_space<vmem>>, vector<256x128xf32>
    %tile3A_17 = tpu.concatenate %get3A_16, %get3A_16, %get3A_16, %get3A_16, %get3A_16, %get3A_16, %get3A_16, %get3A_16 in 1 : vector<256x128xf32>, vector<256x128xf32>, vector<256x128xf32>, vector<256x128xf32>, vector<256x128xf32>, vector<256x128xf32>, vector<256x128xf32>, vector<256x128xf32> -> vector<256x1024xf32>
    %slice3A = vector.extract_strided_slice %add3A_10 {offsets = [0, 0], sizes = [256, 1024], strides = [1, 1]} : vector<256x3072xf32> to vector<256x1024xf32>
    %get3A_18 = arith.constant 0 : index
    %get3A_19 = arith.constant 0 : index
    %get3A_20 = vector.load %arg4[%get3A_18, %get3A_19] : memref<1x1024xf32, #tpu.memory_space<vmem>>, vector<1x1024xf32>
    %get3A_21 = vector.shape_cast %get3A_20 : vector<1x1024xf32> to vector<1024xf32>
    %mul3A = arith.mulf %slice3A, %slice3A : vector<256x1024xf32>
    %reduce_sum3A = arith.constant dense<0.000000e+00> : vector<256xf32>
    %reduce_sum3A_22 = vector.multi_reduction <add>, %mul3A, %reduce_sum3A [1] : vector<256x1024xf32> to vector<256xf32>
    %broadcast_in_dim3A_23 = vector.shape_cast %reduce_sum3A_22 : vector<256xf32> to vector<256x1xf32>
    %div3A = arith.constant 1.024000e+03 : f32
    %div3A_24 = vector.broadcast %div3A : f32 to vector<256x1xf32>
    %div3A_25 = arith.divf %broadcast_in_dim3A_23, %div3A_24 : vector<256x1xf32>
    %add3A_26 = arith.constant 9.99999997E-7 : f32
    %add3A_27 = vector.broadcast %add3A_26 : f32 to vector<256x1xf32>
    %add3A_28 = arith.addf %div3A_25, %add3A_27 : vector<256x1xf32>
    %rsqrt3A = math.rsqrt %add3A_28 : vector<256x1xf32>
    %mul3A_29 = vector.broadcast %rsqrt3A : vector<256x1xf32> to vector<256x1024xf32>
    %mul3A_30 = arith.mulf %slice3A, %mul3A_29 : vector<256x1024xf32>
    %broadcast_in_dim3A_31 = vector.shape_cast %get3A_21 : vector<1024xf32> to vector<1x1024xf32>
    %mul3A_32 = vector.broadcast %broadcast_in_dim3A_31 : vector<1x1024xf32> to vector<256x1024xf32>
    %mul3A_33 = arith.mulf %mul3A_30, %mul3A_32 : vector<256x1024xf32>
    %iota3A = tpu.iota {dimensions = array<i32: 1>} : vector<256x1024xi32>
    %jit3A = arith.constant 2 : i32
    %eq3A = arith.constant 0 : i32
    %eq3A_34 = arith.cmpi eq, %jit3A, %eq3A : i32
    %jit3A_35 = arith.constant 1 : i32
    %select_n3A = arith.select %eq3A_34, %jit3A_35, %jit3A : i32
    %rem3A = vector.broadcast %select_n3A : i32 to vector<256x1024xi32>
    %rem3A_36 = arith.remsi %iota3A, %rem3A : vector<256x1024xi32>
    %ne3A = arith.constant 0 : i32
    %ne3A_37 = vector.broadcast %ne3A : i32 to vector<256x1024xi32>
    %ne3A_38 = arith.cmpi ne, %rem3A_36, %ne3A_37 : vector<256x1024xi32>
    %lt3A = arith.constant 0 : i32
    %lt3A_39 = vector.broadcast %lt3A : i32 to vector<256x1024xi32>
    %lt3A_40 = arith.cmpi slt, %rem3A_36, %lt3A_39 : vector<256x1024xi32>
    %lt3A_41 = arith.constant 0 : i32
    %lt3A_42 = arith.cmpi slt, %select_n3A, %lt3A_41 : i32
    %ne3A_43 = vector.broadcast %lt3A_42 : i1 to vector<256x1024xi1>
    %ne3A_44 = vector.broadcast %ne3A_43 : vector<256x1024xi1> to vector<256x1024xi1>
    %ne3A_45 = arith.xori %lt3A_40, %ne3A_44 : vector<256x1024xi1>
    %and3A = arith.andi %ne3A_45, %ne3A_38 : vector<256x1024xi1>
    %add3A_46 = vector.broadcast %select_n3A : i32 to vector<256x1024xi32>
    %add3A_47 = arith.addi %rem3A_36, %add3A_46 : vector<256x1024xi32>
    %select_n3A_48 = arith.select %and3A, %add3A_47, %rem3A_36 : vector<256x1024xi1>, vector<256x1024xi32>
    %eq3A_49 = arith.constant 0 : i32
    %eq3A_50 = vector.broadcast %eq3A_49 : i32 to vector<256x1024xi32>
    %eq3A_51 = arith.cmpi eq, %select_n3A_48, %eq3A_50 : vector<256x1024xi32>
    %slice3A_52 = vector.extract_strided_slice %mul3A_33 {offsets = [0, 1], sizes = [256, 1023], strides = [1, 1]} : vector<256x1024xf32> to vector<256x1023xf32>
    %slice3A_53 = vector.extract_strided_slice %mul3A_33 {offsets = [0, 0], sizes = [256, 1], strides = [1, 1]} : vector<256x1024xf32> to vector<256x1xf32>
    %concatenate3A = tpu.concatenate %slice3A_52, %slice3A_53 in 1 : vector<256x1023xf32>, vector<256x1xf32> -> vector<256x1024xf32>
    %neg3A = arith.constant 0.000000e+00 : f32
    %neg3A_54 = vector.broadcast %neg3A : f32 to vector<256x1024xf32>
    %neg3A_55 = arith.subf %neg3A_54, %concatenate3A : vector<256x1024xf32>
    %slice3A_56 = vector.extract_strided_slice %mul3A_33 {offsets = [0, 1023], sizes = [256, 1], strides = [1, 1]} : vector<256x1024xf32> to vector<256x1xf32>
    %slice3A_57 = vector.extract_strided_slice %mul3A_33 {offsets = [0, 0], sizes = [256, 1023], strides = [1, 1]} : vector<256x1024xf32> to vector<256x1023xf32>
    %concatenate3A_58 = tpu.concatenate %slice3A_56, %slice3A_57 in 1 : vector<256x1xf32>, vector<256x1023xf32> -> vector<256x1024xf32>
    %select_n3A_59 = arith.select %eq3A_51, %neg3A_55, %concatenate3A_58 : vector<256x1024xi1>, vector<256x1024xf32>
    %mul3A_60 = arith.mulf %mul3A_33, %tile3A : vector<256x1024xf32>
    %mul3A_61 = arith.mulf %select_n3A_59, %tile3A_17 : vector<256x1024xf32>
    %add3A_62 = arith.addf %mul3A_60, %mul3A_61 : vector<256x1024xf32>
    %slice3A_63 = vector.extract_strided_slice %add3A_10 {offsets = [0, 1024], sizes = [256, 1024], strides = [1, 1]} : vector<256x3072xf32> to vector<256x1024xf32>
    %get3A_64 = arith.constant 0 : index
    %get3A_65 = arith.constant 0 : index
    %get3A_66 = vector.load %arg5[%get3A_64, %get3A_65] : memref<1x1024xf32, #tpu.memory_space<vmem>>, vector<1x1024xf32>
    %get3A_67 = vector.shape_cast %get3A_66 : vector<1x1024xf32> to vector<1024xf32>
    %mul3A_68 = arith.mulf %slice3A_63, %slice3A_63 : vector<256x1024xf32>
    %reduce_sum3A_69 = arith.constant dense<0.000000e+00> : vector<256xf32>
    %reduce_sum3A_70 = vector.multi_reduction <add>, %mul3A_68, %reduce_sum3A_69 [1] : vector<256x1024xf32> to vector<256xf32>
    %broadcast_in_dim3A_71 = vector.shape_cast %reduce_sum3A_70 : vector<256xf32> to vector<256x1xf32>
    %div3A_72 = arith.constant 1.024000e+03 : f32
    %div3A_73 = vector.broadcast %div3A_72 : f32 to vector<256x1xf32>
    %div3A_74 = arith.divf %broadcast_in_dim3A_71, %div3A_73 : vector<256x1xf32>
    %add3A_75 = arith.constant 9.99999997E-7 : f32
    %add3A_76 = vector.broadcast %add3A_75 : f32 to vector<256x1xf32>
    %add3A_77 = arith.addf %div3A_74, %add3A_76 : vector<256x1xf32>
    %rsqrt3A_78 = math.rsqrt %add3A_77 : vector<256x1xf32>
    %mul3A_79 = vector.broadcast %rsqrt3A_78 : vector<256x1xf32> to vector<256x1024xf32>
    %mul3A_80 = arith.mulf %slice3A_63, %mul3A_79 : vector<256x1024xf32>
    %broadcast_in_dim3A_81 = vector.shape_cast %get3A_67 : vector<1024xf32> to vector<1x1024xf32>
    %mul3A_82 = vector.broadcast %broadcast_in_dim3A_81 : vector<1x1024xf32> to vector<256x1024xf32>
    %mul3A_83 = arith.mulf %mul3A_80, %mul3A_82 : vector<256x1024xf32>
    %iota3A_84 = tpu.iota {dimensions = array<i32: 1>} : vector<256x1024xi32>
    %jit3A_85 = arith.constant 2 : i32
    %eq3A_86 = arith.constant 0 : i32
    %eq3A_87 = arith.cmpi eq, %jit3A_85, %eq3A_86 : i32
    %jit3A_88 = arith.constant 1 : i32
    %select_n3A_89 = arith.select %eq3A_87, %jit3A_88, %jit3A_85 : i32
    %rem3A_90 = vector.broadcast %select_n3A_89 : i32 to vector<256x1024xi32>
    %rem3A_91 = arith.remsi %iota3A_84, %rem3A_90 : vector<256x1024xi32>
    %ne3A_92 = arith.constant 0 : i32
    %ne3A_93 = vector.broadcast %ne3A_92 : i32 to vector<256x1024xi32>
    %ne3A_94 = arith.cmpi ne, %rem3A_91, %ne3A_93 : vector<256x1024xi32>
    %lt3A_95 = arith.constant 0 : i32
    %lt3A_96 = vector.broadcast %lt3A_95 : i32 to vector<256x1024xi32>
    %lt3A_97 = arith.cmpi slt, %rem3A_91, %lt3A_96 : vector<256x1024xi32>
    %lt3A_98 = arith.constant 0 : i32
    %lt3A_99 = arith.cmpi slt, %select_n3A_89, %lt3A_98 : i32
    %ne3A_100 = vector.broadcast %lt3A_99 : i1 to vector<256x1024xi1>
    %ne3A_101 = vector.broadcast %ne3A_100 : vector<256x1024xi1> to vector<256x1024xi1>
    %ne3A_102 = arith.xori %lt3A_97, %ne3A_101 : vector<256x1024xi1>
    %and3A_103 = arith.andi %ne3A_102, %ne3A_94 : vector<256x1024xi1>
    %add3A_104 = vector.broadcast %select_n3A_89 : i32 to vector<256x1024xi32>
    %add3A_105 = arith.addi %rem3A_91, %add3A_104 : vector<256x1024xi32>
    %select_n3A_106 = arith.select %and3A_103, %add3A_105, %rem3A_91 : vector<256x1024xi1>, vector<256x1024xi32>
    %eq3A_107 = arith.constant 0 : i32
    %eq3A_108 = vector.broadcast %eq3A_107 : i32 to vector<256x1024xi32>
    %eq3A_109 = arith.cmpi eq, %select_n3A_106, %eq3A_108 : vector<256x1024xi32>
    %slice3A_110 = vector.extract_strided_slice %mul3A_83 {offsets = [0, 1], sizes = [256, 1023], strides = [1, 1]} : vector<256x1024xf32> to vector<256x1023xf32>
    %slice3A_111 = vector.extract_strided_slice %mul3A_83 {offsets = [0, 0], sizes = [256, 1], strides = [1, 1]} : vector<256x1024xf32> to vector<256x1xf32>
    %concatenate3A_112 = tpu.concatenate %slice3A_110, %slice3A_111 in 1 : vector<256x1023xf32>, vector<256x1xf32> -> vector<256x1024xf32>
    %neg3A_113 = arith.constant 0.000000e+00 : f32
    %neg3A_114 = vector.broadcast %neg3A_113 : f32 to vector<256x1024xf32>
    %neg3A_115 = arith.subf %neg3A_114, %concatenate3A_112 : vector<256x1024xf32>
    %slice3A_116 = vector.extract_strided_slice %mul3A_83 {offsets = [0, 1023], sizes = [256, 1], strides = [1, 1]} : vector<256x1024xf32> to vector<256x1xf32>
    %slice3A_117 = vector.extract_strided_slice %mul3A_83 {offsets = [0, 0], sizes = [256, 1023], strides = [1, 1]} : vector<256x1024xf32> to vector<256x1023xf32>
    %concatenate3A_118 = tpu.concatenate %slice3A_116, %slice3A_117 in 1 : vector<256x1xf32>, vector<256x1023xf32> -> vector<256x1024xf32>
    %select_n3A_119 = arith.select %eq3A_109, %neg3A_115, %concatenate3A_118 : vector<256x1024xi1>, vector<256x1024xf32>
    %mul3A_120 = arith.mulf %mul3A_83, %tile3A : vector<256x1024xf32>
    %mul3A_121 = arith.mulf %select_n3A_119, %tile3A_17 : vector<256x1024xf32>
    %add3A_122 = arith.addf %mul3A_120, %mul3A_121 : vector<256x1024xf32>
    %convert_element_type3A = arith.truncf %add3A_62 : vector<256x1024xf32> to vector<256x1024xbf16>
    %swap3A = arith.constant 0 : index
    %swap3A_123 = arith.constant 0 : index
    %swap3A_124 = vector.load %arg10[%swap3A, %swap3A_123] : memref<256x1024xbf16, #tpu.memory_space<vmem>>, vector<256x1024xbf16>
    tpu.vector_store %arg10[%swap3A, %swap3A_123], %convert_element_type3A {strides = array<i32>} : memref<256x1024xbf16, #tpu.memory_space<vmem>>, vector<256x1024xbf16>,
    %convert_element_type3A_125 = arith.truncf %add3A_122 : vector<256x1024xf32> to vector<256x1024xbf16>
    %swap3A_126 = arith.constant 0 : index
    %swap3A_127 = arith.constant 0 : index
    %swap3A_128 = vector.load %arg11[%swap3A_126, %swap3A_127] : memref<256x1024xbf16, #tpu.memory_space<vmem>>, vector<256x1024xbf16>
    tpu.vector_store %arg11[%swap3A_126, %swap3A_127], %convert_element_type3A_125 {strides = array<i32>} : memref<256x1024xbf16, #tpu.memory_space<vmem>>, vector<256x1024xbf16>,
    %slice3A_129 = vector.extract_strided_slice %add3A_10 {offsets = [0, 2048], sizes = [256, 1024], strides = [1, 1]} : vector<256x3072xf32> to vector<256x1024xf32>
    %convert_element_type3A_130 = arith.truncf %slice3A_129 : vector<256x1024xf32> to vector<256x1024xbf16>
    %swap3A_131 = arith.constant 0 : index
    %swap3A_132 = arith.constant 0 : index
    %swap3A_133 = vector.load %arg12[%swap3A_131, %swap3A_132] : memref<256x1024xbf16, #tpu.memory_space<vmem>>, vector<256x1024xbf16>
    tpu.vector_store %arg12[%swap3A_131, %swap3A_132], %convert_element_type3A_130 {strides = array<i32>} : memref<256x1024xbf16, #tpu.memory_space<vmem>>, vector<256x1024xbf16>,
    %get3A_134 = arith.constant 0 : index
    %get3A_135 = arith.constant 0 : index
    %get3A_136 = vector.load %arg8[%get3A_134, %get3A_135] : memref<2x256xf32, #tpu.memory_space<vmem>>, vector<2x256xf32>
    %dot_general3A_137 = arith.constant dense<0.000000e+00> : vector<2x1024xf32>
    %dot_general3A_138 = tpu.matmul %get3A_136, %add3A_62, %dot_general3A_137 {dimension_numbers = #tpu.dot_dimension_numbers<[1], [0], [0], [1], [0, 0, 1, 1], [], []>, precision = #tpu.contract_precision<fp32>, transpose_lhs_hint = false} : vector<2x256xf32>, vector<256x1024xf32>, vector<2x1024xf32> -> vector<2x1024xf32>
    %swap3A_139 = arith.constant 0 : index
    %swap3A_140 = arith.constant 0 : index
    %swap3A_141 = arith.constant 0 : index
    %swap3A_142 = vector.load %arg13[%swap3A_139, %swap3A_140, %swap3A_141] : memref<1x2x1024xf32, #tpu.memory_space<vmem>>, vector<1x2x1024xf32>
    %swap3A_143 = vector.shape_cast %swap3A_142 : vector<1x2x1024xf32> to vector<2x1024xf32>
    %swap3A_144 = vector.shape_cast %dot_general3A_138 : vector<2x1024xf32> to vector<1x2x1024xf32>
    tpu.vector_store %arg13[%swap3A_139, %swap3A_140, %swap3A_141], %swap3A_144 {strides = array<i32>} : memref<1x2x1024xf32, #tpu.memory_space<vmem>>, vector<1x2x1024xf32>,
    %get3A_145 = arith.constant 0 : index
    %get3A_146 = arith.constant 0 : index
    %get3A_147 = vector.load %arg9[%get3A_145, %get3A_146] : memref<4x256xf32, #tpu.memory_space<vmem>>, vector<4x256xf32>
    %dot_general3A_148 = arith.constant dense<0.000000e+00> : vector<4x1024xf32>
    %dot_general3A_149 = tpu.matmul %get3A_147, %add3A_122, %dot_general3A_148 {dimension_numbers = #tpu.dot_dimension_numbers<[1], [0], [0], [1], [0, 0, 1, 1], [], []>, precision = #tpu.contract_precision<fp32>, transpose_lhs_hint = false} : vector<4x256xf32>, vector<256x1024xf32>, vector<4x1024xf32> -> vector<4x1024xf32>
    %swap3A_150 = arith.constant 0 : index
    %swap3A_151 = arith.constant 0 : index
    %swap3A_152 = arith.constant 0 : index
    %swap3A_153 = vector.load %arg14[%swap3A_150, %swap3A_151, %swap3A_152] : memref<1x4x1024xf32, #tpu.memory_space<vmem>>, vector<1x4x1024xf32>
    %swap3A_154 = vector.shape_cast %swap3A_153 : vector<1x4x1024xf32> to vector<4x1024xf32>
    %swap3A_155 = vector.shape_cast %dot_general3A_149 : vector<4x1024xf32> to vector<1x4x1024xf32>
    tpu.vector_store %arg14[%swap3A_150, %swap3A_151, %swap3A_152], %swap3A_155 {strides = array<i32>} : memref<1x4x1024xf32, #tpu.memory_space<vmem>>, vector<1x4x1024xf32>,
    return
  }
  func.func @transform_0(%arg0: i32) -> (i32, i32) {
    %c0_i32 = arith.constant 0 : i32
    %c0_i32_0 = arith.constant 0 : i32
    return %arg0, %c0_i32 : i32, i32
  }
  func.func @transform_1(%arg0: i32) -> (i32, i32) {
    %c0_i32 = arith.constant 0 : i32
    %c0_i32_0 = arith.constant 0 : i32
    %c0_i32_1 = arith.constant 0 : i32
    return %c0_i32, %c0_i32_0 : i32, i32
  }
  func.func @transform_2(%arg0: i32) -> (i32, i32) {
    %c0_i32 = arith.constant 0 : i32
    %c0_i32_0 = arith.constant 0 : i32
    %c0_i32_1 = arith.constant 0 : i32
    return %c0_i32, %c0_i32_0 : i32, i32
  }
  func.func @transform_3(%arg0: i32) -> (i32, i32) {
    %c0_i32 = arith.constant 0 : i32
    %c0_i32_0 = arith.constant 0 : i32
    %c0_i32_1 = arith.constant 0 : i32
    return %c0_i32, %c0_i32_0 : i32, i32
  }
  func.func @transform_4(%arg0: i32) -> (i32, i32) {
    %c0_i32 = arith.constant 0 : i32
    %c0_i32_0 = arith.constant 0 : i32
    %c0_i32_1 = arith.constant 0 : i32
    return %c0_i32, %c0_i32_0 : i32, i32
  }
  func.func @transform_5(%arg0: i32) -> (i32, i32) {
    %c0_i32 = arith.constant 0 : i32
    %c0_i32_0 = arith.constant 0 : i32
    return %arg0, %c0_i32 : i32, i32
  }
  func.func @transform_6(%arg0: i32) -> (i32, i32) {
    %c0_i32 = arith.constant 0 : i32
    %c0_i32_0 = arith.constant 0 : i32
    return %arg0, %c0_i32 : i32, i32
  }
  func.func @transform_7(%arg0: i32) -> (i32, i32) {
    %c0_i32 = arith.constant 0 : i32
    %c0_i32_0 = arith.constant 0 : i32
    %c0_i32_1 = arith.constant 0 : i32
    return %c0_i32, %c0_i32_0 : i32, i32
  }
  func.func @transform_8(%arg0: i32) -> (i32, i32) {
    %c0_i32 = arith.constant 0 : i32
    %c0_i32_0 = arith.constant 0 : i32
    %c0_i32_1 = arith.constant 0 : i32
    return %c0_i32, %c0_i32_0 : i32, i32
  }
  func.func @transform_9(%arg0: i32) -> (i32, i32) {
    %c0_i32 = arith.constant 0 : i32
    %c0_i32_0 = arith.constant 0 : i32
    return %arg0, %c0_i32 : i32, i32
  }
  func.func @transform_10(%arg0: i32) -> (i32, i32) {
    %c0_i32 = arith.constant 0 : i32
    %c0_i32_0 = arith.constant 0 : i32
    return %arg0, %c0_i32 : i32, i32
  }
  func.func @transform_11(%arg0: i32) -> (i32, i32) {
    %c0_i32 = arith.constant 0 : i32
    %c0_i32_0 = arith.constant 0 : i32
    return %arg0, %c0_i32 : i32, i32
  }
  func.func @transform_12(%arg0: i32) -> (i32, i32, i32) {
    %c0_i32 = arith.constant 0 : i32
    %c0_i32_0 = arith.constant 0 : i32
    %c0_i32_1 = arith.constant 0 : i32
    return %arg0, %c0_i32, %c0_i32_0 : i32, i32, i32
  }
  func.func @transform_13(%arg0: i32) -> (i32, i32, i32) {
    %c0_i32 = arith.constant 0 : i32
    %c0_i32_0 = arith.constant 0 : i32
    %c0_i32_1 = arith.constant 0 : i32
    return %arg0, %c0_i32, %c0_i32_0 : i32, i32, i32
  }
}

module attributes {stable_mosaic.version = 14 : i64} {
  func.func @_score_body(%arg0: i32, %arg1: memref<16x1024xf32, #tpu.memory_space<vmem>>, %arg2: memref<32x1024xf32, #tpu.memory_space<vmem>>, %arg3: memref<8x32x16xf32, #tpu.memory_space<vmem>>) attributes {dimension_semantics = [#tpu.dimension_semantics<arbitrary>], iteration_bounds = array<i64: 1>, scalar_prefetch = 0 : i64, scratch_operands = 0 : i64, tpu.core_type = #tpu.core_type<tc>, window_params = [{pipeline_mode = #tpu.pipeline_mode<synchronous>, transform_indices = @transform_0, window_bounds = array<i64: 16, 1024>}, {pipeline_mode = #tpu.pipeline_mode<synchronous>, transform_indices = @transform_1, window_bounds = array<i64: 32, 1024>}, {pipeline_mode = #tpu.pipeline_mode<synchronous>, transform_indices = @transform_2, window_bounds = array<i64: 8, 32, 16>}]} {
    %get3A = arith.constant 0 : index
    %get3A_0 = arith.constant 0 : index
    %get3A_1 = vector.load %arg1[%get3A, %get3A_0] : memref<16x1024xf32, #tpu.memory_space<vmem>>, vector<16x128xf32>
    %get3A_2 = arith.constant 0 : index
    %get3A_3 = arith.constant 0 : index
    %get3A_4 = vector.load %arg2[%get3A_2, %get3A_3] : memref<32x1024xf32, #tpu.memory_space<vmem>>, vector<32x128xf32>
    %convert_element_type3A = arith.truncf %get3A_4 : vector<32x128xf32> to vector<32x128xbf16>
    %convert_element_type3A_5 = arith.truncf %get3A_1 : vector<16x128xf32> to vector<16x128xbf16>
    %dot_general3A = arith.constant dense<0.000000e+00> : vector<32x16xf32>
    %dot_general3A_6 = tpu.matmul %convert_element_type3A, %convert_element_type3A_5, %dot_general3A {dimension_numbers = #tpu.dot_dimension_numbers<[1], [1], [0], [0], [0, 0, 1, 0], [], []>, transpose_lhs_hint = false} : vector<32x128xbf16>, vector<16x128xbf16>, vector<32x16xf32> -> vector<32x16xf32>
    %swap3A = arith.constant 0 : index
    %swap3A_7 = arith.constant 0 : index
    %swap3A_8 = arith.constant 0 : index
    %swap3A_9 = vector.load %arg3[%swap3A, %swap3A_7, %swap3A_8] : memref<8x32x16xf32, #tpu.memory_space<vmem>>, vector<1x32x16xf32>
    %swap3A_10 = vector.shape_cast %swap3A_9 : vector<1x32x16xf32> to vector<32x16xf32>
    %swap3A_11 = vector.shape_cast %dot_general3A_6 : vector<32x16xf32> to vector<1x32x16xf32>
    tpu.vector_store %arg3[%swap3A, %swap3A_7, %swap3A_8], %swap3A_11 {strides = array<i32>} : memref<8x32x16xf32, #tpu.memory_space<vmem>>, vector<1x32x16xf32>,
    %get3A_12 = arith.constant 0 : index
    %get3A_13 = arith.constant 128 : index
    %get3A_14 = vector.load %arg1[%get3A_12, %get3A_13] : memref<16x1024xf32, #tpu.memory_space<vmem>>, vector<16x128xf32>
    %get3A_15 = arith.constant 0 : index
    %get3A_16 = arith.constant 128 : index
    %get3A_17 = vector.load %arg2[%get3A_15, %get3A_16] : memref<32x1024xf32, #tpu.memory_space<vmem>>, vector<32x128xf32>
    %convert_element_type3A_18 = arith.truncf %get3A_17 : vector<32x128xf32> to vector<32x128xbf16>
    %convert_element_type3A_19 = arith.truncf %get3A_14 : vector<16x128xf32> to vector<16x128xbf16>
    %dot_general3A_20 = arith.constant dense<0.000000e+00> : vector<32x16xf32>
    %dot_general3A_21 = tpu.matmul %convert_element_type3A_18, %convert_element_type3A_19, %dot_general3A_20 {dimension_numbers = #tpu.dot_dimension_numbers<[1], [1], [0], [0], [0, 0, 1, 0], [], []>, transpose_lhs_hint = false} : vector<32x128xbf16>, vector<16x128xbf16>, vector<32x16xf32> -> vector<32x16xf32>
    %swap3A_22 = arith.constant 1 : index
    %swap3A_23 = arith.constant 0 : index
    %swap3A_24 = arith.constant 0 : index
    %swap3A_25 = vector.load %arg3[%swap3A_22, %swap3A_23, %swap3A_24] : memref<8x32x16xf32, #tpu.memory_space<vmem>>, vector<1x32x16xf32>
    %swap3A_26 = vector.shape_cast %swap3A_25 : vector<1x32x16xf32> to vector<32x16xf32>
    %swap3A_27 = vector.shape_cast %dot_general3A_21 : vector<32x16xf32> to vector<1x32x16xf32>
    tpu.vector_store %arg3[%swap3A_22, %swap3A_23, %swap3A_24], %swap3A_27 {strides = array<i32>} : memref<8x32x16xf32, #tpu.memory_space<vmem>>, vector<1x32x16xf32>,
    %get3A_28 = arith.constant 0 : index
    %get3A_29 = arith.constant 256 : index
    %get3A_30 = vector.load %arg1[%get3A_28, %get3A_29] : memref<16x1024xf32, #tpu.memory_space<vmem>>, vector<16x128xf32>
    %get3A_31 = arith.constant 0 : index
    %get3A_32 = arith.constant 256 : index
    %get3A_33 = vector.load %arg2[%get3A_31, %get3A_32] : memref<32x1024xf32, #tpu.memory_space<vmem>>, vector<32x128xf32>
    %convert_element_type3A_34 = arith.truncf %get3A_33 : vector<32x128xf32> to vector<32x128xbf16>
    %convert_element_type3A_35 = arith.truncf %get3A_30 : vector<16x128xf32> to vector<16x128xbf16>
    %dot_general3A_36 = arith.constant dense<0.000000e+00> : vector<32x16xf32>
    %dot_general3A_37 = tpu.matmul %convert_element_type3A_34, %convert_element_type3A_35, %dot_general3A_36 {dimension_numbers = #tpu.dot_dimension_numbers<[1], [1], [0], [0], [0, 0, 1, 0], [], []>, transpose_lhs_hint = false} : vector<32x128xbf16>, vector<16x128xbf16>, vector<32x16xf32> -> vector<32x16xf32>
    %swap3A_38 = arith.constant 2 : index
    %swap3A_39 = arith.constant 0 : index
    %swap3A_40 = arith.constant 0 : index
    %swap3A_41 = vector.load %arg3[%swap3A_38, %swap3A_39, %swap3A_40] : memref<8x32x16xf32, #tpu.memory_space<vmem>>, vector<1x32x16xf32>
    %swap3A_42 = vector.shape_cast %swap3A_41 : vector<1x32x16xf32> to vector<32x16xf32>
    %swap3A_43 = vector.shape_cast %dot_general3A_37 : vector<32x16xf32> to vector<1x32x16xf32>
    tpu.vector_store %arg3[%swap3A_38, %swap3A_39, %swap3A_40], %swap3A_43 {strides = array<i32>} : memref<8x32x16xf32, #tpu.memory_space<vmem>>, vector<1x32x16xf32>,
    %get3A_44 = arith.constant 0 : index
    %get3A_45 = arith.constant 384 : index
    %get3A_46 = vector.load %arg1[%get3A_44, %get3A_45] : memref<16x1024xf32, #tpu.memory_space<vmem>>, vector<16x128xf32>
    %get3A_47 = arith.constant 0 : index
    %get3A_48 = arith.constant 384 : index
    %get3A_49 = vector.load %arg2[%get3A_47, %get3A_48] : memref<32x1024xf32, #tpu.memory_space<vmem>>, vector<32x128xf32>
    %convert_element_type3A_50 = arith.truncf %get3A_49 : vector<32x128xf32> to vector<32x128xbf16>
    %convert_element_type3A_51 = arith.truncf %get3A_46 : vector<16x128xf32> to vector<16x128xbf16>
    %dot_general3A_52 = arith.constant dense<0.000000e+00> : vector<32x16xf32>
    %dot_general3A_53 = tpu.matmul %convert_element_type3A_50, %convert_element_type3A_51, %dot_general3A_52 {dimension_numbers = #tpu.dot_dimension_numbers<[1], [1], [0], [0], [0, 0, 1, 0], [], []>, transpose_lhs_hint = false} : vector<32x128xbf16>, vector<16x128xbf16>, vector<32x16xf32> -> vector<32x16xf32>
    %swap3A_54 = arith.constant 3 : index
    %swap3A_55 = arith.constant 0 : index
    %swap3A_56 = arith.constant 0 : index
    %swap3A_57 = vector.load %arg3[%swap3A_54, %swap3A_55, %swap3A_56] : memref<8x32x16xf32, #tpu.memory_space<vmem>>, vector<1x32x16xf32>
    %swap3A_58 = vector.shape_cast %swap3A_57 : vector<1x32x16xf32> to vector<32x16xf32>
    %swap3A_59 = vector.shape_cast %dot_general3A_53 : vector<32x16xf32> to vector<1x32x16xf32>
    tpu.vector_store %arg3[%swap3A_54, %swap3A_55, %swap3A_56], %swap3A_59 {strides = array<i32>} : memref<8x32x16xf32, #tpu.memory_space<vmem>>, vector<1x32x16xf32>,
    %get3A_60 = arith.constant 0 : index
    %get3A_61 = arith.constant 512 : index
    %get3A_62 = vector.load %arg1[%get3A_60, %get3A_61] : memref<16x1024xf32, #tpu.memory_space<vmem>>, vector<16x128xf32>
    %get3A_63 = arith.constant 0 : index
    %get3A_64 = arith.constant 512 : index
    %get3A_65 = vector.load %arg2[%get3A_63, %get3A_64] : memref<32x1024xf32, #tpu.memory_space<vmem>>, vector<32x128xf32>
    %convert_element_type3A_66 = arith.truncf %get3A_65 : vector<32x128xf32> to vector<32x128xbf16>
    %convert_element_type3A_67 = arith.truncf %get3A_62 : vector<16x128xf32> to vector<16x128xbf16>
    %dot_general3A_68 = arith.constant dense<0.000000e+00> : vector<32x16xf32>
    %dot_general3A_69 = tpu.matmul %convert_element_type3A_66, %convert_element_type3A_67, %dot_general3A_68 {dimension_numbers = #tpu.dot_dimension_numbers<[1], [1], [0], [0], [0, 0, 1, 0], [], []>, transpose_lhs_hint = false} : vector<32x128xbf16>, vector<16x128xbf16>, vector<32x16xf32> -> vector<32x16xf32>
    %swap3A_70 = arith.constant 4 : index
    %swap3A_71 = arith.constant 0 : index
    %swap3A_72 = arith.constant 0 : index
    %swap3A_73 = vector.load %arg3[%swap3A_70, %swap3A_71, %swap3A_72] : memref<8x32x16xf32, #tpu.memory_space<vmem>>, vector<1x32x16xf32>
    %swap3A_74 = vector.shape_cast %swap3A_73 : vector<1x32x16xf32> to vector<32x16xf32>
    %swap3A_75 = vector.shape_cast %dot_general3A_69 : vector<32x16xf32> to vector<1x32x16xf32>
    tpu.vector_store %arg3[%swap3A_70, %swap3A_71, %swap3A_72], %swap3A_75 {strides = array<i32>} : memref<8x32x16xf32, #tpu.memory_space<vmem>>, vector<1x32x16xf32>,
    %get3A_76 = arith.constant 0 : index
    %get3A_77 = arith.constant 640 : index
    %get3A_78 = vector.load %arg1[%get3A_76, %get3A_77] : memref<16x1024xf32, #tpu.memory_space<vmem>>, vector<16x128xf32>
    %get3A_79 = arith.constant 0 : index
    %get3A_80 = arith.constant 640 : index
    %get3A_81 = vector.load %arg2[%get3A_79, %get3A_80] : memref<32x1024xf32, #tpu.memory_space<vmem>>, vector<32x128xf32>
    %convert_element_type3A_82 = arith.truncf %get3A_81 : vector<32x128xf32> to vector<32x128xbf16>
    %convert_element_type3A_83 = arith.truncf %get3A_78 : vector<16x128xf32> to vector<16x128xbf16>
    %dot_general3A_84 = arith.constant dense<0.000000e+00> : vector<32x16xf32>
    %dot_general3A_85 = tpu.matmul %convert_element_type3A_82, %convert_element_type3A_83, %dot_general3A_84 {dimension_numbers = #tpu.dot_dimension_numbers<[1], [1], [0], [0], [0, 0, 1, 0], [], []>, transpose_lhs_hint = false} : vector<32x128xbf16>, vector<16x128xbf16>, vector<32x16xf32> -> vector<32x16xf32>
    %swap3A_86 = arith.constant 5 : index
    %swap3A_87 = arith.constant 0 : index
    %swap3A_88 = arith.constant 0 : index
    %swap3A_89 = vector.load %arg3[%swap3A_86, %swap3A_87, %swap3A_88] : memref<8x32x16xf32, #tpu.memory_space<vmem>>, vector<1x32x16xf32>
    %swap3A_90 = vector.shape_cast %swap3A_89 : vector<1x32x16xf32> to vector<32x16xf32>
    %swap3A_91 = vector.shape_cast %dot_general3A_85 : vector<32x16xf32> to vector<1x32x16xf32>
    tpu.vector_store %arg3[%swap3A_86, %swap3A_87, %swap3A_88], %swap3A_91 {strides = array<i32>} : memref<8x32x16xf32, #tpu.memory_space<vmem>>, vector<1x32x16xf32>,
    %get3A_92 = arith.constant 0 : index
    %get3A_93 = arith.constant 768 : index
    %get3A_94 = vector.load %arg1[%get3A_92, %get3A_93] : memref<16x1024xf32, #tpu.memory_space<vmem>>, vector<16x128xf32>
    %get3A_95 = arith.constant 0 : index
    %get3A_96 = arith.constant 768 : index
    %get3A_97 = vector.load %arg2[%get3A_95, %get3A_96] : memref<32x1024xf32, #tpu.memory_space<vmem>>, vector<32x128xf32>
    %convert_element_type3A_98 = arith.truncf %get3A_97 : vector<32x128xf32> to vector<32x128xbf16>
    %convert_element_type3A_99 = arith.truncf %get3A_94 : vector<16x128xf32> to vector<16x128xbf16>
    %dot_general3A_100 = arith.constant dense<0.000000e+00> : vector<32x16xf32>
    %dot_general3A_101 = tpu.matmul %convert_element_type3A_98, %convert_element_type3A_99, %dot_general3A_100 {dimension_numbers = #tpu.dot_dimension_numbers<[1], [1], [0], [0], [0, 0, 1, 0], [], []>, transpose_lhs_hint = false} : vector<32x128xbf16>, vector<16x128xbf16>, vector<32x16xf32> -> vector<32x16xf32>
    %swap3A_102 = arith.constant 6 : index
    %swap3A_103 = arith.constant 0 : index
    %swap3A_104 = arith.constant 0 : index
    %swap3A_105 = vector.load %arg3[%swap3A_102, %swap3A_103, %swap3A_104] : memref<8x32x16xf32, #tpu.memory_space<vmem>>, vector<1x32x16xf32>
    %swap3A_106 = vector.shape_cast %swap3A_105 : vector<1x32x16xf32> to vector<32x16xf32>
    %swap3A_107 = vector.shape_cast %dot_general3A_101 : vector<32x16xf32> to vector<1x32x16xf32>
    tpu.vector_store %arg3[%swap3A_102, %swap3A_103, %swap3A_104], %swap3A_107 {strides = array<i32>} : memref<8x32x16xf32, #tpu.memory_space<vmem>>, vector<1x32x16xf32>,
    %get3A_108 = arith.constant 0 : index
    %get3A_109 = arith.constant 896 : index
    %get3A_110 = vector.load %arg1[%get3A_108, %get3A_109] : memref<16x1024xf32, #tpu.memory_space<vmem>>, vector<16x128xf32>
    %get3A_111 = arith.constant 0 : index
    %get3A_112 = arith.constant 896 : index
    %get3A_113 = vector.load %arg2[%get3A_111, %get3A_112] : memref<32x1024xf32, #tpu.memory_space<vmem>>, vector<32x128xf32>
    %convert_element_type3A_114 = arith.truncf %get3A_113 : vector<32x128xf32> to vector<32x128xbf16>
    %convert_element_type3A_115 = arith.truncf %get3A_110 : vector<16x128xf32> to vector<16x128xbf16>
    %dot_general3A_116 = arith.constant dense<0.000000e+00> : vector<32x16xf32>
    %dot_general3A_117 = tpu.matmul %convert_element_type3A_114, %convert_element_type3A_115, %dot_general3A_116 {dimension_numbers = #tpu.dot_dimension_numbers<[1], [1], [0], [0], [0, 0, 1, 0], [], []>, transpose_lhs_hint = false} : vector<32x128xbf16>, vector<16x128xbf16>, vector<32x16xf32> -> vector<32x16xf32>
    %swap3A_118 = arith.constant 7 : index
    %swap3A_119 = arith.constant 0 : index
    %swap3A_120 = arith.constant 0 : index
    %swap3A_121 = vector.load %arg3[%swap3A_118, %swap3A_119, %swap3A_120] : memref<8x32x16xf32, #tpu.memory_space<vmem>>, vector<1x32x16xf32>
    %swap3A_122 = vector.shape_cast %swap3A_121 : vector<1x32x16xf32> to vector<32x16xf32>
    %swap3A_123 = vector.shape_cast %dot_general3A_117 : vector<32x16xf32> to vector<1x32x16xf32>
    tpu.vector_store %arg3[%swap3A_118, %swap3A_119, %swap3A_120], %swap3A_123 {strides = array<i32>} : memref<8x32x16xf32, #tpu.memory_space<vmem>>, vector<1x32x16xf32>,
    return
  }
  func.func @transform_0(%arg0: i32) -> (i32, i32) {
    %c0_i32 = arith.constant 0 : i32
    %c0_i32_0 = arith.constant 0 : i32
    %c0_i32_1 = arith.constant 0 : i32
    return %c0_i32, %c0_i32_0 : i32, i32
  }
  func.func @transform_1(%arg0: i32) -> (i32, i32) {
    %c0_i32 = arith.constant 0 : i32
    %c0_i32_0 = arith.constant 0 : i32
    %c0_i32_1 = arith.constant 0 : i32
    return %c0_i32, %c0_i32_0 : i32, i32
  }
  func.func @transform_2(%arg0: i32) -> (i32, i32, i32) {
    %c0_i32 = arith.constant 0 : i32
    %c0_i32_0 = arith.constant 0 : i32
    %c0_i32_1 = arith.constant 0 : i32
    %c0_i32_2 = arith.constant 0 : i32
    return %c0_i32, %c0_i32_0, %c0_i32_1 : i32, i32, i32
  }
}

module attributes {stable_mosaic.version = 14 : i64} {
  func.func @_oproj_body(%arg0: i32, %arg1: memref<8x256x128xbf16, #tpu.memory_space<vmem>>, %arg2: memref<8x128x1024xbf16, #tpu.memory_space<vmem>>, %arg3: memref<1x1x1024xf32, #tpu.memory_space<vmem>>, %arg4: memref<256x1024xf32, #tpu.memory_space<vmem>>) attributes {dimension_semantics = [#tpu.dimension_semantics<arbitrary>], iteration_bounds = array<i64: 8>, scalar_prefetch = 0 : i64, scratch_operands = 0 : i64, tpu.core_type = #tpu.core_type<tc>, window_params = [{transform_indices = @transform_0, window_bounds = array<i64: 8, 256, 128>}, {pipeline_mode = #tpu.pipeline_mode<synchronous>, transform_indices = @transform_1, window_bounds = array<i64: 8, 128, 1024>}, {pipeline_mode = #tpu.pipeline_mode<synchronous>, transform_indices = @transform_2, window_bounds = array<i64: 1, 1, 1024>}, {transform_indices = @transform_3, window_bounds = array<i64: 256, 1024>}]} {
    %broadcast_in_dim3A = arith.constant 0.000000e+00 : f32
    %broadcast_in_dim3A_0 = vector.broadcast %broadcast_in_dim3A : f32 to vector<256x1024xf32>
    %get3A = arith.constant 0 : index
    %get3A_1 = arith.constant 0 : index
    %get3A_2 = arith.constant 0 : index
    %get3A_3 = vector.load %arg3[%get3A, %get3A_1, %get3A_2] : memref<1x1x1024xf32, #tpu.memory_space<vmem>>, vector<1x1x1024xf32>
    %get3A_4 = vector.shape_cast %get3A_3 : vector<1x1x1024xf32> to vector<1024xf32>
    %broadcast_in_dim3A_5 = vector.shape_cast %get3A_4 : vector<1024xf32> to vector<1x1024xf32>
    %add3A = vector.broadcast %broadcast_in_dim3A_5 : vector<1x1024xf32> to vector<256x1024xf32>
    %add3A_6 = arith.addf %broadcast_in_dim3A_0, %add3A : vector<256x1024xf32>
    %get3A_7 = arith.constant 0 : index
    %get3A_8 = arith.constant 0 : index
    %get3A_9 = arith.constant 0 : index
    %get3A_10 = vector.load %arg1[%get3A_7, %get3A_8, %get3A_9] : memref<8x256x128xbf16, #tpu.memory_space<vmem>>, vector<1x256x128xbf16>
    %get3A_11 = vector.shape_cast %get3A_10 : vector<1x256x128xbf16> to vector<256x128xbf16>
    %get3A_12 = arith.constant 0 : index
    %get3A_13 = arith.constant 0 : index
    %get3A_14 = arith.constant 0 : index
    %get3A_15 = vector.load %arg2[%get3A_12, %get3A_13, %get3A_14] : memref<8x128x1024xbf16, #tpu.memory_space<vmem>>, vector<1x128x1024xbf16>
    %get3A_16 = vector.shape_cast %get3A_15 : vector<1x128x1024xbf16> to vector<128x1024xbf16>
    %dot_general3A = arith.constant dense<0.000000e+00> : vector<256x1024xf32>
    %dot_general3A_17 = tpu.matmul %get3A_11, %get3A_16, %dot_general3A {dimension_numbers = #tpu.dot_dimension_numbers<[1], [0], [0], [1], [0, 0, 1, 1], [], []>, transpose_lhs_hint = false} : vector<256x128xbf16>, vector<128x1024xbf16>, vector<256x1024xf32> -> vector<256x1024xf32>
    %add3A_18 = arith.addf %add3A_6, %dot_general3A_17 : vector<256x1024xf32>
    %get3A_19 = arith.constant 1 : index
    %get3A_20 = arith.constant 0 : index
    %get3A_21 = arith.constant 0 : index
    %get3A_22 = vector.load %arg1[%get3A_19, %get3A_20, %get3A_21] : memref<8x256x128xbf16, #tpu.memory_space<vmem>>, vector<1x256x128xbf16>
    %get3A_23 = vector.shape_cast %get3A_22 : vector<1x256x128xbf16> to vector<256x128xbf16>
    %get3A_24 = arith.constant 1 : index
    %get3A_25 = arith.constant 0 : index
    %get3A_26 = arith.constant 0 : index
    %get3A_27 = vector.load %arg2[%get3A_24, %get3A_25, %get3A_26] : memref<8x128x1024xbf16, #tpu.memory_space<vmem>>, vector<1x128x1024xbf16>
    %get3A_28 = vector.shape_cast %get3A_27 : vector<1x128x1024xbf16> to vector<128x1024xbf16>
    %dot_general3A_29 = arith.constant dense<0.000000e+00> : vector<256x1024xf32>
    %dot_general3A_30 = tpu.matmul %get3A_23, %get3A_28, %dot_general3A_29 {dimension_numbers = #tpu.dot_dimension_numbers<[1], [0], [0], [1], [0, 0, 1, 1], [], []>, transpose_lhs_hint = false} : vector<256x128xbf16>, vector<128x1024xbf16>, vector<256x1024xf32> -> vector<256x1024xf32>
    %add3A_31 = arith.addf %add3A_18, %dot_general3A_30 : vector<256x1024xf32>
    %get3A_32 = arith.constant 2 : index
    %get3A_33 = arith.constant 0 : index
    %get3A_34 = arith.constant 0 : index
    %get3A_35 = vector.load %arg1[%get3A_32, %get3A_33, %get3A_34] : memref<8x256x128xbf16, #tpu.memory_space<vmem>>, vector<1x256x128xbf16>
    %get3A_36 = vector.shape_cast %get3A_35 : vector<1x256x128xbf16> to vector<256x128xbf16>
    %get3A_37 = arith.constant 2 : index
    %get3A_38 = arith.constant 0 : index
    %get3A_39 = arith.constant 0 : index
    %get3A_40 = vector.load %arg2[%get3A_37, %get3A_38, %get3A_39] : memref<8x128x1024xbf16, #tpu.memory_space<vmem>>, vector<1x128x1024xbf16>
    %get3A_41 = vector.shape_cast %get3A_40 : vector<1x128x1024xbf16> to vector<128x1024xbf16>
    %dot_general3A_42 = arith.constant dense<0.000000e+00> : vector<256x1024xf32>
    %dot_general3A_43 = tpu.matmul %get3A_36, %get3A_41, %dot_general3A_42 {dimension_numbers = #tpu.dot_dimension_numbers<[1], [0], [0], [1], [0, 0, 1, 1], [], []>, transpose_lhs_hint = false} : vector<256x128xbf16>, vector<128x1024xbf16>, vector<256x1024xf32> -> vector<256x1024xf32>
    %add3A_44 = arith.addf %add3A_31, %dot_general3A_43 : vector<256x1024xf32>
    %get3A_45 = arith.constant 3 : index
    %get3A_46 = arith.constant 0 : index
    %get3A_47 = arith.constant 0 : index
    %get3A_48 = vector.load %arg1[%get3A_45, %get3A_46, %get3A_47] : memref<8x256x128xbf16, #tpu.memory_space<vmem>>, vector<1x256x128xbf16>
    %get3A_49 = vector.shape_cast %get3A_48 : vector<1x256x128xbf16> to vector<256x128xbf16>
    %get3A_50 = arith.constant 3 : index
    %get3A_51 = arith.constant 0 : index
    %get3A_52 = arith.constant 0 : index
    %get3A_53 = vector.load %arg2[%get3A_50, %get3A_51, %get3A_52] : memref<8x128x1024xbf16, #tpu.memory_space<vmem>>, vector<1x128x1024xbf16>
    %get3A_54 = vector.shape_cast %get3A_53 : vector<1x128x1024xbf16> to vector<128x1024xbf16>
    %dot_general3A_55 = arith.constant dense<0.000000e+00> : vector<256x1024xf32>
    %dot_general3A_56 = tpu.matmul %get3A_49, %get3A_54, %dot_general3A_55 {dimension_numbers = #tpu.dot_dimension_numbers<[1], [0], [0], [1], [0, 0, 1, 1], [], []>, transpose_lhs_hint = false} : vector<256x128xbf16>, vector<128x1024xbf16>, vector<256x1024xf32> -> vector<256x1024xf32>
    %add3A_57 = arith.addf %add3A_44, %dot_general3A_56 : vector<256x1024xf32>
    %get3A_58 = arith.constant 4 : index
    %get3A_59 = arith.constant 0 : index
    %get3A_60 = arith.constant 0 : index
    %get3A_61 = vector.load %arg1[%get3A_58, %get3A_59, %get3A_60] : memref<8x256x128xbf16, #tpu.memory_space<vmem>>, vector<1x256x128xbf16>
    %get3A_62 = vector.shape_cast %get3A_61 : vector<1x256x128xbf16> to vector<256x128xbf16>
    %get3A_63 = arith.constant 4 : index
    %get3A_64 = arith.constant 0 : index
    %get3A_65 = arith.constant 0 : index
    %get3A_66 = vector.load %arg2[%get3A_63, %get3A_64, %get3A_65] : memref<8x128x1024xbf16, #tpu.memory_space<vmem>>, vector<1x128x1024xbf16>
    %get3A_67 = vector.shape_cast %get3A_66 : vector<1x128x1024xbf16> to vector<128x1024xbf16>
    %dot_general3A_68 = arith.constant dense<0.000000e+00> : vector<256x1024xf32>
    %dot_general3A_69 = tpu.matmul %get3A_62, %get3A_67, %dot_general3A_68 {dimension_numbers = #tpu.dot_dimension_numbers<[1], [0], [0], [1], [0, 0, 1, 1], [], []>, transpose_lhs_hint = false} : vector<256x128xbf16>, vector<128x1024xbf16>, vector<256x1024xf32> -> vector<256x1024xf32>
    %add3A_70 = arith.addf %add3A_57, %dot_general3A_69 : vector<256x1024xf32>
    %get3A_71 = arith.constant 5 : index
    %get3A_72 = arith.constant 0 : index
    %get3A_73 = arith.constant 0 : index
    %get3A_74 = vector.load %arg1[%get3A_71, %get3A_72, %get3A_73] : memref<8x256x128xbf16, #tpu.memory_space<vmem>>, vector<1x256x128xbf16>
    %get3A_75 = vector.shape_cast %get3A_74 : vector<1x256x128xbf16> to vector<256x128xbf16>
    %get3A_76 = arith.constant 5 : index
    %get3A_77 = arith.constant 0 : index
    %get3A_78 = arith.constant 0 : index
    %get3A_79 = vector.load %arg2[%get3A_76, %get3A_77, %get3A_78] : memref<8x128x1024xbf16, #tpu.memory_space<vmem>>, vector<1x128x1024xbf16>
    %get3A_80 = vector.shape_cast %get3A_79 : vector<1x128x1024xbf16> to vector<128x1024xbf16>
    %dot_general3A_81 = arith.constant dense<0.000000e+00> : vector<256x1024xf32>
    %dot_general3A_82 = tpu.matmul %get3A_75, %get3A_80, %dot_general3A_81 {dimension_numbers = #tpu.dot_dimension_numbers<[1], [0], [0], [1], [0, 0, 1, 1], [], []>, transpose_lhs_hint = false} : vector<256x128xbf16>, vector<128x1024xbf16>, vector<256x1024xf32> -> vector<256x1024xf32>
    %add3A_83 = arith.addf %add3A_70, %dot_general3A_82 : vector<256x1024xf32>
    %get3A_84 = arith.constant 6 : index
    %get3A_85 = arith.constant 0 : index
    %get3A_86 = arith.constant 0 : index
    %get3A_87 = vector.load %arg1[%get3A_84, %get3A_85, %get3A_86] : memref<8x256x128xbf16, #tpu.memory_space<vmem>>, vector<1x256x128xbf16>
    %get3A_88 = vector.shape_cast %get3A_87 : vector<1x256x128xbf16> to vector<256x128xbf16>
    %get3A_89 = arith.constant 6 : index
    %get3A_90 = arith.constant 0 : index
    %get3A_91 = arith.constant 0 : index
    %get3A_92 = vector.load %arg2[%get3A_89, %get3A_90, %get3A_91] : memref<8x128x1024xbf16, #tpu.memory_space<vmem>>, vector<1x128x1024xbf16>
    %get3A_93 = vector.shape_cast %get3A_92 : vector<1x128x1024xbf16> to vector<128x1024xbf16>
    %dot_general3A_94 = arith.constant dense<0.000000e+00> : vector<256x1024xf32>
    %dot_general3A_95 = tpu.matmul %get3A_88, %get3A_93, %dot_general3A_94 {dimension_numbers = #tpu.dot_dimension_numbers<[1], [0], [0], [1], [0, 0, 1, 1], [], []>, transpose_lhs_hint = false} : vector<256x128xbf16>, vector<128x1024xbf16>, vector<256x1024xf32> -> vector<256x1024xf32>
    %add3A_96 = arith.addf %add3A_83, %dot_general3A_95 : vector<256x1024xf32>
    %get3A_97 = arith.constant 7 : index
    %get3A_98 = arith.constant 0 : index
    %get3A_99 = arith.constant 0 : index
    %get3A_100 = vector.load %arg1[%get3A_97, %get3A_98, %get3A_99] : memref<8x256x128xbf16, #tpu.memory_space<vmem>>, vector<1x256x128xbf16>
    %get3A_101 = vector.shape_cast %get3A_100 : vector<1x256x128xbf16> to vector<256x128xbf16>
    %get3A_102 = arith.constant 7 : index
    %get3A_103 = arith.constant 0 : index
    %get3A_104 = arith.constant 0 : index
    %get3A_105 = vector.load %arg2[%get3A_102, %get3A_103, %get3A_104] : memref<8x128x1024xbf16, #tpu.memory_space<vmem>>, vector<1x128x1024xbf16>
    %get3A_106 = vector.shape_cast %get3A_105 : vector<1x128x1024xbf16> to vector<128x1024xbf16>
    %dot_general3A_107 = arith.constant dense<0.000000e+00> : vector<256x1024xf32>
    %dot_general3A_108 = tpu.matmul %get3A_101, %get3A_106, %dot_general3A_107 {dimension_numbers = #tpu.dot_dimension_numbers<[1], [0], [0], [1], [0, 0, 1, 1], [], []>, transpose_lhs_hint = false} : vector<256x128xbf16>, vector<128x1024xbf16>, vector<256x1024xf32> -> vector<256x1024xf32>
    %add3A_109 = arith.addf %add3A_96, %dot_general3A_108 : vector<256x1024xf32>
    %swap3A = arith.constant 0 : index
    %swap3A_110 = arith.constant 0 : index
    %swap3A_111 = vector.load %arg4[%swap3A, %swap3A_110] : memref<256x1024xf32, #tpu.memory_space<vmem>>, vector<256x1024xf32>
    tpu.vector_store %arg4[%swap3A, %swap3A_110], %add3A_109 {strides = array<i32>} : memref<256x1024xf32, #tpu.memory_space<vmem>>, vector<256x1024xf32>,
    return
  }
  func.func @transform_0(%arg0: i32) -> (i32, i32, i32) {
    %c0_i32 = arith.constant 0 : i32
    %c0_i32_0 = arith.constant 0 : i32
    %c0_i32_1 = arith.constant 0 : i32
    return %c0_i32, %arg0, %c0_i32_0 : i32, i32, i32
  }
  func.func @transform_1(%arg0: i32) -> (i32, i32, i32) {
    %c0_i32 = arith.constant 0 : i32
    %c0_i32_0 = arith.constant 0 : i32
    %c0_i32_1 = arith.constant 0 : i32
    %c0_i32_2 = arith.constant 0 : i32
    return %c0_i32, %c0_i32_0, %c0_i32_1 : i32, i32, i32
  }
  func.func @transform_2(%arg0: i32) -> (i32, i32, i32) {
    %c0_i32 = arith.constant 0 : i32
    %c0_i32_0 = arith.constant 0 : i32
    %c0_i32_1 = arith.constant 0 : i32
    %c0_i32_2 = arith.constant 0 : i32
    return %c0_i32, %c0_i32_0, %c0_i32_1 : i32, i32, i32
  }
  func.func @transform_3(%arg0: i32) -> (i32, i32) {
    %c0_i32 = arith.constant 0 : i32
    %c0_i32_0 = arith.constant 0 : i32
    return %arg0, %c0_i32 : i32, i32
  }
}

module attributes {stable_mosaic.version = 14 : i64} {
  func.func @_attn_body(%arg0: i32, %arg1: i32, %arg2: memref<8x16x4xi32, #tpu.memory_space<smem>>, %arg3: memref<2048x128xbf16, #tpu.memory_space<vmem>>, %arg4: memref<2048x128xbf16, #tpu.memory_space<vmem>>, %arg5: memref<2048x128xbf16, #tpu.memory_space<vmem>>, %arg6: memref<1x2048x128xbf16, #tpu.memory_space<vmem>>, %arg7: memref<32x128x128xbf16, #tpu.memory_space<vmem>>, %arg8: memref<32x1x128xf32, #tpu.memory_space<vmem>>, %arg9: memref<128x128xf32, #tpu.memory_space<vmem>>, %arg10: memref<1x128xf32, #tpu.memory_space<vmem>>) attributes {dimension_semantics = [#tpu.dimension_semantics<arbitrary>, #tpu.dimension_semantics<arbitrary>], iteration_bounds = array<i64: 8, 2>, scalar_prefetch = 1 : i64, scratch_operands = 4 : i64, tpu.core_type = #tpu.core_type<tc>, window_params = [{transform_indices = @transform_0, window_bounds = array<i64: 2048, 128>}, {transform_indices = @transform_1, window_bounds = array<i64: 2048, 128>}, {transform_indices = @transform_2, window_bounds = array<i64: 2048, 128>}, {transform_indices = @transform_3, window_bounds = array<i64: 1, 2048, 128>}]} {
    %eq3A = arith.constant 0 : i32
    %eq3A_0 = arith.cmpi eq, %arg1, %eq3A : i32
    %convert_element_type3A = arith.extui %eq3A_0 : i1 to i32
    %cond3A = arith.constant 0 : i32
    %cond3A_1 = arith.cmpi ne, %convert_element_type3A, %cond3A : i32
    scf.if %cond3A_1 {
      %get3A = arith.constant 0 : index
      %get3A_6 = arith.constant 0 : index
      %get3A_7 = vector.load %arg5[%get3A, %get3A_6] : memref<2048x128xbf16, #tpu.memory_space<vmem>>, vector<2048x128xbf16>
      %get3A_8 = arith.constant 0 : index
      %get3A_9 = arith.constant 0 : index
      %get3A_10 = vector.load %arg4[%get3A_8, %get3A_9] : memref<2048x128xbf16, #tpu.memory_space<vmem>>, vector<2048x128xbf16>
      %convert_element_type3A_11 = arith.extf %get3A_10 : vector<2048x128xbf16> to vector<2048x128xf32>
      %reduce_max3A = arith.constant dense<0xFF800000> : vector<2048xf32>
      %reduce_max3A_12 = vector.multi_reduction <maximumf>, %convert_element_type3A_11, %reduce_max3A [1] : vector<2048x128xf32> to vector<2048xf32>
      %max3A = arith.constant 0xFF800000 : f32
      %max3A_13 = vector.broadcast %max3A : f32 to vector<2048xf32>
      %max3A_14 = arith.maximumf %max3A_13, %reduce_max3A_12 : vector<2048xf32>
      %broadcast_in_dim3A = vector.shape_cast %max3A_14 : vector<2048xf32> to vector<2048x1xf32>
      %sub3A = vector.broadcast %broadcast_in_dim3A : vector<2048x1xf32> to vector<2048x128xf32>
      %sub3A_15 = arith.subf %convert_element_type3A_11, %sub3A : vector<2048x128xf32>
      %exp3A = math.exp %sub3A_15 : vector<2048x128xf32>
      %reduce_sum3A = arith.constant dense<0.000000e+00> : vector<2048xf32>
      %reduce_sum3A_16 = vector.multi_reduction <add>, %exp3A, %reduce_sum3A [1] : vector<2048x128xf32> to vector<2048xf32>
      %broadcast_in_dim3A_17 = vector.shape_cast %reduce_sum3A_16 : vector<2048xf32> to vector<2048x1xf32>
      %div3A = vector.broadcast %broadcast_in_dim3A_17 : vector<2048x1xf32> to vector<2048x128xf32>
      %div3A_18 = arith.divf %exp3A, %div3A : vector<2048x128xf32>
      %broadcast_in_dim3A_19 = arith.constant 0.000000e+00 : f32
      %broadcast_in_dim3A_20 = vector.broadcast %broadcast_in_dim3A_19 : f32 to vector<128x128xf32>
      %broadcast_in_dim3A_21 = arith.constant 0.000000e+00 : f32
      %broadcast_in_dim3A_22 = vector.broadcast %broadcast_in_dim3A_21 : f32 to vector<1x128xf32>
      %slice3A = vector.extract_strided_slice %div3A_18 {offsets = [0, 0], sizes = [64, 128], strides = [1, 1]} : vector<2048x128xf32> to vector<64x128xf32>
      %slice3A_23 = vector.extract_strided_slice %get3A_7 {offsets = [0, 0], sizes = [64, 128], strides = [1, 1]} : vector<2048x128xbf16> to vector<64x128xbf16>
      %convert_element_type3A_24 = arith.truncf %slice3A : vector<64x128xf32> to vector<64x128xbf16>
      %dot_general3A = arith.constant dense<0.000000e+00> : vector<128x128xf32>
      %dot_general3A_25 = tpu.matmul %convert_element_type3A_24, %slice3A_23, %dot_general3A {dimension_numbers = #tpu.dot_dimension_numbers<[0], [0], [1], [1], [0, 1, 1, 1], [], []>, transpose_lhs_hint = false} : vector<64x128xbf16>, vector<64x128xbf16>, vector<128x128xf32> -> vector<128x128xf32>
      %convert_element_type3A_26 = arith.truncf %dot_general3A_25 : vector<128x128xf32> to vector<128x128xbf16>
      %reduce_sum3A_27 = arith.constant dense<0.000000e+00> : vector<128xf32>
      %reduce_sum3A_28 = vector.multi_reduction <add>, %slice3A, %reduce_sum3A_27 [0] : vector<64x128xf32> to vector<128xf32>
      %broadcast_in_dim3A_29 = vector.shape_cast %reduce_sum3A_28 : vector<128xf32> to vector<1x128xf32>
      %swap3A = arith.constant 0 : index
      %swap3A_30 = arith.constant 0 : index
      %swap3A_31 = arith.constant 0 : index
      %swap3A_32 = vector.load %arg7[%swap3A, %swap3A_30, %swap3A_31] : memref<32x128x128xbf16, #tpu.memory_space<vmem>>, vector<1x128x128xbf16>
      %swap3A_33 = vector.shape_cast %swap3A_32 : vector<1x128x128xbf16> to vector<128x128xbf16>
      %swap3A_34 = vector.shape_cast %convert_element_type3A_26 : vector<128x128xbf16> to vector<1x128x128xbf16>
      tpu.vector_store %arg7[%swap3A, %swap3A_30, %swap3A_31], %swap3A_34 {strides = array<i32>} : memref<32x128x128xbf16, #tpu.memory_space<vmem>>, vector<1x128x128xbf16>,
      %swap3A_35 = arith.constant 0 : index
      %swap3A_36 = arith.constant 0 : index
      %swap3A_37 = arith.constant 0 : index
      %swap3A_38 = vector.load %arg8[%swap3A_35, %swap3A_36, %swap3A_37] : memref<32x1x128xf32, #tpu.memory_space<vmem>>, vector<1x1x128xf32>
      %swap3A_39 = vector.shape_cast %swap3A_38 : vector<1x1x128xf32> to vector<1x128xf32>
      %swap3A_40 = vector.shape_cast %broadcast_in_dim3A_29 : vector<1x128xf32> to vector<1x1x128xf32>
      tpu.vector_store %arg8[%swap3A_35, %swap3A_36, %swap3A_37], %swap3A_40 {strides = array<i32>} : memref<32x1x128xf32, #tpu.memory_space<vmem>>, vector<1x1x128xf32>,
      %convert_element_type3A_41 = arith.extf %convert_element_type3A_26 : vector<128x128xbf16> to vector<128x128xf32>
      %add3A = arith.addf %broadcast_in_dim3A_20, %convert_element_type3A_41 : vector<128x128xf32>
      %add3A_42 = arith.addf %broadcast_in_dim3A_22, %broadcast_in_dim3A_29 : vector<1x128xf32>
      %slice3A_43 = vector.extract_strided_slice %div3A_18 {offsets = [64, 0], sizes = [64, 128], strides = [1, 1]} : vector<2048x128xf32> to vector<64x128xf32>
      %slice3A_44 = vector.extract_strided_slice %get3A_7 {offsets = [64, 0], sizes = [64, 128], strides = [1, 1]} : vector<2048x128xbf16> to vector<64x128xbf16>
      %convert_element_type3A_45 = arith.truncf %slice3A_43 : vector<64x128xf32> to vector<64x128xbf16>
      %dot_general3A_46 = arith.constant dense<0.000000e+00> : vector<128x128xf32>
      %dot_general3A_47 = tpu.matmul %convert_element_type3A_45, %slice3A_44, %dot_general3A_46 {dimension_numbers = #tpu.dot_dimension_numbers<[0], [0], [1], [1], [0, 1, 1, 1], [], []>, transpose_lhs_hint = false} : vector<64x128xbf16>, vector<64x128xbf16>, vector<128x128xf32> -> vector<128x128xf32>
      %convert_element_type3A_48 = arith.truncf %dot_general3A_47 : vector<128x128xf32> to vector<128x128xbf16>
      %reduce_sum3A_49 = arith.constant dense<0.000000e+00> : vector<128xf32>
      %reduce_sum3A_50 = vector.multi_reduction <add>, %slice3A_43, %reduce_sum3A_49 [0] : vector<64x128xf32> to vector<128xf32>
      %broadcast_in_dim3A_51 = vector.shape_cast %reduce_sum3A_50 : vector<128xf32> to vector<1x128xf32>
      %swap3A_52 = arith.constant 1 : index
      %swap3A_53 = arith.constant 0 : index
      %swap3A_54 = arith.constant 0 : index
      %swap3A_55 = vector.load %arg7[%swap3A_52, %swap3A_53, %swap3A_54] : memref<32x128x128xbf16, #tpu.memory_space<vmem>>, vector<1x128x128xbf16>
      %swap3A_56 = vector.shape_cast %swap3A_55 : vector<1x128x128xbf16> to vector<128x128xbf16>
      %swap3A_57 = vector.shape_cast %convert_element_type3A_48 : vector<128x128xbf16> to vector<1x128x128xbf16>
      tpu.vector_store %arg7[%swap3A_52, %swap3A_53, %swap3A_54], %swap3A_57 {strides = array<i32>} : memref<32x128x128xbf16, #tpu.memory_space<vmem>>, vector<1x128x128xbf16>,
      %swap3A_58 = arith.constant 1 : index
      %swap3A_59 = arith.constant 0 : index
      %swap3A_60 = arith.constant 0 : index
      %swap3A_61 = vector.load %arg8[%swap3A_58, %swap3A_59, %swap3A_60] : memref<32x1x128xf32, #tpu.memory_space<vmem>>, vector<1x1x128xf32>
      %swap3A_62 = vector.shape_cast %swap3A_61 : vector<1x1x128xf32> to vector<1x128xf32>
      %swap3A_63 = vector.shape_cast %broadcast_in_dim3A_51 : vector<1x128xf32> to vector<1x1x128xf32>
      tpu.vector_store %arg8[%swap3A_58, %swap3A_59, %swap3A_60], %swap3A_63 {strides = array<i32>} : memref<32x1x128xf32, #tpu.memory_space<vmem>>, vector<1x1x128xf32>,
      %convert_element_type3A_64 = arith.extf %convert_element_type3A_48 : vector<128x128xbf16> to vector<128x128xf32>
      %add3A_65 = arith.addf %add3A, %convert_element_type3A_64 : vector<128x128xf32>
      %add3A_66 = arith.addf %add3A_42, %broadcast_in_dim3A_51 : vector<1x128xf32>
      %slice3A_67 = vector.extract_strided_slice %div3A_18 {offsets = [128, 0], sizes = [64, 128], strides = [1, 1]} : vector<2048x128xf32> to vector<64x128xf32>
      %slice3A_68 = vector.extract_strided_slice %get3A_7 {offsets = [128, 0], sizes = [64, 128], strides = [1, 1]} : vector<2048x128xbf16> to vector<64x128xbf16>
      %convert_element_type3A_69 = arith.truncf %slice3A_67 : vector<64x128xf32> to vector<64x128xbf16>
      %dot_general3A_70 = arith.constant dense<0.000000e+00> : vector<128x128xf32>
      %dot_general3A_71 = tpu.matmul %convert_element_type3A_69, %slice3A_68, %dot_general3A_70 {dimension_numbers = #tpu.dot_dimension_numbers<[0], [0], [1], [1], [0, 1, 1, 1], [], []>, transpose_lhs_hint = false} : vector<64x128xbf16>, vector<64x128xbf16>, vector<128x128xf32> -> vector<128x128xf32>
      %convert_element_type3A_72 = arith.truncf %dot_general3A_71 : vector<128x128xf32> to vector<128x128xbf16>
      %reduce_sum3A_73 = arith.constant dense<0.000000e+00> : vector<128xf32>
      %reduce_sum3A_74 = vector.multi_reduction <add>, %slice3A_67, %reduce_sum3A_73 [0] : vector<64x128xf32> to vector<128xf32>
      %broadcast_in_dim3A_75 = vector.shape_cast %reduce_sum3A_74 : vector<128xf32> to vector<1x128xf32>
      %swap3A_76 = arith.constant 2 : index
      %swap3A_77 = arith.constant 0 : index
      %swap3A_78 = arith.constant 0 : index
      %swap3A_79 = vector.load %arg7[%swap3A_76, %swap3A_77, %swap3A_78] : memref<32x128x128xbf16, #tpu.memory_space<vmem>>, vector<1x128x128xbf16>
      %swap3A_80 = vector.shape_cast %swap3A_79 : vector<1x128x128xbf16> to vector<128x128xbf16>
      %swap3A_81 = vector.shape_cast %convert_element_type3A_72 : vector<128x128xbf16> to vector<1x128x128xbf16>
      tpu.vector_store %arg7[%swap3A_76, %swap3A_77, %swap3A_78], %swap3A_81 {strides = array<i32>} : memref<32x128x128xbf16, #tpu.memory_space<vmem>>, vector<1x128x128xbf16>,
      %swap3A_82 = arith.constant 2 : index
      %swap3A_83 = arith.constant 0 : index
      %swap3A_84 = arith.constant 0 : index
      %swap3A_85 = vector.load %arg8[%swap3A_82, %swap3A_83, %swap3A_84] : memref<32x1x128xf32, #tpu.memory_space<vmem>>, vector<1x1x128xf32>
      %swap3A_86 = vector.shape_cast %swap3A_85 : vector<1x1x128xf32> to vector<1x128xf32>
      %swap3A_87 = vector.shape_cast %broadcast_in_dim3A_75 : vector<1x128xf32> to vector<1x1x128xf32>
      tpu.vector_store %arg8[%swap3A_82, %swap3A_83, %swap3A_84], %swap3A_87 {strides = array<i32>} : memref<32x1x128xf32, #tpu.memory_space<vmem>>, vector<1x1x128xf32>,
      %convert_element_type3A_88 = arith.extf %convert_element_type3A_72 : vector<128x128xbf16> to vector<128x128xf32>
      %add3A_89 = arith.addf %add3A_65, %convert_element_type3A_88 : vector<128x128xf32>
      %add3A_90 = arith.addf %add3A_66, %broadcast_in_dim3A_75 : vector<1x128xf32>
      %slice3A_91 = vector.extract_strided_slice %div3A_18 {offsets = [192, 0], sizes = [64, 128], strides = [1, 1]} : vector<2048x128xf32> to vector<64x128xf32>
      %slice3A_92 = vector.extract_strided_slice %get3A_7 {offsets = [192, 0], sizes = [64, 128], strides = [1, 1]} : vector<2048x128xbf16> to vector<64x128xbf16>
      %convert_element_type3A_93 = arith.truncf %slice3A_91 : vector<64x128xf32> to vector<64x128xbf16>
      %dot_general3A_94 = arith.constant dense<0.000000e+00> : vector<128x128xf32>
      %dot_general3A_95 = tpu.matmul %convert_element_type3A_93, %slice3A_92, %dot_general3A_94 {dimension_numbers = #tpu.dot_dimension_numbers<[0], [0], [1], [1], [0, 1, 1, 1], [], []>, transpose_lhs_hint = false} : vector<64x128xbf16>, vector<64x128xbf16>, vector<128x128xf32> -> vector<128x128xf32>
      %convert_element_type3A_96 = arith.truncf %dot_general3A_95 : vector<128x128xf32> to vector<128x128xbf16>
      %reduce_sum3A_97 = arith.constant dense<0.000000e+00> : vector<128xf32>
      %reduce_sum3A_98 = vector.multi_reduction <add>, %slice3A_91, %reduce_sum3A_97 [0] : vector<64x128xf32> to vector<128xf32>
      %broadcast_in_dim3A_99 = vector.shape_cast %reduce_sum3A_98 : vector<128xf32> to vector<1x128xf32>
      %swap3A_100 = arith.constant 3 : index
      %swap3A_101 = arith.constant 0 : index
      %swap3A_102 = arith.constant 0 : index
      %swap3A_103 = vector.load %arg7[%swap3A_100, %swap3A_101, %swap3A_102] : memref<32x128x128xbf16, #tpu.memory_space<vmem>>, vector<1x128x128xbf16>
      %swap3A_104 = vector.shape_cast %swap3A_103 : vector<1x128x128xbf16> to vector<128x128xbf16>
      %swap3A_105 = vector.shape_cast %convert_element_type3A_96 : vector<128x128xbf16> to vector<1x128x128xbf16>
      tpu.vector_store %arg7[%swap3A_100, %swap3A_101, %swap3A_102], %swap3A_105 {strides = array<i32>} : memref<32x128x128xbf16, #tpu.memory_space<vmem>>, vector<1x128x128xbf16>,
      %swap3A_106 = arith.constant 3 : index
      %swap3A_107 = arith.constant 0 : index
      %swap3A_108 = arith.constant 0 : index
      %swap3A_109 = vector.load %arg8[%swap3A_106, %swap3A_107, %swap3A_108] : memref<32x1x128xf32, #tpu.memory_space<vmem>>, vector<1x1x128xf32>
      %swap3A_110 = vector.shape_cast %swap3A_109 : vector<1x1x128xf32> to vector<1x128xf32>
      %swap3A_111 = vector.shape_cast %broadcast_in_dim3A_99 : vector<1x128xf32> to vector<1x1x128xf32>
      tpu.vector_store %arg8[%swap3A_106, %swap3A_107, %swap3A_108], %swap3A_111 {strides = array<i32>} : memref<32x1x128xf32, #tpu.memory_space<vmem>>, vector<1x1x128xf32>,
      %convert_element_type3A_112 = arith.extf %convert_element_type3A_96 : vector<128x128xbf16> to vector<128x128xf32>
      %add3A_113 = arith.addf %add3A_89, %convert_element_type3A_112 : vector<128x128xf32>
      %add3A_114 = arith.addf %add3A_90, %broadcast_in_dim3A_99 : vector<1x128xf32>
      %slice3A_115 = vector.extract_strided_slice %div3A_18 {offsets = [256, 0], sizes = [64, 128], strides = [1, 1]} : vector<2048x128xf32> to vector<64x128xf32>
      %slice3A_116 = vector.extract_strided_slice %get3A_7 {offsets = [256, 0], sizes = [64, 128], strides = [1, 1]} : vector<2048x128xbf16> to vector<64x128xbf16>
      %convert_element_type3A_117 = arith.truncf %slice3A_115 : vector<64x128xf32> to vector<64x128xbf16>
      %dot_general3A_118 = arith.constant dense<0.000000e+00> : vector<128x128xf32>
      %dot_general3A_119 = tpu.matmul %convert_element_type3A_117, %slice3A_116, %dot_general3A_118 {dimension_numbers = #tpu.dot_dimension_numbers<[0], [0], [1], [1], [0, 1, 1, 1], [], []>, transpose_lhs_hint = false} : vector<64x128xbf16>, vector<64x128xbf16>, vector<128x128xf32> -> vector<128x128xf32>
      %convert_element_type3A_120 = arith.truncf %dot_general3A_119 : vector<128x128xf32> to vector<128x128xbf16>
      %reduce_sum3A_121 = arith.constant dense<0.000000e+00> : vector<128xf32>
      %reduce_sum3A_122 = vector.multi_reduction <add>, %slice3A_115, %reduce_sum3A_121 [0] : vector<64x128xf32> to vector<128xf32>
      %broadcast_in_dim3A_123 = vector.shape_cast %reduce_sum3A_122 : vector<128xf32> to vector<1x128xf32>
      %swap3A_124 = arith.constant 4 : index
      %swap3A_125 = arith.constant 0 : index
      %swap3A_126 = arith.constant 0 : index
      %swap3A_127 = vector.load %arg7[%swap3A_124, %swap3A_125, %swap3A_126] : memref<32x128x128xbf16, #tpu.memory_space<vmem>>, vector<1x128x128xbf16>
      %swap3A_128 = vector.shape_cast %swap3A_127 : vector<1x128x128xbf16> to vector<128x128xbf16>
      %swap3A_129 = vector.shape_cast %convert_element_type3A_120 : vector<128x128xbf16> to vector<1x128x128xbf16>
      tpu.vector_store %arg7[%swap3A_124, %swap3A_125, %swap3A_126], %swap3A_129 {strides = array<i32>} : memref<32x128x128xbf16, #tpu.memory_space<vmem>>, vector<1x128x128xbf16>,
      %swap3A_130 = arith.constant 4 : index
      %swap3A_131 = arith.constant 0 : index
      %swap3A_132 = arith.constant 0 : index
      %swap3A_133 = vector.load %arg8[%swap3A_130, %swap3A_131, %swap3A_132] : memref<32x1x128xf32, #tpu.memory_space<vmem>>, vector<1x1x128xf32>
      %swap3A_134 = vector.shape_cast %swap3A_133 : vector<1x1x128xf32> to vector<1x128xf32>
      %swap3A_135 = vector.shape_cast %broadcast_in_dim3A_123 : vector<1x128xf32> to vector<1x1x128xf32>
      tpu.vector_store %arg8[%swap3A_130, %swap3A_131, %swap3A_132], %swap3A_135 {strides = array<i32>} : memref<32x1x128xf32, #tpu.memory_space<vmem>>, vector<1x1x128xf32>,
      %convert_element_type3A_136 = arith.extf %convert_element_type3A_120 : vector<128x128xbf16> to vector<128x128xf32>
      %add3A_137 = arith.addf %add3A_113, %convert_element_type3A_136 : vector<128x128xf32>
      %add3A_138 = arith.addf %add3A_114, %broadcast_in_dim3A_123 : vector<1x128xf32>
      %slice3A_139 = vector.extract_strided_slice %div3A_18 {offsets = [320, 0], sizes = [64, 128], strides = [1, 1]} : vector<2048x128xf32> to vector<64x128xf32>
      %slice3A_140 = vector.extract_strided_slice %get3A_7 {offsets = [320, 0], sizes = [64, 128], strides = [1, 1]} : vector<2048x128xbf16> to vector<64x128xbf16>
      %convert_element_type3A_141 = arith.truncf %slice3A_139 : vector<64x128xf32> to vector<64x128xbf16>
      %dot_general3A_142 = arith.constant dense<0.000000e+00> : vector<128x128xf32>
      %dot_general3A_143 = tpu.matmul %convert_element_type3A_141, %slice3A_140, %dot_general3A_142 {dimension_numbers = #tpu.dot_dimension_numbers<[0], [0], [1], [1], [0, 1, 1, 1], [], []>, transpose_lhs_hint = false} : vector<64x128xbf16>, vector<64x128xbf16>, vector<128x128xf32> -> vector<128x128xf32>
      %convert_element_type3A_144 = arith.truncf %dot_general3A_143 : vector<128x128xf32> to vector<128x128xbf16>
      %reduce_sum3A_145 = arith.constant dense<0.000000e+00> : vector<128xf32>
      %reduce_sum3A_146 = vector.multi_reduction <add>, %slice3A_139, %reduce_sum3A_145 [0] : vector<64x128xf32> to vector<128xf32>
      %broadcast_in_dim3A_147 = vector.shape_cast %reduce_sum3A_146 : vector<128xf32> to vector<1x128xf32>
      %swap3A_148 = arith.constant 5 : index
      %swap3A_149 = arith.constant 0 : index
      %swap3A_150 = arith.constant 0 : index
      %swap3A_151 = vector.load %arg7[%swap3A_148, %swap3A_149, %swap3A_150] : memref<32x128x128xbf16, #tpu.memory_space<vmem>>, vector<1x128x128xbf16>
      %swap3A_152 = vector.shape_cast %swap3A_151 : vector<1x128x128xbf16> to vector<128x128xbf16>
      %swap3A_153 = vector.shape_cast %convert_element_type3A_144 : vector<128x128xbf16> to vector<1x128x128xbf16>
      tpu.vector_store %arg7[%swap3A_148, %swap3A_149, %swap3A_150], %swap3A_153 {strides = array<i32>} : memref<32x128x128xbf16, #tpu.memory_space<vmem>>, vector<1x128x128xbf16>,
      %swap3A_154 = arith.constant 5 : index
      %swap3A_155 = arith.constant 0 : index
      %swap3A_156 = arith.constant 0 : index
      %swap3A_157 = vector.load %arg8[%swap3A_154, %swap3A_155, %swap3A_156] : memref<32x1x128xf32, #tpu.memory_space<vmem>>, vector<1x1x128xf32>
      %swap3A_158 = vector.shape_cast %swap3A_157 : vector<1x1x128xf32> to vector<1x128xf32>
      %swap3A_159 = vector.shape_cast %broadcast_in_dim3A_147 : vector<1x128xf32> to vector<1x1x128xf32>
      tpu.vector_store %arg8[%swap3A_154, %swap3A_155, %swap3A_156], %swap3A_159 {strides = array<i32>} : memref<32x1x128xf32, #tpu.memory_space<vmem>>, vector<1x1x128xf32>,
      %convert_element_type3A_160 = arith.extf %convert_element_type3A_144 : vector<128x128xbf16> to vector<128x128xf32>
      %add3A_161 = arith.addf %add3A_137, %convert_element_type3A_160 : vector<128x128xf32>
      %add3A_162 = arith.addf %add3A_138, %broadcast_in_dim3A_147 : vector<1x128xf32>
      %slice3A_163 = vector.extract_strided_slice %div3A_18 {offsets = [384, 0], sizes = [64, 128], strides = [1, 1]} : vector<2048x128xf32> to vector<64x128xf32>
      %slice3A_164 = vector.extract_strided_slice %get3A_7 {offsets = [384, 0], sizes = [64, 128], strides = [1, 1]} : vector<2048x128xbf16> to vector<64x128xbf16>
      %convert_element_type3A_165 = arith.truncf %slice3A_163 : vector<64x128xf32> to vector<64x128xbf16>
      %dot_general3A_166 = arith.constant dense<0.000000e+00> : vector<128x128xf32>
      %dot_general3A_167 = tpu.matmul %convert_element_type3A_165, %slice3A_164, %dot_general3A_166 {dimension_numbers = #tpu.dot_dimension_numbers<[0], [0], [1], [1], [0, 1, 1, 1], [], []>, transpose_lhs_hint = false} : vector<64x128xbf16>, vector<64x128xbf16>, vector<128x128xf32> -> vector<128x128xf32>
      %convert_element_type3A_168 = arith.truncf %dot_general3A_167 : vector<128x128xf32> to vector<128x128xbf16>
      %reduce_sum3A_169 = arith.constant dense<0.000000e+00> : vector<128xf32>
      %reduce_sum3A_170 = vector.multi_reduction <add>, %slice3A_163, %reduce_sum3A_169 [0] : vector<64x128xf32> to vector<128xf32>
      %broadcast_in_dim3A_171 = vector.shape_cast %reduce_sum3A_170 : vector<128xf32> to vector<1x128xf32>
      %swap3A_172 = arith.constant 6 : index
      %swap3A_173 = arith.constant 0 : index
      %swap3A_174 = arith.constant 0 : index
      %swap3A_175 = vector.load %arg7[%swap3A_172, %swap3A_173, %swap3A_174] : memref<32x128x128xbf16, #tpu.memory_space<vmem>>, vector<1x128x128xbf16>
      %swap3A_176 = vector.shape_cast %swap3A_175 : vector<1x128x128xbf16> to vector<128x128xbf16>
      %swap3A_177 = vector.shape_cast %convert_element_type3A_168 : vector<128x128xbf16> to vector<1x128x128xbf16>
      tpu.vector_store %arg7[%swap3A_172, %swap3A_173, %swap3A_174], %swap3A_177 {strides = array<i32>} : memref<32x128x128xbf16, #tpu.memory_space<vmem>>, vector<1x128x128xbf16>,
      %swap3A_178 = arith.constant 6 : index
      %swap3A_179 = arith.constant 0 : index
      %swap3A_180 = arith.constant 0 : index
      %swap3A_181 = vector.load %arg8[%swap3A_178, %swap3A_179, %swap3A_180] : memref<32x1x128xf32, #tpu.memory_space<vmem>>, vector<1x1x128xf32>
      %swap3A_182 = vector.shape_cast %swap3A_181 : vector<1x1x128xf32> to vector<1x128xf32>
      %swap3A_183 = vector.shape_cast %broadcast_in_dim3A_171 : vector<1x128xf32> to vector<1x1x128xf32>
      tpu.vector_store %arg8[%swap3A_178, %swap3A_179, %swap3A_180], %swap3A_183 {strides = array<i32>} : memref<32x1x128xf32, #tpu.memory_space<vmem>>, vector<1x1x128xf32>,
      %convert_element_type3A_184 = arith.extf %convert_element_type3A_168 : vector<128x128xbf16> to vector<128x128xf32>
      %add3A_185 = arith.addf %add3A_161, %convert_element_type3A_184 : vector<128x128xf32>
      %add3A_186 = arith.addf %add3A_162, %broadcast_in_dim3A_171 : vector<1x128xf32>
      %slice3A_187 = vector.extract_strided_slice %div3A_18 {offsets = [448, 0], sizes = [64, 128], strides = [1, 1]} : vector<2048x128xf32> to vector<64x128xf32>
      %slice3A_188 = vector.extract_strided_slice %get3A_7 {offsets = [448, 0], sizes = [64, 128], strides = [1, 1]} : vector<2048x128xbf16> to vector<64x128xbf16>
      %convert_element_type3A_189 = arith.truncf %slice3A_187 : vector<64x128xf32> to vector<64x128xbf16>
      %dot_general3A_190 = arith.constant dense<0.000000e+00> : vector<128x128xf32>
      %dot_general3A_191 = tpu.matmul %convert_element_type3A_189, %slice3A_188, %dot_general3A_190 {dimension_numbers = #tpu.dot_dimension_numbers<[0], [0], [1], [1], [0, 1, 1, 1], [], []>, transpose_lhs_hint = false} : vector<64x128xbf16>, vector<64x128xbf16>, vector<128x128xf32> -> vector<128x128xf32>
      %convert_element_type3A_192 = arith.truncf %dot_general3A_191 : vector<128x128xf32> to vector<128x128xbf16>
      %reduce_sum3A_193 = arith.constant dense<0.000000e+00> : vector<128xf32>
      %reduce_sum3A_194 = vector.multi_reduction <add>, %slice3A_187, %reduce_sum3A_193 [0] : vector<64x128xf32> to vector<128xf32>
      %broadcast_in_dim3A_195 = vector.shape_cast %reduce_sum3A_194 : vector<128xf32> to vector<1x128xf32>
      %swap3A_196 = arith.constant 7 : index
      %swap3A_197 = arith.constant 0 : index
      %swap3A_198 = arith.constant 0 : index
      %swap3A_199 = vector.load %arg7[%swap3A_196, %swap3A_197, %swap3A_198] : memref<32x128x128xbf16, #tpu.memory_space<vmem>>, vector<1x128x128xbf16>
      %swap3A_200 = vector.shape_cast %swap3A_199 : vector<1x128x128xbf16> to vector<128x128xbf16>
      %swap3A_201 = vector.shape_cast %convert_element_type3A_192 : vector<128x128xbf16> to vector<1x128x128xbf16>
      tpu.vector_store %arg7[%swap3A_196, %swap3A_197, %swap3A_198], %swap3A_201 {strides = array<i32>} : memref<32x128x128xbf16, #tpu.memory_space<vmem>>, vector<1x128x128xbf16>,
      %swap3A_202 = arith.constant 7 : index
      %swap3A_203 = arith.constant 0 : index
      %swap3A_204 = arith.constant 0 : index
      %swap3A_205 = vector.load %arg8[%swap3A_202, %swap3A_203, %swap3A_204] : memref<32x1x128xf32, #tpu.memory_space<vmem>>, vector<1x1x128xf32>
      %swap3A_206 = vector.shape_cast %swap3A_205 : vector<1x1x128xf32> to vector<1x128xf32>
      %swap3A_207 = vector.shape_cast %broadcast_in_dim3A_195 : vector<1x128xf32> to vector<1x1x128xf32>
      tpu.vector_store %arg8[%swap3A_202, %swap3A_203, %swap3A_204], %swap3A_207 {strides = array<i32>} : memref<32x1x128xf32, #tpu.memory_space<vmem>>, vector<1x1x128xf32>,
      %convert_element_type3A_208 = arith.extf %convert_element_type3A_192 : vector<128x128xbf16> to vector<128x128xf32>
      %add3A_209 = arith.addf %add3A_185, %convert_element_type3A_208 : vector<128x128xf32>
      %add3A_210 = arith.addf %add3A_186, %broadcast_in_dim3A_195 : vector<1x128xf32>
      %slice3A_211 = vector.extract_strided_slice %div3A_18 {offsets = [512, 0], sizes = [64, 128], strides = [1, 1]} : vector<2048x128xf32> to vector<64x128xf32>
      %slice3A_212 = vector.extract_strided_slice %get3A_7 {offsets = [512, 0], sizes = [64, 128], strides = [1, 1]} : vector<2048x128xbf16> to vector<64x128xbf16>
      %convert_element_type3A_213 = arith.truncf %slice3A_211 : vector<64x128xf32> to vector<64x128xbf16>
      %dot_general3A_214 = arith.constant dense<0.000000e+00> : vector<128x128xf32>
      %dot_general3A_215 = tpu.matmul %convert_element_type3A_213, %slice3A_212, %dot_general3A_214 {dimension_numbers = #tpu.dot_dimension_numbers<[0], [0], [1], [1], [0, 1, 1, 1], [], []>, transpose_lhs_hint = false} : vector<64x128xbf16>, vector<64x128xbf16>, vector<128x128xf32> -> vector<128x128xf32>
      %convert_element_type3A_216 = arith.truncf %dot_general3A_215 : vector<128x128xf32> to vector<128x128xbf16>
      %reduce_sum3A_217 = arith.constant dense<0.000000e+00> : vector<128xf32>
      %reduce_sum3A_218 = vector.multi_reduction <add>, %slice3A_211, %reduce_sum3A_217 [0] : vector<64x128xf32> to vector<128xf32>
      %broadcast_in_dim3A_219 = vector.shape_cast %reduce_sum3A_218 : vector<128xf32> to vector<1x128xf32>
      %swap3A_220 = arith.constant 8 : index
      %swap3A_221 = arith.constant 0 : index
      %swap3A_222 = arith.constant 0 : index
      %swap3A_223 = vector.load %arg7[%swap3A_220, %swap3A_221, %swap3A_222] : memref<32x128x128xbf16, #tpu.memory_space<vmem>>, vector<1x128x128xbf16>
      %swap3A_224 = vector.shape_cast %swap3A_223 : vector<1x128x128xbf16> to vector<128x128xbf16>
      %swap3A_225 = vector.shape_cast %convert_element_type3A_216 : vector<128x128xbf16> to vector<1x128x128xbf16>
      tpu.vector_store %arg7[%swap3A_220, %swap3A_221, %swap3A_222], %swap3A_225 {strides = array<i32>} : memref<32x128x128xbf16, #tpu.memory_space<vmem>>, vector<1x128x128xbf16>,
      %swap3A_226 = arith.constant 8 : index
      %swap3A_227 = arith.constant 0 : index
      %swap3A_228 = arith.constant 0 : index
      %swap3A_229 = vector.load %arg8[%swap3A_226, %swap3A_227, %swap3A_228] : memref<32x1x128xf32, #tpu.memory_space<vmem>>, vector<1x1x128xf32>
      %swap3A_230 = vector.shape_cast %swap3A_229 : vector<1x1x128xf32> to vector<1x128xf32>
      %swap3A_231 = vector.shape_cast %broadcast_in_dim3A_219 : vector<1x128xf32> to vector<1x1x128xf32>
      tpu.vector_store %arg8[%swap3A_226, %swap3A_227, %swap3A_228], %swap3A_231 {strides = array<i32>} : memref<32x1x128xf32, #tpu.memory_space<vmem>>, vector<1x1x128xf32>,
      %convert_element_type3A_232 = arith.extf %convert_element_type3A_216 : vector<128x128xbf16> to vector<128x128xf32>
      %add3A_233 = arith.addf %add3A_209, %convert_element_type3A_232 : vector<128x128xf32>
      %add3A_234 = arith.addf %add3A_210, %broadcast_in_dim3A_219 : vector<1x128xf32>
      %slice3A_235 = vector.extract_strided_slice %div3A_18 {offsets = [576, 0], sizes = [64, 128], strides = [1, 1]} : vector<2048x128xf32> to vector<64x128xf32>
      %slice3A_236 = vector.extract_strided_slice %get3A_7 {offsets = [576, 0], sizes = [64, 128], strides = [1, 1]} : vector<2048x128xbf16> to vector<64x128xbf16>
      %convert_element_type3A_237 = arith.truncf %slice3A_235 : vector<64x128xf32> to vector<64x128xbf16>
      %dot_general3A_238 = arith.constant dense<0.000000e+00> : vector<128x128xf32>
      %dot_general3A_239 = tpu.matmul %convert_element_type3A_237, %slice3A_236, %dot_general3A_238 {dimension_numbers = #tpu.dot_dimension_numbers<[0], [0], [1], [1], [0, 1, 1, 1], [], []>, transpose_lhs_hint = false} : vector<64x128xbf16>, vector<64x128xbf16>, vector<128x128xf32> -> vector<128x128xf32>
      %convert_element_type3A_240 = arith.truncf %dot_general3A_239 : vector<128x128xf32> to vector<128x128xbf16>
      %reduce_sum3A_241 = arith.constant dense<0.000000e+00> : vector<128xf32>
      %reduce_sum3A_242 = vector.multi_reduction <add>, %slice3A_235, %reduce_sum3A_241 [0] : vector<64x128xf32> to vector<128xf32>
      %broadcast_in_dim3A_243 = vector.shape_cast %reduce_sum3A_242 : vector<128xf32> to vector<1x128xf32>
      %swap3A_244 = arith.constant 9 : index
      %swap3A_245 = arith.constant 0 : index
      %swap3A_246 = arith.constant 0 : index
      %swap3A_247 = vector.load %arg7[%swap3A_244, %swap3A_245, %swap3A_246] : memref<32x128x128xbf16, #tpu.memory_space<vmem>>, vector<1x128x128xbf16>
      %swap3A_248 = vector.shape_cast %swap3A_247 : vector<1x128x128xbf16> to vector<128x128xbf16>
      %swap3A_249 = vector.shape_cast %convert_element_type3A_240 : vector<128x128xbf16> to vector<1x128x128xbf16>
      tpu.vector_store %arg7[%swap3A_244, %swap3A_245, %swap3A_246], %swap3A_249 {strides = array<i32>} : memref<32x128x128xbf16, #tpu.memory_space<vmem>>, vector<1x128x128xbf16>,
      %swap3A_250 = arith.constant 9 : index
      %swap3A_251 = arith.constant 0 : index
      %swap3A_252 = arith.constant 0 : index
      %swap3A_253 = vector.load %arg8[%swap3A_250, %swap3A_251, %swap3A_252] : memref<32x1x128xf32, #tpu.memory_space<vmem>>, vector<1x1x128xf32>
      %swap3A_254 = vector.shape_cast %swap3A_253 : vector<1x1x128xf32> to vector<1x128xf32>
      %swap3A_255 = vector.shape_cast %broadcast_in_dim3A_243 : vector<1x128xf32> to vector<1x1x128xf32>
      tpu.vector_store %arg8[%swap3A_250, %swap3A_251, %swap3A_252], %swap3A_255 {strides = array<i32>} : memref<32x1x128xf32, #tpu.memory_space<vmem>>, vector<1x1x128xf32>,
      %convert_element_type3A_256 = arith.extf %convert_element_type3A_240 : vector<128x128xbf16> to vector<128x128xf32>
      %add3A_257 = arith.addf %add3A_233, %convert_element_type3A_256 : vector<128x128xf32>
      %add3A_258 = arith.addf %add3A_234, %broadcast_in_dim3A_243 : vector<1x128xf32>
      %slice3A_259 = vector.extract_strided_slice %div3A_18 {offsets = [640, 0], sizes = [64, 128], strides = [1, 1]} : vector<2048x128xf32> to vector<64x128xf32>
      %slice3A_260 = vector.extract_strided_slice %get3A_7 {offsets = [640, 0], sizes = [64, 128], strides = [1, 1]} : vector<2048x128xbf16> to vector<64x128xbf16>
      %convert_element_type3A_261 = arith.truncf %slice3A_259 : vector<64x128xf32> to vector<64x128xbf16>
      %dot_general3A_262 = arith.constant dense<0.000000e+00> : vector<128x128xf32>
      %dot_general3A_263 = tpu.matmul %convert_element_type3A_261, %slice3A_260, %dot_general3A_262 {dimension_numbers = #tpu.dot_dimension_numbers<[0], [0], [1], [1], [0, 1, 1, 1], [], []>, transpose_lhs_hint = false} : vector<64x128xbf16>, vector<64x128xbf16>, vector<128x128xf32> -> vector<128x128xf32>
      %convert_element_type3A_264 = arith.truncf %dot_general3A_263 : vector<128x128xf32> to vector<128x128xbf16>
      %reduce_sum3A_265 = arith.constant dense<0.000000e+00> : vector<128xf32>
      %reduce_sum3A_266 = vector.multi_reduction <add>, %slice3A_259, %reduce_sum3A_265 [0] : vector<64x128xf32> to vector<128xf32>
      %broadcast_in_dim3A_267 = vector.shape_cast %reduce_sum3A_266 : vector<128xf32> to vector<1x128xf32>
      %swap3A_268 = arith.constant 10 : index
      %swap3A_269 = arith.constant 0 : index
      %swap3A_270 = arith.constant 0 : index
      %swap3A_271 = vector.load %arg7[%swap3A_268, %swap3A_269, %swap3A_270] : memref<32x128x128xbf16, #tpu.memory_space<vmem>>, vector<1x128x128xbf16>
      %swap3A_272 = vector.shape_cast %swap3A_271 : vector<1x128x128xbf16> to vector<128x128xbf16>
      %swap3A_273 = vector.shape_cast %convert_element_type3A_264 : vector<128x128xbf16> to vector<1x128x128xbf16>
      tpu.vector_store %arg7[%swap3A_268, %swap3A_269, %swap3A_270], %swap3A_273 {strides = array<i32>} : memref<32x128x128xbf16, #tpu.memory_space<vmem>>, vector<1x128x128xbf16>,
      %swap3A_274 = arith.constant 10 : index
      %swap3A_275 = arith.constant 0 : index
      %swap3A_276 = arith.constant 0 : index
      %swap3A_277 = vector.load %arg8[%swap3A_274, %swap3A_275, %swap3A_276] : memref<32x1x128xf32, #tpu.memory_space<vmem>>, vector<1x1x128xf32>
      %swap3A_278 = vector.shape_cast %swap3A_277 : vector<1x1x128xf32> to vector<1x128xf32>
      %swap3A_279 = vector.shape_cast %broadcast_in_dim3A_267 : vector<1x128xf32> to vector<1x1x128xf32>
      tpu.vector_store %arg8[%swap3A_274, %swap3A_275, %swap3A_276], %swap3A_279 {strides = array<i32>} : memref<32x1x128xf32, #tpu.memory_space<vmem>>, vector<1x1x128xf32>,
      %convert_element_type3A_280 = arith.extf %convert_element_type3A_264 : vector<128x128xbf16> to vector<128x128xf32>
      %add3A_281 = arith.addf %add3A_257, %convert_element_type3A_280 : vector<128x128xf32>
      %add3A_282 = arith.addf %add3A_258, %broadcast_in_dim3A_267 : vector<1x128xf32>
      %slice3A_283 = vector.extract_strided_slice %div3A_18 {offsets = [704, 0], sizes = [64, 128], strides = [1, 1]} : vector<2048x128xf32> to vector<64x128xf32>
      %slice3A_284 = vector.extract_strided_slice %get3A_7 {offsets = [704, 0], sizes = [64, 128], strides = [1, 1]} : vector<2048x128xbf16> to vector<64x128xbf16>
      %convert_element_type3A_285 = arith.truncf %slice3A_283 : vector<64x128xf32> to vector<64x128xbf16>
      %dot_general3A_286 = arith.constant dense<0.000000e+00> : vector<128x128xf32>
      %dot_general3A_287 = tpu.matmul %convert_element_type3A_285, %slice3A_284, %dot_general3A_286 {dimension_numbers = #tpu.dot_dimension_numbers<[0], [0], [1], [1], [0, 1, 1, 1], [], []>, transpose_lhs_hint = false} : vector<64x128xbf16>, vector<64x128xbf16>, vector<128x128xf32> -> vector<128x128xf32>
      %convert_element_type3A_288 = arith.truncf %dot_general3A_287 : vector<128x128xf32> to vector<128x128xbf16>
      %reduce_sum3A_289 = arith.constant dense<0.000000e+00> : vector<128xf32>
      %reduce_sum3A_290 = vector.multi_reduction <add>, %slice3A_283, %reduce_sum3A_289 [0] : vector<64x128xf32> to vector<128xf32>
      %broadcast_in_dim3A_291 = vector.shape_cast %reduce_sum3A_290 : vector<128xf32> to vector<1x128xf32>
      %swap3A_292 = arith.constant 11 : index
      %swap3A_293 = arith.constant 0 : index
      %swap3A_294 = arith.constant 0 : index
      %swap3A_295 = vector.load %arg7[%swap3A_292, %swap3A_293, %swap3A_294] : memref<32x128x128xbf16, #tpu.memory_space<vmem>>, vector<1x128x128xbf16>
      %swap3A_296 = vector.shape_cast %swap3A_295 : vector<1x128x128xbf16> to vector<128x128xbf16>
      %swap3A_297 = vector.shape_cast %convert_element_type3A_288 : vector<128x128xbf16> to vector<1x128x128xbf16>
      tpu.vector_store %arg7[%swap3A_292, %swap3A_293, %swap3A_294], %swap3A_297 {strides = array<i32>} : memref<32x128x128xbf16, #tpu.memory_space<vmem>>, vector<1x128x128xbf16>,
      %swap3A_298 = arith.constant 11 : index
      %swap3A_299 = arith.constant 0 : index
      %swap3A_300 = arith.constant 0 : index
      %swap3A_301 = vector.load %arg8[%swap3A_298, %swap3A_299, %swap3A_300] : memref<32x1x128xf32, #tpu.memory_space<vmem>>, vector<1x1x128xf32>
      %swap3A_302 = vector.shape_cast %swap3A_301 : vector<1x1x128xf32> to vector<1x128xf32>
      %swap3A_303 = vector.shape_cast %broadcast_in_dim3A_291 : vector<1x128xf32> to vector<1x1x128xf32>
      tpu.vector_store %arg8[%swap3A_298, %swap3A_299, %swap3A_300], %swap3A_303 {strides = array<i32>} : memref<32x1x128xf32, #tpu.memory_space<vmem>>, vector<1x1x128xf32>,
      %convert_element_type3A_304 = arith.extf %convert_element_type3A_288 : vector<128x128xbf16> to vector<128x128xf32>
      %add3A_305 = arith.addf %add3A_281, %convert_element_type3A_304 : vector<128x128xf32>
      %add3A_306 = arith.addf %add3A_282, %broadcast_in_dim3A_291 : vector<1x128xf32>
      %slice3A_307 = vector.extract_strided_slice %div3A_18 {offsets = [768, 0], sizes = [64, 128], strides = [1, 1]} : vector<2048x128xf32> to vector<64x128xf32>
      %slice3A_308 = vector.extract_strided_slice %get3A_7 {offsets = [768, 0], sizes = [64, 128], strides = [1, 1]} : vector<2048x128xbf16> to vector<64x128xbf16>
      %convert_element_type3A_309 = arith.truncf %slice3A_307 : vector<64x128xf32> to vector<64x128xbf16>
      %dot_general3A_310 = arith.constant dense<0.000000e+00> : vector<128x128xf32>
      %dot_general3A_311 = tpu.matmul %convert_element_type3A_309, %slice3A_308, %dot_general3A_310 {dimension_numbers = #tpu.dot_dimension_numbers<[0], [0], [1], [1], [0, 1, 1, 1], [], []>, transpose_lhs_hint = false} : vector<64x128xbf16>, vector<64x128xbf16>, vector<128x128xf32> -> vector<128x128xf32>
      %convert_element_type3A_312 = arith.truncf %dot_general3A_311 : vector<128x128xf32> to vector<128x128xbf16>
      %reduce_sum3A_313 = arith.constant dense<0.000000e+00> : vector<128xf32>
      %reduce_sum3A_314 = vector.multi_reduction <add>, %slice3A_307, %reduce_sum3A_313 [0] : vector<64x128xf32> to vector<128xf32>
      %broadcast_in_dim3A_315 = vector.shape_cast %reduce_sum3A_314 : vector<128xf32> to vector<1x128xf32>
      %swap3A_316 = arith.constant 12 : index
      %swap3A_317 = arith.constant 0 : index
      %swap3A_318 = arith.constant 0 : index
      %swap3A_319 = vector.load %arg7[%swap3A_316, %swap3A_317, %swap3A_318] : memref<32x128x128xbf16, #tpu.memory_space<vmem>>, vector<1x128x128xbf16>
      %swap3A_320 = vector.shape_cast %swap3A_319 : vector<1x128x128xbf16> to vector<128x128xbf16>
      %swap3A_321 = vector.shape_cast %convert_element_type3A_312 : vector<128x128xbf16> to vector<1x128x128xbf16>
      tpu.vector_store %arg7[%swap3A_316, %swap3A_317, %swap3A_318], %swap3A_321 {strides = array<i32>} : memref<32x128x128xbf16, #tpu.memory_space<vmem>>, vector<1x128x128xbf16>,
      %swap3A_322 = arith.constant 12 : index
      %swap3A_323 = arith.constant 0 : index
      %swap3A_324 = arith.constant 0 : index
      %swap3A_325 = vector.load %arg8[%swap3A_322, %swap3A_323, %swap3A_324] : memref<32x1x128xf32, #tpu.memory_space<vmem>>, vector<1x1x128xf32>
      %swap3A_326 = vector.shape_cast %swap3A_325 : vector<1x1x128xf32> to vector<1x128xf32>
      %swap3A_327 = vector.shape_cast %broadcast_in_dim3A_315 : vector<1x128xf32> to vector<1x1x128xf32>
      tpu.vector_store %arg8[%swap3A_322, %swap3A_323, %swap3A_324], %swap3A_327 {strides = array<i32>} : memref<32x1x128xf32, #tpu.memory_space<vmem>>, vector<1x1x128xf32>,
      %convert_element_type3A_328 = arith.extf %convert_element_type3A_312 : vector<128x128xbf16> to vector<128x128xf32>
      %add3A_329 = arith.addf %add3A_305, %convert_element_type3A_328 : vector<128x128xf32>
      %add3A_330 = arith.addf %add3A_306, %broadcast_in_dim3A_315 : vector<1x128xf32>
      %slice3A_331 = vector.extract_strided_slice %div3A_18 {offsets = [832, 0], sizes = [64, 128], strides = [1, 1]} : vector<2048x128xf32> to vector<64x128xf32>
      %slice3A_332 = vector.extract_strided_slice %get3A_7 {offsets = [832, 0], sizes = [64, 128], strides = [1, 1]} : vector<2048x128xbf16> to vector<64x128xbf16>
      %convert_element_type3A_333 = arith.truncf %slice3A_331 : vector<64x128xf32> to vector<64x128xbf16>
      %dot_general3A_334 = arith.constant dense<0.000000e+00> : vector<128x128xf32>
      %dot_general3A_335 = tpu.matmul %convert_element_type3A_333, %slice3A_332, %dot_general3A_334 {dimension_numbers = #tpu.dot_dimension_numbers<[0], [0], [1], [1], [0, 1, 1, 1], [], []>, transpose_lhs_hint = false} : vector<64x128xbf16>, vector<64x128xbf16>, vector<128x128xf32> -> vector<128x128xf32>
      %convert_element_type3A_336 = arith.truncf %dot_general3A_335 : vector<128x128xf32> to vector<128x128xbf16>
      %reduce_sum3A_337 = arith.constant dense<0.000000e+00> : vector<128xf32>
      %reduce_sum3A_338 = vector.multi_reduction <add>, %slice3A_331, %reduce_sum3A_337 [0] : vector<64x128xf32> to vector<128xf32>
      %broadcast_in_dim3A_339 = vector.shape_cast %reduce_sum3A_338 : vector<128xf32> to vector<1x128xf32>
      %swap3A_340 = arith.constant 13 : index
      %swap3A_341 = arith.constant 0 : index
      %swap3A_342 = arith.constant 0 : index
      %swap3A_343 = vector.load %arg7[%swap3A_340, %swap3A_341, %swap3A_342] : memref<32x128x128xbf16, #tpu.memory_space<vmem>>, vector<1x128x128xbf16>
      %swap3A_344 = vector.shape_cast %swap3A_343 : vector<1x128x128xbf16> to vector<128x128xbf16>
      %swap3A_345 = vector.shape_cast %convert_element_type3A_336 : vector<128x128xbf16> to vector<1x128x128xbf16>
      tpu.vector_store %arg7[%swap3A_340, %swap3A_341, %swap3A_342], %swap3A_345 {strides = array<i32>} : memref<32x128x128xbf16, #tpu.memory_space<vmem>>, vector<1x128x128xbf16>,
      %swap3A_346 = arith.constant 13 : index
      %swap3A_347 = arith.constant 0 : index
      %swap3A_348 = arith.constant 0 : index
      %swap3A_349 = vector.load %arg8[%swap3A_346, %swap3A_347, %swap3A_348] : memref<32x1x128xf32, #tpu.memory_space<vmem>>, vector<1x1x128xf32>
      %swap3A_350 = vector.shape_cast %swap3A_349 : vector<1x1x128xf32> to vector<1x128xf32>
      %swap3A_351 = vector.shape_cast %broadcast_in_dim3A_339 : vector<1x128xf32> to vector<1x1x128xf32>
      tpu.vector_store %arg8[%swap3A_346, %swap3A_347, %swap3A_348], %swap3A_351 {strides = array<i32>} : memref<32x1x128xf32, #tpu.memory_space<vmem>>, vector<1x1x128xf32>,
      %convert_element_type3A_352 = arith.extf %convert_element_type3A_336 : vector<128x128xbf16> to vector<128x128xf32>
      %add3A_353 = arith.addf %add3A_329, %convert_element_type3A_352 : vector<128x128xf32>
      %add3A_354 = arith.addf %add3A_330, %broadcast_in_dim3A_339 : vector<1x128xf32>
      %slice3A_355 = vector.extract_strided_slice %div3A_18 {offsets = [896, 0], sizes = [64, 128], strides = [1, 1]} : vector<2048x128xf32> to vector<64x128xf32>
      %slice3A_356 = vector.extract_strided_slice %get3A_7 {offsets = [896, 0], sizes = [64, 128], strides = [1, 1]} : vector<2048x128xbf16> to vector<64x128xbf16>
      %convert_element_type3A_357 = arith.truncf %slice3A_355 : vector<64x128xf32> to vector<64x128xbf16>
      %dot_general3A_358 = arith.constant dense<0.000000e+00> : vector<128x128xf32>
      %dot_general3A_359 = tpu.matmul %convert_element_type3A_357, %slice3A_356, %dot_general3A_358 {dimension_numbers = #tpu.dot_dimension_numbers<[0], [0], [1], [1], [0, 1, 1, 1], [], []>, transpose_lhs_hint = false} : vector<64x128xbf16>, vector<64x128xbf16>, vector<128x128xf32> -> vector<128x128xf32>
      %convert_element_type3A_360 = arith.truncf %dot_general3A_359 : vector<128x128xf32> to vector<128x128xbf16>
      %reduce_sum3A_361 = arith.constant dense<0.000000e+00> : vector<128xf32>
      %reduce_sum3A_362 = vector.multi_reduction <add>, %slice3A_355, %reduce_sum3A_361 [0] : vector<64x128xf32> to vector<128xf32>
      %broadcast_in_dim3A_363 = vector.shape_cast %reduce_sum3A_362 : vector<128xf32> to vector<1x128xf32>
      %swap3A_364 = arith.constant 14 : index
      %swap3A_365 = arith.constant 0 : index
      %swap3A_366 = arith.constant 0 : index
      %swap3A_367 = vector.load %arg7[%swap3A_364, %swap3A_365, %swap3A_366] : memref<32x128x128xbf16, #tpu.memory_space<vmem>>, vector<1x128x128xbf16>
      %swap3A_368 = vector.shape_cast %swap3A_367 : vector<1x128x128xbf16> to vector<128x128xbf16>
      %swap3A_369 = vector.shape_cast %convert_element_type3A_360 : vector<128x128xbf16> to vector<1x128x128xbf16>
      tpu.vector_store %arg7[%swap3A_364, %swap3A_365, %swap3A_366], %swap3A_369 {strides = array<i32>} : memref<32x128x128xbf16, #tpu.memory_space<vmem>>, vector<1x128x128xbf16>,
      %swap3A_370 = arith.constant 14 : index
      %swap3A_371 = arith.constant 0 : index
      %swap3A_372 = arith.constant 0 : index
      %swap3A_373 = vector.load %arg8[%swap3A_370, %swap3A_371, %swap3A_372] : memref<32x1x128xf32, #tpu.memory_space<vmem>>, vector<1x1x128xf32>
      %swap3A_374 = vector.shape_cast %swap3A_373 : vector<1x1x128xf32> to vector<1x128xf32>
      %swap3A_375 = vector.shape_cast %broadcast_in_dim3A_363 : vector<1x128xf32> to vector<1x1x128xf32>
      tpu.vector_store %arg8[%swap3A_370, %swap3A_371, %swap3A_372], %swap3A_375 {strides = array<i32>} : memref<32x1x128xf32, #tpu.memory_space<vmem>>, vector<1x1x128xf32>,
      %convert_element_type3A_376 = arith.extf %convert_element_type3A_360 : vector<128x128xbf16> to vector<128x128xf32>
      %add3A_377 = arith.addf %add3A_353, %convert_element_type3A_376 : vector<128x128xf32>
      %add3A_378 = arith.addf %add3A_354, %broadcast_in_dim3A_363 : vector<1x128xf32>
      %slice3A_379 = vector.extract_strided_slice %div3A_18 {offsets = [960, 0], sizes = [64, 128], strides = [1, 1]} : vector<2048x128xf32> to vector<64x128xf32>
      %slice3A_380 = vector.extract_strided_slice %get3A_7 {offsets = [960, 0], sizes = [64, 128], strides = [1, 1]} : vector<2048x128xbf16> to vector<64x128xbf16>
      %convert_element_type3A_381 = arith.truncf %slice3A_379 : vector<64x128xf32> to vector<64x128xbf16>
      %dot_general3A_382 = arith.constant dense<0.000000e+00> : vector<128x128xf32>
      %dot_general3A_383 = tpu.matmul %convert_element_type3A_381, %slice3A_380, %dot_general3A_382 {dimension_numbers = #tpu.dot_dimension_numbers<[0], [0], [1], [1], [0, 1, 1, 1], [], []>, transpose_lhs_hint = false} : vector<64x128xbf16>, vector<64x128xbf16>, vector<128x128xf32> -> vector<128x128xf32>
      %convert_element_type3A_384 = arith.truncf %dot_general3A_383 : vector<128x128xf32> to vector<128x128xbf16>
      %reduce_sum3A_385 = arith.constant dense<0.000000e+00> : vector<128xf32>
      %reduce_sum3A_386 = vector.multi_reduction <add>, %slice3A_379, %reduce_sum3A_385 [0] : vector<64x128xf32> to vector<128xf32>
      %broadcast_in_dim3A_387 = vector.shape_cast %reduce_sum3A_386 : vector<128xf32> to vector<1x128xf32>
      %swap3A_388 = arith.constant 15 : index
      %swap3A_389 = arith.constant 0 : index
      %swap3A_390 = arith.constant 0 : index
      %swap3A_391 = vector.load %arg7[%swap3A_388, %swap3A_389, %swap3A_390] : memref<32x128x128xbf16, #tpu.memory_space<vmem>>, vector<1x128x128xbf16>
      %swap3A_392 = vector.shape_cast %swap3A_391 : vector<1x128x128xbf16> to vector<128x128xbf16>
      %swap3A_393 = vector.shape_cast %convert_element_type3A_384 : vector<128x128xbf16> to vector<1x128x128xbf16>
      tpu.vector_store %arg7[%swap3A_388, %swap3A_389, %swap3A_390], %swap3A_393 {strides = array<i32>} : memref<32x128x128xbf16, #tpu.memory_space<vmem>>, vector<1x128x128xbf16>,
      %swap3A_394 = arith.constant 15 : index
      %swap3A_395 = arith.constant 0 : index
      %swap3A_396 = arith.constant 0 : index
      %swap3A_397 = vector.load %arg8[%swap3A_394, %swap3A_395, %swap3A_396] : memref<32x1x128xf32, #tpu.memory_space<vmem>>, vector<1x1x128xf32>
      %swap3A_398 = vector.shape_cast %swap3A_397 : vector<1x1x128xf32> to vector<1x128xf32>
      %swap3A_399 = vector.shape_cast %broadcast_in_dim3A_387 : vector<1x128xf32> to vector<1x1x128xf32>
      tpu.vector_store %arg8[%swap3A_394, %swap3A_395, %swap3A_396], %swap3A_399 {strides = array<i32>} : memref<32x1x128xf32, #tpu.memory_space<vmem>>, vector<1x1x128xf32>,
      %convert_element_type3A_400 = arith.extf %convert_element_type3A_384 : vector<128x128xbf16> to vector<128x128xf32>
      %add3A_401 = arith.addf %add3A_377, %convert_element_type3A_400 : vector<128x128xf32>
      %add3A_402 = arith.addf %add3A_378, %broadcast_in_dim3A_387 : vector<1x128xf32>
      %slice3A_403 = vector.extract_strided_slice %div3A_18 {offsets = [1024, 0], sizes = [64, 128], strides = [1, 1]} : vector<2048x128xf32> to vector<64x128xf32>
      %slice3A_404 = vector.extract_strided_slice %get3A_7 {offsets = [1024, 0], sizes = [64, 128], strides = [1, 1]} : vector<2048x128xbf16> to vector<64x128xbf16>
      %convert_element_type3A_405 = arith.truncf %slice3A_403 : vector<64x128xf32> to vector<64x128xbf16>
      %dot_general3A_406 = arith.constant dense<0.000000e+00> : vector<128x128xf32>
      %dot_general3A_407 = tpu.matmul %convert_element_type3A_405, %slice3A_404, %dot_general3A_406 {dimension_numbers = #tpu.dot_dimension_numbers<[0], [0], [1], [1], [0, 1, 1, 1], [], []>, transpose_lhs_hint = false} : vector<64x128xbf16>, vector<64x128xbf16>, vector<128x128xf32> -> vector<128x128xf32>
      %convert_element_type3A_408 = arith.truncf %dot_general3A_407 : vector<128x128xf32> to vector<128x128xbf16>
      %reduce_sum3A_409 = arith.constant dense<0.000000e+00> : vector<128xf32>
      %reduce_sum3A_410 = vector.multi_reduction <add>, %slice3A_403, %reduce_sum3A_409 [0] : vector<64x128xf32> to vector<128xf32>
      %broadcast_in_dim3A_411 = vector.shape_cast %reduce_sum3A_410 : vector<128xf32> to vector<1x128xf32>
      %swap3A_412 = arith.constant 16 : index
      %swap3A_413 = arith.constant 0 : index
      %swap3A_414 = arith.constant 0 : index
      %swap3A_415 = vector.load %arg7[%swap3A_412, %swap3A_413, %swap3A_414] : memref<32x128x128xbf16, #tpu.memory_space<vmem>>, vector<1x128x128xbf16>
      %swap3A_416 = vector.shape_cast %swap3A_415 : vector<1x128x128xbf16> to vector<128x128xbf16>
      %swap3A_417 = vector.shape_cast %convert_element_type3A_408 : vector<128x128xbf16> to vector<1x128x128xbf16>
      tpu.vector_store %arg7[%swap3A_412, %swap3A_413, %swap3A_414], %swap3A_417 {strides = array<i32>} : memref<32x128x128xbf16, #tpu.memory_space<vmem>>, vector<1x128x128xbf16>,
      %swap3A_418 = arith.constant 16 : index
      %swap3A_419 = arith.constant 0 : index
      %swap3A_420 = arith.constant 0 : index
      %swap3A_421 = vector.load %arg8[%swap3A_418, %swap3A_419, %swap3A_420] : memref<32x1x128xf32, #tpu.memory_space<vmem>>, vector<1x1x128xf32>
      %swap3A_422 = vector.shape_cast %swap3A_421 : vector<1x1x128xf32> to vector<1x128xf32>
      %swap3A_423 = vector.shape_cast %broadcast_in_dim3A_411 : vector<1x128xf32> to vector<1x1x128xf32>
      tpu.vector_store %arg8[%swap3A_418, %swap3A_419, %swap3A_420], %swap3A_423 {strides = array<i32>} : memref<32x1x128xf32, #tpu.memory_space<vmem>>, vector<1x1x128xf32>,
      %convert_element_type3A_424 = arith.extf %convert_element_type3A_408 : vector<128x128xbf16> to vector<128x128xf32>
      %add3A_425 = arith.addf %add3A_401, %convert_element_type3A_424 : vector<128x128xf32>
      %add3A_426 = arith.addf %add3A_402, %broadcast_in_dim3A_411 : vector<1x128xf32>
      %slice3A_427 = vector.extract_strided_slice %div3A_18 {offsets = [1088, 0], sizes = [64, 128], strides = [1, 1]} : vector<2048x128xf32> to vector<64x128xf32>
      %slice3A_428 = vector.extract_strided_slice %get3A_7 {offsets = [1088, 0], sizes = [64, 128], strides = [1, 1]} : vector<2048x128xbf16> to vector<64x128xbf16>
      %convert_element_type3A_429 = arith.truncf %slice3A_427 : vector<64x128xf32> to vector<64x128xbf16>
      %dot_general3A_430 = arith.constant dense<0.000000e+00> : vector<128x128xf32>
      %dot_general3A_431 = tpu.matmul %convert_element_type3A_429, %slice3A_428, %dot_general3A_430 {dimension_numbers = #tpu.dot_dimension_numbers<[0], [0], [1], [1], [0, 1, 1, 1], [], []>, transpose_lhs_hint = false} : vector<64x128xbf16>, vector<64x128xbf16>, vector<128x128xf32> -> vector<128x128xf32>
      %convert_element_type3A_432 = arith.truncf %dot_general3A_431 : vector<128x128xf32> to vector<128x128xbf16>
      %reduce_sum3A_433 = arith.constant dense<0.000000e+00> : vector<128xf32>
      %reduce_sum3A_434 = vector.multi_reduction <add>, %slice3A_427, %reduce_sum3A_433 [0] : vector<64x128xf32> to vector<128xf32>
      %broadcast_in_dim3A_435 = vector.shape_cast %reduce_sum3A_434 : vector<128xf32> to vector<1x128xf32>
      %swap3A_436 = arith.constant 17 : index
      %swap3A_437 = arith.constant 0 : index
      %swap3A_438 = arith.constant 0 : index
      %swap3A_439 = vector.load %arg7[%swap3A_436, %swap3A_437, %swap3A_438] : memref<32x128x128xbf16, #tpu.memory_space<vmem>>, vector<1x128x128xbf16>
      %swap3A_440 = vector.shape_cast %swap3A_439 : vector<1x128x128xbf16> to vector<128x128xbf16>
      %swap3A_441 = vector.shape_cast %convert_element_type3A_432 : vector<128x128xbf16> to vector<1x128x128xbf16>
      tpu.vector_store %arg7[%swap3A_436, %swap3A_437, %swap3A_438], %swap3A_441 {strides = array<i32>} : memref<32x128x128xbf16, #tpu.memory_space<vmem>>, vector<1x128x128xbf16>,
      %swap3A_442 = arith.constant 17 : index
      %swap3A_443 = arith.constant 0 : index
      %swap3A_444 = arith.constant 0 : index
      %swap3A_445 = vector.load %arg8[%swap3A_442, %swap3A_443, %swap3A_444] : memref<32x1x128xf32, #tpu.memory_space<vmem>>, vector<1x1x128xf32>
      %swap3A_446 = vector.shape_cast %swap3A_445 : vector<1x1x128xf32> to vector<1x128xf32>
      %swap3A_447 = vector.shape_cast %broadcast_in_dim3A_435 : vector<1x128xf32> to vector<1x1x128xf32>
      tpu.vector_store %arg8[%swap3A_442, %swap3A_443, %swap3A_444], %swap3A_447 {strides = array<i32>} : memref<32x1x128xf32, #tpu.memory_space<vmem>>, vector<1x1x128xf32>,
      %convert_element_type3A_448 = arith.extf %convert_element_type3A_432 : vector<128x128xbf16> to vector<128x128xf32>
      %add3A_449 = arith.addf %add3A_425, %convert_element_type3A_448 : vector<128x128xf32>
      %add3A_450 = arith.addf %add3A_426, %broadcast_in_dim3A_435 : vector<1x128xf32>
      %slice3A_451 = vector.extract_strided_slice %div3A_18 {offsets = [1152, 0], sizes = [64, 128], strides = [1, 1]} : vector<2048x128xf32> to vector<64x128xf32>
      %slice3A_452 = vector.extract_strided_slice %get3A_7 {offsets = [1152, 0], sizes = [64, 128], strides = [1, 1]} : vector<2048x128xbf16> to vector<64x128xbf16>
      %convert_element_type3A_453 = arith.truncf %slice3A_451 : vector<64x128xf32> to vector<64x128xbf16>
      %dot_general3A_454 = arith.constant dense<0.000000e+00> : vector<128x128xf32>
      %dot_general3A_455 = tpu.matmul %convert_element_type3A_453, %slice3A_452, %dot_general3A_454 {dimension_numbers = #tpu.dot_dimension_numbers<[0], [0], [1], [1], [0, 1, 1, 1], [], []>, transpose_lhs_hint = false} : vector<64x128xbf16>, vector<64x128xbf16>, vector<128x128xf32> -> vector<128x128xf32>
      %convert_element_type3A_456 = arith.truncf %dot_general3A_455 : vector<128x128xf32> to vector<128x128xbf16>
      %reduce_sum3A_457 = arith.constant dense<0.000000e+00> : vector<128xf32>
      %reduce_sum3A_458 = vector.multi_reduction <add>, %slice3A_451, %reduce_sum3A_457 [0] : vector<64x128xf32> to vector<128xf32>
      %broadcast_in_dim3A_459 = vector.shape_cast %reduce_sum3A_458 : vector<128xf32> to vector<1x128xf32>
      %swap3A_460 = arith.constant 18 : index
      %swap3A_461 = arith.constant 0 : index
      %swap3A_462 = arith.constant 0 : index
      %swap3A_463 = vector.load %arg7[%swap3A_460, %swap3A_461, %swap3A_462] : memref<32x128x128xbf16, #tpu.memory_space<vmem>>, vector<1x128x128xbf16>
      %swap3A_464 = vector.shape_cast %swap3A_463 : vector<1x128x128xbf16> to vector<128x128xbf16>
      %swap3A_465 = vector.shape_cast %convert_element_type3A_456 : vector<128x128xbf16> to vector<1x128x128xbf16>
      tpu.vector_store %arg7[%swap3A_460, %swap3A_461, %swap3A_462], %swap3A_465 {strides = array<i32>} : memref<32x128x128xbf16, #tpu.memory_space<vmem>>, vector<1x128x128xbf16>,
      %swap3A_466 = arith.constant 18 : index
      %swap3A_467 = arith.constant 0 : index
      %swap3A_468 = arith.constant 0 : index
      %swap3A_469 = vector.load %arg8[%swap3A_466, %swap3A_467, %swap3A_468] : memref<32x1x128xf32, #tpu.memory_space<vmem>>, vector<1x1x128xf32>
      %swap3A_470 = vector.shape_cast %swap3A_469 : vector<1x1x128xf32> to vector<1x128xf32>
      %swap3A_471 = vector.shape_cast %broadcast_in_dim3A_459 : vector<1x128xf32> to vector<1x1x128xf32>
      tpu.vector_store %arg8[%swap3A_466, %swap3A_467, %swap3A_468], %swap3A_471 {strides = array<i32>} : memref<32x1x128xf32, #tpu.memory_space<vmem>>, vector<1x1x128xf32>,
      %convert_element_type3A_472 = arith.extf %convert_element_type3A_456 : vector<128x128xbf16> to vector<128x128xf32>
      %add3A_473 = arith.addf %add3A_449, %convert_element_type3A_472 : vector<128x128xf32>
      %add3A_474 = arith.addf %add3A_450, %broadcast_in_dim3A_459 : vector<1x128xf32>
      %slice3A_475 = vector.extract_strided_slice %div3A_18 {offsets = [1216, 0], sizes = [64, 128], strides = [1, 1]} : vector<2048x128xf32> to vector<64x128xf32>
      %slice3A_476 = vector.extract_strided_slice %get3A_7 {offsets = [1216, 0], sizes = [64, 128], strides = [1, 1]} : vector<2048x128xbf16> to vector<64x128xbf16>
      %convert_element_type3A_477 = arith.truncf %slice3A_475 : vector<64x128xf32> to vector<64x128xbf16>
      %dot_general3A_478 = arith.constant dense<0.000000e+00> : vector<128x128xf32>
      %dot_general3A_479 = tpu.matmul %convert_element_type3A_477, %slice3A_476, %dot_general3A_478 {dimension_numbers = #tpu.dot_dimension_numbers<[0], [0], [1], [1], [0, 1, 1, 1], [], []>, transpose_lhs_hint = false} : vector<64x128xbf16>, vector<64x128xbf16>, vector<128x128xf32> -> vector<128x128xf32>
      %convert_element_type3A_480 = arith.truncf %dot_general3A_479 : vector<128x128xf32> to vector<128x128xbf16>
      %reduce_sum3A_481 = arith.constant dense<0.000000e+00> : vector<128xf32>
      %reduce_sum3A_482 = vector.multi_reduction <add>, %slice3A_475, %reduce_sum3A_481 [0] : vector<64x128xf32> to vector<128xf32>
      %broadcast_in_dim3A_483 = vector.shape_cast %reduce_sum3A_482 : vector<128xf32> to vector<1x128xf32>
      %swap3A_484 = arith.constant 19 : index
      %swap3A_485 = arith.constant 0 : index
      %swap3A_486 = arith.constant 0 : index
      %swap3A_487 = vector.load %arg7[%swap3A_484, %swap3A_485, %swap3A_486] : memref<32x128x128xbf16, #tpu.memory_space<vmem>>, vector<1x128x128xbf16>
      %swap3A_488 = vector.shape_cast %swap3A_487 : vector<1x128x128xbf16> to vector<128x128xbf16>
      %swap3A_489 = vector.shape_cast %convert_element_type3A_480 : vector<128x128xbf16> to vector<1x128x128xbf16>
      tpu.vector_store %arg7[%swap3A_484, %swap3A_485, %swap3A_486], %swap3A_489 {strides = array<i32>} : memref<32x128x128xbf16, #tpu.memory_space<vmem>>, vector<1x128x128xbf16>,
      %swap3A_490 = arith.constant 19 : index
      %swap3A_491 = arith.constant 0 : index
      %swap3A_492 = arith.constant 0 : index
      %swap3A_493 = vector.load %arg8[%swap3A_490, %swap3A_491, %swap3A_492] : memref<32x1x128xf32, #tpu.memory_space<vmem>>, vector<1x1x128xf32>
      %swap3A_494 = vector.shape_cast %swap3A_493 : vector<1x1x128xf32> to vector<1x128xf32>
      %swap3A_495 = vector.shape_cast %broadcast_in_dim3A_483 : vector<1x128xf32> to vector<1x1x128xf32>
      tpu.vector_store %arg8[%swap3A_490, %swap3A_491, %swap3A_492], %swap3A_495 {strides = array<i32>} : memref<32x1x128xf32, #tpu.memory_space<vmem>>, vector<1x1x128xf32>,
      %convert_element_type3A_496 = arith.extf %convert_element_type3A_480 : vector<128x128xbf16> to vector<128x128xf32>
      %add3A_497 = arith.addf %add3A_473, %convert_element_type3A_496 : vector<128x128xf32>
      %add3A_498 = arith.addf %add3A_474, %broadcast_in_dim3A_483 : vector<1x128xf32>
      %slice3A_499 = vector.extract_strided_slice %div3A_18 {offsets = [1280, 0], sizes = [64, 128], strides = [1, 1]} : vector<2048x128xf32> to vector<64x128xf32>
      %slice3A_500 = vector.extract_strided_slice %get3A_7 {offsets = [1280, 0], sizes = [64, 128], strides = [1, 1]} : vector<2048x128xbf16> to vector<64x128xbf16>
      %convert_element_type3A_501 = arith.truncf %slice3A_499 : vector<64x128xf32> to vector<64x128xbf16>
      %dot_general3A_502 = arith.constant dense<0.000000e+00> : vector<128x128xf32>
      %dot_general3A_503 = tpu.matmul %convert_element_type3A_501, %slice3A_500, %dot_general3A_502 {dimension_numbers = #tpu.dot_dimension_numbers<[0], [0], [1], [1], [0, 1, 1, 1], [], []>, transpose_lhs_hint = false} : vector<64x128xbf16>, vector<64x128xbf16>, vector<128x128xf32> -> vector<128x128xf32>
      %convert_element_type3A_504 = arith.truncf %dot_general3A_503 : vector<128x128xf32> to vector<128x128xbf16>
      %reduce_sum3A_505 = arith.constant dense<0.000000e+00> : vector<128xf32>
      %reduce_sum3A_506 = vector.multi_reduction <add>, %slice3A_499, %reduce_sum3A_505 [0] : vector<64x128xf32> to vector<128xf32>
      %broadcast_in_dim3A_507 = vector.shape_cast %reduce_sum3A_506 : vector<128xf32> to vector<1x128xf32>
      %swap3A_508 = arith.constant 20 : index
      %swap3A_509 = arith.constant 0 : index
      %swap3A_510 = arith.constant 0 : index
      %swap3A_511 = vector.load %arg7[%swap3A_508, %swap3A_509, %swap3A_510] : memref<32x128x128xbf16, #tpu.memory_space<vmem>>, vector<1x128x128xbf16>
      %swap3A_512 = vector.shape_cast %swap3A_511 : vector<1x128x128xbf16> to vector<128x128xbf16>
      %swap3A_513 = vector.shape_cast %convert_element_type3A_504 : vector<128x128xbf16> to vector<1x128x128xbf16>
      tpu.vector_store %arg7[%swap3A_508, %swap3A_509, %swap3A_510], %swap3A_513 {strides = array<i32>} : memref<32x128x128xbf16, #tpu.memory_space<vmem>>, vector<1x128x128xbf16>,
      %swap3A_514 = arith.constant 20 : index
      %swap3A_515 = arith.constant 0 : index
      %swap3A_516 = arith.constant 0 : index
      %swap3A_517 = vector.load %arg8[%swap3A_514, %swap3A_515, %swap3A_516] : memref<32x1x128xf32, #tpu.memory_space<vmem>>, vector<1x1x128xf32>
      %swap3A_518 = vector.shape_cast %swap3A_517 : vector<1x1x128xf32> to vector<1x128xf32>
      %swap3A_519 = vector.shape_cast %broadcast_in_dim3A_507 : vector<1x128xf32> to vector<1x1x128xf32>
      tpu.vector_store %arg8[%swap3A_514, %swap3A_515, %swap3A_516], %swap3A_519 {strides = array<i32>} : memref<32x1x128xf32, #tpu.memory_space<vmem>>, vector<1x1x128xf32>,
      %convert_element_type3A_520 = arith.extf %convert_element_type3A_504 : vector<128x128xbf16> to vector<128x128xf32>
      %add3A_521 = arith.addf %add3A_497, %convert_element_type3A_520 : vector<128x128xf32>
      %add3A_522 = arith.addf %add3A_498, %broadcast_in_dim3A_507 : vector<1x128xf32>
      %slice3A_523 = vector.extract_strided_slice %div3A_18 {offsets = [1344, 0], sizes = [64, 128], strides = [1, 1]} : vector<2048x128xf32> to vector<64x128xf32>
      %slice3A_524 = vector.extract_strided_slice %get3A_7 {offsets = [1344, 0], sizes = [64, 128], strides = [1, 1]} : vector<2048x128xbf16> to vector<64x128xbf16>
      %convert_element_type3A_525 = arith.truncf %slice3A_523 : vector<64x128xf32> to vector<64x128xbf16>
      %dot_general3A_526 = arith.constant dense<0.000000e+00> : vector<128x128xf32>
      %dot_general3A_527 = tpu.matmul %convert_element_type3A_525, %slice3A_524, %dot_general3A_526 {dimension_numbers = #tpu.dot_dimension_numbers<[0], [0], [1], [1], [0, 1, 1, 1], [], []>, transpose_lhs_hint = false} : vector<64x128xbf16>, vector<64x128xbf16>, vector<128x128xf32> -> vector<128x128xf32>
      %convert_element_type3A_528 = arith.truncf %dot_general3A_527 : vector<128x128xf32> to vector<128x128xbf16>
      %reduce_sum3A_529 = arith.constant dense<0.000000e+00> : vector<128xf32>
      %reduce_sum3A_530 = vector.multi_reduction <add>, %slice3A_523, %reduce_sum3A_529 [0] : vector<64x128xf32> to vector<128xf32>
      %broadcast_in_dim3A_531 = vector.shape_cast %reduce_sum3A_530 : vector<128xf32> to vector<1x128xf32>
      %swap3A_532 = arith.constant 21 : index
      %swap3A_533 = arith.constant 0 : index
      %swap3A_534 = arith.constant 0 : index
      %swap3A_535 = vector.load %arg7[%swap3A_532, %swap3A_533, %swap3A_534] : memref<32x128x128xbf16, #tpu.memory_space<vmem>>, vector<1x128x128xbf16>
      %swap3A_536 = vector.shape_cast %swap3A_535 : vector<1x128x128xbf16> to vector<128x128xbf16>
      %swap3A_537 = vector.shape_cast %convert_element_type3A_528 : vector<128x128xbf16> to vector<1x128x128xbf16>
      tpu.vector_store %arg7[%swap3A_532, %swap3A_533, %swap3A_534], %swap3A_537 {strides = array<i32>} : memref<32x128x128xbf16, #tpu.memory_space<vmem>>, vector<1x128x128xbf16>,
      %swap3A_538 = arith.constant 21 : index
      %swap3A_539 = arith.constant 0 : index
      %swap3A_540 = arith.constant 0 : index
      %swap3A_541 = vector.load %arg8[%swap3A_538, %swap3A_539, %swap3A_540] : memref<32x1x128xf32, #tpu.memory_space<vmem>>, vector<1x1x128xf32>
      %swap3A_542 = vector.shape_cast %swap3A_541 : vector<1x1x128xf32> to vector<1x128xf32>
      %swap3A_543 = vector.shape_cast %broadcast_in_dim3A_531 : vector<1x128xf32> to vector<1x1x128xf32>
      tpu.vector_store %arg8[%swap3A_538, %swap3A_539, %swap3A_540], %swap3A_543 {strides = array<i32>} : memref<32x1x128xf32, #tpu.memory_space<vmem>>, vector<1x1x128xf32>,
      %convert_element_type3A_544 = arith.extf %convert_element_type3A_528 : vector<128x128xbf16> to vector<128x128xf32>
      %add3A_545 = arith.addf %add3A_521, %convert_element_type3A_544 : vector<128x128xf32>
      %add3A_546 = arith.addf %add3A_522, %broadcast_in_dim3A_531 : vector<1x128xf32>
      %slice3A_547 = vector.extract_strided_slice %div3A_18 {offsets = [1408, 0], sizes = [64, 128], strides = [1, 1]} : vector<2048x128xf32> to vector<64x128xf32>
      %slice3A_548 = vector.extract_strided_slice %get3A_7 {offsets = [1408, 0], sizes = [64, 128], strides = [1, 1]} : vector<2048x128xbf16> to vector<64x128xbf16>
      %convert_element_type3A_549 = arith.truncf %slice3A_547 : vector<64x128xf32> to vector<64x128xbf16>
      %dot_general3A_550 = arith.constant dense<0.000000e+00> : vector<128x128xf32>
      %dot_general3A_551 = tpu.matmul %convert_element_type3A_549, %slice3A_548, %dot_general3A_550 {dimension_numbers = #tpu.dot_dimension_numbers<[0], [0], [1], [1], [0, 1, 1, 1], [], []>, transpose_lhs_hint = false} : vector<64x128xbf16>, vector<64x128xbf16>, vector<128x128xf32> -> vector<128x128xf32>
      %convert_element_type3A_552 = arith.truncf %dot_general3A_551 : vector<128x128xf32> to vector<128x128xbf16>
      %reduce_sum3A_553 = arith.constant dense<0.000000e+00> : vector<128xf32>
      %reduce_sum3A_554 = vector.multi_reduction <add>, %slice3A_547, %reduce_sum3A_553 [0] : vector<64x128xf32> to vector<128xf32>
      %broadcast_in_dim3A_555 = vector.shape_cast %reduce_sum3A_554 : vector<128xf32> to vector<1x128xf32>
      %swap3A_556 = arith.constant 22 : index
      %swap3A_557 = arith.constant 0 : index
      %swap3A_558 = arith.constant 0 : index
      %swap3A_559 = vector.load %arg7[%swap3A_556, %swap3A_557, %swap3A_558] : memref<32x128x128xbf16, #tpu.memory_space<vmem>>, vector<1x128x128xbf16>
      %swap3A_560 = vector.shape_cast %swap3A_559 : vector<1x128x128xbf16> to vector<128x128xbf16>
      %swap3A_561 = vector.shape_cast %convert_element_type3A_552 : vector<128x128xbf16> to vector<1x128x128xbf16>
      tpu.vector_store %arg7[%swap3A_556, %swap3A_557, %swap3A_558], %swap3A_561 {strides = array<i32>} : memref<32x128x128xbf16, #tpu.memory_space<vmem>>, vector<1x128x128xbf16>,
      %swap3A_562 = arith.constant 22 : index
      %swap3A_563 = arith.constant 0 : index
      %swap3A_564 = arith.constant 0 : index
      %swap3A_565 = vector.load %arg8[%swap3A_562, %swap3A_563, %swap3A_564] : memref<32x1x128xf32, #tpu.memory_space<vmem>>, vector<1x1x128xf32>
      %swap3A_566 = vector.shape_cast %swap3A_565 : vector<1x1x128xf32> to vector<1x128xf32>
      %swap3A_567 = vector.shape_cast %broadcast_in_dim3A_555 : vector<1x128xf32> to vector<1x1x128xf32>
      tpu.vector_store %arg8[%swap3A_562, %swap3A_563, %swap3A_564], %swap3A_567 {strides = array<i32>} : memref<32x1x128xf32, #tpu.memory_space<vmem>>, vector<1x1x128xf32>,
      %convert_element_type3A_568 = arith.extf %convert_element_type3A_552 : vector<128x128xbf16> to vector<128x128xf32>
      %add3A_569 = arith.addf %add3A_545, %convert_element_type3A_568 : vector<128x128xf32>
      %add3A_570 = arith.addf %add3A_546, %broadcast_in_dim3A_555 : vector<1x128xf32>
      %slice3A_571 = vector.extract_strided_slice %div3A_18 {offsets = [1472, 0], sizes = [64, 128], strides = [1, 1]} : vector<2048x128xf32> to vector<64x128xf32>
      %slice3A_572 = vector.extract_strided_slice %get3A_7 {offsets = [1472, 0], sizes = [64, 128], strides = [1, 1]} : vector<2048x128xbf16> to vector<64x128xbf16>
      %convert_element_type3A_573 = arith.truncf %slice3A_571 : vector<64x128xf32> to vector<64x128xbf16>
      %dot_general3A_574 = arith.constant dense<0.000000e+00> : vector<128x128xf32>
      %dot_general3A_575 = tpu.matmul %convert_element_type3A_573, %slice3A_572, %dot_general3A_574 {dimension_numbers = #tpu.dot_dimension_numbers<[0], [0], [1], [1], [0, 1, 1, 1], [], []>, transpose_lhs_hint = false} : vector<64x128xbf16>, vector<64x128xbf16>, vector<128x128xf32> -> vector<128x128xf32>
      %convert_element_type3A_576 = arith.truncf %dot_general3A_575 : vector<128x128xf32> to vector<128x128xbf16>
      %reduce_sum3A_577 = arith.constant dense<0.000000e+00> : vector<128xf32>
      %reduce_sum3A_578 = vector.multi_reduction <add>, %slice3A_571, %reduce_sum3A_577 [0] : vector<64x128xf32> to vector<128xf32>
      %broadcast_in_dim3A_579 = vector.shape_cast %reduce_sum3A_578 : vector<128xf32> to vector<1x128xf32>
      %swap3A_580 = arith.constant 23 : index
      %swap3A_581 = arith.constant 0 : index
      %swap3A_582 = arith.constant 0 : index
      %swap3A_583 = vector.load %arg7[%swap3A_580, %swap3A_581, %swap3A_582] : memref<32x128x128xbf16, #tpu.memory_space<vmem>>, vector<1x128x128xbf16>
      %swap3A_584 = vector.shape_cast %swap3A_583 : vector<1x128x128xbf16> to vector<128x128xbf16>
      %swap3A_585 = vector.shape_cast %convert_element_type3A_576 : vector<128x128xbf16> to vector<1x128x128xbf16>
      tpu.vector_store %arg7[%swap3A_580, %swap3A_581, %swap3A_582], %swap3A_585 {strides = array<i32>} : memref<32x128x128xbf16, #tpu.memory_space<vmem>>, vector<1x128x128xbf16>,
      %swap3A_586 = arith.constant 23 : index
      %swap3A_587 = arith.constant 0 : index
      %swap3A_588 = arith.constant 0 : index
      %swap3A_589 = vector.load %arg8[%swap3A_586, %swap3A_587, %swap3A_588] : memref<32x1x128xf32, #tpu.memory_space<vmem>>, vector<1x1x128xf32>
      %swap3A_590 = vector.shape_cast %swap3A_589 : vector<1x1x128xf32> to vector<1x128xf32>
      %swap3A_591 = vector.shape_cast %broadcast_in_dim3A_579 : vector<1x128xf32> to vector<1x1x128xf32>
      tpu.vector_store %arg8[%swap3A_586, %swap3A_587, %swap3A_588], %swap3A_591 {strides = array<i32>} : memref<32x1x128xf32, #tpu.memory_space<vmem>>, vector<1x1x128xf32>,
      %convert_element_type3A_592 = arith.extf %convert_element_type3A_576 : vector<128x128xbf16> to vector<128x128xf32>
      %add3A_593 = arith.addf %add3A_569, %convert_element_type3A_592 : vector<128x128xf32>
      %add3A_594 = arith.addf %add3A_570, %broadcast_in_dim3A_579 : vector<1x128xf32>
      %slice3A_595 = vector.extract_strided_slice %div3A_18 {offsets = [1536, 0], sizes = [64, 128], strides = [1, 1]} : vector<2048x128xf32> to vector<64x128xf32>
      %slice3A_596 = vector.extract_strided_slice %get3A_7 {offsets = [1536, 0], sizes = [64, 128], strides = [1, 1]} : vector<2048x128xbf16> to vector<64x128xbf16>
      %convert_element_type3A_597 = arith.truncf %slice3A_595 : vector<64x128xf32> to vector<64x128xbf16>
      %dot_general3A_598 = arith.constant dense<0.000000e+00> : vector<128x128xf32>
      %dot_general3A_599 = tpu.matmul %convert_element_type3A_597, %slice3A_596, %dot_general3A_598 {dimension_numbers = #tpu.dot_dimension_numbers<[0], [0], [1], [1], [0, 1, 1, 1], [], []>, transpose_lhs_hint = false} : vector<64x128xbf16>, vector<64x128xbf16>, vector<128x128xf32> -> vector<128x128xf32>
      %convert_element_type3A_600 = arith.truncf %dot_general3A_599 : vector<128x128xf32> to vector<128x128xbf16>
      %reduce_sum3A_601 = arith.constant dense<0.000000e+00> : vector<128xf32>
      %reduce_sum3A_602 = vector.multi_reduction <add>, %slice3A_595, %reduce_sum3A_601 [0] : vector<64x128xf32> to vector<128xf32>
      %broadcast_in_dim3A_603 = vector.shape_cast %reduce_sum3A_602 : vector<128xf32> to vector<1x128xf32>
      %swap3A_604 = arith.constant 24 : index
      %swap3A_605 = arith.constant 0 : index
      %swap3A_606 = arith.constant 0 : index
      %swap3A_607 = vector.load %arg7[%swap3A_604, %swap3A_605, %swap3A_606] : memref<32x128x128xbf16, #tpu.memory_space<vmem>>, vector<1x128x128xbf16>
      %swap3A_608 = vector.shape_cast %swap3A_607 : vector<1x128x128xbf16> to vector<128x128xbf16>
      %swap3A_609 = vector.shape_cast %convert_element_type3A_600 : vector<128x128xbf16> to vector<1x128x128xbf16>
      tpu.vector_store %arg7[%swap3A_604, %swap3A_605, %swap3A_606], %swap3A_609 {strides = array<i32>} : memref<32x128x128xbf16, #tpu.memory_space<vmem>>, vector<1x128x128xbf16>,
      %swap3A_610 = arith.constant 24 : index
      %swap3A_611 = arith.constant 0 : index
      %swap3A_612 = arith.constant 0 : index
      %swap3A_613 = vector.load %arg8[%swap3A_610, %swap3A_611, %swap3A_612] : memref<32x1x128xf32, #tpu.memory_space<vmem>>, vector<1x1x128xf32>
      %swap3A_614 = vector.shape_cast %swap3A_613 : vector<1x1x128xf32> to vector<1x128xf32>
      %swap3A_615 = vector.shape_cast %broadcast_in_dim3A_603 : vector<1x128xf32> to vector<1x1x128xf32>
      tpu.vector_store %arg8[%swap3A_610, %swap3A_611, %swap3A_612], %swap3A_615 {strides = array<i32>} : memref<32x1x128xf32, #tpu.memory_space<vmem>>, vector<1x1x128xf32>,
      %convert_element_type3A_616 = arith.extf %convert_element_type3A_600 : vector<128x128xbf16> to vector<128x128xf32>
      %add3A_617 = arith.addf %add3A_593, %convert_element_type3A_616 : vector<128x128xf32>
      %add3A_618 = arith.addf %add3A_594, %broadcast_in_dim3A_603 : vector<1x128xf32>
      %slice3A_619 = vector.extract_strided_slice %div3A_18 {offsets = [1600, 0], sizes = [64, 128], strides = [1, 1]} : vector<2048x128xf32> to vector<64x128xf32>
      %slice3A_620 = vector.extract_strided_slice %get3A_7 {offsets = [1600, 0], sizes = [64, 128], strides = [1, 1]} : vector<2048x128xbf16> to vector<64x128xbf16>
      %convert_element_type3A_621 = arith.truncf %slice3A_619 : vector<64x128xf32> to vector<64x128xbf16>
      %dot_general3A_622 = arith.constant dense<0.000000e+00> : vector<128x128xf32>
      %dot_general3A_623 = tpu.matmul %convert_element_type3A_621, %slice3A_620, %dot_general3A_622 {dimension_numbers = #tpu.dot_dimension_numbers<[0], [0], [1], [1], [0, 1, 1, 1], [], []>, transpose_lhs_hint = false} : vector<64x128xbf16>, vector<64x128xbf16>, vector<128x128xf32> -> vector<128x128xf32>
      %convert_element_type3A_624 = arith.truncf %dot_general3A_623 : vector<128x128xf32> to vector<128x128xbf16>
      %reduce_sum3A_625 = arith.constant dense<0.000000e+00> : vector<128xf32>
      %reduce_sum3A_626 = vector.multi_reduction <add>, %slice3A_619, %reduce_sum3A_625 [0] : vector<64x128xf32> to vector<128xf32>
      %broadcast_in_dim3A_627 = vector.shape_cast %reduce_sum3A_626 : vector<128xf32> to vector<1x128xf32>
      %swap3A_628 = arith.constant 25 : index
      %swap3A_629 = arith.constant 0 : index
      %swap3A_630 = arith.constant 0 : index
      %swap3A_631 = vector.load %arg7[%swap3A_628, %swap3A_629, %swap3A_630] : memref<32x128x128xbf16, #tpu.memory_space<vmem>>, vector<1x128x128xbf16>
      %swap3A_632 = vector.shape_cast %swap3A_631 : vector<1x128x128xbf16> to vector<128x128xbf16>
      %swap3A_633 = vector.shape_cast %convert_element_type3A_624 : vector<128x128xbf16> to vector<1x128x128xbf16>
      tpu.vector_store %arg7[%swap3A_628, %swap3A_629, %swap3A_630], %swap3A_633 {strides = array<i32>} : memref<32x128x128xbf16, #tpu.memory_space<vmem>>, vector<1x128x128xbf16>,
      %swap3A_634 = arith.constant 25 : index
      %swap3A_635 = arith.constant 0 : index
      %swap3A_636 = arith.constant 0 : index
      %swap3A_637 = vector.load %arg8[%swap3A_634, %swap3A_635, %swap3A_636] : memref<32x1x128xf32, #tpu.memory_space<vmem>>, vector<1x1x128xf32>
      %swap3A_638 = vector.shape_cast %swap3A_637 : vector<1x1x128xf32> to vector<1x128xf32>
      %swap3A_639 = vector.shape_cast %broadcast_in_dim3A_627 : vector<1x128xf32> to vector<1x1x128xf32>
      tpu.vector_store %arg8[%swap3A_634, %swap3A_635, %swap3A_636], %swap3A_639 {strides = array<i32>} : memref<32x1x128xf32, #tpu.memory_space<vmem>>, vector<1x1x128xf32>,
      %convert_element_type3A_640 = arith.extf %convert_element_type3A_624 : vector<128x128xbf16> to vector<128x128xf32>
      %add3A_641 = arith.addf %add3A_617, %convert_element_type3A_640 : vector<128x128xf32>
      %add3A_642 = arith.addf %add3A_618, %broadcast_in_dim3A_627 : vector<1x128xf32>
      %slice3A_643 = vector.extract_strided_slice %div3A_18 {offsets = [1664, 0], sizes = [64, 128], strides = [1, 1]} : vector<2048x128xf32> to vector<64x128xf32>
      %slice3A_644 = vector.extract_strided_slice %get3A_7 {offsets = [1664, 0], sizes = [64, 128], strides = [1, 1]} : vector<2048x128xbf16> to vector<64x128xbf16>
      %convert_element_type3A_645 = arith.truncf %slice3A_643 : vector<64x128xf32> to vector<64x128xbf16>
      %dot_general3A_646 = arith.constant dense<0.000000e+00> : vector<128x128xf32>
      %dot_general3A_647 = tpu.matmul %convert_element_type3A_645, %slice3A_644, %dot_general3A_646 {dimension_numbers = #tpu.dot_dimension_numbers<[0], [0], [1], [1], [0, 1, 1, 1], [], []>, transpose_lhs_hint = false} : vector<64x128xbf16>, vector<64x128xbf16>, vector<128x128xf32> -> vector<128x128xf32>
      %convert_element_type3A_648 = arith.truncf %dot_general3A_647 : vector<128x128xf32> to vector<128x128xbf16>
      %reduce_sum3A_649 = arith.constant dense<0.000000e+00> : vector<128xf32>
      %reduce_sum3A_650 = vector.multi_reduction <add>, %slice3A_643, %reduce_sum3A_649 [0] : vector<64x128xf32> to vector<128xf32>
      %broadcast_in_dim3A_651 = vector.shape_cast %reduce_sum3A_650 : vector<128xf32> to vector<1x128xf32>
      %swap3A_652 = arith.constant 26 : index
      %swap3A_653 = arith.constant 0 : index
      %swap3A_654 = arith.constant 0 : index
      %swap3A_655 = vector.load %arg7[%swap3A_652, %swap3A_653, %swap3A_654] : memref<32x128x128xbf16, #tpu.memory_space<vmem>>, vector<1x128x128xbf16>
      %swap3A_656 = vector.shape_cast %swap3A_655 : vector<1x128x128xbf16> to vector<128x128xbf16>
      %swap3A_657 = vector.shape_cast %convert_element_type3A_648 : vector<128x128xbf16> to vector<1x128x128xbf16>
      tpu.vector_store %arg7[%swap3A_652, %swap3A_653, %swap3A_654], %swap3A_657 {strides = array<i32>} : memref<32x128x128xbf16, #tpu.memory_space<vmem>>, vector<1x128x128xbf16>,
      %swap3A_658 = arith.constant 26 : index
      %swap3A_659 = arith.constant 0 : index
      %swap3A_660 = arith.constant 0 : index
      %swap3A_661 = vector.load %arg8[%swap3A_658, %swap3A_659, %swap3A_660] : memref<32x1x128xf32, #tpu.memory_space<vmem>>, vector<1x1x128xf32>
      %swap3A_662 = vector.shape_cast %swap3A_661 : vector<1x1x128xf32> to vector<1x128xf32>
      %swap3A_663 = vector.shape_cast %broadcast_in_dim3A_651 : vector<1x128xf32> to vector<1x1x128xf32>
      tpu.vector_store %arg8[%swap3A_658, %swap3A_659, %swap3A_660], %swap3A_663 {strides = array<i32>} : memref<32x1x128xf32, #tpu.memory_space<vmem>>, vector<1x1x128xf32>,
      %convert_element_type3A_664 = arith.extf %convert_element_type3A_648 : vector<128x128xbf16> to vector<128x128xf32>
      %add3A_665 = arith.addf %add3A_641, %convert_element_type3A_664 : vector<128x128xf32>
      %add3A_666 = arith.addf %add3A_642, %broadcast_in_dim3A_651 : vector<1x128xf32>
      %slice3A_667 = vector.extract_strided_slice %div3A_18 {offsets = [1728, 0], sizes = [64, 128], strides = [1, 1]} : vector<2048x128xf32> to vector<64x128xf32>
      %slice3A_668 = vector.extract_strided_slice %get3A_7 {offsets = [1728, 0], sizes = [64, 128], strides = [1, 1]} : vector<2048x128xbf16> to vector<64x128xbf16>
      %convert_element_type3A_669 = arith.truncf %slice3A_667 : vector<64x128xf32> to vector<64x128xbf16>
      %dot_general3A_670 = arith.constant dense<0.000000e+00> : vector<128x128xf32>
      %dot_general3A_671 = tpu.matmul %convert_element_type3A_669, %slice3A_668, %dot_general3A_670 {dimension_numbers = #tpu.dot_dimension_numbers<[0], [0], [1], [1], [0, 1, 1, 1], [], []>, transpose_lhs_hint = false} : vector<64x128xbf16>, vector<64x128xbf16>, vector<128x128xf32> -> vector<128x128xf32>
      %convert_element_type3A_672 = arith.truncf %dot_general3A_671 : vector<128x128xf32> to vector<128x128xbf16>
      %reduce_sum3A_673 = arith.constant dense<0.000000e+00> : vector<128xf32>
      %reduce_sum3A_674 = vector.multi_reduction <add>, %slice3A_667, %reduce_sum3A_673 [0] : vector<64x128xf32> to vector<128xf32>
      %broadcast_in_dim3A_675 = vector.shape_cast %reduce_sum3A_674 : vector<128xf32> to vector<1x128xf32>
      %swap3A_676 = arith.constant 27 : index
      %swap3A_677 = arith.constant 0 : index
      %swap3A_678 = arith.constant 0 : index
      %swap3A_679 = vector.load %arg7[%swap3A_676, %swap3A_677, %swap3A_678] : memref<32x128x128xbf16, #tpu.memory_space<vmem>>, vector<1x128x128xbf16>
      %swap3A_680 = vector.shape_cast %swap3A_679 : vector<1x128x128xbf16> to vector<128x128xbf16>
      %swap3A_681 = vector.shape_cast %convert_element_type3A_672 : vector<128x128xbf16> to vector<1x128x128xbf16>
      tpu.vector_store %arg7[%swap3A_676, %swap3A_677, %swap3A_678], %swap3A_681 {strides = array<i32>} : memref<32x128x128xbf16, #tpu.memory_space<vmem>>, vector<1x128x128xbf16>,
      %swap3A_682 = arith.constant 27 : index
      %swap3A_683 = arith.constant 0 : index
      %swap3A_684 = arith.constant 0 : index
      %swap3A_685 = vector.load %arg8[%swap3A_682, %swap3A_683, %swap3A_684] : memref<32x1x128xf32, #tpu.memory_space<vmem>>, vector<1x1x128xf32>
      %swap3A_686 = vector.shape_cast %swap3A_685 : vector<1x1x128xf32> to vector<1x128xf32>
      %swap3A_687 = vector.shape_cast %broadcast_in_dim3A_675 : vector<1x128xf32> to vector<1x1x128xf32>
      tpu.vector_store %arg8[%swap3A_682, %swap3A_683, %swap3A_684], %swap3A_687 {strides = array<i32>} : memref<32x1x128xf32, #tpu.memory_space<vmem>>, vector<1x1x128xf32>,
      %convert_element_type3A_688 = arith.extf %convert_element_type3A_672 : vector<128x128xbf16> to vector<128x128xf32>
      %add3A_689 = arith.addf %add3A_665, %convert_element_type3A_688 : vector<128x128xf32>
      %add3A_690 = arith.addf %add3A_666, %broadcast_in_dim3A_675 : vector<1x128xf32>
      %slice3A_691 = vector.extract_strided_slice %div3A_18 {offsets = [1792, 0], sizes = [64, 128], strides = [1, 1]} : vector<2048x128xf32> to vector<64x128xf32>
      %slice3A_692 = vector.extract_strided_slice %get3A_7 {offsets = [1792, 0], sizes = [64, 128], strides = [1, 1]} : vector<2048x128xbf16> to vector<64x128xbf16>
      %convert_element_type3A_693 = arith.truncf %slice3A_691 : vector<64x128xf32> to vector<64x128xbf16>
      %dot_general3A_694 = arith.constant dense<0.000000e+00> : vector<128x128xf32>
      %dot_general3A_695 = tpu.matmul %convert_element_type3A_693, %slice3A_692, %dot_general3A_694 {dimension_numbers = #tpu.dot_dimension_numbers<[0], [0], [1], [1], [0, 1, 1, 1], [], []>, transpose_lhs_hint = false} : vector<64x128xbf16>, vector<64x128xbf16>, vector<128x128xf32> -> vector<128x128xf32>
      %convert_element_type3A_696 = arith.truncf %dot_general3A_695 : vector<128x128xf32> to vector<128x128xbf16>
      %reduce_sum3A_697 = arith.constant dense<0.000000e+00> : vector<128xf32>
      %reduce_sum3A_698 = vector.multi_reduction <add>, %slice3A_691, %reduce_sum3A_697 [0] : vector<64x128xf32> to vector<128xf32>
      %broadcast_in_dim3A_699 = vector.shape_cast %reduce_sum3A_698 : vector<128xf32> to vector<1x128xf32>
      %swap3A_700 = arith.constant 28 : index
      %swap3A_701 = arith.constant 0 : index
      %swap3A_702 = arith.constant 0 : index
      %swap3A_703 = vector.load %arg7[%swap3A_700, %swap3A_701, %swap3A_702] : memref<32x128x128xbf16, #tpu.memory_space<vmem>>, vector<1x128x128xbf16>
      %swap3A_704 = vector.shape_cast %swap3A_703 : vector<1x128x128xbf16> to vector<128x128xbf16>
      %swap3A_705 = vector.shape_cast %convert_element_type3A_696 : vector<128x128xbf16> to vector<1x128x128xbf16>
      tpu.vector_store %arg7[%swap3A_700, %swap3A_701, %swap3A_702], %swap3A_705 {strides = array<i32>} : memref<32x128x128xbf16, #tpu.memory_space<vmem>>, vector<1x128x128xbf16>,
      %swap3A_706 = arith.constant 28 : index
      %swap3A_707 = arith.constant 0 : index
      %swap3A_708 = arith.constant 0 : index
      %swap3A_709 = vector.load %arg8[%swap3A_706, %swap3A_707, %swap3A_708] : memref<32x1x128xf32, #tpu.memory_space<vmem>>, vector<1x1x128xf32>
      %swap3A_710 = vector.shape_cast %swap3A_709 : vector<1x1x128xf32> to vector<1x128xf32>
      %swap3A_711 = vector.shape_cast %broadcast_in_dim3A_699 : vector<1x128xf32> to vector<1x1x128xf32>
      tpu.vector_store %arg8[%swap3A_706, %swap3A_707, %swap3A_708], %swap3A_711 {strides = array<i32>} : memref<32x1x128xf32, #tpu.memory_space<vmem>>, vector<1x1x128xf32>,
      %convert_element_type3A_712 = arith.extf %convert_element_type3A_696 : vector<128x128xbf16> to vector<128x128xf32>
      %add3A_713 = arith.addf %add3A_689, %convert_element_type3A_712 : vector<128x128xf32>
      %add3A_714 = arith.addf %add3A_690, %broadcast_in_dim3A_699 : vector<1x128xf32>
      %slice3A_715 = vector.extract_strided_slice %div3A_18 {offsets = [1856, 0], sizes = [64, 128], strides = [1, 1]} : vector<2048x128xf32> to vector<64x128xf32>
      %slice3A_716 = vector.extract_strided_slice %get3A_7 {offsets = [1856, 0], sizes = [64, 128], strides = [1, 1]} : vector<2048x128xbf16> to vector<64x128xbf16>
      %convert_element_type3A_717 = arith.truncf %slice3A_715 : vector<64x128xf32> to vector<64x128xbf16>
      %dot_general3A_718 = arith.constant dense<0.000000e+00> : vector<128x128xf32>
      %dot_general3A_719 = tpu.matmul %convert_element_type3A_717, %slice3A_716, %dot_general3A_718 {dimension_numbers = #tpu.dot_dimension_numbers<[0], [0], [1], [1], [0, 1, 1, 1], [], []>, transpose_lhs_hint = false} : vector<64x128xbf16>, vector<64x128xbf16>, vector<128x128xf32> -> vector<128x128xf32>
      %convert_element_type3A_720 = arith.truncf %dot_general3A_719 : vector<128x128xf32> to vector<128x128xbf16>
      %reduce_sum3A_721 = arith.constant dense<0.000000e+00> : vector<128xf32>
      %reduce_sum3A_722 = vector.multi_reduction <add>, %slice3A_715, %reduce_sum3A_721 [0] : vector<64x128xf32> to vector<128xf32>
      %broadcast_in_dim3A_723 = vector.shape_cast %reduce_sum3A_722 : vector<128xf32> to vector<1x128xf32>
      %swap3A_724 = arith.constant 29 : index
      %swap3A_725 = arith.constant 0 : index
      %swap3A_726 = arith.constant 0 : index
      %swap3A_727 = vector.load %arg7[%swap3A_724, %swap3A_725, %swap3A_726] : memref<32x128x128xbf16, #tpu.memory_space<vmem>>, vector<1x128x128xbf16>
      %swap3A_728 = vector.shape_cast %swap3A_727 : vector<1x128x128xbf16> to vector<128x128xbf16>
      %swap3A_729 = vector.shape_cast %convert_element_type3A_720 : vector<128x128xbf16> to vector<1x128x128xbf16>
      tpu.vector_store %arg7[%swap3A_724, %swap3A_725, %swap3A_726], %swap3A_729 {strides = array<i32>} : memref<32x128x128xbf16, #tpu.memory_space<vmem>>, vector<1x128x128xbf16>,
      %swap3A_730 = arith.constant 29 : index
      %swap3A_731 = arith.constant 0 : index
      %swap3A_732 = arith.constant 0 : index
      %swap3A_733 = vector.load %arg8[%swap3A_730, %swap3A_731, %swap3A_732] : memref<32x1x128xf32, #tpu.memory_space<vmem>>, vector<1x1x128xf32>
      %swap3A_734 = vector.shape_cast %swap3A_733 : vector<1x1x128xf32> to vector<1x128xf32>
      %swap3A_735 = vector.shape_cast %broadcast_in_dim3A_723 : vector<1x128xf32> to vector<1x1x128xf32>
      tpu.vector_store %arg8[%swap3A_730, %swap3A_731, %swap3A_732], %swap3A_735 {strides = array<i32>} : memref<32x1x128xf32, #tpu.memory_space<vmem>>, vector<1x1x128xf32>,
      %convert_element_type3A_736 = arith.extf %convert_element_type3A_720 : vector<128x128xbf16> to vector<128x128xf32>
      %add3A_737 = arith.addf %add3A_713, %convert_element_type3A_736 : vector<128x128xf32>
      %add3A_738 = arith.addf %add3A_714, %broadcast_in_dim3A_723 : vector<1x128xf32>
      %slice3A_739 = vector.extract_strided_slice %div3A_18 {offsets = [1920, 0], sizes = [64, 128], strides = [1, 1]} : vector<2048x128xf32> to vector<64x128xf32>
      %slice3A_740 = vector.extract_strided_slice %get3A_7 {offsets = [1920, 0], sizes = [64, 128], strides = [1, 1]} : vector<2048x128xbf16> to vector<64x128xbf16>
      %convert_element_type3A_741 = arith.truncf %slice3A_739 : vector<64x128xf32> to vector<64x128xbf16>
      %dot_general3A_742 = arith.constant dense<0.000000e+00> : vector<128x128xf32>
      %dot_general3A_743 = tpu.matmul %convert_element_type3A_741, %slice3A_740, %dot_general3A_742 {dimension_numbers = #tpu.dot_dimension_numbers<[0], [0], [1], [1], [0, 1, 1, 1], [], []>, transpose_lhs_hint = false} : vector<64x128xbf16>, vector<64x128xbf16>, vector<128x128xf32> -> vector<128x128xf32>
      %convert_element_type3A_744 = arith.truncf %dot_general3A_743 : vector<128x128xf32> to vector<128x128xbf16>
      %reduce_sum3A_745 = arith.constant dense<0.000000e+00> : vector<128xf32>
      %reduce_sum3A_746 = vector.multi_reduction <add>, %slice3A_739, %reduce_sum3A_745 [0] : vector<64x128xf32> to vector<128xf32>
      %broadcast_in_dim3A_747 = vector.shape_cast %reduce_sum3A_746 : vector<128xf32> to vector<1x128xf32>
      %swap3A_748 = arith.constant 30 : index
      %swap3A_749 = arith.constant 0 : index
      %swap3A_750 = arith.constant 0 : index
      %swap3A_751 = vector.load %arg7[%swap3A_748, %swap3A_749, %swap3A_750] : memref<32x128x128xbf16, #tpu.memory_space<vmem>>, vector<1x128x128xbf16>
      %swap3A_752 = vector.shape_cast %swap3A_751 : vector<1x128x128xbf16> to vector<128x128xbf16>
      %swap3A_753 = vector.shape_cast %convert_element_type3A_744 : vector<128x128xbf16> to vector<1x128x128xbf16>
      tpu.vector_store %arg7[%swap3A_748, %swap3A_749, %swap3A_750], %swap3A_753 {strides = array<i32>} : memref<32x128x128xbf16, #tpu.memory_space<vmem>>, vector<1x128x128xbf16>,
      %swap3A_754 = arith.constant 30 : index
      %swap3A_755 = arith.constant 0 : index
      %swap3A_756 = arith.constant 0 : index
      %swap3A_757 = vector.load %arg8[%swap3A_754, %swap3A_755, %swap3A_756] : memref<32x1x128xf32, #tpu.memory_space<vmem>>, vector<1x1x128xf32>
      %swap3A_758 = vector.shape_cast %swap3A_757 : vector<1x1x128xf32> to vector<1x128xf32>
      %swap3A_759 = vector.shape_cast %broadcast_in_dim3A_747 : vector<1x128xf32> to vector<1x1x128xf32>
      tpu.vector_store %arg8[%swap3A_754, %swap3A_755, %swap3A_756], %swap3A_759 {strides = array<i32>} : memref<32x1x128xf32, #tpu.memory_space<vmem>>, vector<1x1x128xf32>,
      %convert_element_type3A_760 = arith.extf %convert_element_type3A_744 : vector<128x128xbf16> to vector<128x128xf32>
      %add3A_761 = arith.addf %add3A_737, %convert_element_type3A_760 : vector<128x128xf32>
      %add3A_762 = arith.addf %add3A_738, %broadcast_in_dim3A_747 : vector<1x128xf32>
      %slice3A_763 = vector.extract_strided_slice %div3A_18 {offsets = [1984, 0], sizes = [64, 128], strides = [1, 1]} : vector<2048x128xf32> to vector<64x128xf32>
      %slice3A_764 = vector.extract_strided_slice %get3A_7 {offsets = [1984, 0], sizes = [64, 128], strides = [1, 1]} : vector<2048x128xbf16> to vector<64x128xbf16>
      %convert_element_type3A_765 = arith.truncf %slice3A_763 : vector<64x128xf32> to vector<64x128xbf16>
      %dot_general3A_766 = arith.constant dense<0.000000e+00> : vector<128x128xf32>
      %dot_general3A_767 = tpu.matmul %convert_element_type3A_765, %slice3A_764, %dot_general3A_766 {dimension_numbers = #tpu.dot_dimension_numbers<[0], [0], [1], [1], [0, 1, 1, 1], [], []>, transpose_lhs_hint = false} : vector<64x128xbf16>, vector<64x128xbf16>, vector<128x128xf32> -> vector<128x128xf32>
      %convert_element_type3A_768 = arith.truncf %dot_general3A_767 : vector<128x128xf32> to vector<128x128xbf16>
      %reduce_sum3A_769 = arith.constant dense<0.000000e+00> : vector<128xf32>
      %reduce_sum3A_770 = vector.multi_reduction <add>, %slice3A_763, %reduce_sum3A_769 [0] : vector<64x128xf32> to vector<128xf32>
      %broadcast_in_dim3A_771 = vector.shape_cast %reduce_sum3A_770 : vector<128xf32> to vector<1x128xf32>
      %swap3A_772 = arith.constant 31 : index
      %swap3A_773 = arith.constant 0 : index
      %swap3A_774 = arith.constant 0 : index
      %swap3A_775 = vector.load %arg7[%swap3A_772, %swap3A_773, %swap3A_774] : memref<32x128x128xbf16, #tpu.memory_space<vmem>>, vector<1x128x128xbf16>
      %swap3A_776 = vector.shape_cast %swap3A_775 : vector<1x128x128xbf16> to vector<128x128xbf16>
      %swap3A_777 = vector.shape_cast %convert_element_type3A_768 : vector<128x128xbf16> to vector<1x128x128xbf16>
      tpu.vector_store %arg7[%swap3A_772, %swap3A_773, %swap3A_774], %swap3A_777 {strides = array<i32>} : memref<32x128x128xbf16, #tpu.memory_space<vmem>>, vector<1x128x128xbf16>,
      %swap3A_778 = arith.constant 31 : index
      %swap3A_779 = arith.constant 0 : index
      %swap3A_780 = arith.constant 0 : index
      %swap3A_781 = vector.load %arg8[%swap3A_778, %swap3A_779, %swap3A_780] : memref<32x1x128xf32, #tpu.memory_space<vmem>>, vector<1x1x128xf32>
      %swap3A_782 = vector.shape_cast %swap3A_781 : vector<1x1x128xf32> to vector<1x128xf32>
      %swap3A_783 = vector.shape_cast %broadcast_in_dim3A_771 : vector<1x128xf32> to vector<1x1x128xf32>
      tpu.vector_store %arg8[%swap3A_778, %swap3A_779, %swap3A_780], %swap3A_783 {strides = array<i32>} : memref<32x1x128xf32, #tpu.memory_space<vmem>>, vector<1x1x128xf32>,
      %convert_element_type3A_784 = arith.extf %convert_element_type3A_768 : vector<128x128xbf16> to vector<128x128xf32>
      %add3A_785 = arith.addf %add3A_761, %convert_element_type3A_784 : vector<128x128xf32>
      %add3A_786 = arith.addf %add3A_762, %broadcast_in_dim3A_771 : vector<1x128xf32>
      %swap3A_787 = arith.constant 0 : index
      %swap3A_788 = arith.constant 0 : index
      %swap3A_789 = vector.load %arg9[%swap3A_787, %swap3A_788] : memref<128x128xf32, #tpu.memory_space<vmem>>, vector<128x128xf32>
      tpu.vector_store %arg9[%swap3A_787, %swap3A_788], %add3A_785 {strides = array<i32>} : memref<128x128xf32, #tpu.memory_space<vmem>>, vector<128x128xf32>,
      %swap3A_790 = arith.constant 0 : index
      %swap3A_791 = arith.constant 0 : index
      %swap3A_792 = vector.load %arg10[%swap3A_790, %swap3A_791] : memref<1x128xf32, #tpu.memory_space<vmem>>, vector<1x128xf32>
      tpu.vector_store %arg10[%swap3A_790, %swap3A_791], %add3A_786 {strides = array<i32>} : memref<1x128xf32, #tpu.memory_space<vmem>>, vector<1x128xf32>,
    } else {
    }
    %gt3A = arith.constant 0 : i32
    %gt3A_2 = arith.cmpi sgt, %arg1, %gt3A : i32
    %convert_element_type3A_3 = arith.extui %gt3A_2 : i1 to i32
    %cond3A_4 = arith.constant 0 : i32
    %cond3A_5 = arith.cmpi ne, %convert_element_type3A_3, %cond3A_4 : i32
    scf.if %cond3A_5 {
      %get3A = arith.constant 0 : index
      %get3A_6 = arith.constant 0 : index
      %get3A_7 = vector.load %arg9[%get3A, %get3A_6] : memref<128x128xf32, #tpu.memory_space<vmem>>, vector<128x128xf32>
      %get3A_8 = arith.constant 0 : index
      %get3A_9 = arith.constant 0 : index
      %get3A_10 = vector.load %arg10[%get3A_8, %get3A_9] : memref<1x128xf32, #tpu.memory_space<vmem>>, vector<1x128xf32>
      %sub3A = arith.constant 1 : i32
      %sub3A_11 = arith.subi %arg1, %sub3A : i32
      %mul3A = arith.constant 16 : i32
      %mul3A_12 = arith.muli %sub3A_11, %mul3A : i32
      %add3A = arith.constant 0 : i32
      %add3A_13 = arith.addi %mul3A_12, %add3A : i32
      %get3A_14 = arith.constant 0 : index
      %get3A_15 = arith.constant 0 : index
      %get3A_16 = vector.load %arg3[%get3A_14, %get3A_15] : memref<2048x128xbf16, #tpu.memory_space<vmem>>, vector<128x128xbf16>
      %get3A_17 = arith.index_cast %arg0 : i32 to index
      %get3A_18 = arith.index_cast %add3A_13 : i32 to index
      %get3A_19 = arith.constant 0 : index
      %get3A_20 = memref.load %arg2[%get3A_17, %get3A_18, %get3A_19] : memref<8x16x4xi32, #tpu.memory_space<smem>>
      %mul3A_21 = arith.constant 64 : i32
      %mul3A_22 = arith.muli %get3A_20, %mul3A_21 : i32
      %get3A_23 = arith.index_cast %mul3A_22 : i32 to index
      %get3A_24 = arith.constant 0 : index
      %get3A_25 = vector.load %arg4[%get3A_23, %get3A_24] : memref<2048x128xbf16, #tpu.memory_space<vmem>>, vector<64x128xbf16>
      %mul3A_26 = arith.constant 64 : i32
      %mul3A_27 = arith.muli %get3A_20, %mul3A_26 : i32
      %get3A_28 = arith.index_cast %mul3A_27 : i32 to index
      %get3A_29 = arith.constant 0 : index
      %get3A_30 = vector.load %arg5[%get3A_28, %get3A_29] : memref<2048x128xbf16, #tpu.memory_space<vmem>>, vector<64x128xbf16>
      %get3A_31 = arith.index_cast %get3A_20 : i32 to index
      %get3A_32 = arith.constant 0 : index
      %get3A_33 = arith.constant 0 : index
      %get3A_34 = vector.load %arg7[%get3A_31, %get3A_32, %get3A_33] : memref<32x128x128xbf16, #tpu.memory_space<vmem>>, vector<1x128x128xbf16>
      %squeeze3A = vector.shape_cast %get3A_34 : vector<1x128x128xbf16> to vector<128x128xbf16>
      %convert_element_type3A_35 = arith.extf %squeeze3A : vector<128x128xbf16> to vector<128x128xf32>
      %sub3A_36 = arith.subf %get3A_7, %convert_element_type3A_35 : vector<128x128xf32>
      %get3A_37 = arith.index_cast %get3A_20 : i32 to index
      %get3A_38 = arith.constant 0 : index
      %get3A_39 = arith.constant 0 : index
      %get3A_40 = vector.load %arg8[%get3A_37, %get3A_38, %get3A_39] : memref<32x1x128xf32, #tpu.memory_space<vmem>>, vector<1x1x128xf32>
      %get3A_41 = vector.shape_cast %get3A_40 : vector<1x1x128xf32> to vector<1x128xf32>
      %sub3A_42 = arith.subf %get3A_10, %get3A_41 : vector<1x128xf32>
      %get3A_43 = arith.index_cast %arg0 : i32 to index
      %get3A_44 = arith.index_cast %add3A_13 : i32 to index
      %get3A_45 = arith.constant 1 : index
      %get3A_46 = memref.load %arg2[%get3A_43, %get3A_44, %get3A_45] : memref<8x16x4xi32, #tpu.memory_space<smem>>
      %mul3A_47 = arith.constant 64 : i32
      %mul3A_48 = arith.muli %get3A_46, %mul3A_47 : i32
      %get3A_49 = arith.index_cast %mul3A_48 : i32 to index
      %get3A_50 = arith.constant 0 : index
      %get3A_51 = vector.load %arg4[%get3A_49, %get3A_50] : memref<2048x128xbf16, #tpu.memory_space<vmem>>, vector<64x128xbf16>
      %mul3A_52 = arith.constant 64 : i32
      %mul3A_53 = arith.muli %get3A_46, %mul3A_52 : i32
      %get3A_54 = arith.index_cast %mul3A_53 : i32 to index
      %get3A_55 = arith.constant 0 : index
      %get3A_56 = vector.load %arg5[%get3A_54, %get3A_55] : memref<2048x128xbf16, #tpu.memory_space<vmem>>, vector<64x128xbf16>
      %get3A_57 = arith.index_cast %get3A_46 : i32 to index
      %get3A_58 = arith.constant 0 : index
      %get3A_59 = arith.constant 0 : index
      %get3A_60 = vector.load %arg7[%get3A_57, %get3A_58, %get3A_59] : memref<32x128x128xbf16, #tpu.memory_space<vmem>>, vector<1x128x128xbf16>
      %squeeze3A_61 = vector.shape_cast %get3A_60 : vector<1x128x128xbf16> to vector<128x128xbf16>
      %convert_element_type3A_62 = arith.extf %squeeze3A_61 : vector<128x128xbf16> to vector<128x128xf32>
      %sub3A_63 = arith.subf %sub3A_36, %convert_element_type3A_62 : vector<128x128xf32>
      %get3A_64 = arith.index_cast %get3A_46 : i32 to index
      %get3A_65 = arith.constant 0 : index
      %get3A_66 = arith.constant 0 : index
      %get3A_67 = vector.load %arg8[%get3A_64, %get3A_65, %get3A_66] : memref<32x1x128xf32, #tpu.memory_space<vmem>>, vector<1x1x128xf32>
      %get3A_68 = vector.shape_cast %get3A_67 : vector<1x1x128xf32> to vector<1x128xf32>
      %sub3A_69 = arith.subf %sub3A_42, %get3A_68 : vector<1x128xf32>
      %get3A_70 = arith.index_cast %arg0 : i32 to index
      %get3A_71 = arith.index_cast %add3A_13 : i32 to index
      %get3A_72 = arith.constant 2 : index
      %get3A_73 = memref.load %arg2[%get3A_70, %get3A_71, %get3A_72] : memref<8x16x4xi32, #tpu.memory_space<smem>>
      %mul3A_74 = arith.constant 64 : i32
      %mul3A_75 = arith.muli %get3A_73, %mul3A_74 : i32
      %get3A_76 = arith.index_cast %mul3A_75 : i32 to index
      %get3A_77 = arith.constant 0 : index
      %get3A_78 = vector.load %arg4[%get3A_76, %get3A_77] : memref<2048x128xbf16, #tpu.memory_space<vmem>>, vector<64x128xbf16>
      %mul3A_79 = arith.constant 64 : i32
      %mul3A_80 = arith.muli %get3A_73, %mul3A_79 : i32
      %get3A_81 = arith.index_cast %mul3A_80 : i32 to index
      %get3A_82 = arith.constant 0 : index
      %get3A_83 = vector.load %arg5[%get3A_81, %get3A_82] : memref<2048x128xbf16, #tpu.memory_space<vmem>>, vector<64x128xbf16>
      %get3A_84 = arith.index_cast %get3A_73 : i32 to index
      %get3A_85 = arith.constant 0 : index
      %get3A_86 = arith.constant 0 : index
      %get3A_87 = vector.load %arg7[%get3A_84, %get3A_85, %get3A_86] : memref<32x128x128xbf16, #tpu.memory_space<vmem>>, vector<1x128x128xbf16>
      %squeeze3A_88 = vector.shape_cast %get3A_87 : vector<1x128x128xbf16> to vector<128x128xbf16>
      %convert_element_type3A_89 = arith.extf %squeeze3A_88 : vector<128x128xbf16> to vector<128x128xf32>
      %sub3A_90 = arith.subf %sub3A_63, %convert_element_type3A_89 : vector<128x128xf32>
      %get3A_91 = arith.index_cast %get3A_73 : i32 to index
      %get3A_92 = arith.constant 0 : index
      %get3A_93 = arith.constant 0 : index
      %get3A_94 = vector.load %arg8[%get3A_91, %get3A_92, %get3A_93] : memref<32x1x128xf32, #tpu.memory_space<vmem>>, vector<1x1x128xf32>
      %get3A_95 = vector.shape_cast %get3A_94 : vector<1x1x128xf32> to vector<1x128xf32>
      %sub3A_96 = arith.subf %sub3A_69, %get3A_95 : vector<1x128xf32>
      %get3A_97 = arith.index_cast %arg0 : i32 to index
      %get3A_98 = arith.index_cast %add3A_13 : i32 to index
      %get3A_99 = arith.constant 3 : index
      %get3A_100 = memref.load %arg2[%get3A_97, %get3A_98, %get3A_99] : memref<8x16x4xi32, #tpu.memory_space<smem>>
      %mul3A_101 = arith.constant 64 : i32
      %mul3A_102 = arith.muli %get3A_100, %mul3A_101 : i32
      %get3A_103 = arith.index_cast %mul3A_102 : i32 to index
      %get3A_104 = arith.constant 0 : index
      %get3A_105 = vector.load %arg4[%get3A_103, %get3A_104] : memref<2048x128xbf16, #tpu.memory_space<vmem>>, vector<64x128xbf16>
      %mul3A_106 = arith.constant 64 : i32
      %mul3A_107 = arith.muli %get3A_100, %mul3A_106 : i32
      %get3A_108 = arith.index_cast %mul3A_107 : i32 to index
      %get3A_109 = arith.constant 0 : index
      %get3A_110 = vector.load %arg5[%get3A_108, %get3A_109] : memref<2048x128xbf16, #tpu.memory_space<vmem>>, vector<64x128xbf16>
      %get3A_111 = arith.index_cast %get3A_100 : i32 to index
      %get3A_112 = arith.constant 0 : index
      %get3A_113 = arith.constant 0 : index
      %get3A_114 = vector.load %arg7[%get3A_111, %get3A_112, %get3A_113] : memref<32x128x128xbf16, #tpu.memory_space<vmem>>, vector<1x128x128xbf16>
      %squeeze3A_115 = vector.shape_cast %get3A_114 : vector<1x128x128xbf16> to vector<128x128xbf16>
      %convert_element_type3A_116 = arith.extf %squeeze3A_115 : vector<128x128xbf16> to vector<128x128xf32>
      %sub3A_117 = arith.subf %sub3A_90, %convert_element_type3A_116 : vector<128x128xf32>
      %get3A_118 = arith.index_cast %get3A_100 : i32 to index
      %get3A_119 = arith.constant 0 : index
      %get3A_120 = arith.constant 0 : index
      %get3A_121 = vector.load %arg8[%get3A_118, %get3A_119, %get3A_120] : memref<32x1x128xf32, #tpu.memory_space<vmem>>, vector<1x1x128xf32>
      %get3A_122 = vector.shape_cast %get3A_121 : vector<1x1x128xf32> to vector<1x128xf32>
      %sub3A_123 = arith.subf %sub3A_96, %get3A_122 : vector<1x128xf32>
      %concatenate3A = tpu.concatenate %get3A_25, %get3A_51, %get3A_78, %get3A_105 in 0 : vector<64x128xbf16>, vector<64x128xbf16>, vector<64x128xbf16>, vector<64x128xbf16> -> vector<256x128xbf16>
      %concatenate3A_124 = tpu.concatenate %get3A_30, %get3A_56, %get3A_83, %get3A_110 in 0 : vector<64x128xbf16>, vector<64x128xbf16>, vector<64x128xbf16>, vector<64x128xbf16> -> vector<256x128xbf16>
      %dot_general3A = arith.constant dense<0.000000e+00> : vector<128x256xf32>
      %dot_general3A_125 = tpu.matmul %get3A_16, %concatenate3A, %dot_general3A {dimension_numbers = #tpu.dot_dimension_numbers<[1], [1], [0], [0], [0, 0, 1, 0], [], []>, transpose_lhs_hint = false} : vector<128x128xbf16>, vector<256x128xbf16>, vector<128x256xf32> -> vector<128x256xf32>
      %mul3A_126 = arith.constant 0.0883883461 : f32
      %mul3A_127 = vector.broadcast %mul3A_126 : f32 to vector<128x256xf32>
      %mul3A_128 = arith.mulf %dot_general3A_125, %mul3A_127 : vector<128x256xf32>
      %reduce_max3A = arith.constant dense<0xFF800000> : vector<128xf32>
      %reduce_max3A_129 = vector.multi_reduction <maximumf>, %mul3A_128, %reduce_max3A [1] : vector<128x256xf32> to vector<128xf32>
      %broadcast_in_dim3A = vector.shape_cast %reduce_max3A_129 : vector<128xf32> to vector<128x1xf32>
      %sub3A_130 = vector.broadcast %broadcast_in_dim3A : vector<128x1xf32> to vector<128x256xf32>
      %sub3A_131 = arith.subf %mul3A_128, %sub3A_130 : vector<128x256xf32>
      %exp3A = math.exp %sub3A_131 : vector<128x256xf32>
      %reduce_sum3A = arith.constant dense<0.000000e+00> : vector<128xf32>
      %reduce_sum3A_132 = vector.multi_reduction <add>, %exp3A, %reduce_sum3A [1] : vector<128x256xf32> to vector<128xf32>
      %broadcast_in_dim3A_133 = vector.shape_cast %reduce_sum3A_132 : vector<128xf32> to vector<128x1xf32>
      %div3A = vector.broadcast %broadcast_in_dim3A_133 : vector<128x1xf32> to vector<128x256xf32>
      %div3A_134 = arith.divf %exp3A, %div3A : vector<128x256xf32>
      %convert_element_type3A_135 = arith.truncf %div3A_134 : vector<128x256xf32> to vector<128x256xbf16>
      %dot_general3A_136 = arith.constant dense<0.000000e+00> : vector<128x128xf32>
      %dot_general3A_137 = tpu.matmul %convert_element_type3A_135, %concatenate3A_124, %dot_general3A_136 {dimension_numbers = #tpu.dot_dimension_numbers<[1], [0], [0], [1], [0, 0, 1, 1], [], []>, transpose_lhs_hint = false} : vector<128x256xbf16>, vector<256x128xbf16>, vector<128x128xf32> -> vector<128x128xf32>
      %convert_element_type3A_138 = arith.extf %get3A_16 : vector<128x128xbf16> to vector<128x128xf32>
      %reduce_max3A_139 = arith.constant dense<0xFF800000> : vector<128xf32>
      %reduce_max3A_140 = vector.multi_reduction <maximumf>, %convert_element_type3A_138, %reduce_max3A_139 [1] : vector<128x128xf32> to vector<128xf32>
      %max3A = arith.constant 0xFF800000 : f32
      %max3A_141 = vector.broadcast %max3A : f32 to vector<128xf32>
      %max3A_142 = arith.maximumf %max3A_141, %reduce_max3A_140 : vector<128xf32>
      %broadcast_in_dim3A_143 = vector.shape_cast %max3A_142 : vector<128xf32> to vector<128x1xf32>
      %sub3A_144 = vector.broadcast %broadcast_in_dim3A_143 : vector<128x1xf32> to vector<128x128xf32>
      %sub3A_145 = arith.subf %convert_element_type3A_138, %sub3A_144 : vector<128x128xf32>
      %exp3A_146 = math.exp %sub3A_145 : vector<128x128xf32>
      %reduce_sum3A_147 = arith.constant dense<0.000000e+00> : vector<128xf32>
      %reduce_sum3A_148 = vector.multi_reduction <add>, %exp3A_146, %reduce_sum3A_147 [1] : vector<128x128xf32> to vector<128xf32>
      %broadcast_in_dim3A_149 = vector.shape_cast %reduce_sum3A_148 : vector<128xf32> to vector<128x1xf32>
      %div3A_150 = vector.broadcast %broadcast_in_dim3A_149 : vector<128x1xf32> to vector<128x128xf32>
      %div3A_151 = arith.divf %exp3A_146, %div3A_150 : vector<128x128xf32>
      %convert_element_type3A_152 = arith.truncf %div3A_151 : vector<128x128xf32> to vector<128x128xbf16>
      %convert_element_type3A_153 = arith.truncf %sub3A_117 : vector<128x128xf32> to vector<128x128xbf16>
      %dot_general3A_154 = arith.constant dense<0.000000e+00> : vector<128x128xf32>
      %dot_general3A_155 = tpu.matmul %convert_element_type3A_152, %convert_element_type3A_153, %dot_general3A_154 {dimension_numbers = #tpu.dot_dimension_numbers<[1], [0], [0], [1], [0, 0, 1, 1], [], []>, transpose_lhs_hint = false} : vector<128x128xbf16>, vector<128x128xbf16>, vector<128x128xf32> -> vector<128x128xf32>
      %mul3A_156 = vector.broadcast %sub3A_123 : vector<1x128xf32> to vector<128x128xf32>
      %mul3A_157 = arith.mulf %div3A_151, %mul3A_156 : vector<128x128xf32>
      %reduce_sum3A_158 = arith.constant dense<0.000000e+00> : vector<128xf32>
      %reduce_sum3A_159 = vector.multi_reduction <add>, %mul3A_157, %reduce_sum3A_158 [1] : vector<128x128xf32> to vector<128xf32>
      %broadcast_in_dim3A_160 = vector.shape_cast %reduce_sum3A_159 : vector<128xf32> to vector<128x1xf32>
      %add3A_161 = arith.constant 9.99999997E-7 : f32
      %add3A_162 = vector.broadcast %add3A_161 : f32 to vector<128x1xf32>
      %add3A_163 = arith.addf %broadcast_in_dim3A_160, %add3A_162 : vector<128x1xf32>
      %div3A_164 = vector.broadcast %add3A_163 : vector<128x1xf32> to vector<128x128xf32>
      %div3A_165 = arith.divf %dot_general3A_155, %div3A_164 : vector<128x128xf32>
      %add3A_166 = arith.addf %dot_general3A_137, %div3A_165 : vector<128x128xf32>
      %convert_element_type3A_167 = arith.truncf %add3A_166 : vector<128x128xf32> to vector<128x128xbf16>
      %swap3A = arith.constant 0 : index
      %swap3A_168 = arith.constant 0 : index
      %swap3A_169 = arith.constant 0 : index
      %swap3A_170 = vector.load %arg6[%swap3A, %swap3A_168, %swap3A_169] : memref<1x2048x128xbf16, #tpu.memory_space<vmem>>, vector<1x128x128xbf16>
      %swap3A_171 = vector.shape_cast %swap3A_170 : vector<1x128x128xbf16> to vector<128x128xbf16>
      %swap3A_172 = vector.shape_cast %convert_element_type3A_167 : vector<128x128xbf16> to vector<1x128x128xbf16>
      tpu.vector_store %arg6[%swap3A, %swap3A_168, %swap3A_169], %swap3A_172 {strides = array<i32>} : memref<1x2048x128xbf16, #tpu.memory_space<vmem>>, vector<1x128x128xbf16>,
      %sub3A_173 = arith.constant 1 : i32
      %sub3A_174 = arith.subi %arg1, %sub3A_173 : i32
      %mul3A_175 = arith.constant 16 : i32
      %mul3A_176 = arith.muli %sub3A_174, %mul3A_175 : i32
      %add3A_177 = arith.constant 1 : i32
      %add3A_178 = arith.addi %mul3A_176, %add3A_177 : i32
      %get3A_179 = arith.constant 128 : index
      %get3A_180 = arith.constant 0 : index
      %get3A_181 = vector.load %arg3[%get3A_179, %get3A_180] : memref<2048x128xbf16, #tpu.memory_space<vmem>>, vector<128x128xbf16>
      %get3A_182 = arith.index_cast %arg0 : i32 to index
      %get3A_183 = arith.index_cast %add3A_178 : i32 to index
      %get3A_184 = arith.constant 0 : index
      %get3A_185 = memref.load %arg2[%get3A_182, %get3A_183, %get3A_184] : memref<8x16x4xi32, #tpu.memory_space<smem>>
      %mul3A_186 = arith.constant 64 : i32
      %mul3A_187 = arith.muli %get3A_185, %mul3A_186 : i32
      %get3A_188 = arith.index_cast %mul3A_187 : i32 to index
      %get3A_189 = arith.constant 0 : index
      %get3A_190 = vector.load %arg4[%get3A_188, %get3A_189] : memref<2048x128xbf16, #tpu.memory_space<vmem>>, vector<64x128xbf16>
      %mul3A_191 = arith.constant 64 : i32
      %mul3A_192 = arith.muli %get3A_185, %mul3A_191 : i32
      %get3A_193 = arith.index_cast %mul3A_192 : i32 to index
      %get3A_194 = arith.constant 0 : index
      %get3A_195 = vector.load %arg5[%get3A_193, %get3A_194] : memref<2048x128xbf16, #tpu.memory_space<vmem>>, vector<64x128xbf16>
      %get3A_196 = arith.index_cast %get3A_185 : i32 to index
      %get3A_197 = arith.constant 0 : index
      %get3A_198 = arith.constant 0 : index
      %get3A_199 = vector.load %arg7[%get3A_196, %get3A_197, %get3A_198] : memref<32x128x128xbf16, #tpu.memory_space<vmem>>, vector<1x128x128xbf16>
      %squeeze3A_200 = vector.shape_cast %get3A_199 : vector<1x128x128xbf16> to vector<128x128xbf16>
      %convert_element_type3A_201 = arith.extf %squeeze3A_200 : vector<128x128xbf16> to vector<128x128xf32>
      %sub3A_202 = arith.subf %get3A_7, %convert_element_type3A_201 : vector<128x128xf32>
      %get3A_203 = arith.index_cast %get3A_185 : i32 to index
      %get3A_204 = arith.constant 0 : index
      %get3A_205 = arith.constant 0 : index
      %get3A_206 = vector.load %arg8[%get3A_203, %get3A_204, %get3A_205] : memref<32x1x128xf32, #tpu.memory_space<vmem>>, vector<1x1x128xf32>
      %get3A_207 = vector.shape_cast %get3A_206 : vector<1x1x128xf32> to vector<1x128xf32>
      %sub3A_208 = arith.subf %get3A_10, %get3A_207 : vector<1x128xf32>
      %get3A_209 = arith.index_cast %arg0 : i32 to index
      %get3A_210 = arith.index_cast %add3A_178 : i32 to index
      %get3A_211 = arith.constant 1 : index
      %get3A_212 = memref.load %arg2[%get3A_209, %get3A_210, %get3A_211] : memref<8x16x4xi32, #tpu.memory_space<smem>>
      %mul3A_213 = arith.constant 64 : i32
      %mul3A_214 = arith.muli %get3A_212, %mul3A_213 : i32
      %get3A_215 = arith.index_cast %mul3A_214 : i32 to index
      %get3A_216 = arith.constant 0 : index
      %get3A_217 = vector.load %arg4[%get3A_215, %get3A_216] : memref<2048x128xbf16, #tpu.memory_space<vmem>>, vector<64x128xbf16>
      %mul3A_218 = arith.constant 64 : i32
      %mul3A_219 = arith.muli %get3A_212, %mul3A_218 : i32
      %get3A_220 = arith.index_cast %mul3A_219 : i32 to index
      %get3A_221 = arith.constant 0 : index
      %get3A_222 = vector.load %arg5[%get3A_220, %get3A_221] : memref<2048x128xbf16, #tpu.memory_space<vmem>>, vector<64x128xbf16>
      %get3A_223 = arith.index_cast %get3A_212 : i32 to index
      %get3A_224 = arith.constant 0 : index
      %get3A_225 = arith.constant 0 : index
      %get3A_226 = vector.load %arg7[%get3A_223, %get3A_224, %get3A_225] : memref<32x128x128xbf16, #tpu.memory_space<vmem>>, vector<1x128x128xbf16>
      %squeeze3A_227 = vector.shape_cast %get3A_226 : vector<1x128x128xbf16> to vector<128x128xbf16>
      %convert_element_type3A_228 = arith.extf %squeeze3A_227 : vector<128x128xbf16> to vector<128x128xf32>
      %sub3A_229 = arith.subf %sub3A_202, %convert_element_type3A_228 : vector<128x128xf32>
      %get3A_230 = arith.index_cast %get3A_212 : i32 to index
      %get3A_231 = arith.constant 0 : index
      %get3A_232 = arith.constant 0 : index
      %get3A_233 = vector.load %arg8[%get3A_230, %get3A_231, %get3A_232] : memref<32x1x128xf32, #tpu.memory_space<vmem>>, vector<1x1x128xf32>
      %get3A_234 = vector.shape_cast %get3A_233 : vector<1x1x128xf32> to vector<1x128xf32>
      %sub3A_235 = arith.subf %sub3A_208, %get3A_234 : vector<1x128xf32>
      %get3A_236 = arith.index_cast %arg0 : i32 to index
      %get3A_237 = arith.index_cast %add3A_178 : i32 to index
      %get3A_238 = arith.constant 2 : index
      %get3A_239 = memref.load %arg2[%get3A_236, %get3A_237, %get3A_238] : memref<8x16x4xi32, #tpu.memory_space<smem>>
      %mul3A_240 = arith.constant 64 : i32
      %mul3A_241 = arith.muli %get3A_239, %mul3A_240 : i32
      %get3A_242 = arith.index_cast %mul3A_241 : i32 to index
      %get3A_243 = arith.constant 0 : index
      %get3A_244 = vector.load %arg4[%get3A_242, %get3A_243] : memref<2048x128xbf16, #tpu.memory_space<vmem>>, vector<64x128xbf16>
      %mul3A_245 = arith.constant 64 : i32
      %mul3A_246 = arith.muli %get3A_239, %mul3A_245 : i32
      %get3A_247 = arith.index_cast %mul3A_246 : i32 to index
      %get3A_248 = arith.constant 0 : index
      %get3A_249 = vector.load %arg5[%get3A_247, %get3A_248] : memref<2048x128xbf16, #tpu.memory_space<vmem>>, vector<64x128xbf16>
      %get3A_250 = arith.index_cast %get3A_239 : i32 to index
      %get3A_251 = arith.constant 0 : index
      %get3A_252 = arith.constant 0 : index
      %get3A_253 = vector.load %arg7[%get3A_250, %get3A_251, %get3A_252] : memref<32x128x128xbf16, #tpu.memory_space<vmem>>, vector<1x128x128xbf16>
      %squeeze3A_254 = vector.shape_cast %get3A_253 : vector<1x128x128xbf16> to vector<128x128xbf16>
      %convert_element_type3A_255 = arith.extf %squeeze3A_254 : vector<128x128xbf16> to vector<128x128xf32>
      %sub3A_256 = arith.subf %sub3A_229, %convert_element_type3A_255 : vector<128x128xf32>
      %get3A_257 = arith.index_cast %get3A_239 : i32 to index
      %get3A_258 = arith.constant 0 : index
      %get3A_259 = arith.constant 0 : index
      %get3A_260 = vector.load %arg8[%get3A_257, %get3A_258, %get3A_259] : memref<32x1x128xf32, #tpu.memory_space<vmem>>, vector<1x1x128xf32>
      %get3A_261 = vector.shape_cast %get3A_260 : vector<1x1x128xf32> to vector<1x128xf32>
      %sub3A_262 = arith.subf %sub3A_235, %get3A_261 : vector<1x128xf32>
      %get3A_263 = arith.index_cast %arg0 : i32 to index
      %get3A_264 = arith.index_cast %add3A_178 : i32 to index
      %get3A_265 = arith.constant 3 : index
      %get3A_266 = memref.load %arg2[%get3A_263, %get3A_264, %get3A_265] : memref<8x16x4xi32, #tpu.memory_space<smem>>
      %mul3A_267 = arith.constant 64 : i32
      %mul3A_268 = arith.muli %get3A_266, %mul3A_267 : i32
      %get3A_269 = arith.index_cast %mul3A_268 : i32 to index
      %get3A_270 = arith.constant 0 : index
      %get3A_271 = vector.load %arg4[%get3A_269, %get3A_270] : memref<2048x128xbf16, #tpu.memory_space<vmem>>, vector<64x128xbf16>
      %mul3A_272 = arith.constant 64 : i32
      %mul3A_273 = arith.muli %get3A_266, %mul3A_272 : i32
      %get3A_274 = arith.index_cast %mul3A_273 : i32 to index
      %get3A_275 = arith.constant 0 : index
      %get3A_276 = vector.load %arg5[%get3A_274, %get3A_275] : memref<2048x128xbf16, #tpu.memory_space<vmem>>, vector<64x128xbf16>
      %get3A_277 = arith.index_cast %get3A_266 : i32 to index
      %get3A_278 = arith.constant 0 : index
      %get3A_279 = arith.constant 0 : index
      %get3A_280 = vector.load %arg7[%get3A_277, %get3A_278, %get3A_279] : memref<32x128x128xbf16, #tpu.memory_space<vmem>>, vector<1x128x128xbf16>
      %squeeze3A_281 = vector.shape_cast %get3A_280 : vector<1x128x128xbf16> to vector<128x128xbf16>
      %convert_element_type3A_282 = arith.extf %squeeze3A_281 : vector<128x128xbf16> to vector<128x128xf32>
      %sub3A_283 = arith.subf %sub3A_256, %convert_element_type3A_282 : vector<128x128xf32>
      %get3A_284 = arith.index_cast %get3A_266 : i32 to index
      %get3A_285 = arith.constant 0 : index
      %get3A_286 = arith.constant 0 : index
      %get3A_287 = vector.load %arg8[%get3A_284, %get3A_285, %get3A_286] : memref<32x1x128xf32, #tpu.memory_space<vmem>>, vector<1x1x128xf32>
      %get3A_288 = vector.shape_cast %get3A_287 : vector<1x1x128xf32> to vector<1x128xf32>
      %sub3A_289 = arith.subf %sub3A_262, %get3A_288 : vector<1x128xf32>
      %concatenate3A_290 = tpu.concatenate %get3A_190, %get3A_217, %get3A_244, %get3A_271 in 0 : vector<64x128xbf16>, vector<64x128xbf16>, vector<64x128xbf16>, vector<64x128xbf16> -> vector<256x128xbf16>
      %concatenate3A_291 = tpu.concatenate %get3A_195, %get3A_222, %get3A_249, %get3A_276 in 0 : vector<64x128xbf16>, vector<64x128xbf16>, vector<64x128xbf16>, vector<64x128xbf16> -> vector<256x128xbf16>
      %dot_general3A_292 = arith.constant dense<0.000000e+00> : vector<128x256xf32>
      %dot_general3A_293 = tpu.matmul %get3A_181, %concatenate3A_290, %dot_general3A_292 {dimension_numbers = #tpu.dot_dimension_numbers<[1], [1], [0], [0], [0, 0, 1, 0], [], []>, transpose_lhs_hint = false} : vector<128x128xbf16>, vector<256x128xbf16>, vector<128x256xf32> -> vector<128x256xf32>
      %mul3A_294 = arith.constant 0.0883883461 : f32
      %mul3A_295 = vector.broadcast %mul3A_294 : f32 to vector<128x256xf32>
      %mul3A_296 = arith.mulf %dot_general3A_293, %mul3A_295 : vector<128x256xf32>
      %reduce_max3A_297 = arith.constant dense<0xFF800000> : vector<128xf32>
      %reduce_max3A_298 = vector.multi_reduction <maximumf>, %mul3A_296, %reduce_max3A_297 [1] : vector<128x256xf32> to vector<128xf32>
      %broadcast_in_dim3A_299 = vector.shape_cast %reduce_max3A_298 : vector<128xf32> to vector<128x1xf32>
      %sub3A_300 = vector.broadcast %broadcast_in_dim3A_299 : vector<128x1xf32> to vector<128x256xf32>
      %sub3A_301 = arith.subf %mul3A_296, %sub3A_300 : vector<128x256xf32>
      %exp3A_302 = math.exp %sub3A_301 : vector<128x256xf32>
      %reduce_sum3A_303 = arith.constant dense<0.000000e+00> : vector<128xf32>
      %reduce_sum3A_304 = vector.multi_reduction <add>, %exp3A_302, %reduce_sum3A_303 [1] : vector<128x256xf32> to vector<128xf32>
      %broadcast_in_dim3A_305 = vector.shape_cast %reduce_sum3A_304 : vector<128xf32> to vector<128x1xf32>
      %div3A_306 = vector.broadcast %broadcast_in_dim3A_305 : vector<128x1xf32> to vector<128x256xf32>
      %div3A_307 = arith.divf %exp3A_302, %div3A_306 : vector<128x256xf32>
      %convert_element_type3A_308 = arith.truncf %div3A_307 : vector<128x256xf32> to vector<128x256xbf16>
      %dot_general3A_309 = arith.constant dense<0.000000e+00> : vector<128x128xf32>
      %dot_general3A_310 = tpu.matmul %convert_element_type3A_308, %concatenate3A_291, %dot_general3A_309 {dimension_numbers = #tpu.dot_dimension_numbers<[1], [0], [0], [1], [0, 0, 1, 1], [], []>, transpose_lhs_hint = false} : vector<128x256xbf16>, vector<256x128xbf16>, vector<128x128xf32> -> vector<128x128xf32>
      %convert_element_type3A_311 = arith.extf %get3A_181 : vector<128x128xbf16> to vector<128x128xf32>
      %reduce_max3A_312 = arith.constant dense<0xFF800000> : vector<128xf32>
      %reduce_max3A_313 = vector.multi_reduction <maximumf>, %convert_element_type3A_311, %reduce_max3A_312 [1] : vector<128x128xf32> to vector<128xf32>
      %max3A_314 = arith.constant 0xFF800000 : f32
      %max3A_315 = vector.broadcast %max3A_314 : f32 to vector<128xf32>
      %max3A_316 = arith.maximumf %max3A_315, %reduce_max3A_313 : vector<128xf32>
      %broadcast_in_dim3A_317 = vector.shape_cast %max3A_316 : vector<128xf32> to vector<128x1xf32>
      %sub3A_318 = vector.broadcast %broadcast_in_dim3A_317 : vector<128x1xf32> to vector<128x128xf32>
      %sub3A_319 = arith.subf %convert_element_type3A_311, %sub3A_318 : vector<128x128xf32>
      %exp3A_320 = math.exp %sub3A_319 : vector<128x128xf32>
      %reduce_sum3A_321 = arith.constant dense<0.000000e+00> : vector<128xf32>
      %reduce_sum3A_322 = vector.multi_reduction <add>, %exp3A_320, %reduce_sum3A_321 [1] : vector<128x128xf32> to vector<128xf32>
      %broadcast_in_dim3A_323 = vector.shape_cast %reduce_sum3A_322 : vector<128xf32> to vector<128x1xf32>
      %div3A_324 = vector.broadcast %broadcast_in_dim3A_323 : vector<128x1xf32> to vector<128x128xf32>
      %div3A_325 = arith.divf %exp3A_320, %div3A_324 : vector<128x128xf32>
      %convert_element_type3A_326 = arith.truncf %div3A_325 : vector<128x128xf32> to vector<128x128xbf16>
      %convert_element_type3A_327 = arith.truncf %sub3A_283 : vector<128x128xf32> to vector<128x128xbf16>
      %dot_general3A_328 = arith.constant dense<0.000000e+00> : vector<128x128xf32>
      %dot_general3A_329 = tpu.matmul %convert_element_type3A_326, %convert_element_type3A_327, %dot_general3A_328 {dimension_numbers = #tpu.dot_dimension_numbers<[1], [0], [0], [1], [0, 0, 1, 1], [], []>, transpose_lhs_hint = false} : vector<128x128xbf16>, vector<128x128xbf16>, vector<128x128xf32> -> vector<128x128xf32>
      %mul3A_330 = vector.broadcast %sub3A_289 : vector<1x128xf32> to vector<128x128xf32>
      %mul3A_331 = arith.mulf %div3A_325, %mul3A_330 : vector<128x128xf32>
      %reduce_sum3A_332 = arith.constant dense<0.000000e+00> : vector<128xf32>
      %reduce_sum3A_333 = vector.multi_reduction <add>, %mul3A_331, %reduce_sum3A_332 [1] : vector<128x128xf32> to vector<128xf32>
      %broadcast_in_dim3A_334 = vector.shape_cast %reduce_sum3A_333 : vector<128xf32> to vector<128x1xf32>
      %add3A_335 = arith.constant 9.99999997E-7 : f32
      %add3A_336 = vector.broadcast %add3A_335 : f32 to vector<128x1xf32>
      %add3A_337 = arith.addf %broadcast_in_dim3A_334, %add3A_336 : vector<128x1xf32>
      %div3A_338 = vector.broadcast %add3A_337 : vector<128x1xf32> to vector<128x128xf32>
      %div3A_339 = arith.divf %dot_general3A_329, %div3A_338 : vector<128x128xf32>
      %add3A_340 = arith.addf %dot_general3A_310, %div3A_339 : vector<128x128xf32>
      %convert_element_type3A_341 = arith.truncf %add3A_340 : vector<128x128xf32> to vector<128x128xbf16>
      %swap3A_342 = arith.constant 0 : index
      %swap3A_343 = arith.constant 128 : index
      %swap3A_344 = arith.constant 0 : index
      %swap3A_345 = vector.load %arg6[%swap3A_342, %swap3A_343, %swap3A_344] : memref<1x2048x128xbf16, #tpu.memory_space<vmem>>, vector<1x128x128xbf16>
      %swap3A_346 = vector.shape_cast %swap3A_345 : vector<1x128x128xbf16> to vector<128x128xbf16>
      %swap3A_347 = vector.shape_cast %convert_element_type3A_341 : vector<128x128xbf16> to vector<1x128x128xbf16>
      tpu.vector_store %arg6[%swap3A_342, %swap3A_343, %swap3A_344], %swap3A_347 {strides = array<i32>} : memref<1x2048x128xbf16, #tpu.memory_space<vmem>>, vector<1x128x128xbf16>,
      %sub3A_348 = arith.constant 1 : i32
      %sub3A_349 = arith.subi %arg1, %sub3A_348 : i32
      %mul3A_350 = arith.constant 16 : i32
      %mul3A_351 = arith.muli %sub3A_349, %mul3A_350 : i32
      %add3A_352 = arith.constant 2 : i32
      %add3A_353 = arith.addi %mul3A_351, %add3A_352 : i32
      %get3A_354 = arith.constant 256 : index
      %get3A_355 = arith.constant 0 : index
      %get3A_356 = vector.load %arg3[%get3A_354, %get3A_355] : memref<2048x128xbf16, #tpu.memory_space<vmem>>, vector<128x128xbf16>
      %get3A_357 = arith.index_cast %arg0 : i32 to index
      %get3A_358 = arith.index_cast %add3A_353 : i32 to index
      %get3A_359 = arith.constant 0 : index
      %get3A_360 = memref.load %arg2[%get3A_357, %get3A_358, %get3A_359] : memref<8x16x4xi32, #tpu.memory_space<smem>>
      %mul3A_361 = arith.constant 64 : i32
      %mul3A_362 = arith.muli %get3A_360, %mul3A_361 : i32
      %get3A_363 = arith.index_cast %mul3A_362 : i32 to index
      %get3A_364 = arith.constant 0 : index
      %get3A_365 = vector.load %arg4[%get3A_363, %get3A_364] : memref<2048x128xbf16, #tpu.memory_space<vmem>>, vector<64x128xbf16>
      %mul3A_366 = arith.constant 64 : i32
      %mul3A_367 = arith.muli %get3A_360, %mul3A_366 : i32
      %get3A_368 = arith.index_cast %mul3A_367 : i32 to index
      %get3A_369 = arith.constant 0 : index
      %get3A_370 = vector.load %arg5[%get3A_368, %get3A_369] : memref<2048x128xbf16, #tpu.memory_space<vmem>>, vector<64x128xbf16>
      %get3A_371 = arith.index_cast %get3A_360 : i32 to index
      %get3A_372 = arith.constant 0 : index
      %get3A_373 = arith.constant 0 : index
      %get3A_374 = vector.load %arg7[%get3A_371, %get3A_372, %get3A_373] : memref<32x128x128xbf16, #tpu.memory_space<vmem>>, vector<1x128x128xbf16>
      %squeeze3A_375 = vector.shape_cast %get3A_374 : vector<1x128x128xbf16> to vector<128x128xbf16>
      %convert_element_type3A_376 = arith.extf %squeeze3A_375 : vector<128x128xbf16> to vector<128x128xf32>
      %sub3A_377 = arith.subf %get3A_7, %convert_element_type3A_376 : vector<128x128xf32>
      %get3A_378 = arith.index_cast %get3A_360 : i32 to index
      %get3A_379 = arith.constant 0 : index
      %get3A_380 = arith.constant 0 : index
      %get3A_381 = vector.load %arg8[%get3A_378, %get3A_379, %get3A_380] : memref<32x1x128xf32, #tpu.memory_space<vmem>>, vector<1x1x128xf32>
      %get3A_382 = vector.shape_cast %get3A_381 : vector<1x1x128xf32> to vector<1x128xf32>
      %sub3A_383 = arith.subf %get3A_10, %get3A_382 : vector<1x128xf32>
      %get3A_384 = arith.index_cast %arg0 : i32 to index
      %get3A_385 = arith.index_cast %add3A_353 : i32 to index
      %get3A_386 = arith.constant 1 : index
      %get3A_387 = memref.load %arg2[%get3A_384, %get3A_385, %get3A_386] : memref<8x16x4xi32, #tpu.memory_space<smem>>
      %mul3A_388 = arith.constant 64 : i32
      %mul3A_389 = arith.muli %get3A_387, %mul3A_388 : i32
      %get3A_390 = arith.index_cast %mul3A_389 : i32 to index
      %get3A_391 = arith.constant 0 : index
      %get3A_392 = vector.load %arg4[%get3A_390, %get3A_391] : memref<2048x128xbf16, #tpu.memory_space<vmem>>, vector<64x128xbf16>
      %mul3A_393 = arith.constant 64 : i32
      %mul3A_394 = arith.muli %get3A_387, %mul3A_393 : i32
      %get3A_395 = arith.index_cast %mul3A_394 : i32 to index
      %get3A_396 = arith.constant 0 : index
      %get3A_397 = vector.load %arg5[%get3A_395, %get3A_396] : memref<2048x128xbf16, #tpu.memory_space<vmem>>, vector<64x128xbf16>
      %get3A_398 = arith.index_cast %get3A_387 : i32 to index
      %get3A_399 = arith.constant 0 : index
      %get3A_400 = arith.constant 0 : index
      %get3A_401 = vector.load %arg7[%get3A_398, %get3A_399, %get3A_400] : memref<32x128x128xbf16, #tpu.memory_space<vmem>>, vector<1x128x128xbf16>
      %squeeze3A_402 = vector.shape_cast %get3A_401 : vector<1x128x128xbf16> to vector<128x128xbf16>
      %convert_element_type3A_403 = arith.extf %squeeze3A_402 : vector<128x128xbf16> to vector<128x128xf32>
      %sub3A_404 = arith.subf %sub3A_377, %convert_element_type3A_403 : vector<128x128xf32>
      %get3A_405 = arith.index_cast %get3A_387 : i32 to index
      %get3A_406 = arith.constant 0 : index
      %get3A_407 = arith.constant 0 : index
      %get3A_408 = vector.load %arg8[%get3A_405, %get3A_406, %get3A_407] : memref<32x1x128xf32, #tpu.memory_space<vmem>>, vector<1x1x128xf32>
      %get3A_409 = vector.shape_cast %get3A_408 : vector<1x1x128xf32> to vector<1x128xf32>
      %sub3A_410 = arith.subf %sub3A_383, %get3A_409 : vector<1x128xf32>
      %get3A_411 = arith.index_cast %arg0 : i32 to index
      %get3A_412 = arith.index_cast %add3A_353 : i32 to index
      %get3A_413 = arith.constant 2 : index
      %get3A_414 = memref.load %arg2[%get3A_411, %get3A_412, %get3A_413] : memref<8x16x4xi32, #tpu.memory_space<smem>>
      %mul3A_415 = arith.constant 64 : i32
      %mul3A_416 = arith.muli %get3A_414, %mul3A_415 : i32
      %get3A_417 = arith.index_cast %mul3A_416 : i32 to index
      %get3A_418 = arith.constant 0 : index
      %get3A_419 = vector.load %arg4[%get3A_417, %get3A_418] : memref<2048x128xbf16, #tpu.memory_space<vmem>>, vector<64x128xbf16>
      %mul3A_420 = arith.constant 64 : i32
      %mul3A_421 = arith.muli %get3A_414, %mul3A_420 : i32
      %get3A_422 = arith.index_cast %mul3A_421 : i32 to index
      %get3A_423 = arith.constant 0 : index
      %get3A_424 = vector.load %arg5[%get3A_422, %get3A_423] : memref<2048x128xbf16, #tpu.memory_space<vmem>>, vector<64x128xbf16>
      %get3A_425 = arith.index_cast %get3A_414 : i32 to index
      %get3A_426 = arith.constant 0 : index
      %get3A_427 = arith.constant 0 : index
      %get3A_428 = vector.load %arg7[%get3A_425, %get3A_426, %get3A_427] : memref<32x128x128xbf16, #tpu.memory_space<vmem>>, vector<1x128x128xbf16>
      %squeeze3A_429 = vector.shape_cast %get3A_428 : vector<1x128x128xbf16> to vector<128x128xbf16>
      %convert_element_type3A_430 = arith.extf %squeeze3A_429 : vector<128x128xbf16> to vector<128x128xf32>
      %sub3A_431 = arith.subf %sub3A_404, %convert_element_type3A_430 : vector<128x128xf32>
      %get3A_432 = arith.index_cast %get3A_414 : i32 to index
      %get3A_433 = arith.constant 0 : index
      %get3A_434 = arith.constant 0 : index
      %get3A_435 = vector.load %arg8[%get3A_432, %get3A_433, %get3A_434] : memref<32x1x128xf32, #tpu.memory_space<vmem>>, vector<1x1x128xf32>
      %get3A_436 = vector.shape_cast %get3A_435 : vector<1x1x128xf32> to vector<1x128xf32>
      %sub3A_437 = arith.subf %sub3A_410, %get3A_436 : vector<1x128xf32>
      %get3A_438 = arith.index_cast %arg0 : i32 to index
      %get3A_439 = arith.index_cast %add3A_353 : i32 to index
      %get3A_440 = arith.constant 3 : index
      %get3A_441 = memref.load %arg2[%get3A_438, %get3A_439, %get3A_440] : memref<8x16x4xi32, #tpu.memory_space<smem>>
      %mul3A_442 = arith.constant 64 : i32
      %mul3A_443 = arith.muli %get3A_441, %mul3A_442 : i32
      %get3A_444 = arith.index_cast %mul3A_443 : i32 to index
      %get3A_445 = arith.constant 0 : index
      %get3A_446 = vector.load %arg4[%get3A_444, %get3A_445] : memref<2048x128xbf16, #tpu.memory_space<vmem>>, vector<64x128xbf16>
      %mul3A_447 = arith.constant 64 : i32
      %mul3A_448 = arith.muli %get3A_441, %mul3A_447 : i32
      %get3A_449 = arith.index_cast %mul3A_448 : i32 to index
      %get3A_450 = arith.constant 0 : index
      %get3A_451 = vector.load %arg5[%get3A_449, %get3A_450] : memref<2048x128xbf16, #tpu.memory_space<vmem>>, vector<64x128xbf16>
      %get3A_452 = arith.index_cast %get3A_441 : i32 to index
      %get3A_453 = arith.constant 0 : index
      %get3A_454 = arith.constant 0 : index
      %get3A_455 = vector.load %arg7[%get3A_452, %get3A_453, %get3A_454] : memref<32x128x128xbf16, #tpu.memory_space<vmem>>, vector<1x128x128xbf16>
      %squeeze3A_456 = vector.shape_cast %get3A_455 : vector<1x128x128xbf16> to vector<128x128xbf16>
      %convert_element_type3A_457 = arith.extf %squeeze3A_456 : vector<128x128xbf16> to vector<128x128xf32>
      %sub3A_458 = arith.subf %sub3A_431, %convert_element_type3A_457 : vector<128x128xf32>
      %get3A_459 = arith.index_cast %get3A_441 : i32 to index
      %get3A_460 = arith.constant 0 : index
      %get3A_461 = arith.constant 0 : index
      %get3A_462 = vector.load %arg8[%get3A_459, %get3A_460, %get3A_461] : memref<32x1x128xf32, #tpu.memory_space<vmem>>, vector<1x1x128xf32>
      %get3A_463 = vector.shape_cast %get3A_462 : vector<1x1x128xf32> to vector<1x128xf32>
      %sub3A_464 = arith.subf %sub3A_437, %get3A_463 : vector<1x128xf32>
      %concatenate3A_465 = tpu.concatenate %get3A_365, %get3A_392, %get3A_419, %get3A_446 in 0 : vector<64x128xbf16>, vector<64x128xbf16>, vector<64x128xbf16>, vector<64x128xbf16> -> vector<256x128xbf16>
      %concatenate3A_466 = tpu.concatenate %get3A_370, %get3A_397, %get3A_424, %get3A_451 in 0 : vector<64x128xbf16>, vector<64x128xbf16>, vector<64x128xbf16>, vector<64x128xbf16> -> vector<256x128xbf16>
      %dot_general3A_467 = arith.constant dense<0.000000e+00> : vector<128x256xf32>
      %dot_general3A_468 = tpu.matmul %get3A_356, %concatenate3A_465, %dot_general3A_467 {dimension_numbers = #tpu.dot_dimension_numbers<[1], [1], [0], [0], [0, 0, 1, 0], [], []>, transpose_lhs_hint = false} : vector<128x128xbf16>, vector<256x128xbf16>, vector<128x256xf32> -> vector<128x256xf32>
      %mul3A_469 = arith.constant 0.0883883461 : f32
      %mul3A_470 = vector.broadcast %mul3A_469 : f32 to vector<128x256xf32>
      %mul3A_471 = arith.mulf %dot_general3A_468, %mul3A_470 : vector<128x256xf32>
      %reduce_max3A_472 = arith.constant dense<0xFF800000> : vector<128xf32>
      %reduce_max3A_473 = vector.multi_reduction <maximumf>, %mul3A_471, %reduce_max3A_472 [1] : vector<128x256xf32> to vector<128xf32>
      %broadcast_in_dim3A_474 = vector.shape_cast %reduce_max3A_473 : vector<128xf32> to vector<128x1xf32>
      %sub3A_475 = vector.broadcast %broadcast_in_dim3A_474 : vector<128x1xf32> to vector<128x256xf32>
      %sub3A_476 = arith.subf %mul3A_471, %sub3A_475 : vector<128x256xf32>
      %exp3A_477 = math.exp %sub3A_476 : vector<128x256xf32>
      %reduce_sum3A_478 = arith.constant dense<0.000000e+00> : vector<128xf32>
      %reduce_sum3A_479 = vector.multi_reduction <add>, %exp3A_477, %reduce_sum3A_478 [1] : vector<128x256xf32> to vector<128xf32>
      %broadcast_in_dim3A_480 = vector.shape_cast %reduce_sum3A_479 : vector<128xf32> to vector<128x1xf32>
      %div3A_481 = vector.broadcast %broadcast_in_dim3A_480 : vector<128x1xf32> to vector<128x256xf32>
      %div3A_482 = arith.divf %exp3A_477, %div3A_481 : vector<128x256xf32>
      %convert_element_type3A_483 = arith.truncf %div3A_482 : vector<128x256xf32> to vector<128x256xbf16>
      %dot_general3A_484 = arith.constant dense<0.000000e+00> : vector<128x128xf32>
      %dot_general3A_485 = tpu.matmul %convert_element_type3A_483, %concatenate3A_466, %dot_general3A_484 {dimension_numbers = #tpu.dot_dimension_numbers<[1], [0], [0], [1], [0, 0, 1, 1], [], []>, transpose_lhs_hint = false} : vector<128x256xbf16>, vector<256x128xbf16>, vector<128x128xf32> -> vector<128x128xf32>
      %convert_element_type3A_486 = arith.extf %get3A_356 : vector<128x128xbf16> to vector<128x128xf32>
      %reduce_max3A_487 = arith.constant dense<0xFF800000> : vector<128xf32>
      %reduce_max3A_488 = vector.multi_reduction <maximumf>, %convert_element_type3A_486, %reduce_max3A_487 [1] : vector<128x128xf32> to vector<128xf32>
      %max3A_489 = arith.constant 0xFF800000 : f32
      %max3A_490 = vector.broadcast %max3A_489 : f32 to vector<128xf32>
      %max3A_491 = arith.maximumf %max3A_490, %reduce_max3A_488 : vector<128xf32>
      %broadcast_in_dim3A_492 = vector.shape_cast %max3A_491 : vector<128xf32> to vector<128x1xf32>
      %sub3A_493 = vector.broadcast %broadcast_in_dim3A_492 : vector<128x1xf32> to vector<128x128xf32>
      %sub3A_494 = arith.subf %convert_element_type3A_486, %sub3A_493 : vector<128x128xf32>
      %exp3A_495 = math.exp %sub3A_494 : vector<128x128xf32>
      %reduce_sum3A_496 = arith.constant dense<0.000000e+00> : vector<128xf32>
      %reduce_sum3A_497 = vector.multi_reduction <add>, %exp3A_495, %reduce_sum3A_496 [1] : vector<128x128xf32> to vector<128xf32>
      %broadcast_in_dim3A_498 = vector.shape_cast %reduce_sum3A_497 : vector<128xf32> to vector<128x1xf32>
      %div3A_499 = vector.broadcast %broadcast_in_dim3A_498 : vector<128x1xf32> to vector<128x128xf32>
      %div3A_500 = arith.divf %exp3A_495, %div3A_499 : vector<128x128xf32>
      %convert_element_type3A_501 = arith.truncf %div3A_500 : vector<128x128xf32> to vector<128x128xbf16>
      %convert_element_type3A_502 = arith.truncf %sub3A_458 : vector<128x128xf32> to vector<128x128xbf16>
      %dot_general3A_503 = arith.constant dense<0.000000e+00> : vector<128x128xf32>
      %dot_general3A_504 = tpu.matmul %convert_element_type3A_501, %convert_element_type3A_502, %dot_general3A_503 {dimension_numbers = #tpu.dot_dimension_numbers<[1], [0], [0], [1], [0, 0, 1, 1], [], []>, transpose_lhs_hint = false} : vector<128x128xbf16>, vector<128x128xbf16>, vector<128x128xf32> -> vector<128x128xf32>
      %mul3A_505 = vector.broadcast %sub3A_464 : vector<1x128xf32> to vector<128x128xf32>
      %mul3A_506 = arith.mulf %div3A_500, %mul3A_505 : vector<128x128xf32>
      %reduce_sum3A_507 = arith.constant dense<0.000000e+00> : vector<128xf32>
      %reduce_sum3A_508 = vector.multi_reduction <add>, %mul3A_506, %reduce_sum3A_507 [1] : vector<128x128xf32> to vector<128xf32>
      %broadcast_in_dim3A_509 = vector.shape_cast %reduce_sum3A_508 : vector<128xf32> to vector<128x1xf32>
      %add3A_510 = arith.constant 9.99999997E-7 : f32
      %add3A_511 = vector.broadcast %add3A_510 : f32 to vector<128x1xf32>
      %add3A_512 = arith.addf %broadcast_in_dim3A_509, %add3A_511 : vector<128x1xf32>
      %div3A_513 = vector.broadcast %add3A_512 : vector<128x1xf32> to vector<128x128xf32>
      %div3A_514 = arith.divf %dot_general3A_504, %div3A_513 : vector<128x128xf32>
      %add3A_515 = arith.addf %dot_general3A_485, %div3A_514 : vector<128x128xf32>
      %convert_element_type3A_516 = arith.truncf %add3A_515 : vector<128x128xf32> to vector<128x128xbf16>
      %swap3A_517 = arith.constant 0 : index
      %swap3A_518 = arith.constant 256 : index
      %swap3A_519 = arith.constant 0 : index
      %swap3A_520 = vector.load %arg6[%swap3A_517, %swap3A_518, %swap3A_519] : memref<1x2048x128xbf16, #tpu.memory_space<vmem>>, vector<1x128x128xbf16>
      %swap3A_521 = vector.shape_cast %swap3A_520 : vector<1x128x128xbf16> to vector<128x128xbf16>
      %swap3A_522 = vector.shape_cast %convert_element_type3A_516 : vector<128x128xbf16> to vector<1x128x128xbf16>
      tpu.vector_store %arg6[%swap3A_517, %swap3A_518, %swap3A_519], %swap3A_522 {strides = array<i32>} : memref<1x2048x128xbf16, #tpu.memory_space<vmem>>, vector<1x128x128xbf16>,
      %sub3A_523 = arith.constant 1 : i32
      %sub3A_524 = arith.subi %arg1, %sub3A_523 : i32
      %mul3A_525 = arith.constant 16 : i32
      %mul3A_526 = arith.muli %sub3A_524, %mul3A_525 : i32
      %add3A_527 = arith.constant 3 : i32
      %add3A_528 = arith.addi %mul3A_526, %add3A_527 : i32
      %get3A_529 = arith.constant 384 : index
      %get3A_530 = arith.constant 0 : index
      %get3A_531 = vector.load %arg3[%get3A_529, %get3A_530] : memref<2048x128xbf16, #tpu.memory_space<vmem>>, vector<128x128xbf16>
      %get3A_532 = arith.index_cast %arg0 : i32 to index
      %get3A_533 = arith.index_cast %add3A_528 : i32 to index
      %get3A_534 = arith.constant 0 : index
      %get3A_535 = memref.load %arg2[%get3A_532, %get3A_533, %get3A_534] : memref<8x16x4xi32, #tpu.memory_space<smem>>
      %mul3A_536 = arith.constant 64 : i32
      %mul3A_537 = arith.muli %get3A_535, %mul3A_536 : i32
      %get3A_538 = arith.index_cast %mul3A_537 : i32 to index
      %get3A_539 = arith.constant 0 : index
      %get3A_540 = vector.load %arg4[%get3A_538, %get3A_539] : memref<2048x128xbf16, #tpu.memory_space<vmem>>, vector<64x128xbf16>
      %mul3A_541 = arith.constant 64 : i32
      %mul3A_542 = arith.muli %get3A_535, %mul3A_541 : i32
      %get3A_543 = arith.index_cast %mul3A_542 : i32 to index
      %get3A_544 = arith.constant 0 : index
      %get3A_545 = vector.load %arg5[%get3A_543, %get3A_544] : memref<2048x128xbf16, #tpu.memory_space<vmem>>, vector<64x128xbf16>
      %get3A_546 = arith.index_cast %get3A_535 : i32 to index
      %get3A_547 = arith.constant 0 : index
      %get3A_548 = arith.constant 0 : index
      %get3A_549 = vector.load %arg7[%get3A_546, %get3A_547, %get3A_548] : memref<32x128x128xbf16, #tpu.memory_space<vmem>>, vector<1x128x128xbf16>
      %squeeze3A_550 = vector.shape_cast %get3A_549 : vector<1x128x128xbf16> to vector<128x128xbf16>
      %convert_element_type3A_551 = arith.extf %squeeze3A_550 : vector<128x128xbf16> to vector<128x128xf32>
      %sub3A_552 = arith.subf %get3A_7, %convert_element_type3A_551 : vector<128x128xf32>
      %get3A_553 = arith.index_cast %get3A_535 : i32 to index
      %get3A_554 = arith.constant 0 : index
      %get3A_555 = arith.constant 0 : index
      %get3A_556 = vector.load %arg8[%get3A_553, %get3A_554, %get3A_555] : memref<32x1x128xf32, #tpu.memory_space<vmem>>, vector<1x1x128xf32>
      %get3A_557 = vector.shape_cast %get3A_556 : vector<1x1x128xf32> to vector<1x128xf32>
      %sub3A_558 = arith.subf %get3A_10, %get3A_557 : vector<1x128xf32>
      %get3A_559 = arith.index_cast %arg0 : i32 to index
      %get3A_560 = arith.index_cast %add3A_528 : i32 to index
      %get3A_561 = arith.constant 1 : index
      %get3A_562 = memref.load %arg2[%get3A_559, %get3A_560, %get3A_561] : memref<8x16x4xi32, #tpu.memory_space<smem>>
      %mul3A_563 = arith.constant 64 : i32
      %mul3A_564 = arith.muli %get3A_562, %mul3A_563 : i32
      %get3A_565 = arith.index_cast %mul3A_564 : i32 to index
      %get3A_566 = arith.constant 0 : index
      %get3A_567 = vector.load %arg4[%get3A_565, %get3A_566] : memref<2048x128xbf16, #tpu.memory_space<vmem>>, vector<64x128xbf16>
      %mul3A_568 = arith.constant 64 : i32
      %mul3A_569 = arith.muli %get3A_562, %mul3A_568 : i32
      %get3A_570 = arith.index_cast %mul3A_569 : i32 to index
      %get3A_571 = arith.constant 0 : index
      %get3A_572 = vector.load %arg5[%get3A_570, %get3A_571] : memref<2048x128xbf16, #tpu.memory_space<vmem>>, vector<64x128xbf16>
      %get3A_573 = arith.index_cast %get3A_562 : i32 to index
      %get3A_574 = arith.constant 0 : index
      %get3A_575 = arith.constant 0 : index
      %get3A_576 = vector.load %arg7[%get3A_573, %get3A_574, %get3A_575] : memref<32x128x128xbf16, #tpu.memory_space<vmem>>, vector<1x128x128xbf16>
      %squeeze3A_577 = vector.shape_cast %get3A_576 : vector<1x128x128xbf16> to vector<128x128xbf16>
      %convert_element_type3A_578 = arith.extf %squeeze3A_577 : vector<128x128xbf16> to vector<128x128xf32>
      %sub3A_579 = arith.subf %sub3A_552, %convert_element_type3A_578 : vector<128x128xf32>
      %get3A_580 = arith.index_cast %get3A_562 : i32 to index
      %get3A_581 = arith.constant 0 : index
      %get3A_582 = arith.constant 0 : index
      %get3A_583 = vector.load %arg8[%get3A_580, %get3A_581, %get3A_582] : memref<32x1x128xf32, #tpu.memory_space<vmem>>, vector<1x1x128xf32>
      %get3A_584 = vector.shape_cast %get3A_583 : vector<1x1x128xf32> to vector<1x128xf32>
      %sub3A_585 = arith.subf %sub3A_558, %get3A_584 : vector<1x128xf32>
      %get3A_586 = arith.index_cast %arg0 : i32 to index
      %get3A_587 = arith.index_cast %add3A_528 : i32 to index
      %get3A_588 = arith.constant 2 : index
      %get3A_589 = memref.load %arg2[%get3A_586, %get3A_587, %get3A_588] : memref<8x16x4xi32, #tpu.memory_space<smem>>
      %mul3A_590 = arith.constant 64 : i32
      %mul3A_591 = arith.muli %get3A_589, %mul3A_590 : i32
      %get3A_592 = arith.index_cast %mul3A_591 : i32 to index
      %get3A_593 = arith.constant 0 : index
      %get3A_594 = vector.load %arg4[%get3A_592, %get3A_593] : memref<2048x128xbf16, #tpu.memory_space<vmem>>, vector<64x128xbf16>
      %mul3A_595 = arith.constant 64 : i32
      %mul3A_596 = arith.muli %get3A_589, %mul3A_595 : i32
      %get3A_597 = arith.index_cast %mul3A_596 : i32 to index
      %get3A_598 = arith.constant 0 : index
      %get3A_599 = vector.load %arg5[%get3A_597, %get3A_598] : memref<2048x128xbf16, #tpu.memory_space<vmem>>, vector<64x128xbf16>
      %get3A_600 = arith.index_cast %get3A_589 : i32 to index
      %get3A_601 = arith.constant 0 : index
      %get3A_602 = arith.constant 0 : index
      %get3A_603 = vector.load %arg7[%get3A_600, %get3A_601, %get3A_602] : memref<32x128x128xbf16, #tpu.memory_space<vmem>>, vector<1x128x128xbf16>
      %squeeze3A_604 = vector.shape_cast %get3A_603 : vector<1x128x128xbf16> to vector<128x128xbf16>
      %convert_element_type3A_605 = arith.extf %squeeze3A_604 : vector<128x128xbf16> to vector<128x128xf32>
      %sub3A_606 = arith.subf %sub3A_579, %convert_element_type3A_605 : vector<128x128xf32>
      %get3A_607 = arith.index_cast %get3A_589 : i32 to index
      %get3A_608 = arith.constant 0 : index
      %get3A_609 = arith.constant 0 : index
      %get3A_610 = vector.load %arg8[%get3A_607, %get3A_608, %get3A_609] : memref<32x1x128xf32, #tpu.memory_space<vmem>>, vector<1x1x128xf32>
      %get3A_611 = vector.shape_cast %get3A_610 : vector<1x1x128xf32> to vector<1x128xf32>
      %sub3A_612 = arith.subf %sub3A_585, %get3A_611 : vector<1x128xf32>
      %get3A_613 = arith.index_cast %arg0 : i32 to index
      %get3A_614 = arith.index_cast %add3A_528 : i32 to index
      %get3A_615 = arith.constant 3 : index
      %get3A_616 = memref.load %arg2[%get3A_613, %get3A_614, %get3A_615] : memref<8x16x4xi32, #tpu.memory_space<smem>>
      %mul3A_617 = arith.constant 64 : i32
      %mul3A_618 = arith.muli %get3A_616, %mul3A_617 : i32
      %get3A_619 = arith.index_cast %mul3A_618 : i32 to index
      %get3A_620 = arith.constant 0 : index
      %get3A_621 = vector.load %arg4[%get3A_619, %get3A_620] : memref<2048x128xbf16, #tpu.memory_space<vmem>>, vector<64x128xbf16>
      %mul3A_622 = arith.constant 64 : i32
      %mul3A_623 = arith.muli %get3A_616, %mul3A_622 : i32
      %get3A_624 = arith.index_cast %mul3A_623 : i32 to index
      %get3A_625 = arith.constant 0 : index
      %get3A_626 = vector.load %arg5[%get3A_624, %get3A_625] : memref<2048x128xbf16, #tpu.memory_space<vmem>>, vector<64x128xbf16>
      %get3A_627 = arith.index_cast %get3A_616 : i32 to index
      %get3A_628 = arith.constant 0 : index
      %get3A_629 = arith.constant 0 : index
      %get3A_630 = vector.load %arg7[%get3A_627, %get3A_628, %get3A_629] : memref<32x128x128xbf16, #tpu.memory_space<vmem>>, vector<1x128x128xbf16>
      %squeeze3A_631 = vector.shape_cast %get3A_630 : vector<1x128x128xbf16> to vector<128x128xbf16>
      %convert_element_type3A_632 = arith.extf %squeeze3A_631 : vector<128x128xbf16> to vector<128x128xf32>
      %sub3A_633 = arith.subf %sub3A_606, %convert_element_type3A_632 : vector<128x128xf32>
      %get3A_634 = arith.index_cast %get3A_616 : i32 to index
      %get3A_635 = arith.constant 0 : index
      %get3A_636 = arith.constant 0 : index
      %get3A_637 = vector.load %arg8[%get3A_634, %get3A_635, %get3A_636] : memref<32x1x128xf32, #tpu.memory_space<vmem>>, vector<1x1x128xf32>
      %get3A_638 = vector.shape_cast %get3A_637 : vector<1x1x128xf32> to vector<1x128xf32>
      %sub3A_639 = arith.subf %sub3A_612, %get3A_638 : vector<1x128xf32>
      %concatenate3A_640 = tpu.concatenate %get3A_540, %get3A_567, %get3A_594, %get3A_621 in 0 : vector<64x128xbf16>, vector<64x128xbf16>, vector<64x128xbf16>, vector<64x128xbf16> -> vector<256x128xbf16>
      %concatenate3A_641 = tpu.concatenate %get3A_545, %get3A_572, %get3A_599, %get3A_626 in 0 : vector<64x128xbf16>, vector<64x128xbf16>, vector<64x128xbf16>, vector<64x128xbf16> -> vector<256x128xbf16>
      %dot_general3A_642 = arith.constant dense<0.000000e+00> : vector<128x256xf32>
      %dot_general3A_643 = tpu.matmul %get3A_531, %concatenate3A_640, %dot_general3A_642 {dimension_numbers = #tpu.dot_dimension_numbers<[1], [1], [0], [0], [0, 0, 1, 0], [], []>, transpose_lhs_hint = false} : vector<128x128xbf16>, vector<256x128xbf16>, vector<128x256xf32> -> vector<128x256xf32>
      %mul3A_644 = arith.constant 0.0883883461 : f32
      %mul3A_645 = vector.broadcast %mul3A_644 : f32 to vector<128x256xf32>
      %mul3A_646 = arith.mulf %dot_general3A_643, %mul3A_645 : vector<128x256xf32>
      %reduce_max3A_647 = arith.constant dense<0xFF800000> : vector<128xf32>
      %reduce_max3A_648 = vector.multi_reduction <maximumf>, %mul3A_646, %reduce_max3A_647 [1] : vector<128x256xf32> to vector<128xf32>
      %broadcast_in_dim3A_649 = vector.shape_cast %reduce_max3A_648 : vector<128xf32> to vector<128x1xf32>
      %sub3A_650 = vector.broadcast %broadcast_in_dim3A_649 : vector<128x1xf32> to vector<128x256xf32>
      %sub3A_651 = arith.subf %mul3A_646, %sub3A_650 : vector<128x256xf32>
      %exp3A_652 = math.exp %sub3A_651 : vector<128x256xf32>
      %reduce_sum3A_653 = arith.constant dense<0.000000e+00> : vector<128xf32>
      %reduce_sum3A_654 = vector.multi_reduction <add>, %exp3A_652, %reduce_sum3A_653 [1] : vector<128x256xf32> to vector<128xf32>
      %broadcast_in_dim3A_655 = vector.shape_cast %reduce_sum3A_654 : vector<128xf32> to vector<128x1xf32>
      %div3A_656 = vector.broadcast %broadcast_in_dim3A_655 : vector<128x1xf32> to vector<128x256xf32>
      %div3A_657 = arith.divf %exp3A_652, %div3A_656 : vector<128x256xf32>
      %convert_element_type3A_658 = arith.truncf %div3A_657 : vector<128x256xf32> to vector<128x256xbf16>
      %dot_general3A_659 = arith.constant dense<0.000000e+00> : vector<128x128xf32>
      %dot_general3A_660 = tpu.matmul %convert_element_type3A_658, %concatenate3A_641, %dot_general3A_659 {dimension_numbers = #tpu.dot_dimension_numbers<[1], [0], [0], [1], [0, 0, 1, 1], [], []>, transpose_lhs_hint = false} : vector<128x256xbf16>, vector<256x128xbf16>, vector<128x128xf32> -> vector<128x128xf32>
      %convert_element_type3A_661 = arith.extf %get3A_531 : vector<128x128xbf16> to vector<128x128xf32>
      %reduce_max3A_662 = arith.constant dense<0xFF800000> : vector<128xf32>
      %reduce_max3A_663 = vector.multi_reduction <maximumf>, %convert_element_type3A_661, %reduce_max3A_662 [1] : vector<128x128xf32> to vector<128xf32>
      %max3A_664 = arith.constant 0xFF800000 : f32
      %max3A_665 = vector.broadcast %max3A_664 : f32 to vector<128xf32>
      %max3A_666 = arith.maximumf %max3A_665, %reduce_max3A_663 : vector<128xf32>
      %broadcast_in_dim3A_667 = vector.shape_cast %max3A_666 : vector<128xf32> to vector<128x1xf32>
      %sub3A_668 = vector.broadcast %broadcast_in_dim3A_667 : vector<128x1xf32> to vector<128x128xf32>
      %sub3A_669 = arith.subf %convert_element_type3A_661, %sub3A_668 : vector<128x128xf32>
      %exp3A_670 = math.exp %sub3A_669 : vector<128x128xf32>
      %reduce_sum3A_671 = arith.constant dense<0.000000e+00> : vector<128xf32>
      %reduce_sum3A_672 = vector.multi_reduction <add>, %exp3A_670, %reduce_sum3A_671 [1] : vector<128x128xf32> to vector<128xf32>
      %broadcast_in_dim3A_673 = vector.shape_cast %reduce_sum3A_672 : vector<128xf32> to vector<128x1xf32>
      %div3A_674 = vector.broadcast %broadcast_in_dim3A_673 : vector<128x1xf32> to vector<128x128xf32>
      %div3A_675 = arith.divf %exp3A_670, %div3A_674 : vector<128x128xf32>
      %convert_element_type3A_676 = arith.truncf %div3A_675 : vector<128x128xf32> to vector<128x128xbf16>
      %convert_element_type3A_677 = arith.truncf %sub3A_633 : vector<128x128xf32> to vector<128x128xbf16>
      %dot_general3A_678 = arith.constant dense<0.000000e+00> : vector<128x128xf32>
      %dot_general3A_679 = tpu.matmul %convert_element_type3A_676, %convert_element_type3A_677, %dot_general3A_678 {dimension_numbers = #tpu.dot_dimension_numbers<[1], [0], [0], [1], [0, 0, 1, 1], [], []>, transpose_lhs_hint = false} : vector<128x128xbf16>, vector<128x128xbf16>, vector<128x128xf32> -> vector<128x128xf32>
      %mul3A_680 = vector.broadcast %sub3A_639 : vector<1x128xf32> to vector<128x128xf32>
      %mul3A_681 = arith.mulf %div3A_675, %mul3A_680 : vector<128x128xf32>
      %reduce_sum3A_682 = arith.constant dense<0.000000e+00> : vector<128xf32>
      %reduce_sum3A_683 = vector.multi_reduction <add>, %mul3A_681, %reduce_sum3A_682 [1] : vector<128x128xf32> to vector<128xf32>
      %broadcast_in_dim3A_684 = vector.shape_cast %reduce_sum3A_683 : vector<128xf32> to vector<128x1xf32>
      %add3A_685 = arith.constant 9.99999997E-7 : f32
      %add3A_686 = vector.broadcast %add3A_685 : f32 to vector<128x1xf32>
      %add3A_687 = arith.addf %broadcast_in_dim3A_684, %add3A_686 : vector<128x1xf32>
      %div3A_688 = vector.broadcast %add3A_687 : vector<128x1xf32> to vector<128x128xf32>
      %div3A_689 = arith.divf %dot_general3A_679, %div3A_688 : vector<128x128xf32>
      %add3A_690 = arith.addf %dot_general3A_660, %div3A_689 : vector<128x128xf32>
      %convert_element_type3A_691 = arith.truncf %add3A_690 : vector<128x128xf32> to vector<128x128xbf16>
      %swap3A_692 = arith.constant 0 : index
      %swap3A_693 = arith.constant 384 : index
      %swap3A_694 = arith.constant 0 : index
      %swap3A_695 = vector.load %arg6[%swap3A_692, %swap3A_693, %swap3A_694] : memref<1x2048x128xbf16, #tpu.memory_space<vmem>>, vector<1x128x128xbf16>
      %swap3A_696 = vector.shape_cast %swap3A_695 : vector<1x128x128xbf16> to vector<128x128xbf16>
      %swap3A_697 = vector.shape_cast %convert_element_type3A_691 : vector<128x128xbf16> to vector<1x128x128xbf16>
      tpu.vector_store %arg6[%swap3A_692, %swap3A_693, %swap3A_694], %swap3A_697 {strides = array<i32>} : memref<1x2048x128xbf16, #tpu.memory_space<vmem>>, vector<1x128x128xbf16>,
      %sub3A_698 = arith.constant 1 : i32
      %sub3A_699 = arith.subi %arg1, %sub3A_698 : i32
      %mul3A_700 = arith.constant 16 : i32
      %mul3A_701 = arith.muli %sub3A_699, %mul3A_700 : i32
      %add3A_702 = arith.constant 4 : i32
      %add3A_703 = arith.addi %mul3A_701, %add3A_702 : i32
      %get3A_704 = arith.constant 512 : index
      %get3A_705 = arith.constant 0 : index
      %get3A_706 = vector.load %arg3[%get3A_704, %get3A_705] : memref<2048x128xbf16, #tpu.memory_space<vmem>>, vector<128x128xbf16>
      %get3A_707 = arith.index_cast %arg0 : i32 to index
      %get3A_708 = arith.index_cast %add3A_703 : i32 to index
      %get3A_709 = arith.constant 0 : index
      %get3A_710 = memref.load %arg2[%get3A_707, %get3A_708, %get3A_709] : memref<8x16x4xi32, #tpu.memory_space<smem>>
      %mul3A_711 = arith.constant 64 : i32
      %mul3A_712 = arith.muli %get3A_710, %mul3A_711 : i32
      %get3A_713 = arith.index_cast %mul3A_712 : i32 to index
      %get3A_714 = arith.constant 0 : index
      %get3A_715 = vector.load %arg4[%get3A_713, %get3A_714] : memref<2048x128xbf16, #tpu.memory_space<vmem>>, vector<64x128xbf16>
      %mul3A_716 = arith.constant 64 : i32
      %mul3A_717 = arith.muli %get3A_710, %mul3A_716 : i32
      %get3A_718 = arith.index_cast %mul3A_717 : i32 to index
      %get3A_719 = arith.constant 0 : index
      %get3A_720 = vector.load %arg5[%get3A_718, %get3A_719] : memref<2048x128xbf16, #tpu.memory_space<vmem>>, vector<64x128xbf16>
      %get3A_721 = arith.index_cast %get3A_710 : i32 to index
      %get3A_722 = arith.constant 0 : index
      %get3A_723 = arith.constant 0 : index
      %get3A_724 = vector.load %arg7[%get3A_721, %get3A_722, %get3A_723] : memref<32x128x128xbf16, #tpu.memory_space<vmem>>, vector<1x128x128xbf16>
      %squeeze3A_725 = vector.shape_cast %get3A_724 : vector<1x128x128xbf16> to vector<128x128xbf16>
      %convert_element_type3A_726 = arith.extf %squeeze3A_725 : vector<128x128xbf16> to vector<128x128xf32>
      %sub3A_727 = arith.subf %get3A_7, %convert_element_type3A_726 : vector<128x128xf32>
      %get3A_728 = arith.index_cast %get3A_710 : i32 to index
      %get3A_729 = arith.constant 0 : index
      %get3A_730 = arith.constant 0 : index
      %get3A_731 = vector.load %arg8[%get3A_728, %get3A_729, %get3A_730] : memref<32x1x128xf32, #tpu.memory_space<vmem>>, vector<1x1x128xf32>
      %get3A_732 = vector.shape_cast %get3A_731 : vector<1x1x128xf32> to vector<1x128xf32>
      %sub3A_733 = arith.subf %get3A_10, %get3A_732 : vector<1x128xf32>
      %get3A_734 = arith.index_cast %arg0 : i32 to index
      %get3A_735 = arith.index_cast %add3A_703 : i32 to index
      %get3A_736 = arith.constant 1 : index
      %get3A_737 = memref.load %arg2[%get3A_734, %get3A_735, %get3A_736] : memref<8x16x4xi32, #tpu.memory_space<smem>>
      %mul3A_738 = arith.constant 64 : i32
      %mul3A_739 = arith.muli %get3A_737, %mul3A_738 : i32
      %get3A_740 = arith.index_cast %mul3A_739 : i32 to index
      %get3A_741 = arith.constant 0 : index
      %get3A_742 = vector.load %arg4[%get3A_740, %get3A_741] : memref<2048x128xbf16, #tpu.memory_space<vmem>>, vector<64x128xbf16>
      %mul3A_743 = arith.constant 64 : i32
      %mul3A_744 = arith.muli %get3A_737, %mul3A_743 : i32
      %get3A_745 = arith.index_cast %mul3A_744 : i32 to index
      %get3A_746 = arith.constant 0 : index
      %get3A_747 = vector.load %arg5[%get3A_745, %get3A_746] : memref<2048x128xbf16, #tpu.memory_space<vmem>>, vector<64x128xbf16>
      %get3A_748 = arith.index_cast %get3A_737 : i32 to index
      %get3A_749 = arith.constant 0 : index
      %get3A_750 = arith.constant 0 : index
      %get3A_751 = vector.load %arg7[%get3A_748, %get3A_749, %get3A_750] : memref<32x128x128xbf16, #tpu.memory_space<vmem>>, vector<1x128x128xbf16>
      %squeeze3A_752 = vector.shape_cast %get3A_751 : vector<1x128x128xbf16> to vector<128x128xbf16>
      %convert_element_type3A_753 = arith.extf %squeeze3A_752 : vector<128x128xbf16> to vector<128x128xf32>
      %sub3A_754 = arith.subf %sub3A_727, %convert_element_type3A_753 : vector<128x128xf32>
      %get3A_755 = arith.index_cast %get3A_737 : i32 to index
      %get3A_756 = arith.constant 0 : index
      %get3A_757 = arith.constant 0 : index
      %get3A_758 = vector.load %arg8[%get3A_755, %get3A_756, %get3A_757] : memref<32x1x128xf32, #tpu.memory_space<vmem>>, vector<1x1x128xf32>
      %get3A_759 = vector.shape_cast %get3A_758 : vector<1x1x128xf32> to vector<1x128xf32>
      %sub3A_760 = arith.subf %sub3A_733, %get3A_759 : vector<1x128xf32>
      %get3A_761 = arith.index_cast %arg0 : i32 to index
      %get3A_762 = arith.index_cast %add3A_703 : i32 to index
      %get3A_763 = arith.constant 2 : index
      %get3A_764 = memref.load %arg2[%get3A_761, %get3A_762, %get3A_763] : memref<8x16x4xi32, #tpu.memory_space<smem>>
      %mul3A_765 = arith.constant 64 : i32
      %mul3A_766 = arith.muli %get3A_764, %mul3A_765 : i32
      %get3A_767 = arith.index_cast %mul3A_766 : i32 to index
      %get3A_768 = arith.constant 0 : index
      %get3A_769 = vector.load %arg4[%get3A_767, %get3A_768] : memref<2048x128xbf16, #tpu.memory_space<vmem>>, vector<64x128xbf16>
      %mul3A_770 = arith.constant 64 : i32
      %mul3A_771 = arith.muli %get3A_764, %mul3A_770 : i32
      %get3A_772 = arith.index_cast %mul3A_771 : i32 to index
      %get3A_773 = arith.constant 0 : index
      %get3A_774 = vector.load %arg5[%get3A_772, %get3A_773] : memref<2048x128xbf16, #tpu.memory_space<vmem>>, vector<64x128xbf16>
      %get3A_775 = arith.index_cast %get3A_764 : i32 to index
      %get3A_776 = arith.constant 0 : index
      %get3A_777 = arith.constant 0 : index
      %get3A_778 = vector.load %arg7[%get3A_775, %get3A_776, %get3A_777] : memref<32x128x128xbf16, #tpu.memory_space<vmem>>, vector<1x128x128xbf16>
      %squeeze3A_779 = vector.shape_cast %get3A_778 : vector<1x128x128xbf16> to vector<128x128xbf16>
      %convert_element_type3A_780 = arith.extf %squeeze3A_779 : vector<128x128xbf16> to vector<128x128xf32>
      %sub3A_781 = arith.subf %sub3A_754, %convert_element_type3A_780 : vector<128x128xf32>
      %get3A_782 = arith.index_cast %get3A_764 : i32 to index
      %get3A_783 = arith.constant 0 : index
      %get3A_784 = arith.constant 0 : index
      %get3A_785 = vector.load %arg8[%get3A_782, %get3A_783, %get3A_784] : memref<32x1x128xf32, #tpu.memory_space<vmem>>, vector<1x1x128xf32>
      %get3A_786 = vector.shape_cast %get3A_785 : vector<1x1x128xf32> to vector<1x128xf32>
      %sub3A_787 = arith.subf %sub3A_760, %get3A_786 : vector<1x128xf32>
      %get3A_788 = arith.index_cast %arg0 : i32 to index
      %get3A_789 = arith.index_cast %add3A_703 : i32 to index
      %get3A_790 = arith.constant 3 : index
      %get3A_791 = memref.load %arg2[%get3A_788, %get3A_789, %get3A_790] : memref<8x16x4xi32, #tpu.memory_space<smem>>
      %mul3A_792 = arith.constant 64 : i32
      %mul3A_793 = arith.muli %get3A_791, %mul3A_792 : i32
      %get3A_794 = arith.index_cast %mul3A_793 : i32 to index
      %get3A_795 = arith.constant 0 : index
      %get3A_796 = vector.load %arg4[%get3A_794, %get3A_795] : memref<2048x128xbf16, #tpu.memory_space<vmem>>, vector<64x128xbf16>
      %mul3A_797 = arith.constant 64 : i32
      %mul3A_798 = arith.muli %get3A_791, %mul3A_797 : i32
      %get3A_799 = arith.index_cast %mul3A_798 : i32 to index
      %get3A_800 = arith.constant 0 : index
      %get3A_801 = vector.load %arg5[%get3A_799, %get3A_800] : memref<2048x128xbf16, #tpu.memory_space<vmem>>, vector<64x128xbf16>
      %get3A_802 = arith.index_cast %get3A_791 : i32 to index
      %get3A_803 = arith.constant 0 : index
      %get3A_804 = arith.constant 0 : index
      %get3A_805 = vector.load %arg7[%get3A_802, %get3A_803, %get3A_804] : memref<32x128x128xbf16, #tpu.memory_space<vmem>>, vector<1x128x128xbf16>
      %squeeze3A_806 = vector.shape_cast %get3A_805 : vector<1x128x128xbf16> to vector<128x128xbf16>
      %convert_element_type3A_807 = arith.extf %squeeze3A_806 : vector<128x128xbf16> to vector<128x128xf32>
      %sub3A_808 = arith.subf %sub3A_781, %convert_element_type3A_807 : vector<128x128xf32>
      %get3A_809 = arith.index_cast %get3A_791 : i32 to index
      %get3A_810 = arith.constant 0 : index
      %get3A_811 = arith.constant 0 : index
      %get3A_812 = vector.load %arg8[%get3A_809, %get3A_810, %get3A_811] : memref<32x1x128xf32, #tpu.memory_space<vmem>>, vector<1x1x128xf32>
      %get3A_813 = vector.shape_cast %get3A_812 : vector<1x1x128xf32> to vector<1x128xf32>
      %sub3A_814 = arith.subf %sub3A_787, %get3A_813 : vector<1x128xf32>
      %concatenate3A_815 = tpu.concatenate %get3A_715, %get3A_742, %get3A_769, %get3A_796 in 0 : vector<64x128xbf16>, vector<64x128xbf16>, vector<64x128xbf16>, vector<64x128xbf16> -> vector<256x128xbf16>
      %concatenate3A_816 = tpu.concatenate %get3A_720, %get3A_747, %get3A_774, %get3A_801 in 0 : vector<64x128xbf16>, vector<64x128xbf16>, vector<64x128xbf16>, vector<64x128xbf16> -> vector<256x128xbf16>
      %dot_general3A_817 = arith.constant dense<0.000000e+00> : vector<128x256xf32>
      %dot_general3A_818 = tpu.matmul %get3A_706, %concatenate3A_815, %dot_general3A_817 {dimension_numbers = #tpu.dot_dimension_numbers<[1], [1], [0], [0], [0, 0, 1, 0], [], []>, transpose_lhs_hint = false} : vector<128x128xbf16>, vector<256x128xbf16>, vector<128x256xf32> -> vector<128x256xf32>
      %mul3A_819 = arith.constant 0.0883883461 : f32
      %mul3A_820 = vector.broadcast %mul3A_819 : f32 to vector<128x256xf32>
      %mul3A_821 = arith.mulf %dot_general3A_818, %mul3A_820 : vector<128x256xf32>
      %reduce_max3A_822 = arith.constant dense<0xFF800000> : vector<128xf32>
      %reduce_max3A_823 = vector.multi_reduction <maximumf>, %mul3A_821, %reduce_max3A_822 [1] : vector<128x256xf32> to vector<128xf32>
      %broadcast_in_dim3A_824 = vector.shape_cast %reduce_max3A_823 : vector<128xf32> to vector<128x1xf32>
      %sub3A_825 = vector.broadcast %broadcast_in_dim3A_824 : vector<128x1xf32> to vector<128x256xf32>
      %sub3A_826 = arith.subf %mul3A_821, %sub3A_825 : vector<128x256xf32>
      %exp3A_827 = math.exp %sub3A_826 : vector<128x256xf32>
      %reduce_sum3A_828 = arith.constant dense<0.000000e+00> : vector<128xf32>
      %reduce_sum3A_829 = vector.multi_reduction <add>, %exp3A_827, %reduce_sum3A_828 [1] : vector<128x256xf32> to vector<128xf32>
      %broadcast_in_dim3A_830 = vector.shape_cast %reduce_sum3A_829 : vector<128xf32> to vector<128x1xf32>
      %div3A_831 = vector.broadcast %broadcast_in_dim3A_830 : vector<128x1xf32> to vector<128x256xf32>
      %div3A_832 = arith.divf %exp3A_827, %div3A_831 : vector<128x256xf32>
      %convert_element_type3A_833 = arith.truncf %div3A_832 : vector<128x256xf32> to vector<128x256xbf16>
      %dot_general3A_834 = arith.constant dense<0.000000e+00> : vector<128x128xf32>
      %dot_general3A_835 = tpu.matmul %convert_element_type3A_833, %concatenate3A_816, %dot_general3A_834 {dimension_numbers = #tpu.dot_dimension_numbers<[1], [0], [0], [1], [0, 0, 1, 1], [], []>, transpose_lhs_hint = false} : vector<128x256xbf16>, vector<256x128xbf16>, vector<128x128xf32> -> vector<128x128xf32>
      %convert_element_type3A_836 = arith.extf %get3A_706 : vector<128x128xbf16> to vector<128x128xf32>
      %reduce_max3A_837 = arith.constant dense<0xFF800000> : vector<128xf32>
      %reduce_max3A_838 = vector.multi_reduction <maximumf>, %convert_element_type3A_836, %reduce_max3A_837 [1] : vector<128x128xf32> to vector<128xf32>
      %max3A_839 = arith.constant 0xFF800000 : f32
      %max3A_840 = vector.broadcast %max3A_839 : f32 to vector<128xf32>
      %max3A_841 = arith.maximumf %max3A_840, %reduce_max3A_838 : vector<128xf32>
      %broadcast_in_dim3A_842 = vector.shape_cast %max3A_841 : vector<128xf32> to vector<128x1xf32>
      %sub3A_843 = vector.broadcast %broadcast_in_dim3A_842 : vector<128x1xf32> to vector<128x128xf32>
      %sub3A_844 = arith.subf %convert_element_type3A_836, %sub3A_843 : vector<128x128xf32>
      %exp3A_845 = math.exp %sub3A_844 : vector<128x128xf32>
      %reduce_sum3A_846 = arith.constant dense<0.000000e+00> : vector<128xf32>
      %reduce_sum3A_847 = vector.multi_reduction <add>, %exp3A_845, %reduce_sum3A_846 [1] : vector<128x128xf32> to vector<128xf32>
      %broadcast_in_dim3A_848 = vector.shape_cast %reduce_sum3A_847 : vector<128xf32> to vector<128x1xf32>
      %div3A_849 = vector.broadcast %broadcast_in_dim3A_848 : vector<128x1xf32> to vector<128x128xf32>
      %div3A_850 = arith.divf %exp3A_845, %div3A_849 : vector<128x128xf32>
      %convert_element_type3A_851 = arith.truncf %div3A_850 : vector<128x128xf32> to vector<128x128xbf16>
      %convert_element_type3A_852 = arith.truncf %sub3A_808 : vector<128x128xf32> to vector<128x128xbf16>
      %dot_general3A_853 = arith.constant dense<0.000000e+00> : vector<128x128xf32>
      %dot_general3A_854 = tpu.matmul %convert_element_type3A_851, %convert_element_type3A_852, %dot_general3A_853 {dimension_numbers = #tpu.dot_dimension_numbers<[1], [0], [0], [1], [0, 0, 1, 1], [], []>, transpose_lhs_hint = false} : vector<128x128xbf16>, vector<128x128xbf16>, vector<128x128xf32> -> vector<128x128xf32>
      %mul3A_855 = vector.broadcast %sub3A_814 : vector<1x128xf32> to vector<128x128xf32>
      %mul3A_856 = arith.mulf %div3A_850, %mul3A_855 : vector<128x128xf32>
      %reduce_sum3A_857 = arith.constant dense<0.000000e+00> : vector<128xf32>
      %reduce_sum3A_858 = vector.multi_reduction <add>, %mul3A_856, %reduce_sum3A_857 [1] : vector<128x128xf32> to vector<128xf32>
      %broadcast_in_dim3A_859 = vector.shape_cast %reduce_sum3A_858 : vector<128xf32> to vector<128x1xf32>
      %add3A_860 = arith.constant 9.99999997E-7 : f32
      %add3A_861 = vector.broadcast %add3A_860 : f32 to vector<128x1xf32>
      %add3A_862 = arith.addf %broadcast_in_dim3A_859, %add3A_861 : vector<128x1xf32>
      %div3A_863 = vector.broadcast %add3A_862 : vector<128x1xf32> to vector<128x128xf32>
      %div3A_864 = arith.divf %dot_general3A_854, %div3A_863 : vector<128x128xf32>
      %add3A_865 = arith.addf %dot_general3A_835, %div3A_864 : vector<128x128xf32>
      %convert_element_type3A_866 = arith.truncf %add3A_865 : vector<128x128xf32> to vector<128x128xbf16>
      %swap3A_867 = arith.constant 0 : index
      %swap3A_868 = arith.constant 512 : index
      %swap3A_869 = arith.constant 0 : index
      %swap3A_870 = vector.load %arg6[%swap3A_867, %swap3A_868, %swap3A_869] : memref<1x2048x128xbf16, #tpu.memory_space<vmem>>, vector<1x128x128xbf16>
      %swap3A_871 = vector.shape_cast %swap3A_870 : vector<1x128x128xbf16> to vector<128x128xbf16>
      %swap3A_872 = vector.shape_cast %convert_element_type3A_866 : vector<128x128xbf16> to vector<1x128x128xbf16>
      tpu.vector_store %arg6[%swap3A_867, %swap3A_868, %swap3A_869], %swap3A_872 {strides = array<i32>} : memref<1x2048x128xbf16, #tpu.memory_space<vmem>>, vector<1x128x128xbf16>,
      %sub3A_873 = arith.constant 1 : i32
      %sub3A_874 = arith.subi %arg1, %sub3A_873 : i32
      %mul3A_875 = arith.constant 16 : i32
      %mul3A_876 = arith.muli %sub3A_874, %mul3A_875 : i32
      %add3A_877 = arith.constant 5 : i32
      %add3A_878 = arith.addi %mul3A_876, %add3A_877 : i32
      %get3A_879 = arith.constant 640 : index
      %get3A_880 = arith.constant 0 : index
      %get3A_881 = vector.load %arg3[%get3A_879, %get3A_880] : memref<2048x128xbf16, #tpu.memory_space<vmem>>, vector<128x128xbf16>
      %get3A_882 = arith.index_cast %arg0 : i32 to index
      %get3A_883 = arith.index_cast %add3A_878 : i32 to index
      %get3A_884 = arith.constant 0 : index
      %get3A_885 = memref.load %arg2[%get3A_882, %get3A_883, %get3A_884] : memref<8x16x4xi32, #tpu.memory_space<smem>>
      %mul3A_886 = arith.constant 64 : i32
      %mul3A_887 = arith.muli %get3A_885, %mul3A_886 : i32
      %get3A_888 = arith.index_cast %mul3A_887 : i32 to index
      %get3A_889 = arith.constant 0 : index
      %get3A_890 = vector.load %arg4[%get3A_888, %get3A_889] : memref<2048x128xbf16, #tpu.memory_space<vmem>>, vector<64x128xbf16>
      %mul3A_891 = arith.constant 64 : i32
      %mul3A_892 = arith.muli %get3A_885, %mul3A_891 : i32
      %get3A_893 = arith.index_cast %mul3A_892 : i32 to index
      %get3A_894 = arith.constant 0 : index
      %get3A_895 = vector.load %arg5[%get3A_893, %get3A_894] : memref<2048x128xbf16, #tpu.memory_space<vmem>>, vector<64x128xbf16>
      %get3A_896 = arith.index_cast %get3A_885 : i32 to index
      %get3A_897 = arith.constant 0 : index
      %get3A_898 = arith.constant 0 : index
      %get3A_899 = vector.load %arg7[%get3A_896, %get3A_897, %get3A_898] : memref<32x128x128xbf16, #tpu.memory_space<vmem>>, vector<1x128x128xbf16>
      %squeeze3A_900 = vector.shape_cast %get3A_899 : vector<1x128x128xbf16> to vector<128x128xbf16>
      %convert_element_type3A_901 = arith.extf %squeeze3A_900 : vector<128x128xbf16> to vector<128x128xf32>
      %sub3A_902 = arith.subf %get3A_7, %convert_element_type3A_901 : vector<128x128xf32>
      %get3A_903 = arith.index_cast %get3A_885 : i32 to index
      %get3A_904 = arith.constant 0 : index
      %get3A_905 = arith.constant 0 : index
      %get3A_906 = vector.load %arg8[%get3A_903, %get3A_904, %get3A_905] : memref<32x1x128xf32, #tpu.memory_space<vmem>>, vector<1x1x128xf32>
      %get3A_907 = vector.shape_cast %get3A_906 : vector<1x1x128xf32> to vector<1x128xf32>
      %sub3A_908 = arith.subf %get3A_10, %get3A_907 : vector<1x128xf32>
      %get3A_909 = arith.index_cast %arg0 : i32 to index
      %get3A_910 = arith.index_cast %add3A_878 : i32 to index
      %get3A_911 = arith.constant 1 : index
      %get3A_912 = memref.load %arg2[%get3A_909, %get3A_910, %get3A_911] : memref<8x16x4xi32, #tpu.memory_space<smem>>
      %mul3A_913 = arith.constant 64 : i32
      %mul3A_914 = arith.muli %get3A_912, %mul3A_913 : i32
      %get3A_915 = arith.index_cast %mul3A_914 : i32 to index
      %get3A_916 = arith.constant 0 : index
      %get3A_917 = vector.load %arg4[%get3A_915, %get3A_916] : memref<2048x128xbf16, #tpu.memory_space<vmem>>, vector<64x128xbf16>
      %mul3A_918 = arith.constant 64 : i32
      %mul3A_919 = arith.muli %get3A_912, %mul3A_918 : i32
      %get3A_920 = arith.index_cast %mul3A_919 : i32 to index
      %get3A_921 = arith.constant 0 : index
      %get3A_922 = vector.load %arg5[%get3A_920, %get3A_921] : memref<2048x128xbf16, #tpu.memory_space<vmem>>, vector<64x128xbf16>
      %get3A_923 = arith.index_cast %get3A_912 : i32 to index
      %get3A_924 = arith.constant 0 : index
      %get3A_925 = arith.constant 0 : index
      %get3A_926 = vector.load %arg7[%get3A_923, %get3A_924, %get3A_925] : memref<32x128x128xbf16, #tpu.memory_space<vmem>>, vector<1x128x128xbf16>
      %squeeze3A_927 = vector.shape_cast %get3A_926 : vector<1x128x128xbf16> to vector<128x128xbf16>
      %convert_element_type3A_928 = arith.extf %squeeze3A_927 : vector<128x128xbf16> to vector<128x128xf32>
      %sub3A_929 = arith.subf %sub3A_902, %convert_element_type3A_928 : vector<128x128xf32>
      %get3A_930 = arith.index_cast %get3A_912 : i32 to index
      %get3A_931 = arith.constant 0 : index
      %get3A_932 = arith.constant 0 : index
      %get3A_933 = vector.load %arg8[%get3A_930, %get3A_931, %get3A_932] : memref<32x1x128xf32, #tpu.memory_space<vmem>>, vector<1x1x128xf32>
      %get3A_934 = vector.shape_cast %get3A_933 : vector<1x1x128xf32> to vector<1x128xf32>
      %sub3A_935 = arith.subf %sub3A_908, %get3A_934 : vector<1x128xf32>
      %get3A_936 = arith.index_cast %arg0 : i32 to index
      %get3A_937 = arith.index_cast %add3A_878 : i32 to index
      %get3A_938 = arith.constant 2 : index
      %get3A_939 = memref.load %arg2[%get3A_936, %get3A_937, %get3A_938] : memref<8x16x4xi32, #tpu.memory_space<smem>>
      %mul3A_940 = arith.constant 64 : i32
      %mul3A_941 = arith.muli %get3A_939, %mul3A_940 : i32
      %get3A_942 = arith.index_cast %mul3A_941 : i32 to index
      %get3A_943 = arith.constant 0 : index
      %get3A_944 = vector.load %arg4[%get3A_942, %get3A_943] : memref<2048x128xbf16, #tpu.memory_space<vmem>>, vector<64x128xbf16>
      %mul3A_945 = arith.constant 64 : i32
      %mul3A_946 = arith.muli %get3A_939, %mul3A_945 : i32
      %get3A_947 = arith.index_cast %mul3A_946 : i32 to index
      %get3A_948 = arith.constant 0 : index
      %get3A_949 = vector.load %arg5[%get3A_947, %get3A_948] : memref<2048x128xbf16, #tpu.memory_space<vmem>>, vector<64x128xbf16>
      %get3A_950 = arith.index_cast %get3A_939 : i32 to index
      %get3A_951 = arith.constant 0 : index
      %get3A_952 = arith.constant 0 : index
      %get3A_953 = vector.load %arg7[%get3A_950, %get3A_951, %get3A_952] : memref<32x128x128xbf16, #tpu.memory_space<vmem>>, vector<1x128x128xbf16>
      %squeeze3A_954 = vector.shape_cast %get3A_953 : vector<1x128x128xbf16> to vector<128x128xbf16>
      %convert_element_type3A_955 = arith.extf %squeeze3A_954 : vector<128x128xbf16> to vector<128x128xf32>
      %sub3A_956 = arith.subf %sub3A_929, %convert_element_type3A_955 : vector<128x128xf32>
      %get3A_957 = arith.index_cast %get3A_939 : i32 to index
      %get3A_958 = arith.constant 0 : index
      %get3A_959 = arith.constant 0 : index
      %get3A_960 = vector.load %arg8[%get3A_957, %get3A_958, %get3A_959] : memref<32x1x128xf32, #tpu.memory_space<vmem>>, vector<1x1x128xf32>
      %get3A_961 = vector.shape_cast %get3A_960 : vector<1x1x128xf32> to vector<1x128xf32>
      %sub3A_962 = arith.subf %sub3A_935, %get3A_961 : vector<1x128xf32>
      %get3A_963 = arith.index_cast %arg0 : i32 to index
      %get3A_964 = arith.index_cast %add3A_878 : i32 to index
      %get3A_965 = arith.constant 3 : index
      %get3A_966 = memref.load %arg2[%get3A_963, %get3A_964, %get3A_965] : memref<8x16x4xi32, #tpu.memory_space<smem>>
      %mul3A_967 = arith.constant 64 : i32
      %mul3A_968 = arith.muli %get3A_966, %mul3A_967 : i32
      %get3A_969 = arith.index_cast %mul3A_968 : i32 to index
      %get3A_970 = arith.constant 0 : index
      %get3A_971 = vector.load %arg4[%get3A_969, %get3A_970] : memref<2048x128xbf16, #tpu.memory_space<vmem>>, vector<64x128xbf16>
      %mul3A_972 = arith.constant 64 : i32
      %mul3A_973 = arith.muli %get3A_966, %mul3A_972 : i32
      %get3A_974 = arith.index_cast %mul3A_973 : i32 to index
      %get3A_975 = arith.constant 0 : index
      %get3A_976 = vector.load %arg5[%get3A_974, %get3A_975] : memref<2048x128xbf16, #tpu.memory_space<vmem>>, vector<64x128xbf16>
      %get3A_977 = arith.index_cast %get3A_966 : i32 to index
      %get3A_978 = arith.constant 0 : index
      %get3A_979 = arith.constant 0 : index
      %get3A_980 = vector.load %arg7[%get3A_977, %get3A_978, %get3A_979] : memref<32x128x128xbf16, #tpu.memory_space<vmem>>, vector<1x128x128xbf16>
      %squeeze3A_981 = vector.shape_cast %get3A_980 : vector<1x128x128xbf16> to vector<128x128xbf16>
      %convert_element_type3A_982 = arith.extf %squeeze3A_981 : vector<128x128xbf16> to vector<128x128xf32>
      %sub3A_983 = arith.subf %sub3A_956, %convert_element_type3A_982 : vector<128x128xf32>
      %get3A_984 = arith.index_cast %get3A_966 : i32 to index
      %get3A_985 = arith.constant 0 : index
      %get3A_986 = arith.constant 0 : index
      %get3A_987 = vector.load %arg8[%get3A_984, %get3A_985, %get3A_986] : memref<32x1x128xf32, #tpu.memory_space<vmem>>, vector<1x1x128xf32>
      %get3A_988 = vector.shape_cast %get3A_987 : vector<1x1x128xf32> to vector<1x128xf32>
      %sub3A_989 = arith.subf %sub3A_962, %get3A_988 : vector<1x128xf32>
      %concatenate3A_990 = tpu.concatenate %get3A_890, %get3A_917, %get3A_944, %get3A_971 in 0 : vector<64x128xbf16>, vector<64x128xbf16>, vector<64x128xbf16>, vector<64x128xbf16> -> vector<256x128xbf16>
      %concatenate3A_991 = tpu.concatenate %get3A_895, %get3A_922, %get3A_949, %get3A_976 in 0 : vector<64x128xbf16>, vector<64x128xbf16>, vector<64x128xbf16>, vector<64x128xbf16> -> vector<256x128xbf16>
      %dot_general3A_992 = arith.constant dense<0.000000e+00> : vector<128x256xf32>
      %dot_general3A_993 = tpu.matmul %get3A_881, %concatenate3A_990, %dot_general3A_992 {dimension_numbers = #tpu.dot_dimension_numbers<[1], [1], [0], [0], [0, 0, 1, 0], [], []>, transpose_lhs_hint = false} : vector<128x128xbf16>, vector<256x128xbf16>, vector<128x256xf32> -> vector<128x256xf32>
      %mul3A_994 = arith.constant 0.0883883461 : f32
      %mul3A_995 = vector.broadcast %mul3A_994 : f32 to vector<128x256xf32>
      %mul3A_996 = arith.mulf %dot_general3A_993, %mul3A_995 : vector<128x256xf32>
      %reduce_max3A_997 = arith.constant dense<0xFF800000> : vector<128xf32>
      %reduce_max3A_998 = vector.multi_reduction <maximumf>, %mul3A_996, %reduce_max3A_997 [1] : vector<128x256xf32> to vector<128xf32>
      %broadcast_in_dim3A_999 = vector.shape_cast %reduce_max3A_998 : vector<128xf32> to vector<128x1xf32>
      %sub3A_1000 = vector.broadcast %broadcast_in_dim3A_999 : vector<128x1xf32> to vector<128x256xf32>
      %sub3A_1001 = arith.subf %mul3A_996, %sub3A_1000 : vector<128x256xf32>
      %exp3A_1002 = math.exp %sub3A_1001 : vector<128x256xf32>
      %reduce_sum3A_1003 = arith.constant dense<0.000000e+00> : vector<128xf32>
      %reduce_sum3A_1004 = vector.multi_reduction <add>, %exp3A_1002, %reduce_sum3A_1003 [1] : vector<128x256xf32> to vector<128xf32>
      %broadcast_in_dim3A_1005 = vector.shape_cast %reduce_sum3A_1004 : vector<128xf32> to vector<128x1xf32>
      %div3A_1006 = vector.broadcast %broadcast_in_dim3A_1005 : vector<128x1xf32> to vector<128x256xf32>
      %div3A_1007 = arith.divf %exp3A_1002, %div3A_1006 : vector<128x256xf32>
      %convert_element_type3A_1008 = arith.truncf %div3A_1007 : vector<128x256xf32> to vector<128x256xbf16>
      %dot_general3A_1009 = arith.constant dense<0.000000e+00> : vector<128x128xf32>
      %dot_general3A_1010 = tpu.matmul %convert_element_type3A_1008, %concatenate3A_991, %dot_general3A_1009 {dimension_numbers = #tpu.dot_dimension_numbers<[1], [0], [0], [1], [0, 0, 1, 1], [], []>, transpose_lhs_hint = false} : vector<128x256xbf16>, vector<256x128xbf16>, vector<128x128xf32> -> vector<128x128xf32>
      %convert_element_type3A_1011 = arith.extf %get3A_881 : vector<128x128xbf16> to vector<128x128xf32>
      %reduce_max3A_1012 = arith.constant dense<0xFF800000> : vector<128xf32>
      %reduce_max3A_1013 = vector.multi_reduction <maximumf>, %convert_element_type3A_1011, %reduce_max3A_1012 [1] : vector<128x128xf32> to vector<128xf32>
      %max3A_1014 = arith.constant 0xFF800000 : f32
      %max3A_1015 = vector.broadcast %max3A_1014 : f32 to vector<128xf32>
      %max3A_1016 = arith.maximumf %max3A_1015, %reduce_max3A_1013 : vector<128xf32>
      %broadcast_in_dim3A_1017 = vector.shape_cast %max3A_1016 : vector<128xf32> to vector<128x1xf32>
      %sub3A_1018 = vector.broadcast %broadcast_in_dim3A_1017 : vector<128x1xf32> to vector<128x128xf32>
      %sub3A_1019 = arith.subf %convert_element_type3A_1011, %sub3A_1018 : vector<128x128xf32>
      %exp3A_1020 = math.exp %sub3A_1019 : vector<128x128xf32>
      %reduce_sum3A_1021 = arith.constant dense<0.000000e+00> : vector<128xf32>
      %reduce_sum3A_1022 = vector.multi_reduction <add>, %exp3A_1020, %reduce_sum3A_1021 [1] : vector<128x128xf32> to vector<128xf32>
      %broadcast_in_dim3A_1023 = vector.shape_cast %reduce_sum3A_1022 : vector<128xf32> to vector<128x1xf32>
      %div3A_1024 = vector.broadcast %broadcast_in_dim3A_1023 : vector<128x1xf32> to vector<128x128xf32>
      %div3A_1025 = arith.divf %exp3A_1020, %div3A_1024 : vector<128x128xf32>
      %convert_element_type3A_1026 = arith.truncf %div3A_1025 : vector<128x128xf32> to vector<128x128xbf16>
      %convert_element_type3A_1027 = arith.truncf %sub3A_983 : vector<128x128xf32> to vector<128x128xbf16>
      %dot_general3A_1028 = arith.constant dense<0.000000e+00> : vector<128x128xf32>
      %dot_general3A_1029 = tpu.matmul %convert_element_type3A_1026, %convert_element_type3A_1027, %dot_general3A_1028 {dimension_numbers = #tpu.dot_dimension_numbers<[1], [0], [0], [1], [0, 0, 1, 1], [], []>, transpose_lhs_hint = false} : vector<128x128xbf16>, vector<128x128xbf16>, vector<128x128xf32> -> vector<128x128xf32>
      %mul3A_1030 = vector.broadcast %sub3A_989 : vector<1x128xf32> to vector<128x128xf32>
      %mul3A_1031 = arith.mulf %div3A_1025, %mul3A_1030 : vector<128x128xf32>
      %reduce_sum3A_1032 = arith.constant dense<0.000000e+00> : vector<128xf32>
      %reduce_sum3A_1033 = vector.multi_reduction <add>, %mul3A_1031, %reduce_sum3A_1032 [1] : vector<128x128xf32> to vector<128xf32>
      %broadcast_in_dim3A_1034 = vector.shape_cast %reduce_sum3A_1033 : vector<128xf32> to vector<128x1xf32>
      %add3A_1035 = arith.constant 9.99999997E-7 : f32
      %add3A_1036 = vector.broadcast %add3A_1035 : f32 to vector<128x1xf32>
      %add3A_1037 = arith.addf %broadcast_in_dim3A_1034, %add3A_1036 : vector<128x1xf32>
      %div3A_1038 = vector.broadcast %add3A_1037 : vector<128x1xf32> to vector<128x128xf32>
      %div3A_1039 = arith.divf %dot_general3A_1029, %div3A_1038 : vector<128x128xf32>
      %add3A_1040 = arith.addf %dot_general3A_1010, %div3A_1039 : vector<128x128xf32>
      %convert_element_type3A_1041 = arith.truncf %add3A_1040 : vector<128x128xf32> to vector<128x128xbf16>
      %swap3A_1042 = arith.constant 0 : index
      %swap3A_1043 = arith.constant 640 : index
      %swap3A_1044 = arith.constant 0 : index
      %swap3A_1045 = vector.load %arg6[%swap3A_1042, %swap3A_1043, %swap3A_1044] : memref<1x2048x128xbf16, #tpu.memory_space<vmem>>, vector<1x128x128xbf16>
      %swap3A_1046 = vector.shape_cast %swap3A_1045 : vector<1x128x128xbf16> to vector<128x128xbf16>
      %swap3A_1047 = vector.shape_cast %convert_element_type3A_1041 : vector<128x128xbf16> to vector<1x128x128xbf16>
      tpu.vector_store %arg6[%swap3A_1042, %swap3A_1043, %swap3A_1044], %swap3A_1047 {strides = array<i32>} : memref<1x2048x128xbf16, #tpu.memory_space<vmem>>, vector<1x128x128xbf16>,
      %sub3A_1048 = arith.constant 1 : i32
      %sub3A_1049 = arith.subi %arg1, %sub3A_1048 : i32
      %mul3A_1050 = arith.constant 16 : i32
      %mul3A_1051 = arith.muli %sub3A_1049, %mul3A_1050 : i32
      %add3A_1052 = arith.constant 6 : i32
      %add3A_1053 = arith.addi %mul3A_1051, %add3A_1052 : i32
      %get3A_1054 = arith.constant 768 : index
      %get3A_1055 = arith.constant 0 : index
      %get3A_1056 = vector.load %arg3[%get3A_1054, %get3A_1055] : memref<2048x128xbf16, #tpu.memory_space<vmem>>, vector<128x128xbf16>
      %get3A_1057 = arith.index_cast %arg0 : i32 to index
      %get3A_1058 = arith.index_cast %add3A_1053 : i32 to index
      %get3A_1059 = arith.constant 0 : index
      %get3A_1060 = memref.load %arg2[%get3A_1057, %get3A_1058, %get3A_1059] : memref<8x16x4xi32, #tpu.memory_space<smem>>
      %mul3A_1061 = arith.constant 64 : i32
      %mul3A_1062 = arith.muli %get3A_1060, %mul3A_1061 : i32
      %get3A_1063 = arith.index_cast %mul3A_1062 : i32 to index
      %get3A_1064 = arith.constant 0 : index
      %get3A_1065 = vector.load %arg4[%get3A_1063, %get3A_1064] : memref<2048x128xbf16, #tpu.memory_space<vmem>>, vector<64x128xbf16>
      %mul3A_1066 = arith.constant 64 : i32
      %mul3A_1067 = arith.muli %get3A_1060, %mul3A_1066 : i32
      %get3A_1068 = arith.index_cast %mul3A_1067 : i32 to index
      %get3A_1069 = arith.constant 0 : index
      %get3A_1070 = vector.load %arg5[%get3A_1068, %get3A_1069] : memref<2048x128xbf16, #tpu.memory_space<vmem>>, vector<64x128xbf16>
      %get3A_1071 = arith.index_cast %get3A_1060 : i32 to index
      %get3A_1072 = arith.constant 0 : index
      %get3A_1073 = arith.constant 0 : index
      %get3A_1074 = vector.load %arg7[%get3A_1071, %get3A_1072, %get3A_1073] : memref<32x128x128xbf16, #tpu.memory_space<vmem>>, vector<1x128x128xbf16>
      %squeeze3A_1075 = vector.shape_cast %get3A_1074 : vector<1x128x128xbf16> to vector<128x128xbf16>
      %convert_element_type3A_1076 = arith.extf %squeeze3A_1075 : vector<128x128xbf16> to vector<128x128xf32>
      %sub3A_1077 = arith.subf %get3A_7, %convert_element_type3A_1076 : vector<128x128xf32>
      %get3A_1078 = arith.index_cast %get3A_1060 : i32 to index
      %get3A_1079 = arith.constant 0 : index
      %get3A_1080 = arith.constant 0 : index
      %get3A_1081 = vector.load %arg8[%get3A_1078, %get3A_1079, %get3A_1080] : memref<32x1x128xf32, #tpu.memory_space<vmem>>, vector<1x1x128xf32>
      %get3A_1082 = vector.shape_cast %get3A_1081 : vector<1x1x128xf32> to vector<1x128xf32>
      %sub3A_1083 = arith.subf %get3A_10, %get3A_1082 : vector<1x128xf32>
      %get3A_1084 = arith.index_cast %arg0 : i32 to index
      %get3A_1085 = arith.index_cast %add3A_1053 : i32 to index
      %get3A_1086 = arith.constant 1 : index
      %get3A_1087 = memref.load %arg2[%get3A_1084, %get3A_1085, %get3A_1086] : memref<8x16x4xi32, #tpu.memory_space<smem>>
      %mul3A_1088 = arith.constant 64 : i32
      %mul3A_1089 = arith.muli %get3A_1087, %mul3A_1088 : i32
      %get3A_1090 = arith.index_cast %mul3A_1089 : i32 to index
      %get3A_1091 = arith.constant 0 : index
      %get3A_1092 = vector.load %arg4[%get3A_1090, %get3A_1091] : memref<2048x128xbf16, #tpu.memory_space<vmem>>, vector<64x128xbf16>
      %mul3A_1093 = arith.constant 64 : i32
      %mul3A_1094 = arith.muli %get3A_1087, %mul3A_1093 : i32
      %get3A_1095 = arith.index_cast %mul3A_1094 : i32 to index
      %get3A_1096 = arith.constant 0 : index
      %get3A_1097 = vector.load %arg5[%get3A_1095, %get3A_1096] : memref<2048x128xbf16, #tpu.memory_space<vmem>>, vector<64x128xbf16>
      %get3A_1098 = arith.index_cast %get3A_1087 : i32 to index
      %get3A_1099 = arith.constant 0 : index
      %get3A_1100 = arith.constant 0 : index
      %get3A_1101 = vector.load %arg7[%get3A_1098, %get3A_1099, %get3A_1100] : memref<32x128x128xbf16, #tpu.memory_space<vmem>>, vector<1x128x128xbf16>
      %squeeze3A_1102 = vector.shape_cast %get3A_1101 : vector<1x128x128xbf16> to vector<128x128xbf16>
      %convert_element_type3A_1103 = arith.extf %squeeze3A_1102 : vector<128x128xbf16> to vector<128x128xf32>
      %sub3A_1104 = arith.subf %sub3A_1077, %convert_element_type3A_1103 : vector<128x128xf32>
      %get3A_1105 = arith.index_cast %get3A_1087 : i32 to index
      %get3A_1106 = arith.constant 0 : index
      %get3A_1107 = arith.constant 0 : index
      %get3A_1108 = vector.load %arg8[%get3A_1105, %get3A_1106, %get3A_1107] : memref<32x1x128xf32, #tpu.memory_space<vmem>>, vector<1x1x128xf32>
      %get3A_1109 = vector.shape_cast %get3A_1108 : vector<1x1x128xf32> to vector<1x128xf32>
      %sub3A_1110 = arith.subf %sub3A_1083, %get3A_1109 : vector<1x128xf32>
      %get3A_1111 = arith.index_cast %arg0 : i32 to index
      %get3A_1112 = arith.index_cast %add3A_1053 : i32 to index
      %get3A_1113 = arith.constant 2 : index
      %get3A_1114 = memref.load %arg2[%get3A_1111, %get3A_1112, %get3A_1113] : memref<8x16x4xi32, #tpu.memory_space<smem>>
      %mul3A_1115 = arith.constant 64 : i32
      %mul3A_1116 = arith.muli %get3A_1114, %mul3A_1115 : i32
      %get3A_1117 = arith.index_cast %mul3A_1116 : i32 to index
      %get3A_1118 = arith.constant 0 : index
      %get3A_1119 = vector.load %arg4[%get3A_1117, %get3A_1118] : memref<2048x128xbf16, #tpu.memory_space<vmem>>, vector<64x128xbf16>
      %mul3A_1120 = arith.constant 64 : i32
      %mul3A_1121 = arith.muli %get3A_1114, %mul3A_1120 : i32
      %get3A_1122 = arith.index_cast %mul3A_1121 : i32 to index
      %get3A_1123 = arith.constant 0 : index
      %get3A_1124 = vector.load %arg5[%get3A_1122, %get3A_1123] : memref<2048x128xbf16, #tpu.memory_space<vmem>>, vector<64x128xbf16>
      %get3A_1125 = arith.index_cast %get3A_1114 : i32 to index
      %get3A_1126 = arith.constant 0 : index
      %get3A_1127 = arith.constant 0 : index
      %get3A_1128 = vector.load %arg7[%get3A_1125, %get3A_1126, %get3A_1127] : memref<32x128x128xbf16, #tpu.memory_space<vmem>>, vector<1x128x128xbf16>
      %squeeze3A_1129 = vector.shape_cast %get3A_1128 : vector<1x128x128xbf16> to vector<128x128xbf16>
      %convert_element_type3A_1130 = arith.extf %squeeze3A_1129 : vector<128x128xbf16> to vector<128x128xf32>
      %sub3A_1131 = arith.subf %sub3A_1104, %convert_element_type3A_1130 : vector<128x128xf32>
      %get3A_1132 = arith.index_cast %get3A_1114 : i32 to index
      %get3A_1133 = arith.constant 0 : index
      %get3A_1134 = arith.constant 0 : index
      %get3A_1135 = vector.load %arg8[%get3A_1132, %get3A_1133, %get3A_1134] : memref<32x1x128xf32, #tpu.memory_space<vmem>>, vector<1x1x128xf32>
      %get3A_1136 = vector.shape_cast %get3A_1135 : vector<1x1x128xf32> to vector<1x128xf32>
      %sub3A_1137 = arith.subf %sub3A_1110, %get3A_1136 : vector<1x128xf32>
      %get3A_1138 = arith.index_cast %arg0 : i32 to index
      %get3A_1139 = arith.index_cast %add3A_1053 : i32 to index
      %get3A_1140 = arith.constant 3 : index
      %get3A_1141 = memref.load %arg2[%get3A_1138, %get3A_1139, %get3A_1140] : memref<8x16x4xi32, #tpu.memory_space<smem>>
      %mul3A_1142 = arith.constant 64 : i32
      %mul3A_1143 = arith.muli %get3A_1141, %mul3A_1142 : i32
      %get3A_1144 = arith.index_cast %mul3A_1143 : i32 to index
      %get3A_1145 = arith.constant 0 : index
      %get3A_1146 = vector.load %arg4[%get3A_1144, %get3A_1145] : memref<2048x128xbf16, #tpu.memory_space<vmem>>, vector<64x128xbf16>
      %mul3A_1147 = arith.constant 64 : i32
      %mul3A_1148 = arith.muli %get3A_1141, %mul3A_1147 : i32
      %get3A_1149 = arith.index_cast %mul3A_1148 : i32 to index
      %get3A_1150 = arith.constant 0 : index
      %get3A_1151 = vector.load %arg5[%get3A_1149, %get3A_1150] : memref<2048x128xbf16, #tpu.memory_space<vmem>>, vector<64x128xbf16>
      %get3A_1152 = arith.index_cast %get3A_1141 : i32 to index
      %get3A_1153 = arith.constant 0 : index
      %get3A_1154 = arith.constant 0 : index
      %get3A_1155 = vector.load %arg7[%get3A_1152, %get3A_1153, %get3A_1154] : memref<32x128x128xbf16, #tpu.memory_space<vmem>>, vector<1x128x128xbf16>
      %squeeze3A_1156 = vector.shape_cast %get3A_1155 : vector<1x128x128xbf16> to vector<128x128xbf16>
      %convert_element_type3A_1157 = arith.extf %squeeze3A_1156 : vector<128x128xbf16> to vector<128x128xf32>
      %sub3A_1158 = arith.subf %sub3A_1131, %convert_element_type3A_1157 : vector<128x128xf32>
      %get3A_1159 = arith.index_cast %get3A_1141 : i32 to index
      %get3A_1160 = arith.constant 0 : index
      %get3A_1161 = arith.constant 0 : index
      %get3A_1162 = vector.load %arg8[%get3A_1159, %get3A_1160, %get3A_1161] : memref<32x1x128xf32, #tpu.memory_space<vmem>>, vector<1x1x128xf32>
      %get3A_1163 = vector.shape_cast %get3A_1162 : vector<1x1x128xf32> to vector<1x128xf32>
      %sub3A_1164 = arith.subf %sub3A_1137, %get3A_1163 : vector<1x128xf32>
      %concatenate3A_1165 = tpu.concatenate %get3A_1065, %get3A_1092, %get3A_1119, %get3A_1146 in 0 : vector<64x128xbf16>, vector<64x128xbf16>, vector<64x128xbf16>, vector<64x128xbf16> -> vector<256x128xbf16>
      %concatenate3A_1166 = tpu.concatenate %get3A_1070, %get3A_1097, %get3A_1124, %get3A_1151 in 0 : vector<64x128xbf16>, vector<64x128xbf16>, vector<64x128xbf16>, vector<64x128xbf16> -> vector<256x128xbf16>
      %dot_general3A_1167 = arith.constant dense<0.000000e+00> : vector<128x256xf32>
      %dot_general3A_1168 = tpu.matmul %get3A_1056, %concatenate3A_1165, %dot_general3A_1167 {dimension_numbers = #tpu.dot_dimension_numbers<[1], [1], [0], [0], [0, 0, 1, 0], [], []>, transpose_lhs_hint = false} : vector<128x128xbf16>, vector<256x128xbf16>, vector<128x256xf32> -> vector<128x256xf32>
      %mul3A_1169 = arith.constant 0.0883883461 : f32
      %mul3A_1170 = vector.broadcast %mul3A_1169 : f32 to vector<128x256xf32>
      %mul3A_1171 = arith.mulf %dot_general3A_1168, %mul3A_1170 : vector<128x256xf32>
      %reduce_max3A_1172 = arith.constant dense<0xFF800000> : vector<128xf32>
      %reduce_max3A_1173 = vector.multi_reduction <maximumf>, %mul3A_1171, %reduce_max3A_1172 [1] : vector<128x256xf32> to vector<128xf32>
      %broadcast_in_dim3A_1174 = vector.shape_cast %reduce_max3A_1173 : vector<128xf32> to vector<128x1xf32>
      %sub3A_1175 = vector.broadcast %broadcast_in_dim3A_1174 : vector<128x1xf32> to vector<128x256xf32>
      %sub3A_1176 = arith.subf %mul3A_1171, %sub3A_1175 : vector<128x256xf32>
      %exp3A_1177 = math.exp %sub3A_1176 : vector<128x256xf32>
      %reduce_sum3A_1178 = arith.constant dense<0.000000e+00> : vector<128xf32>
      %reduce_sum3A_1179 = vector.multi_reduction <add>, %exp3A_1177, %reduce_sum3A_1178 [1] : vector<128x256xf32> to vector<128xf32>
      %broadcast_in_dim3A_1180 = vector.shape_cast %reduce_sum3A_1179 : vector<128xf32> to vector<128x1xf32>
      %div3A_1181 = vector.broadcast %broadcast_in_dim3A_1180 : vector<128x1xf32> to vector<128x256xf32>
      %div3A_1182 = arith.divf %exp3A_1177, %div3A_1181 : vector<128x256xf32>
      %convert_element_type3A_1183 = arith.truncf %div3A_1182 : vector<128x256xf32> to vector<128x256xbf16>
      %dot_general3A_1184 = arith.constant dense<0.000000e+00> : vector<128x128xf32>
      %dot_general3A_1185 = tpu.matmul %convert_element_type3A_1183, %concatenate3A_1166, %dot_general3A_1184 {dimension_numbers = #tpu.dot_dimension_numbers<[1], [0], [0], [1], [0, 0, 1, 1], [], []>, transpose_lhs_hint = false} : vector<128x256xbf16>, vector<256x128xbf16>, vector<128x128xf32> -> vector<128x128xf32>
      %convert_element_type3A_1186 = arith.extf %get3A_1056 : vector<128x128xbf16> to vector<128x128xf32>
      %reduce_max3A_1187 = arith.constant dense<0xFF800000> : vector<128xf32>
      %reduce_max3A_1188 = vector.multi_reduction <maximumf>, %convert_element_type3A_1186, %reduce_max3A_1187 [1] : vector<128x128xf32> to vector<128xf32>
      %max3A_1189 = arith.constant 0xFF800000 : f32
      %max3A_1190 = vector.broadcast %max3A_1189 : f32 to vector<128xf32>
      %max3A_1191 = arith.maximumf %max3A_1190, %reduce_max3A_1188 : vector<128xf32>
      %broadcast_in_dim3A_1192 = vector.shape_cast %max3A_1191 : vector<128xf32> to vector<128x1xf32>
      %sub3A_1193 = vector.broadcast %broadcast_in_dim3A_1192 : vector<128x1xf32> to vector<128x128xf32>
      %sub3A_1194 = arith.subf %convert_element_type3A_1186, %sub3A_1193 : vector<128x128xf32>
      %exp3A_1195 = math.exp %sub3A_1194 : vector<128x128xf32>
      %reduce_sum3A_1196 = arith.constant dense<0.000000e+00> : vector<128xf32>
      %reduce_sum3A_1197 = vector.multi_reduction <add>, %exp3A_1195, %reduce_sum3A_1196 [1] : vector<128x128xf32> to vector<128xf32>
      %broadcast_in_dim3A_1198 = vector.shape_cast %reduce_sum3A_1197 : vector<128xf32> to vector<128x1xf32>
      %div3A_1199 = vector.broadcast %broadcast_in_dim3A_1198 : vector<128x1xf32> to vector<128x128xf32>
      %div3A_1200 = arith.divf %exp3A_1195, %div3A_1199 : vector<128x128xf32>
      %convert_element_type3A_1201 = arith.truncf %div3A_1200 : vector<128x128xf32> to vector<128x128xbf16>
      %convert_element_type3A_1202 = arith.truncf %sub3A_1158 : vector<128x128xf32> to vector<128x128xbf16>
      %dot_general3A_1203 = arith.constant dense<0.000000e+00> : vector<128x128xf32>
      %dot_general3A_1204 = tpu.matmul %convert_element_type3A_1201, %convert_element_type3A_1202, %dot_general3A_1203 {dimension_numbers = #tpu.dot_dimension_numbers<[1], [0], [0], [1], [0, 0, 1, 1], [], []>, transpose_lhs_hint = false} : vector<128x128xbf16>, vector<128x128xbf16>, vector<128x128xf32> -> vector<128x128xf32>
      %mul3A_1205 = vector.broadcast %sub3A_1164 : vector<1x128xf32> to vector<128x128xf32>
      %mul3A_1206 = arith.mulf %div3A_1200, %mul3A_1205 : vector<128x128xf32>
      %reduce_sum3A_1207 = arith.constant dense<0.000000e+00> : vector<128xf32>
      %reduce_sum3A_1208 = vector.multi_reduction <add>, %mul3A_1206, %reduce_sum3A_1207 [1] : vector<128x128xf32> to vector<128xf32>
      %broadcast_in_dim3A_1209 = vector.shape_cast %reduce_sum3A_1208 : vector<128xf32> to vector<128x1xf32>
      %add3A_1210 = arith.constant 9.99999997E-7 : f32
      %add3A_1211 = vector.broadcast %add3A_1210 : f32 to vector<128x1xf32>
      %add3A_1212 = arith.addf %broadcast_in_dim3A_1209, %add3A_1211 : vector<128x1xf32>
      %div3A_1213 = vector.broadcast %add3A_1212 : vector<128x1xf32> to vector<128x128xf32>
      %div3A_1214 = arith.divf %dot_general3A_1204, %div3A_1213 : vector<128x128xf32>
      %add3A_1215 = arith.addf %dot_general3A_1185, %div3A_1214 : vector<128x128xf32>
      %convert_element_type3A_1216 = arith.truncf %add3A_1215 : vector<128x128xf32> to vector<128x128xbf16>
      %swap3A_1217 = arith.constant 0 : index
      %swap3A_1218 = arith.constant 768 : index
      %swap3A_1219 = arith.constant 0 : index
      %swap3A_1220 = vector.load %arg6[%swap3A_1217, %swap3A_1218, %swap3A_1219] : memref<1x2048x128xbf16, #tpu.memory_space<vmem>>, vector<1x128x128xbf16>
      %swap3A_1221 = vector.shape_cast %swap3A_1220 : vector<1x128x128xbf16> to vector<128x128xbf16>
      %swap3A_1222 = vector.shape_cast %convert_element_type3A_1216 : vector<128x128xbf16> to vector<1x128x128xbf16>
      tpu.vector_store %arg6[%swap3A_1217, %swap3A_1218, %swap3A_1219], %swap3A_1222 {strides = array<i32>} : memref<1x2048x128xbf16, #tpu.memory_space<vmem>>, vector<1x128x128xbf16>,
      %sub3A_1223 = arith.constant 1 : i32
      %sub3A_1224 = arith.subi %arg1, %sub3A_1223 : i32
      %mul3A_1225 = arith.constant 16 : i32
      %mul3A_1226 = arith.muli %sub3A_1224, %mul3A_1225 : i32
      %add3A_1227 = arith.constant 7 : i32
      %add3A_1228 = arith.addi %mul3A_1226, %add3A_1227 : i32
      %get3A_1229 = arith.constant 896 : index
      %get3A_1230 = arith.constant 0 : index
      %get3A_1231 = vector.load %arg3[%get3A_1229, %get3A_1230] : memref<2048x128xbf16, #tpu.memory_space<vmem>>, vector<128x128xbf16>
      %get3A_1232 = arith.index_cast %arg0 : i32 to index
      %get3A_1233 = arith.index_cast %add3A_1228 : i32 to index
      %get3A_1234 = arith.constant 0 : index
      %get3A_1235 = memref.load %arg2[%get3A_1232, %get3A_1233, %get3A_1234] : memref<8x16x4xi32, #tpu.memory_space<smem>>
      %mul3A_1236 = arith.constant 64 : i32
      %mul3A_1237 = arith.muli %get3A_1235, %mul3A_1236 : i32
      %get3A_1238 = arith.index_cast %mul3A_1237 : i32 to index
      %get3A_1239 = arith.constant 0 : index
      %get3A_1240 = vector.load %arg4[%get3A_1238, %get3A_1239] : memref<2048x128xbf16, #tpu.memory_space<vmem>>, vector<64x128xbf16>
      %mul3A_1241 = arith.constant 64 : i32
      %mul3A_1242 = arith.muli %get3A_1235, %mul3A_1241 : i32
      %get3A_1243 = arith.index_cast %mul3A_1242 : i32 to index
      %get3A_1244 = arith.constant 0 : index
      %get3A_1245 = vector.load %arg5[%get3A_1243, %get3A_1244] : memref<2048x128xbf16, #tpu.memory_space<vmem>>, vector<64x128xbf16>
      %get3A_1246 = arith.index_cast %get3A_1235 : i32 to index
      %get3A_1247 = arith.constant 0 : index
      %get3A_1248 = arith.constant 0 : index
      %get3A_1249 = vector.load %arg7[%get3A_1246, %get3A_1247, %get3A_1248] : memref<32x128x128xbf16, #tpu.memory_space<vmem>>, vector<1x128x128xbf16>
      %squeeze3A_1250 = vector.shape_cast %get3A_1249 : vector<1x128x128xbf16> to vector<128x128xbf16>
      %convert_element_type3A_1251 = arith.extf %squeeze3A_1250 : vector<128x128xbf16> to vector<128x128xf32>
      %sub3A_1252 = arith.subf %get3A_7, %convert_element_type3A_1251 : vector<128x128xf32>
      %get3A_1253 = arith.index_cast %get3A_1235 : i32 to index
      %get3A_1254 = arith.constant 0 : index
      %get3A_1255 = arith.constant 0 : index
      %get3A_1256 = vector.load %arg8[%get3A_1253, %get3A_1254, %get3A_1255] : memref<32x1x128xf32, #tpu.memory_space<vmem>>, vector<1x1x128xf32>
      %get3A_1257 = vector.shape_cast %get3A_1256 : vector<1x1x128xf32> to vector<1x128xf32>
      %sub3A_1258 = arith.subf %get3A_10, %get3A_1257 : vector<1x128xf32>
      %get3A_1259 = arith.index_cast %arg0 : i32 to index
      %get3A_1260 = arith.index_cast %add3A_1228 : i32 to index
      %get3A_1261 = arith.constant 1 : index
      %get3A_1262 = memref.load %arg2[%get3A_1259, %get3A_1260, %get3A_1261] : memref<8x16x4xi32, #tpu.memory_space<smem>>
      %mul3A_1263 = arith.constant 64 : i32
      %mul3A_1264 = arith.muli %get3A_1262, %mul3A_1263 : i32
      %get3A_1265 = arith.index_cast %mul3A_1264 : i32 to index
      %get3A_1266 = arith.constant 0 : index
      %get3A_1267 = vector.load %arg4[%get3A_1265, %get3A_1266] : memref<2048x128xbf16, #tpu.memory_space<vmem>>, vector<64x128xbf16>
      %mul3A_1268 = arith.constant 64 : i32
      %mul3A_1269 = arith.muli %get3A_1262, %mul3A_1268 : i32
      %get3A_1270 = arith.index_cast %mul3A_1269 : i32 to index
      %get3A_1271 = arith.constant 0 : index
      %get3A_1272 = vector.load %arg5[%get3A_1270, %get3A_1271] : memref<2048x128xbf16, #tpu.memory_space<vmem>>, vector<64x128xbf16>
      %get3A_1273 = arith.index_cast %get3A_1262 : i32 to index
      %get3A_1274 = arith.constant 0 : index
      %get3A_1275 = arith.constant 0 : index
      %get3A_1276 = vector.load %arg7[%get3A_1273, %get3A_1274, %get3A_1275] : memref<32x128x128xbf16, #tpu.memory_space<vmem>>, vector<1x128x128xbf16>
      %squeeze3A_1277 = vector.shape_cast %get3A_1276 : vector<1x128x128xbf16> to vector<128x128xbf16>
      %convert_element_type3A_1278 = arith.extf %squeeze3A_1277 : vector<128x128xbf16> to vector<128x128xf32>
      %sub3A_1279 = arith.subf %sub3A_1252, %convert_element_type3A_1278 : vector<128x128xf32>
      %get3A_1280 = arith.index_cast %get3A_1262 : i32 to index
      %get3A_1281 = arith.constant 0 : index
      %get3A_1282 = arith.constant 0 : index
      %get3A_1283 = vector.load %arg8[%get3A_1280, %get3A_1281, %get3A_1282] : memref<32x1x128xf32, #tpu.memory_space<vmem>>, vector<1x1x128xf32>
      %get3A_1284 = vector.shape_cast %get3A_1283 : vector<1x1x128xf32> to vector<1x128xf32>
      %sub3A_1285 = arith.subf %sub3A_1258, %get3A_1284 : vector<1x128xf32>
      %get3A_1286 = arith.index_cast %arg0 : i32 to index
      %get3A_1287 = arith.index_cast %add3A_1228 : i32 to index
      %get3A_1288 = arith.constant 2 : index
      %get3A_1289 = memref.load %arg2[%get3A_1286, %get3A_1287, %get3A_1288] : memref<8x16x4xi32, #tpu.memory_space<smem>>
      %mul3A_1290 = arith.constant 64 : i32
      %mul3A_1291 = arith.muli %get3A_1289, %mul3A_1290 : i32
      %get3A_1292 = arith.index_cast %mul3A_1291 : i32 to index
      %get3A_1293 = arith.constant 0 : index
      %get3A_1294 = vector.load %arg4[%get3A_1292, %get3A_1293] : memref<2048x128xbf16, #tpu.memory_space<vmem>>, vector<64x128xbf16>
      %mul3A_1295 = arith.constant 64 : i32
      %mul3A_1296 = arith.muli %get3A_1289, %mul3A_1295 : i32
      %get3A_1297 = arith.index_cast %mul3A_1296 : i32 to index
      %get3A_1298 = arith.constant 0 : index
      %get3A_1299 = vector.load %arg5[%get3A_1297, %get3A_1298] : memref<2048x128xbf16, #tpu.memory_space<vmem>>, vector<64x128xbf16>
      %get3A_1300 = arith.index_cast %get3A_1289 : i32 to index
      %get3A_1301 = arith.constant 0 : index
      %get3A_1302 = arith.constant 0 : index
      %get3A_1303 = vector.load %arg7[%get3A_1300, %get3A_1301, %get3A_1302] : memref<32x128x128xbf16, #tpu.memory_space<vmem>>, vector<1x128x128xbf16>
      %squeeze3A_1304 = vector.shape_cast %get3A_1303 : vector<1x128x128xbf16> to vector<128x128xbf16>
      %convert_element_type3A_1305 = arith.extf %squeeze3A_1304 : vector<128x128xbf16> to vector<128x128xf32>
      %sub3A_1306 = arith.subf %sub3A_1279, %convert_element_type3A_1305 : vector<128x128xf32>
      %get3A_1307 = arith.index_cast %get3A_1289 : i32 to index
      %get3A_1308 = arith.constant 0 : index
      %get3A_1309 = arith.constant 0 : index
      %get3A_1310 = vector.load %arg8[%get3A_1307, %get3A_1308, %get3A_1309] : memref<32x1x128xf32, #tpu.memory_space<vmem>>, vector<1x1x128xf32>
      %get3A_1311 = vector.shape_cast %get3A_1310 : vector<1x1x128xf32> to vector<1x128xf32>
      %sub3A_1312 = arith.subf %sub3A_1285, %get3A_1311 : vector<1x128xf32>
      %get3A_1313 = arith.index_cast %arg0 : i32 to index
      %get3A_1314 = arith.index_cast %add3A_1228 : i32 to index
      %get3A_1315 = arith.constant 3 : index
      %get3A_1316 = memref.load %arg2[%get3A_1313, %get3A_1314, %get3A_1315] : memref<8x16x4xi32, #tpu.memory_space<smem>>
      %mul3A_1317 = arith.constant 64 : i32
      %mul3A_1318 = arith.muli %get3A_1316, %mul3A_1317 : i32
      %get3A_1319 = arith.index_cast %mul3A_1318 : i32 to index
      %get3A_1320 = arith.constant 0 : index
      %get3A_1321 = vector.load %arg4[%get3A_1319, %get3A_1320] : memref<2048x128xbf16, #tpu.memory_space<vmem>>, vector<64x128xbf16>
      %mul3A_1322 = arith.constant 64 : i32
      %mul3A_1323 = arith.muli %get3A_1316, %mul3A_1322 : i32
      %get3A_1324 = arith.index_cast %mul3A_1323 : i32 to index
      %get3A_1325 = arith.constant 0 : index
      %get3A_1326 = vector.load %arg5[%get3A_1324, %get3A_1325] : memref<2048x128xbf16, #tpu.memory_space<vmem>>, vector<64x128xbf16>
      %get3A_1327 = arith.index_cast %get3A_1316 : i32 to index
      %get3A_1328 = arith.constant 0 : index
      %get3A_1329 = arith.constant 0 : index
      %get3A_1330 = vector.load %arg7[%get3A_1327, %get3A_1328, %get3A_1329] : memref<32x128x128xbf16, #tpu.memory_space<vmem>>, vector<1x128x128xbf16>
      %squeeze3A_1331 = vector.shape_cast %get3A_1330 : vector<1x128x128xbf16> to vector<128x128xbf16>
      %convert_element_type3A_1332 = arith.extf %squeeze3A_1331 : vector<128x128xbf16> to vector<128x128xf32>
      %sub3A_1333 = arith.subf %sub3A_1306, %convert_element_type3A_1332 : vector<128x128xf32>
      %get3A_1334 = arith.index_cast %get3A_1316 : i32 to index
      %get3A_1335 = arith.constant 0 : index
      %get3A_1336 = arith.constant 0 : index
      %get3A_1337 = vector.load %arg8[%get3A_1334, %get3A_1335, %get3A_1336] : memref<32x1x128xf32, #tpu.memory_space<vmem>>, vector<1x1x128xf32>
      %get3A_1338 = vector.shape_cast %get3A_1337 : vector<1x1x128xf32> to vector<1x128xf32>
      %sub3A_1339 = arith.subf %sub3A_1312, %get3A_1338 : vector<1x128xf32>
      %concatenate3A_1340 = tpu.concatenate %get3A_1240, %get3A_1267, %get3A_1294, %get3A_1321 in 0 : vector<64x128xbf16>, vector<64x128xbf16>, vector<64x128xbf16>, vector<64x128xbf16> -> vector<256x128xbf16>
      %concatenate3A_1341 = tpu.concatenate %get3A_1245, %get3A_1272, %get3A_1299, %get3A_1326 in 0 : vector<64x128xbf16>, vector<64x128xbf16>, vector<64x128xbf16>, vector<64x128xbf16> -> vector<256x128xbf16>
      %dot_general3A_1342 = arith.constant dense<0.000000e+00> : vector<128x256xf32>
      %dot_general3A_1343 = tpu.matmul %get3A_1231, %concatenate3A_1340, %dot_general3A_1342 {dimension_numbers = #tpu.dot_dimension_numbers<[1], [1], [0], [0], [0, 0, 1, 0], [], []>, transpose_lhs_hint = false} : vector<128x128xbf16>, vector<256x128xbf16>, vector<128x256xf32> -> vector<128x256xf32>
      %mul3A_1344 = arith.constant 0.0883883461 : f32
      %mul3A_1345 = vector.broadcast %mul3A_1344 : f32 to vector<128x256xf32>
      %mul3A_1346 = arith.mulf %dot_general3A_1343, %mul3A_1345 : vector<128x256xf32>
      %reduce_max3A_1347 = arith.constant dense<0xFF800000> : vector<128xf32>
      %reduce_max3A_1348 = vector.multi_reduction <maximumf>, %mul3A_1346, %reduce_max3A_1347 [1] : vector<128x256xf32> to vector<128xf32>
      %broadcast_in_dim3A_1349 = vector.shape_cast %reduce_max3A_1348 : vector<128xf32> to vector<128x1xf32>
      %sub3A_1350 = vector.broadcast %broadcast_in_dim3A_1349 : vector<128x1xf32> to vector<128x256xf32>
      %sub3A_1351 = arith.subf %mul3A_1346, %sub3A_1350 : vector<128x256xf32>
      %exp3A_1352 = math.exp %sub3A_1351 : vector<128x256xf32>
      %reduce_sum3A_1353 = arith.constant dense<0.000000e+00> : vector<128xf32>
      %reduce_sum3A_1354 = vector.multi_reduction <add>, %exp3A_1352, %reduce_sum3A_1353 [1] : vector<128x256xf32> to vector<128xf32>
      %broadcast_in_dim3A_1355 = vector.shape_cast %reduce_sum3A_1354 : vector<128xf32> to vector<128x1xf32>
      %div3A_1356 = vector.broadcast %broadcast_in_dim3A_1355 : vector<128x1xf32> to vector<128x256xf32>
      %div3A_1357 = arith.divf %exp3A_1352, %div3A_1356 : vector<128x256xf32>
      %convert_element_type3A_1358 = arith.truncf %div3A_1357 : vector<128x256xf32> to vector<128x256xbf16>
      %dot_general3A_1359 = arith.constant dense<0.000000e+00> : vector<128x128xf32>
      %dot_general3A_1360 = tpu.matmul %convert_element_type3A_1358, %concatenate3A_1341, %dot_general3A_1359 {dimension_numbers = #tpu.dot_dimension_numbers<[1], [0], [0], [1], [0, 0, 1, 1], [], []>, transpose_lhs_hint = false} : vector<128x256xbf16>, vector<256x128xbf16>, vector<128x128xf32> -> vector<128x128xf32>
      %convert_element_type3A_1361 = arith.extf %get3A_1231 : vector<128x128xbf16> to vector<128x128xf32>
      %reduce_max3A_1362 = arith.constant dense<0xFF800000> : vector<128xf32>
      %reduce_max3A_1363 = vector.multi_reduction <maximumf>, %convert_element_type3A_1361, %reduce_max3A_1362 [1] : vector<128x128xf32> to vector<128xf32>
      %max3A_1364 = arith.constant 0xFF800000 : f32
      %max3A_1365 = vector.broadcast %max3A_1364 : f32 to vector<128xf32>
      %max3A_1366 = arith.maximumf %max3A_1365, %reduce_max3A_1363 : vector<128xf32>
      %broadcast_in_dim3A_1367 = vector.shape_cast %max3A_1366 : vector<128xf32> to vector<128x1xf32>
      %sub3A_1368 = vector.broadcast %broadcast_in_dim3A_1367 : vector<128x1xf32> to vector<128x128xf32>
      %sub3A_1369 = arith.subf %convert_element_type3A_1361, %sub3A_1368 : vector<128x128xf32>
      %exp3A_1370 = math.exp %sub3A_1369 : vector<128x128xf32>
      %reduce_sum3A_1371 = arith.constant dense<0.000000e+00> : vector<128xf32>
      %reduce_sum3A_1372 = vector.multi_reduction <add>, %exp3A_1370, %reduce_sum3A_1371 [1] : vector<128x128xf32> to vector<128xf32>
      %broadcast_in_dim3A_1373 = vector.shape_cast %reduce_sum3A_1372 : vector<128xf32> to vector<128x1xf32>
      %div3A_1374 = vector.broadcast %broadcast_in_dim3A_1373 : vector<128x1xf32> to vector<128x128xf32>
      %div3A_1375 = arith.divf %exp3A_1370, %div3A_1374 : vector<128x128xf32>
      %convert_element_type3A_1376 = arith.truncf %div3A_1375 : vector<128x128xf32> to vector<128x128xbf16>
      %convert_element_type3A_1377 = arith.truncf %sub3A_1333 : vector<128x128xf32> to vector<128x128xbf16>
      %dot_general3A_1378 = arith.constant dense<0.000000e+00> : vector<128x128xf32>
      %dot_general3A_1379 = tpu.matmul %convert_element_type3A_1376, %convert_element_type3A_1377, %dot_general3A_1378 {dimension_numbers = #tpu.dot_dimension_numbers<[1], [0], [0], [1], [0, 0, 1, 1], [], []>, transpose_lhs_hint = false} : vector<128x128xbf16>, vector<128x128xbf16>, vector<128x128xf32> -> vector<128x128xf32>
      %mul3A_1380 = vector.broadcast %sub3A_1339 : vector<1x128xf32> to vector<128x128xf32>
      %mul3A_1381 = arith.mulf %div3A_1375, %mul3A_1380 : vector<128x128xf32>
      %reduce_sum3A_1382 = arith.constant dense<0.000000e+00> : vector<128xf32>
      %reduce_sum3A_1383 = vector.multi_reduction <add>, %mul3A_1381, %reduce_sum3A_1382 [1] : vector<128x128xf32> to vector<128xf32>
      %broadcast_in_dim3A_1384 = vector.shape_cast %reduce_sum3A_1383 : vector<128xf32> to vector<128x1xf32>
      %add3A_1385 = arith.constant 9.99999997E-7 : f32
      %add3A_1386 = vector.broadcast %add3A_1385 : f32 to vector<128x1xf32>
      %add3A_1387 = arith.addf %broadcast_in_dim3A_1384, %add3A_1386 : vector<128x1xf32>
      %div3A_1388 = vector.broadcast %add3A_1387 : vector<128x1xf32> to vector<128x128xf32>
      %div3A_1389 = arith.divf %dot_general3A_1379, %div3A_1388 : vector<128x128xf32>
      %add3A_1390 = arith.addf %dot_general3A_1360, %div3A_1389 : vector<128x128xf32>
      %convert_element_type3A_1391 = arith.truncf %add3A_1390 : vector<128x128xf32> to vector<128x128xbf16>
      %swap3A_1392 = arith.constant 0 : index
      %swap3A_1393 = arith.constant 896 : index
      %swap3A_1394 = arith.constant 0 : index
      %swap3A_1395 = vector.load %arg6[%swap3A_1392, %swap3A_1393, %swap3A_1394] : memref<1x2048x128xbf16, #tpu.memory_space<vmem>>, vector<1x128x128xbf16>
      %swap3A_1396 = vector.shape_cast %swap3A_1395 : vector<1x128x128xbf16> to vector<128x128xbf16>
      %swap3A_1397 = vector.shape_cast %convert_element_type3A_1391 : vector<128x128xbf16> to vector<1x128x128xbf16>
      tpu.vector_store %arg6[%swap3A_1392, %swap3A_1393, %swap3A_1394], %swap3A_1397 {strides = array<i32>} : memref<1x2048x128xbf16, #tpu.memory_space<vmem>>, vector<1x128x128xbf16>,
      %sub3A_1398 = arith.constant 1 : i32
      %sub3A_1399 = arith.subi %arg1, %sub3A_1398 : i32
      %mul3A_1400 = arith.constant 16 : i32
      %mul3A_1401 = arith.muli %sub3A_1399, %mul3A_1400 : i32
      %add3A_1402 = arith.constant 8 : i32
      %add3A_1403 = arith.addi %mul3A_1401, %add3A_1402 : i32
      %get3A_1404 = arith.constant 1024 : index
      %get3A_1405 = arith.constant 0 : index
      %get3A_1406 = vector.load %arg3[%get3A_1404, %get3A_1405] : memref<2048x128xbf16, #tpu.memory_space<vmem>>, vector<128x128xbf16>
      %get3A_1407 = arith.index_cast %arg0 : i32 to index
      %get3A_1408 = arith.index_cast %add3A_1403 : i32 to index
      %get3A_1409 = arith.constant 0 : index
      %get3A_1410 = memref.load %arg2[%get3A_1407, %get3A_1408, %get3A_1409] : memref<8x16x4xi32, #tpu.memory_space<smem>>
      %mul3A_1411 = arith.constant 64 : i32
      %mul3A_1412 = arith.muli %get3A_1410, %mul3A_1411 : i32
      %get3A_1413 = arith.index_cast %mul3A_1412 : i32 to index
      %get3A_1414 = arith.constant 0 : index
      %get3A_1415 = vector.load %arg4[%get3A_1413, %get3A_1414] : memref<2048x128xbf16, #tpu.memory_space<vmem>>, vector<64x128xbf16>
      %mul3A_1416 = arith.constant 64 : i32
      %mul3A_1417 = arith.muli %get3A_1410, %mul3A_1416 : i32
      %get3A_1418 = arith.index_cast %mul3A_1417 : i32 to index
      %get3A_1419 = arith.constant 0 : index
      %get3A_1420 = vector.load %arg5[%get3A_1418, %get3A_1419] : memref<2048x128xbf16, #tpu.memory_space<vmem>>, vector<64x128xbf16>
      %get3A_1421 = arith.index_cast %get3A_1410 : i32 to index
      %get3A_1422 = arith.constant 0 : index
      %get3A_1423 = arith.constant 0 : index
      %get3A_1424 = vector.load %arg7[%get3A_1421, %get3A_1422, %get3A_1423] : memref<32x128x128xbf16, #tpu.memory_space<vmem>>, vector<1x128x128xbf16>
      %squeeze3A_1425 = vector.shape_cast %get3A_1424 : vector<1x128x128xbf16> to vector<128x128xbf16>
      %convert_element_type3A_1426 = arith.extf %squeeze3A_1425 : vector<128x128xbf16> to vector<128x128xf32>
      %sub3A_1427 = arith.subf %get3A_7, %convert_element_type3A_1426 : vector<128x128xf32>
      %get3A_1428 = arith.index_cast %get3A_1410 : i32 to index
      %get3A_1429 = arith.constant 0 : index
      %get3A_1430 = arith.constant 0 : index
      %get3A_1431 = vector.load %arg8[%get3A_1428, %get3A_1429, %get3A_1430] : memref<32x1x128xf32, #tpu.memory_space<vmem>>, vector<1x1x128xf32>
      %get3A_1432 = vector.shape_cast %get3A_1431 : vector<1x1x128xf32> to vector<1x128xf32>
      %sub3A_1433 = arith.subf %get3A_10, %get3A_1432 : vector<1x128xf32>
      %get3A_1434 = arith.index_cast %arg0 : i32 to index
      %get3A_1435 = arith.index_cast %add3A_1403 : i32 to index
      %get3A_1436 = arith.constant 1 : index
      %get3A_1437 = memref.load %arg2[%get3A_1434, %get3A_1435, %get3A_1436] : memref<8x16x4xi32, #tpu.memory_space<smem>>
      %mul3A_1438 = arith.constant 64 : i32
      %mul3A_1439 = arith.muli %get3A_1437, %mul3A_1438 : i32
      %get3A_1440 = arith.index_cast %mul3A_1439 : i32 to index
      %get3A_1441 = arith.constant 0 : index
      %get3A_1442 = vector.load %arg4[%get3A_1440, %get3A_1441] : memref<2048x128xbf16, #tpu.memory_space<vmem>>, vector<64x128xbf16>
      %mul3A_1443 = arith.constant 64 : i32
      %mul3A_1444 = arith.muli %get3A_1437, %mul3A_1443 : i32
      %get3A_1445 = arith.index_cast %mul3A_1444 : i32 to index
      %get3A_1446 = arith.constant 0 : index
      %get3A_1447 = vector.load %arg5[%get3A_1445, %get3A_1446] : memref<2048x128xbf16, #tpu.memory_space<vmem>>, vector<64x128xbf16>
      %get3A_1448 = arith.index_cast %get3A_1437 : i32 to index
      %get3A_1449 = arith.constant 0 : index
      %get3A_1450 = arith.constant 0 : index
      %get3A_1451 = vector.load %arg7[%get3A_1448, %get3A_1449, %get3A_1450] : memref<32x128x128xbf16, #tpu.memory_space<vmem>>, vector<1x128x128xbf16>
      %squeeze3A_1452 = vector.shape_cast %get3A_1451 : vector<1x128x128xbf16> to vector<128x128xbf16>
      %convert_element_type3A_1453 = arith.extf %squeeze3A_1452 : vector<128x128xbf16> to vector<128x128xf32>
      %sub3A_1454 = arith.subf %sub3A_1427, %convert_element_type3A_1453 : vector<128x128xf32>
      %get3A_1455 = arith.index_cast %get3A_1437 : i32 to index
      %get3A_1456 = arith.constant 0 : index
      %get3A_1457 = arith.constant 0 : index
      %get3A_1458 = vector.load %arg8[%get3A_1455, %get3A_1456, %get3A_1457] : memref<32x1x128xf32, #tpu.memory_space<vmem>>, vector<1x1x128xf32>
      %get3A_1459 = vector.shape_cast %get3A_1458 : vector<1x1x128xf32> to vector<1x128xf32>
      %sub3A_1460 = arith.subf %sub3A_1433, %get3A_1459 : vector<1x128xf32>
      %get3A_1461 = arith.index_cast %arg0 : i32 to index
      %get3A_1462 = arith.index_cast %add3A_1403 : i32 to index
      %get3A_1463 = arith.constant 2 : index
      %get3A_1464 = memref.load %arg2[%get3A_1461, %get3A_1462, %get3A_1463] : memref<8x16x4xi32, #tpu.memory_space<smem>>
      %mul3A_1465 = arith.constant 64 : i32
      %mul3A_1466 = arith.muli %get3A_1464, %mul3A_1465 : i32
      %get3A_1467 = arith.index_cast %mul3A_1466 : i32 to index
      %get3A_1468 = arith.constant 0 : index
      %get3A_1469 = vector.load %arg4[%get3A_1467, %get3A_1468] : memref<2048x128xbf16, #tpu.memory_space<vmem>>, vector<64x128xbf16>
      %mul3A_1470 = arith.constant 64 : i32
      %mul3A_1471 = arith.muli %get3A_1464, %mul3A_1470 : i32
      %get3A_1472 = arith.index_cast %mul3A_1471 : i32 to index
      %get3A_1473 = arith.constant 0 : index
      %get3A_1474 = vector.load %arg5[%get3A_1472, %get3A_1473] : memref<2048x128xbf16, #tpu.memory_space<vmem>>, vector<64x128xbf16>
      %get3A_1475 = arith.index_cast %get3A_1464 : i32 to index
      %get3A_1476 = arith.constant 0 : index
      %get3A_1477 = arith.constant 0 : index
      %get3A_1478 = vector.load %arg7[%get3A_1475, %get3A_1476, %get3A_1477] : memref<32x128x128xbf16, #tpu.memory_space<vmem>>, vector<1x128x128xbf16>
      %squeeze3A_1479 = vector.shape_cast %get3A_1478 : vector<1x128x128xbf16> to vector<128x128xbf16>
      %convert_element_type3A_1480 = arith.extf %squeeze3A_1479 : vector<128x128xbf16> to vector<128x128xf32>
      %sub3A_1481 = arith.subf %sub3A_1454, %convert_element_type3A_1480 : vector<128x128xf32>
      %get3A_1482 = arith.index_cast %get3A_1464 : i32 to index
      %get3A_1483 = arith.constant 0 : index
      %get3A_1484 = arith.constant 0 : index
      %get3A_1485 = vector.load %arg8[%get3A_1482, %get3A_1483, %get3A_1484] : memref<32x1x128xf32, #tpu.memory_space<vmem>>, vector<1x1x128xf32>
      %get3A_1486 = vector.shape_cast %get3A_1485 : vector<1x1x128xf32> to vector<1x128xf32>
      %sub3A_1487 = arith.subf %sub3A_1460, %get3A_1486 : vector<1x128xf32>
      %get3A_1488 = arith.index_cast %arg0 : i32 to index
      %get3A_1489 = arith.index_cast %add3A_1403 : i32 to index
      %get3A_1490 = arith.constant 3 : index
      %get3A_1491 = memref.load %arg2[%get3A_1488, %get3A_1489, %get3A_1490] : memref<8x16x4xi32, #tpu.memory_space<smem>>
      %mul3A_1492 = arith.constant 64 : i32
      %mul3A_1493 = arith.muli %get3A_1491, %mul3A_1492 : i32
      %get3A_1494 = arith.index_cast %mul3A_1493 : i32 to index
      %get3A_1495 = arith.constant 0 : index
      %get3A_1496 = vector.load %arg4[%get3A_1494, %get3A_1495] : memref<2048x128xbf16, #tpu.memory_space<vmem>>, vector<64x128xbf16>
      %mul3A_1497 = arith.constant 64 : i32
      %mul3A_1498 = arith.muli %get3A_1491, %mul3A_1497 : i32
      %get3A_1499 = arith.index_cast %mul3A_1498 : i32 to index
      %get3A_1500 = arith.constant 0 : index
      %get3A_1501 = vector.load %arg5[%get3A_1499, %get3A_1500] : memref<2048x128xbf16, #tpu.memory_space<vmem>>, vector<64x128xbf16>
      %get3A_1502 = arith.index_cast %get3A_1491 : i32 to index
      %get3A_1503 = arith.constant 0 : index
      %get3A_1504 = arith.constant 0 : index
      %get3A_1505 = vector.load %arg7[%get3A_1502, %get3A_1503, %get3A_1504] : memref<32x128x128xbf16, #tpu.memory_space<vmem>>, vector<1x128x128xbf16>
      %squeeze3A_1506 = vector.shape_cast %get3A_1505 : vector<1x128x128xbf16> to vector<128x128xbf16>
      %convert_element_type3A_1507 = arith.extf %squeeze3A_1506 : vector<128x128xbf16> to vector<128x128xf32>
      %sub3A_1508 = arith.subf %sub3A_1481, %convert_element_type3A_1507 : vector<128x128xf32>
      %get3A_1509 = arith.index_cast %get3A_1491 : i32 to index
      %get3A_1510 = arith.constant 0 : index
      %get3A_1511 = arith.constant 0 : index
      %get3A_1512 = vector.load %arg8[%get3A_1509, %get3A_1510, %get3A_1511] : memref<32x1x128xf32, #tpu.memory_space<vmem>>, vector<1x1x128xf32>
      %get3A_1513 = vector.shape_cast %get3A_1512 : vector<1x1x128xf32> to vector<1x128xf32>
      %sub3A_1514 = arith.subf %sub3A_1487, %get3A_1513 : vector<1x128xf32>
      %concatenate3A_1515 = tpu.concatenate %get3A_1415, %get3A_1442, %get3A_1469, %get3A_1496 in 0 : vector<64x128xbf16>, vector<64x128xbf16>, vector<64x128xbf16>, vector<64x128xbf16> -> vector<256x128xbf16>
      %concatenate3A_1516 = tpu.concatenate %get3A_1420, %get3A_1447, %get3A_1474, %get3A_1501 in 0 : vector<64x128xbf16>, vector<64x128xbf16>, vector<64x128xbf16>, vector<64x128xbf16> -> vector<256x128xbf16>
      %dot_general3A_1517 = arith.constant dense<0.000000e+00> : vector<128x256xf32>
      %dot_general3A_1518 = tpu.matmul %get3A_1406, %concatenate3A_1515, %dot_general3A_1517 {dimension_numbers = #tpu.dot_dimension_numbers<[1], [1], [0], [0], [0, 0, 1, 0], [], []>, transpose_lhs_hint = false} : vector<128x128xbf16>, vector<256x128xbf16>, vector<128x256xf32> -> vector<128x256xf32>
      %mul3A_1519 = arith.constant 0.0883883461 : f32
      %mul3A_1520 = vector.broadcast %mul3A_1519 : f32 to vector<128x256xf32>
      %mul3A_1521 = arith.mulf %dot_general3A_1518, %mul3A_1520 : vector<128x256xf32>
      %reduce_max3A_1522 = arith.constant dense<0xFF800000> : vector<128xf32>
      %reduce_max3A_1523 = vector.multi_reduction <maximumf>, %mul3A_1521, %reduce_max3A_1522 [1] : vector<128x256xf32> to vector<128xf32>
      %broadcast_in_dim3A_1524 = vector.shape_cast %reduce_max3A_1523 : vector<128xf32> to vector<128x1xf32>
      %sub3A_1525 = vector.broadcast %broadcast_in_dim3A_1524 : vector<128x1xf32> to vector<128x256xf32>
      %sub3A_1526 = arith.subf %mul3A_1521, %sub3A_1525 : vector<128x256xf32>
      %exp3A_1527 = math.exp %sub3A_1526 : vector<128x256xf32>
      %reduce_sum3A_1528 = arith.constant dense<0.000000e+00> : vector<128xf32>
      %reduce_sum3A_1529 = vector.multi_reduction <add>, %exp3A_1527, %reduce_sum3A_1528 [1] : vector<128x256xf32> to vector<128xf32>
      %broadcast_in_dim3A_1530 = vector.shape_cast %reduce_sum3A_1529 : vector<128xf32> to vector<128x1xf32>
      %div3A_1531 = vector.broadcast %broadcast_in_dim3A_1530 : vector<128x1xf32> to vector<128x256xf32>
      %div3A_1532 = arith.divf %exp3A_1527, %div3A_1531 : vector<128x256xf32>
      %convert_element_type3A_1533 = arith.truncf %div3A_1532 : vector<128x256xf32> to vector<128x256xbf16>
      %dot_general3A_1534 = arith.constant dense<0.000000e+00> : vector<128x128xf32>
      %dot_general3A_1535 = tpu.matmul %convert_element_type3A_1533, %concatenate3A_1516, %dot_general3A_1534 {dimension_numbers = #tpu.dot_dimension_numbers<[1], [0], [0], [1], [0, 0, 1, 1], [], []>, transpose_lhs_hint = false} : vector<128x256xbf16>, vector<256x128xbf16>, vector<128x128xf32> -> vector<128x128xf32>
      %convert_element_type3A_1536 = arith.extf %get3A_1406 : vector<128x128xbf16> to vector<128x128xf32>
      %reduce_max3A_1537 = arith.constant dense<0xFF800000> : vector<128xf32>
      %reduce_max3A_1538 = vector.multi_reduction <maximumf>, %convert_element_type3A_1536, %reduce_max3A_1537 [1] : vector<128x128xf32> to vector<128xf32>
      %max3A_1539 = arith.constant 0xFF800000 : f32
      %max3A_1540 = vector.broadcast %max3A_1539 : f32 to vector<128xf32>
      %max3A_1541 = arith.maximumf %max3A_1540, %reduce_max3A_1538 : vector<128xf32>
      %broadcast_in_dim3A_1542 = vector.shape_cast %max3A_1541 : vector<128xf32> to vector<128x1xf32>
      %sub3A_1543 = vector.broadcast %broadcast_in_dim3A_1542 : vector<128x1xf32> to vector<128x128xf32>
      %sub3A_1544 = arith.subf %convert_element_type3A_1536, %sub3A_1543 : vector<128x128xf32>
      %exp3A_1545 = math.exp %sub3A_1544 : vector<128x128xf32>
      %reduce_sum3A_1546 = arith.constant dense<0.000000e+00> : vector<128xf32>
      %reduce_sum3A_1547 = vector.multi_reduction <add>, %exp3A_1545, %reduce_sum3A_1546 [1] : vector<128x128xf32> to vector<128xf32>
      %broadcast_in_dim3A_1548 = vector.shape_cast %reduce_sum3A_1547 : vector<128xf32> to vector<128x1xf32>
      %div3A_1549 = vector.broadcast %broadcast_in_dim3A_1548 : vector<128x1xf32> to vector<128x128xf32>
      %div3A_1550 = arith.divf %exp3A_1545, %div3A_1549 : vector<128x128xf32>
      %convert_element_type3A_1551 = arith.truncf %div3A_1550 : vector<128x128xf32> to vector<128x128xbf16>
      %convert_element_type3A_1552 = arith.truncf %sub3A_1508 : vector<128x128xf32> to vector<128x128xbf16>
      %dot_general3A_1553 = arith.constant dense<0.000000e+00> : vector<128x128xf32>
      %dot_general3A_1554 = tpu.matmul %convert_element_type3A_1551, %convert_element_type3A_1552, %dot_general3A_1553 {dimension_numbers = #tpu.dot_dimension_numbers<[1], [0], [0], [1], [0, 0, 1, 1], [], []>, transpose_lhs_hint = false} : vector<128x128xbf16>, vector<128x128xbf16>, vector<128x128xf32> -> vector<128x128xf32>
      %mul3A_1555 = vector.broadcast %sub3A_1514 : vector<1x128xf32> to vector<128x128xf32>
      %mul3A_1556 = arith.mulf %div3A_1550, %mul3A_1555 : vector<128x128xf32>
      %reduce_sum3A_1557 = arith.constant dense<0.000000e+00> : vector<128xf32>
      %reduce_sum3A_1558 = vector.multi_reduction <add>, %mul3A_1556, %reduce_sum3A_1557 [1] : vector<128x128xf32> to vector<128xf32>
      %broadcast_in_dim3A_1559 = vector.shape_cast %reduce_sum3A_1558 : vector<128xf32> to vector<128x1xf32>
      %add3A_1560 = arith.constant 9.99999997E-7 : f32
      %add3A_1561 = vector.broadcast %add3A_1560 : f32 to vector<128x1xf32>
      %add3A_1562 = arith.addf %broadcast_in_dim3A_1559, %add3A_1561 : vector<128x1xf32>
      %div3A_1563 = vector.broadcast %add3A_1562 : vector<128x1xf32> to vector<128x128xf32>
      %div3A_1564 = arith.divf %dot_general3A_1554, %div3A_1563 : vector<128x128xf32>
      %add3A_1565 = arith.addf %dot_general3A_1535, %div3A_1564 : vector<128x128xf32>
      %convert_element_type3A_1566 = arith.truncf %add3A_1565 : vector<128x128xf32> to vector<128x128xbf16>
      %swap3A_1567 = arith.constant 0 : index
      %swap3A_1568 = arith.constant 1024 : index
      %swap3A_1569 = arith.constant 0 : index
      %swap3A_1570 = vector.load %arg6[%swap3A_1567, %swap3A_1568, %swap3A_1569] : memref<1x2048x128xbf16, #tpu.memory_space<vmem>>, vector<1x128x128xbf16>
      %swap3A_1571 = vector.shape_cast %swap3A_1570 : vector<1x128x128xbf16> to vector<128x128xbf16>
      %swap3A_1572 = vector.shape_cast %convert_element_type3A_1566 : vector<128x128xbf16> to vector<1x128x128xbf16>
      tpu.vector_store %arg6[%swap3A_1567, %swap3A_1568, %swap3A_1569], %swap3A_1572 {strides = array<i32>} : memref<1x2048x128xbf16, #tpu.memory_space<vmem>>, vector<1x128x128xbf16>,
      %sub3A_1573 = arith.constant 1 : i32
      %sub3A_1574 = arith.subi %arg1, %sub3A_1573 : i32
      %mul3A_1575 = arith.constant 16 : i32
      %mul3A_1576 = arith.muli %sub3A_1574, %mul3A_1575 : i32
      %add3A_1577 = arith.constant 9 : i32
      %add3A_1578 = arith.addi %mul3A_1576, %add3A_1577 : i32
      %get3A_1579 = arith.constant 1152 : index
      %get3A_1580 = arith.constant 0 : index
      %get3A_1581 = vector.load %arg3[%get3A_1579, %get3A_1580] : memref<2048x128xbf16, #tpu.memory_space<vmem>>, vector<128x128xbf16>
      %get3A_1582 = arith.index_cast %arg0 : i32 to index
      %get3A_1583 = arith.index_cast %add3A_1578 : i32 to index
      %get3A_1584 = arith.constant 0 : index
      %get3A_1585 = memref.load %arg2[%get3A_1582, %get3A_1583, %get3A_1584] : memref<8x16x4xi32, #tpu.memory_space<smem>>
      %mul3A_1586 = arith.constant 64 : i32
      %mul3A_1587 = arith.muli %get3A_1585, %mul3A_1586 : i32
      %get3A_1588 = arith.index_cast %mul3A_1587 : i32 to index
      %get3A_1589 = arith.constant 0 : index
      %get3A_1590 = vector.load %arg4[%get3A_1588, %get3A_1589] : memref<2048x128xbf16, #tpu.memory_space<vmem>>, vector<64x128xbf16>
      %mul3A_1591 = arith.constant 64 : i32
      %mul3A_1592 = arith.muli %get3A_1585, %mul3A_1591 : i32
      %get3A_1593 = arith.index_cast %mul3A_1592 : i32 to index
      %get3A_1594 = arith.constant 0 : index
      %get3A_1595 = vector.load %arg5[%get3A_1593, %get3A_1594] : memref<2048x128xbf16, #tpu.memory_space<vmem>>, vector<64x128xbf16>
      %get3A_1596 = arith.index_cast %get3A_1585 : i32 to index
      %get3A_1597 = arith.constant 0 : index
      %get3A_1598 = arith.constant 0 : index
      %get3A_1599 = vector.load %arg7[%get3A_1596, %get3A_1597, %get3A_1598] : memref<32x128x128xbf16, #tpu.memory_space<vmem>>, vector<1x128x128xbf16>
      %squeeze3A_1600 = vector.shape_cast %get3A_1599 : vector<1x128x128xbf16> to vector<128x128xbf16>
      %convert_element_type3A_1601 = arith.extf %squeeze3A_1600 : vector<128x128xbf16> to vector<128x128xf32>
      %sub3A_1602 = arith.subf %get3A_7, %convert_element_type3A_1601 : vector<128x128xf32>
      %get3A_1603 = arith.index_cast %get3A_1585 : i32 to index
      %get3A_1604 = arith.constant 0 : index
      %get3A_1605 = arith.constant 0 : index
      %get3A_1606 = vector.load %arg8[%get3A_1603, %get3A_1604, %get3A_1605] : memref<32x1x128xf32, #tpu.memory_space<vmem>>, vector<1x1x128xf32>
      %get3A_1607 = vector.shape_cast %get3A_1606 : vector<1x1x128xf32> to vector<1x128xf32>
      %sub3A_1608 = arith.subf %get3A_10, %get3A_1607 : vector<1x128xf32>
      %get3A_1609 = arith.index_cast %arg0 : i32 to index
      %get3A_1610 = arith.index_cast %add3A_1578 : i32 to index
      %get3A_1611 = arith.constant 1 : index
      %get3A_1612 = memref.load %arg2[%get3A_1609, %get3A_1610, %get3A_1611] : memref<8x16x4xi32, #tpu.memory_space<smem>>
      %mul3A_1613 = arith.constant 64 : i32
      %mul3A_1614 = arith.muli %get3A_1612, %mul3A_1613 : i32
      %get3A_1615 = arith.index_cast %mul3A_1614 : i32 to index
      %get3A_1616 = arith.constant 0 : index
      %get3A_1617 = vector.load %arg4[%get3A_1615, %get3A_1616] : memref<2048x128xbf16, #tpu.memory_space<vmem>>, vector<64x128xbf16>
      %mul3A_1618 = arith.constant 64 : i32
      %mul3A_1619 = arith.muli %get3A_1612, %mul3A_1618 : i32
      %get3A_1620 = arith.index_cast %mul3A_1619 : i32 to index
      %get3A_1621 = arith.constant 0 : index
      %get3A_1622 = vector.load %arg5[%get3A_1620, %get3A_1621] : memref<2048x128xbf16, #tpu.memory_space<vmem>>, vector<64x128xbf16>
      %get3A_1623 = arith.index_cast %get3A_1612 : i32 to index
      %get3A_1624 = arith.constant 0 : index
      %get3A_1625 = arith.constant 0 : index
      %get3A_1626 = vector.load %arg7[%get3A_1623, %get3A_1624, %get3A_1625] : memref<32x128x128xbf16, #tpu.memory_space<vmem>>, vector<1x128x128xbf16>
      %squeeze3A_1627 = vector.shape_cast %get3A_1626 : vector<1x128x128xbf16> to vector<128x128xbf16>
      %convert_element_type3A_1628 = arith.extf %squeeze3A_1627 : vector<128x128xbf16> to vector<128x128xf32>
      %sub3A_1629 = arith.subf %sub3A_1602, %convert_element_type3A_1628 : vector<128x128xf32>
      %get3A_1630 = arith.index_cast %get3A_1612 : i32 to index
      %get3A_1631 = arith.constant 0 : index
      %get3A_1632 = arith.constant 0 : index
      %get3A_1633 = vector.load %arg8[%get3A_1630, %get3A_1631, %get3A_1632] : memref<32x1x128xf32, #tpu.memory_space<vmem>>, vector<1x1x128xf32>
      %get3A_1634 = vector.shape_cast %get3A_1633 : vector<1x1x128xf32> to vector<1x128xf32>
      %sub3A_1635 = arith.subf %sub3A_1608, %get3A_1634 : vector<1x128xf32>
      %get3A_1636 = arith.index_cast %arg0 : i32 to index
      %get3A_1637 = arith.index_cast %add3A_1578 : i32 to index
      %get3A_1638 = arith.constant 2 : index
      %get3A_1639 = memref.load %arg2[%get3A_1636, %get3A_1637, %get3A_1638] : memref<8x16x4xi32, #tpu.memory_space<smem>>
      %mul3A_1640 = arith.constant 64 : i32
      %mul3A_1641 = arith.muli %get3A_1639, %mul3A_1640 : i32
      %get3A_1642 = arith.index_cast %mul3A_1641 : i32 to index
      %get3A_1643 = arith.constant 0 : index
      %get3A_1644 = vector.load %arg4[%get3A_1642, %get3A_1643] : memref<2048x128xbf16, #tpu.memory_space<vmem>>, vector<64x128xbf16>
      %mul3A_1645 = arith.constant 64 : i32
      %mul3A_1646 = arith.muli %get3A_1639, %mul3A_1645 : i32
      %get3A_1647 = arith.index_cast %mul3A_1646 : i32 to index
      %get3A_1648 = arith.constant 0 : index
      %get3A_1649 = vector.load %arg5[%get3A_1647, %get3A_1648] : memref<2048x128xbf16, #tpu.memory_space<vmem>>, vector<64x128xbf16>
      %get3A_1650 = arith.index_cast %get3A_1639 : i32 to index
      %get3A_1651 = arith.constant 0 : index
      %get3A_1652 = arith.constant 0 : index
      %get3A_1653 = vector.load %arg7[%get3A_1650, %get3A_1651, %get3A_1652] : memref<32x128x128xbf16, #tpu.memory_space<vmem>>, vector<1x128x128xbf16>
      %squeeze3A_1654 = vector.shape_cast %get3A_1653 : vector<1x128x128xbf16> to vector<128x128xbf16>
      %convert_element_type3A_1655 = arith.extf %squeeze3A_1654 : vector<128x128xbf16> to vector<128x128xf32>
      %sub3A_1656 = arith.subf %sub3A_1629, %convert_element_type3A_1655 : vector<128x128xf32>
      %get3A_1657 = arith.index_cast %get3A_1639 : i32 to index
      %get3A_1658 = arith.constant 0 : index
      %get3A_1659 = arith.constant 0 : index
      %get3A_1660 = vector.load %arg8[%get3A_1657, %get3A_1658, %get3A_1659] : memref<32x1x128xf32, #tpu.memory_space<vmem>>, vector<1x1x128xf32>
      %get3A_1661 = vector.shape_cast %get3A_1660 : vector<1x1x128xf32> to vector<1x128xf32>
      %sub3A_1662 = arith.subf %sub3A_1635, %get3A_1661 : vector<1x128xf32>
      %get3A_1663 = arith.index_cast %arg0 : i32 to index
      %get3A_1664 = arith.index_cast %add3A_1578 : i32 to index
      %get3A_1665 = arith.constant 3 : index
      %get3A_1666 = memref.load %arg2[%get3A_1663, %get3A_1664, %get3A_1665] : memref<8x16x4xi32, #tpu.memory_space<smem>>
      %mul3A_1667 = arith.constant 64 : i32
      %mul3A_1668 = arith.muli %get3A_1666, %mul3A_1667 : i32
      %get3A_1669 = arith.index_cast %mul3A_1668 : i32 to index
      %get3A_1670 = arith.constant 0 : index
      %get3A_1671 = vector.load %arg4[%get3A_1669, %get3A_1670] : memref<2048x128xbf16, #tpu.memory_space<vmem>>, vector<64x128xbf16>
      %mul3A_1672 = arith.constant 64 : i32
      %mul3A_1673 = arith.muli %get3A_1666, %mul3A_1672 : i32
      %get3A_1674 = arith.index_cast %mul3A_1673 : i32 to index
      %get3A_1675 = arith.constant 0 : index
      %get3A_1676 = vector.load %arg5[%get3A_1674, %get3A_1675] : memref<2048x128xbf16, #tpu.memory_space<vmem>>, vector<64x128xbf16>
      %get3A_1677 = arith.index_cast %get3A_1666 : i32 to index
      %get3A_1678 = arith.constant 0 : index
      %get3A_1679 = arith.constant 0 : index
      %get3A_1680 = vector.load %arg7[%get3A_1677, %get3A_1678, %get3A_1679] : memref<32x128x128xbf16, #tpu.memory_space<vmem>>, vector<1x128x128xbf16>
      %squeeze3A_1681 = vector.shape_cast %get3A_1680 : vector<1x128x128xbf16> to vector<128x128xbf16>
      %convert_element_type3A_1682 = arith.extf %squeeze3A_1681 : vector<128x128xbf16> to vector<128x128xf32>
      %sub3A_1683 = arith.subf %sub3A_1656, %convert_element_type3A_1682 : vector<128x128xf32>
      %get3A_1684 = arith.index_cast %get3A_1666 : i32 to index
      %get3A_1685 = arith.constant 0 : index
      %get3A_1686 = arith.constant 0 : index
      %get3A_1687 = vector.load %arg8[%get3A_1684, %get3A_1685, %get3A_1686] : memref<32x1x128xf32, #tpu.memory_space<vmem>>, vector<1x1x128xf32>
      %get3A_1688 = vector.shape_cast %get3A_1687 : vector<1x1x128xf32> to vector<1x128xf32>
      %sub3A_1689 = arith.subf %sub3A_1662, %get3A_1688 : vector<1x128xf32>
      %concatenate3A_1690 = tpu.concatenate %get3A_1590, %get3A_1617, %get3A_1644, %get3A_1671 in 0 : vector<64x128xbf16>, vector<64x128xbf16>, vector<64x128xbf16>, vector<64x128xbf16> -> vector<256x128xbf16>
      %concatenate3A_1691 = tpu.concatenate %get3A_1595, %get3A_1622, %get3A_1649, %get3A_1676 in 0 : vector<64x128xbf16>, vector<64x128xbf16>, vector<64x128xbf16>, vector<64x128xbf16> -> vector<256x128xbf16>
      %dot_general3A_1692 = arith.constant dense<0.000000e+00> : vector<128x256xf32>
      %dot_general3A_1693 = tpu.matmul %get3A_1581, %concatenate3A_1690, %dot_general3A_1692 {dimension_numbers = #tpu.dot_dimension_numbers<[1], [1], [0], [0], [0, 0, 1, 0], [], []>, transpose_lhs_hint = false} : vector<128x128xbf16>, vector<256x128xbf16>, vector<128x256xf32> -> vector<128x256xf32>
      %mul3A_1694 = arith.constant 0.0883883461 : f32
      %mul3A_1695 = vector.broadcast %mul3A_1694 : f32 to vector<128x256xf32>
      %mul3A_1696 = arith.mulf %dot_general3A_1693, %mul3A_1695 : vector<128x256xf32>
      %reduce_max3A_1697 = arith.constant dense<0xFF800000> : vector<128xf32>
      %reduce_max3A_1698 = vector.multi_reduction <maximumf>, %mul3A_1696, %reduce_max3A_1697 [1] : vector<128x256xf32> to vector<128xf32>
      %broadcast_in_dim3A_1699 = vector.shape_cast %reduce_max3A_1698 : vector<128xf32> to vector<128x1xf32>
      %sub3A_1700 = vector.broadcast %broadcast_in_dim3A_1699 : vector<128x1xf32> to vector<128x256xf32>
      %sub3A_1701 = arith.subf %mul3A_1696, %sub3A_1700 : vector<128x256xf32>
      %exp3A_1702 = math.exp %sub3A_1701 : vector<128x256xf32>
      %reduce_sum3A_1703 = arith.constant dense<0.000000e+00> : vector<128xf32>
      %reduce_sum3A_1704 = vector.multi_reduction <add>, %exp3A_1702, %reduce_sum3A_1703 [1] : vector<128x256xf32> to vector<128xf32>
      %broadcast_in_dim3A_1705 = vector.shape_cast %reduce_sum3A_1704 : vector<128xf32> to vector<128x1xf32>
      %div3A_1706 = vector.broadcast %broadcast_in_dim3A_1705 : vector<128x1xf32> to vector<128x256xf32>
      %div3A_1707 = arith.divf %exp3A_1702, %div3A_1706 : vector<128x256xf32>
      %convert_element_type3A_1708 = arith.truncf %div3A_1707 : vector<128x256xf32> to vector<128x256xbf16>
      %dot_general3A_1709 = arith.constant dense<0.000000e+00> : vector<128x128xf32>
      %dot_general3A_1710 = tpu.matmul %convert_element_type3A_1708, %concatenate3A_1691, %dot_general3A_1709 {dimension_numbers = #tpu.dot_dimension_numbers<[1], [0], [0], [1], [0, 0, 1, 1], [], []>, transpose_lhs_hint = false} : vector<128x256xbf16>, vector<256x128xbf16>, vector<128x128xf32> -> vector<128x128xf32>
      %convert_element_type3A_1711 = arith.extf %get3A_1581 : vector<128x128xbf16> to vector<128x128xf32>
      %reduce_max3A_1712 = arith.constant dense<0xFF800000> : vector<128xf32>
      %reduce_max3A_1713 = vector.multi_reduction <maximumf>, %convert_element_type3A_1711, %reduce_max3A_1712 [1] : vector<128x128xf32> to vector<128xf32>
      %max3A_1714 = arith.constant 0xFF800000 : f32
      %max3A_1715 = vector.broadcast %max3A_1714 : f32 to vector<128xf32>
      %max3A_1716 = arith.maximumf %max3A_1715, %reduce_max3A_1713 : vector<128xf32>
      %broadcast_in_dim3A_1717 = vector.shape_cast %max3A_1716 : vector<128xf32> to vector<128x1xf32>
      %sub3A_1718 = vector.broadcast %broadcast_in_dim3A_1717 : vector<128x1xf32> to vector<128x128xf32>
      %sub3A_1719 = arith.subf %convert_element_type3A_1711, %sub3A_1718 : vector<128x128xf32>
      %exp3A_1720 = math.exp %sub3A_1719 : vector<128x128xf32>
      %reduce_sum3A_1721 = arith.constant dense<0.000000e+00> : vector<128xf32>
      %reduce_sum3A_1722 = vector.multi_reduction <add>, %exp3A_1720, %reduce_sum3A_1721 [1] : vector<128x128xf32> to vector<128xf32>
      %broadcast_in_dim3A_1723 = vector.shape_cast %reduce_sum3A_1722 : vector<128xf32> to vector<128x1xf32>
      %div3A_1724 = vector.broadcast %broadcast_in_dim3A_1723 : vector<128x1xf32> to vector<128x128xf32>
      %div3A_1725 = arith.divf %exp3A_1720, %div3A_1724 : vector<128x128xf32>
      %convert_element_type3A_1726 = arith.truncf %div3A_1725 : vector<128x128xf32> to vector<128x128xbf16>
      %convert_element_type3A_1727 = arith.truncf %sub3A_1683 : vector<128x128xf32> to vector<128x128xbf16>
      %dot_general3A_1728 = arith.constant dense<0.000000e+00> : vector<128x128xf32>
      %dot_general3A_1729 = tpu.matmul %convert_element_type3A_1726, %convert_element_type3A_1727, %dot_general3A_1728 {dimension_numbers = #tpu.dot_dimension_numbers<[1], [0], [0], [1], [0, 0, 1, 1], [], []>, transpose_lhs_hint = false} : vector<128x128xbf16>, vector<128x128xbf16>, vector<128x128xf32> -> vector<128x128xf32>
      %mul3A_1730 = vector.broadcast %sub3A_1689 : vector<1x128xf32> to vector<128x128xf32>
      %mul3A_1731 = arith.mulf %div3A_1725, %mul3A_1730 : vector<128x128xf32>
      %reduce_sum3A_1732 = arith.constant dense<0.000000e+00> : vector<128xf32>
      %reduce_sum3A_1733 = vector.multi_reduction <add>, %mul3A_1731, %reduce_sum3A_1732 [1] : vector<128x128xf32> to vector<128xf32>
      %broadcast_in_dim3A_1734 = vector.shape_cast %reduce_sum3A_1733 : vector<128xf32> to vector<128x1xf32>
      %add3A_1735 = arith.constant 9.99999997E-7 : f32
      %add3A_1736 = vector.broadcast %add3A_1735 : f32 to vector<128x1xf32>
      %add3A_1737 = arith.addf %broadcast_in_dim3A_1734, %add3A_1736 : vector<128x1xf32>
      %div3A_1738 = vector.broadcast %add3A_1737 : vector<128x1xf32> to vector<128x128xf32>
      %div3A_1739 = arith.divf %dot_general3A_1729, %div3A_1738 : vector<128x128xf32>
      %add3A_1740 = arith.addf %dot_general3A_1710, %div3A_1739 : vector<128x128xf32>
      %convert_element_type3A_1741 = arith.truncf %add3A_1740 : vector<128x128xf32> to vector<128x128xbf16>
      %swap3A_1742 = arith.constant 0 : index
      %swap3A_1743 = arith.constant 1152 : index
      %swap3A_1744 = arith.constant 0 : index
      %swap3A_1745 = vector.load %arg6[%swap3A_1742, %swap3A_1743, %swap3A_1744] : memref<1x2048x128xbf16, #tpu.memory_space<vmem>>, vector<1x128x128xbf16>
      %swap3A_1746 = vector.shape_cast %swap3A_1745 : vector<1x128x128xbf16> to vector<128x128xbf16>
      %swap3A_1747 = vector.shape_cast %convert_element_type3A_1741 : vector<128x128xbf16> to vector<1x128x128xbf16>
      tpu.vector_store %arg6[%swap3A_1742, %swap3A_1743, %swap3A_1744], %swap3A_1747 {strides = array<i32>} : memref<1x2048x128xbf16, #tpu.memory_space<vmem>>, vector<1x128x128xbf16>,
      %sub3A_1748 = arith.constant 1 : i32
      %sub3A_1749 = arith.subi %arg1, %sub3A_1748 : i32
      %mul3A_1750 = arith.constant 16 : i32
      %mul3A_1751 = arith.muli %sub3A_1749, %mul3A_1750 : i32
      %add3A_1752 = arith.constant 10 : i32
      %add3A_1753 = arith.addi %mul3A_1751, %add3A_1752 : i32
      %get3A_1754 = arith.constant 1280 : index
      %get3A_1755 = arith.constant 0 : index
      %get3A_1756 = vector.load %arg3[%get3A_1754, %get3A_1755] : memref<2048x128xbf16, #tpu.memory_space<vmem>>, vector<128x128xbf16>
      %get3A_1757 = arith.index_cast %arg0 : i32 to index
      %get3A_1758 = arith.index_cast %add3A_1753 : i32 to index
      %get3A_1759 = arith.constant 0 : index
      %get3A_1760 = memref.load %arg2[%get3A_1757, %get3A_1758, %get3A_1759] : memref<8x16x4xi32, #tpu.memory_space<smem>>
      %mul3A_1761 = arith.constant 64 : i32
      %mul3A_1762 = arith.muli %get3A_1760, %mul3A_1761 : i32
      %get3A_1763 = arith.index_cast %mul3A_1762 : i32 to index
      %get3A_1764 = arith.constant 0 : index
      %get3A_1765 = vector.load %arg4[%get3A_1763, %get3A_1764] : memref<2048x128xbf16, #tpu.memory_space<vmem>>, vector<64x128xbf16>
      %mul3A_1766 = arith.constant 64 : i32
      %mul3A_1767 = arith.muli %get3A_1760, %mul3A_1766 : i32
      %get3A_1768 = arith.index_cast %mul3A_1767 : i32 to index
      %get3A_1769 = arith.constant 0 : index
      %get3A_1770 = vector.load %arg5[%get3A_1768, %get3A_1769] : memref<2048x128xbf16, #tpu.memory_space<vmem>>, vector<64x128xbf16>
      %get3A_1771 = arith.index_cast %get3A_1760 : i32 to index
      %get3A_1772 = arith.constant 0 : index
      %get3A_1773 = arith.constant 0 : index
      %get3A_1774 = vector.load %arg7[%get3A_1771, %get3A_1772, %get3A_1773] : memref<32x128x128xbf16, #tpu.memory_space<vmem>>, vector<1x128x128xbf16>
      %squeeze3A_1775 = vector.shape_cast %get3A_1774 : vector<1x128x128xbf16> to vector<128x128xbf16>
      %convert_element_type3A_1776 = arith.extf %squeeze3A_1775 : vector<128x128xbf16> to vector<128x128xf32>
      %sub3A_1777 = arith.subf %get3A_7, %convert_element_type3A_1776 : vector<128x128xf32>
      %get3A_1778 = arith.index_cast %get3A_1760 : i32 to index
      %get3A_1779 = arith.constant 0 : index
      %get3A_1780 = arith.constant 0 : index
      %get3A_1781 = vector.load %arg8[%get3A_1778, %get3A_1779, %get3A_1780] : memref<32x1x128xf32, #tpu.memory_space<vmem>>, vector<1x1x128xf32>
      %get3A_1782 = vector.shape_cast %get3A_1781 : vector<1x1x128xf32> to vector<1x128xf32>
      %sub3A_1783 = arith.subf %get3A_10, %get3A_1782 : vector<1x128xf32>
      %get3A_1784 = arith.index_cast %arg0 : i32 to index
      %get3A_1785 = arith.index_cast %add3A_1753 : i32 to index
      %get3A_1786 = arith.constant 1 : index
      %get3A_1787 = memref.load %arg2[%get3A_1784, %get3A_1785, %get3A_1786] : memref<8x16x4xi32, #tpu.memory_space<smem>>
      %mul3A_1788 = arith.constant 64 : i32
      %mul3A_1789 = arith.muli %get3A_1787, %mul3A_1788 : i32
      %get3A_1790 = arith.index_cast %mul3A_1789 : i32 to index
      %get3A_1791 = arith.constant 0 : index
      %get3A_1792 = vector.load %arg4[%get3A_1790, %get3A_1791] : memref<2048x128xbf16, #tpu.memory_space<vmem>>, vector<64x128xbf16>
      %mul3A_1793 = arith.constant 64 : i32
      %mul3A_1794 = arith.muli %get3A_1787, %mul3A_1793 : i32
      %get3A_1795 = arith.index_cast %mul3A_1794 : i32 to index
      %get3A_1796 = arith.constant 0 : index
      %get3A_1797 = vector.load %arg5[%get3A_1795, %get3A_1796] : memref<2048x128xbf16, #tpu.memory_space<vmem>>, vector<64x128xbf16>
      %get3A_1798 = arith.index_cast %get3A_1787 : i32 to index
      %get3A_1799 = arith.constant 0 : index
      %get3A_1800 = arith.constant 0 : index
      %get3A_1801 = vector.load %arg7[%get3A_1798, %get3A_1799, %get3A_1800] : memref<32x128x128xbf16, #tpu.memory_space<vmem>>, vector<1x128x128xbf16>
      %squeeze3A_1802 = vector.shape_cast %get3A_1801 : vector<1x128x128xbf16> to vector<128x128xbf16>
      %convert_element_type3A_1803 = arith.extf %squeeze3A_1802 : vector<128x128xbf16> to vector<128x128xf32>
      %sub3A_1804 = arith.subf %sub3A_1777, %convert_element_type3A_1803 : vector<128x128xf32>
      %get3A_1805 = arith.index_cast %get3A_1787 : i32 to index
      %get3A_1806 = arith.constant 0 : index
      %get3A_1807 = arith.constant 0 : index
      %get3A_1808 = vector.load %arg8[%get3A_1805, %get3A_1806, %get3A_1807] : memref<32x1x128xf32, #tpu.memory_space<vmem>>, vector<1x1x128xf32>
      %get3A_1809 = vector.shape_cast %get3A_1808 : vector<1x1x128xf32> to vector<1x128xf32>
      %sub3A_1810 = arith.subf %sub3A_1783, %get3A_1809 : vector<1x128xf32>
      %get3A_1811 = arith.index_cast %arg0 : i32 to index
      %get3A_1812 = arith.index_cast %add3A_1753 : i32 to index
      %get3A_1813 = arith.constant 2 : index
      %get3A_1814 = memref.load %arg2[%get3A_1811, %get3A_1812, %get3A_1813] : memref<8x16x4xi32, #tpu.memory_space<smem>>
      %mul3A_1815 = arith.constant 64 : i32
      %mul3A_1816 = arith.muli %get3A_1814, %mul3A_1815 : i32
      %get3A_1817 = arith.index_cast %mul3A_1816 : i32 to index
      %get3A_1818 = arith.constant 0 : index
      %get3A_1819 = vector.load %arg4[%get3A_1817, %get3A_1818] : memref<2048x128xbf16, #tpu.memory_space<vmem>>, vector<64x128xbf16>
      %mul3A_1820 = arith.constant 64 : i32
      %mul3A_1821 = arith.muli %get3A_1814, %mul3A_1820 : i32
      %get3A_1822 = arith.index_cast %mul3A_1821 : i32 to index
      %get3A_1823 = arith.constant 0 : index
      %get3A_1824 = vector.load %arg5[%get3A_1822, %get3A_1823] : memref<2048x128xbf16, #tpu.memory_space<vmem>>, vector<64x128xbf16>
      %get3A_1825 = arith.index_cast %get3A_1814 : i32 to index
      %get3A_1826 = arith.constant 0 : index
      %get3A_1827 = arith.constant 0 : index
      %get3A_1828 = vector.load %arg7[%get3A_1825, %get3A_1826, %get3A_1827] : memref<32x128x128xbf16, #tpu.memory_space<vmem>>, vector<1x128x128xbf16>
      %squeeze3A_1829 = vector.shape_cast %get3A_1828 : vector<1x128x128xbf16> to vector<128x128xbf16>
      %convert_element_type3A_1830 = arith.extf %squeeze3A_1829 : vector<128x128xbf16> to vector<128x128xf32>
      %sub3A_1831 = arith.subf %sub3A_1804, %convert_element_type3A_1830 : vector<128x128xf32>
      %get3A_1832 = arith.index_cast %get3A_1814 : i32 to index
      %get3A_1833 = arith.constant 0 : index
      %get3A_1834 = arith.constant 0 : index
      %get3A_1835 = vector.load %arg8[%get3A_1832, %get3A_1833, %get3A_1834] : memref<32x1x128xf32, #tpu.memory_space<vmem>>, vector<1x1x128xf32>
      %get3A_1836 = vector.shape_cast %get3A_1835 : vector<1x1x128xf32> to vector<1x128xf32>
      %sub3A_1837 = arith.subf %sub3A_1810, %get3A_1836 : vector<1x128xf32>
      %get3A_1838 = arith.index_cast %arg0 : i32 to index
      %get3A_1839 = arith.index_cast %add3A_1753 : i32 to index
      %get3A_1840 = arith.constant 3 : index
      %get3A_1841 = memref.load %arg2[%get3A_1838, %get3A_1839, %get3A_1840] : memref<8x16x4xi32, #tpu.memory_space<smem>>
      %mul3A_1842 = arith.constant 64 : i32
      %mul3A_1843 = arith.muli %get3A_1841, %mul3A_1842 : i32
      %get3A_1844 = arith.index_cast %mul3A_1843 : i32 to index
      %get3A_1845 = arith.constant 0 : index
      %get3A_1846 = vector.load %arg4[%get3A_1844, %get3A_1845] : memref<2048x128xbf16, #tpu.memory_space<vmem>>, vector<64x128xbf16>
      %mul3A_1847 = arith.constant 64 : i32
      %mul3A_1848 = arith.muli %get3A_1841, %mul3A_1847 : i32
      %get3A_1849 = arith.index_cast %mul3A_1848 : i32 to index
      %get3A_1850 = arith.constant 0 : index
      %get3A_1851 = vector.load %arg5[%get3A_1849, %get3A_1850] : memref<2048x128xbf16, #tpu.memory_space<vmem>>, vector<64x128xbf16>
      %get3A_1852 = arith.index_cast %get3A_1841 : i32 to index
      %get3A_1853 = arith.constant 0 : index
      %get3A_1854 = arith.constant 0 : index
      %get3A_1855 = vector.load %arg7[%get3A_1852, %get3A_1853, %get3A_1854] : memref<32x128x128xbf16, #tpu.memory_space<vmem>>, vector<1x128x128xbf16>
      %squeeze3A_1856 = vector.shape_cast %get3A_1855 : vector<1x128x128xbf16> to vector<128x128xbf16>
      %convert_element_type3A_1857 = arith.extf %squeeze3A_1856 : vector<128x128xbf16> to vector<128x128xf32>
      %sub3A_1858 = arith.subf %sub3A_1831, %convert_element_type3A_1857 : vector<128x128xf32>
      %get3A_1859 = arith.index_cast %get3A_1841 : i32 to index
      %get3A_1860 = arith.constant 0 : index
      %get3A_1861 = arith.constant 0 : index
      %get3A_1862 = vector.load %arg8[%get3A_1859, %get3A_1860, %get3A_1861] : memref<32x1x128xf32, #tpu.memory_space<vmem>>, vector<1x1x128xf32>
      %get3A_1863 = vector.shape_cast %get3A_1862 : vector<1x1x128xf32> to vector<1x128xf32>
      %sub3A_1864 = arith.subf %sub3A_1837, %get3A_1863 : vector<1x128xf32>
      %concatenate3A_1865 = tpu.concatenate %get3A_1765, %get3A_1792, %get3A_1819, %get3A_1846 in 0 : vector<64x128xbf16>, vector<64x128xbf16>, vector<64x128xbf16>, vector<64x128xbf16> -> vector<256x128xbf16>
      %concatenate3A_1866 = tpu.concatenate %get3A_1770, %get3A_1797, %get3A_1824, %get3A_1851 in 0 : vector<64x128xbf16>, vector<64x128xbf16>, vector<64x128xbf16>, vector<64x128xbf16> -> vector<256x128xbf16>
      %dot_general3A_1867 = arith.constant dense<0.000000e+00> : vector<128x256xf32>
      %dot_general3A_1868 = tpu.matmul %get3A_1756, %concatenate3A_1865, %dot_general3A_1867 {dimension_numbers = #tpu.dot_dimension_numbers<[1], [1], [0], [0], [0, 0, 1, 0], [], []>, transpose_lhs_hint = false} : vector<128x128xbf16>, vector<256x128xbf16>, vector<128x256xf32> -> vector<128x256xf32>
      %mul3A_1869 = arith.constant 0.0883883461 : f32
      %mul3A_1870 = vector.broadcast %mul3A_1869 : f32 to vector<128x256xf32>
      %mul3A_1871 = arith.mulf %dot_general3A_1868, %mul3A_1870 : vector<128x256xf32>
      %reduce_max3A_1872 = arith.constant dense<0xFF800000> : vector<128xf32>
      %reduce_max3A_1873 = vector.multi_reduction <maximumf>, %mul3A_1871, %reduce_max3A_1872 [1] : vector<128x256xf32> to vector<128xf32>
      %broadcast_in_dim3A_1874 = vector.shape_cast %reduce_max3A_1873 : vector<128xf32> to vector<128x1xf32>
      %sub3A_1875 = vector.broadcast %broadcast_in_dim3A_1874 : vector<128x1xf32> to vector<128x256xf32>
      %sub3A_1876 = arith.subf %mul3A_1871, %sub3A_1875 : vector<128x256xf32>
      %exp3A_1877 = math.exp %sub3A_1876 : vector<128x256xf32>
      %reduce_sum3A_1878 = arith.constant dense<0.000000e+00> : vector<128xf32>
      %reduce_sum3A_1879 = vector.multi_reduction <add>, %exp3A_1877, %reduce_sum3A_1878 [1] : vector<128x256xf32> to vector<128xf32>
      %broadcast_in_dim3A_1880 = vector.shape_cast %reduce_sum3A_1879 : vector<128xf32> to vector<128x1xf32>
      %div3A_1881 = vector.broadcast %broadcast_in_dim3A_1880 : vector<128x1xf32> to vector<128x256xf32>
      %div3A_1882 = arith.divf %exp3A_1877, %div3A_1881 : vector<128x256xf32>
      %convert_element_type3A_1883 = arith.truncf %div3A_1882 : vector<128x256xf32> to vector<128x256xbf16>
      %dot_general3A_1884 = arith.constant dense<0.000000e+00> : vector<128x128xf32>
      %dot_general3A_1885 = tpu.matmul %convert_element_type3A_1883, %concatenate3A_1866, %dot_general3A_1884 {dimension_numbers = #tpu.dot_dimension_numbers<[1], [0], [0], [1], [0, 0, 1, 1], [], []>, transpose_lhs_hint = false} : vector<128x256xbf16>, vector<256x128xbf16>, vector<128x128xf32> -> vector<128x128xf32>
      %convert_element_type3A_1886 = arith.extf %get3A_1756 : vector<128x128xbf16> to vector<128x128xf32>
      %reduce_max3A_1887 = arith.constant dense<0xFF800000> : vector<128xf32>
      %reduce_max3A_1888 = vector.multi_reduction <maximumf>, %convert_element_type3A_1886, %reduce_max3A_1887 [1] : vector<128x128xf32> to vector<128xf32>
      %max3A_1889 = arith.constant 0xFF800000 : f32
      %max3A_1890 = vector.broadcast %max3A_1889 : f32 to vector<128xf32>
      %max3A_1891 = arith.maximumf %max3A_1890, %reduce_max3A_1888 : vector<128xf32>
      %broadcast_in_dim3A_1892 = vector.shape_cast %max3A_1891 : vector<128xf32> to vector<128x1xf32>
      %sub3A_1893 = vector.broadcast %broadcast_in_dim3A_1892 : vector<128x1xf32> to vector<128x128xf32>
      %sub3A_1894 = arith.subf %convert_element_type3A_1886, %sub3A_1893 : vector<128x128xf32>
      %exp3A_1895 = math.exp %sub3A_1894 : vector<128x128xf32>
      %reduce_sum3A_1896 = arith.constant dense<0.000000e+00> : vector<128xf32>
      %reduce_sum3A_1897 = vector.multi_reduction <add>, %exp3A_1895, %reduce_sum3A_1896 [1] : vector<128x128xf32> to vector<128xf32>
      %broadcast_in_dim3A_1898 = vector.shape_cast %reduce_sum3A_1897 : vector<128xf32> to vector<128x1xf32>
      %div3A_1899 = vector.broadcast %broadcast_in_dim3A_1898 : vector<128x1xf32> to vector<128x128xf32>
      %div3A_1900 = arith.divf %exp3A_1895, %div3A_1899 : vector<128x128xf32>
      %convert_element_type3A_1901 = arith.truncf %div3A_1900 : vector<128x128xf32> to vector<128x128xbf16>
      %convert_element_type3A_1902 = arith.truncf %sub3A_1858 : vector<128x128xf32> to vector<128x128xbf16>
      %dot_general3A_1903 = arith.constant dense<0.000000e+00> : vector<128x128xf32>
      %dot_general3A_1904 = tpu.matmul %convert_element_type3A_1901, %convert_element_type3A_1902, %dot_general3A_1903 {dimension_numbers = #tpu.dot_dimension_numbers<[1], [0], [0], [1], [0, 0, 1, 1], [], []>, transpose_lhs_hint = false} : vector<128x128xbf16>, vector<128x128xbf16>, vector<128x128xf32> -> vector<128x128xf32>
      %mul3A_1905 = vector.broadcast %sub3A_1864 : vector<1x128xf32> to vector<128x128xf32>
      %mul3A_1906 = arith.mulf %div3A_1900, %mul3A_1905 : vector<128x128xf32>
      %reduce_sum3A_1907 = arith.constant dense<0.000000e+00> : vector<128xf32>
      %reduce_sum3A_1908 = vector.multi_reduction <add>, %mul3A_1906, %reduce_sum3A_1907 [1] : vector<128x128xf32> to vector<128xf32>
      %broadcast_in_dim3A_1909 = vector.shape_cast %reduce_sum3A_1908 : vector<128xf32> to vector<128x1xf32>
      %add3A_1910 = arith.constant 9.99999997E-7 : f32
      %add3A_1911 = vector.broadcast %add3A_1910 : f32 to vector<128x1xf32>
      %add3A_1912 = arith.addf %broadcast_in_dim3A_1909, %add3A_1911 : vector<128x1xf32>
      %div3A_1913 = vector.broadcast %add3A_1912 : vector<128x1xf32> to vector<128x128xf32>
      %div3A_1914 = arith.divf %dot_general3A_1904, %div3A_1913 : vector<128x128xf32>
      %add3A_1915 = arith.addf %dot_general3A_1885, %div3A_1914 : vector<128x128xf32>
      %convert_element_type3A_1916 = arith.truncf %add3A_1915 : vector<128x128xf32> to vector<128x128xbf16>
      %swap3A_1917 = arith.constant 0 : index
      %swap3A_1918 = arith.constant 1280 : index
      %swap3A_1919 = arith.constant 0 : index
      %swap3A_1920 = vector.load %arg6[%swap3A_1917, %swap3A_1918, %swap3A_1919] : memref<1x2048x128xbf16, #tpu.memory_space<vmem>>, vector<1x128x128xbf16>
      %swap3A_1921 = vector.shape_cast %swap3A_1920 : vector<1x128x128xbf16> to vector<128x128xbf16>
      %swap3A_1922 = vector.shape_cast %convert_element_type3A_1916 : vector<128x128xbf16> to vector<1x128x128xbf16>
      tpu.vector_store %arg6[%swap3A_1917, %swap3A_1918, %swap3A_1919], %swap3A_1922 {strides = array<i32>} : memref<1x2048x128xbf16, #tpu.memory_space<vmem>>, vector<1x128x128xbf16>,
      %sub3A_1923 = arith.constant 1 : i32
      %sub3A_1924 = arith.subi %arg1, %sub3A_1923 : i32
      %mul3A_1925 = arith.constant 16 : i32
      %mul3A_1926 = arith.muli %sub3A_1924, %mul3A_1925 : i32
      %add3A_1927 = arith.constant 11 : i32
      %add3A_1928 = arith.addi %mul3A_1926, %add3A_1927 : i32
      %get3A_1929 = arith.constant 1408 : index
      %get3A_1930 = arith.constant 0 : index
      %get3A_1931 = vector.load %arg3[%get3A_1929, %get3A_1930] : memref<2048x128xbf16, #tpu.memory_space<vmem>>, vector<128x128xbf16>
      %get3A_1932 = arith.index_cast %arg0 : i32 to index
      %get3A_1933 = arith.index_cast %add3A_1928 : i32 to index
      %get3A_1934 = arith.constant 0 : index
      %get3A_1935 = memref.load %arg2[%get3A_1932, %get3A_1933, %get3A_1934] : memref<8x16x4xi32, #tpu.memory_space<smem>>
      %mul3A_1936 = arith.constant 64 : i32
      %mul3A_1937 = arith.muli %get3A_1935, %mul3A_1936 : i32
      %get3A_1938 = arith.index_cast %mul3A_1937 : i32 to index
      %get3A_1939 = arith.constant 0 : index
      %get3A_1940 = vector.load %arg4[%get3A_1938, %get3A_1939] : memref<2048x128xbf16, #tpu.memory_space<vmem>>, vector<64x128xbf16>
      %mul3A_1941 = arith.constant 64 : i32
      %mul3A_1942 = arith.muli %get3A_1935, %mul3A_1941 : i32
      %get3A_1943 = arith.index_cast %mul3A_1942 : i32 to index
      %get3A_1944 = arith.constant 0 : index
      %get3A_1945 = vector.load %arg5[%get3A_1943, %get3A_1944] : memref<2048x128xbf16, #tpu.memory_space<vmem>>, vector<64x128xbf16>
      %get3A_1946 = arith.index_cast %get3A_1935 : i32 to index
      %get3A_1947 = arith.constant 0 : index
      %get3A_1948 = arith.constant 0 : index
      %get3A_1949 = vector.load %arg7[%get3A_1946, %get3A_1947, %get3A_1948] : memref<32x128x128xbf16, #tpu.memory_space<vmem>>, vector<1x128x128xbf16>
      %squeeze3A_1950 = vector.shape_cast %get3A_1949 : vector<1x128x128xbf16> to vector<128x128xbf16>
      %convert_element_type3A_1951 = arith.extf %squeeze3A_1950 : vector<128x128xbf16> to vector<128x128xf32>
      %sub3A_1952 = arith.subf %get3A_7, %convert_element_type3A_1951 : vector<128x128xf32>
      %get3A_1953 = arith.index_cast %get3A_1935 : i32 to index
      %get3A_1954 = arith.constant 0 : index
      %get3A_1955 = arith.constant 0 : index
      %get3A_1956 = vector.load %arg8[%get3A_1953, %get3A_1954, %get3A_1955] : memref<32x1x128xf32, #tpu.memory_space<vmem>>, vector<1x1x128xf32>
      %get3A_1957 = vector.shape_cast %get3A_1956 : vector<1x1x128xf32> to vector<1x128xf32>
      %sub3A_1958 = arith.subf %get3A_10, %get3A_1957 : vector<1x128xf32>
      %get3A_1959 = arith.index_cast %arg0 : i32 to index
      %get3A_1960 = arith.index_cast %add3A_1928 : i32 to index
      %get3A_1961 = arith.constant 1 : index
      %get3A_1962 = memref.load %arg2[%get3A_1959, %get3A_1960, %get3A_1961] : memref<8x16x4xi32, #tpu.memory_space<smem>>
      %mul3A_1963 = arith.constant 64 : i32
      %mul3A_1964 = arith.muli %get3A_1962, %mul3A_1963 : i32
      %get3A_1965 = arith.index_cast %mul3A_1964 : i32 to index
      %get3A_1966 = arith.constant 0 : index
      %get3A_1967 = vector.load %arg4[%get3A_1965, %get3A_1966] : memref<2048x128xbf16, #tpu.memory_space<vmem>>, vector<64x128xbf16>
      %mul3A_1968 = arith.constant 64 : i32
      %mul3A_1969 = arith.muli %get3A_1962, %mul3A_1968 : i32
      %get3A_1970 = arith.index_cast %mul3A_1969 : i32 to index
      %get3A_1971 = arith.constant 0 : index
      %get3A_1972 = vector.load %arg5[%get3A_1970, %get3A_1971] : memref<2048x128xbf16, #tpu.memory_space<vmem>>, vector<64x128xbf16>
      %get3A_1973 = arith.index_cast %get3A_1962 : i32 to index
      %get3A_1974 = arith.constant 0 : index
      %get3A_1975 = arith.constant 0 : index
      %get3A_1976 = vector.load %arg7[%get3A_1973, %get3A_1974, %get3A_1975] : memref<32x128x128xbf16, #tpu.memory_space<vmem>>, vector<1x128x128xbf16>
      %squeeze3A_1977 = vector.shape_cast %get3A_1976 : vector<1x128x128xbf16> to vector<128x128xbf16>
      %convert_element_type3A_1978 = arith.extf %squeeze3A_1977 : vector<128x128xbf16> to vector<128x128xf32>
      %sub3A_1979 = arith.subf %sub3A_1952, %convert_element_type3A_1978 : vector<128x128xf32>
      %get3A_1980 = arith.index_cast %get3A_1962 : i32 to index
      %get3A_1981 = arith.constant 0 : index
      %get3A_1982 = arith.constant 0 : index
      %get3A_1983 = vector.load %arg8[%get3A_1980, %get3A_1981, %get3A_1982] : memref<32x1x128xf32, #tpu.memory_space<vmem>>, vector<1x1x128xf32>
      %get3A_1984 = vector.shape_cast %get3A_1983 : vector<1x1x128xf32> to vector<1x128xf32>
      %sub3A_1985 = arith.subf %sub3A_1958, %get3A_1984 : vector<1x128xf32>
      %get3A_1986 = arith.index_cast %arg0 : i32 to index
      %get3A_1987 = arith.index_cast %add3A_1928 : i32 to index
      %get3A_1988 = arith.constant 2 : index
      %get3A_1989 = memref.load %arg2[%get3A_1986, %get3A_1987, %get3A_1988] : memref<8x16x4xi32, #tpu.memory_space<smem>>
      %mul3A_1990 = arith.constant 64 : i32
      %mul3A_1991 = arith.muli %get3A_1989, %mul3A_1990 : i32
      %get3A_1992 = arith.index_cast %mul3A_1991 : i32 to index
      %get3A_1993 = arith.constant 0 : index
      %get3A_1994 = vector.load %arg4[%get3A_1992, %get3A_1993] : memref<2048x128xbf16, #tpu.memory_space<vmem>>, vector<64x128xbf16>
      %mul3A_1995 = arith.constant 64 : i32
      %mul3A_1996 = arith.muli %get3A_1989, %mul3A_1995 : i32
      %get3A_1997 = arith.index_cast %mul3A_1996 : i32 to index
      %get3A_1998 = arith.constant 0 : index
      %get3A_1999 = vector.load %arg5[%get3A_1997, %get3A_1998] : memref<2048x128xbf16, #tpu.memory_space<vmem>>, vector<64x128xbf16>
      %get3A_2000 = arith.index_cast %get3A_1989 : i32 to index
      %get3A_2001 = arith.constant 0 : index
      %get3A_2002 = arith.constant 0 : index
      %get3A_2003 = vector.load %arg7[%get3A_2000, %get3A_2001, %get3A_2002] : memref<32x128x128xbf16, #tpu.memory_space<vmem>>, vector<1x128x128xbf16>
      %squeeze3A_2004 = vector.shape_cast %get3A_2003 : vector<1x128x128xbf16> to vector<128x128xbf16>
      %convert_element_type3A_2005 = arith.extf %squeeze3A_2004 : vector<128x128xbf16> to vector<128x128xf32>
      %sub3A_2006 = arith.subf %sub3A_1979, %convert_element_type3A_2005 : vector<128x128xf32>
      %get3A_2007 = arith.index_cast %get3A_1989 : i32 to index
      %get3A_2008 = arith.constant 0 : index
      %get3A_2009 = arith.constant 0 : index
      %get3A_2010 = vector.load %arg8[%get3A_2007, %get3A_2008, %get3A_2009] : memref<32x1x128xf32, #tpu.memory_space<vmem>>, vector<1x1x128xf32>
      %get3A_2011 = vector.shape_cast %get3A_2010 : vector<1x1x128xf32> to vector<1x128xf32>
      %sub3A_2012 = arith.subf %sub3A_1985, %get3A_2011 : vector<1x128xf32>
      %get3A_2013 = arith.index_cast %arg0 : i32 to index
      %get3A_2014 = arith.index_cast %add3A_1928 : i32 to index
      %get3A_2015 = arith.constant 3 : index
      %get3A_2016 = memref.load %arg2[%get3A_2013, %get3A_2014, %get3A_2015] : memref<8x16x4xi32, #tpu.memory_space<smem>>
      %mul3A_2017 = arith.constant 64 : i32
      %mul3A_2018 = arith.muli %get3A_2016, %mul3A_2017 : i32
      %get3A_2019 = arith.index_cast %mul3A_2018 : i32 to index
      %get3A_2020 = arith.constant 0 : index
      %get3A_2021 = vector.load %arg4[%get3A_2019, %get3A_2020] : memref<2048x128xbf16, #tpu.memory_space<vmem>>, vector<64x128xbf16>
      %mul3A_2022 = arith.constant 64 : i32
      %mul3A_2023 = arith.muli %get3A_2016, %mul3A_2022 : i32
      %get3A_2024 = arith.index_cast %mul3A_2023 : i32 to index
      %get3A_2025 = arith.constant 0 : index
      %get3A_2026 = vector.load %arg5[%get3A_2024, %get3A_2025] : memref<2048x128xbf16, #tpu.memory_space<vmem>>, vector<64x128xbf16>
      %get3A_2027 = arith.index_cast %get3A_2016 : i32 to index
      %get3A_2028 = arith.constant 0 : index
      %get3A_2029 = arith.constant 0 : index
      %get3A_2030 = vector.load %arg7[%get3A_2027, %get3A_2028, %get3A_2029] : memref<32x128x128xbf16, #tpu.memory_space<vmem>>, vector<1x128x128xbf16>
      %squeeze3A_2031 = vector.shape_cast %get3A_2030 : vector<1x128x128xbf16> to vector<128x128xbf16>
      %convert_element_type3A_2032 = arith.extf %squeeze3A_2031 : vector<128x128xbf16> to vector<128x128xf32>
      %sub3A_2033 = arith.subf %sub3A_2006, %convert_element_type3A_2032 : vector<128x128xf32>
      %get3A_2034 = arith.index_cast %get3A_2016 : i32 to index
      %get3A_2035 = arith.constant 0 : index
      %get3A_2036 = arith.constant 0 : index
      %get3A_2037 = vector.load %arg8[%get3A_2034, %get3A_2035, %get3A_2036] : memref<32x1x128xf32, #tpu.memory_space<vmem>>, vector<1x1x128xf32>
      %get3A_2038 = vector.shape_cast %get3A_2037 : vector<1x1x128xf32> to vector<1x128xf32>
      %sub3A_2039 = arith.subf %sub3A_2012, %get3A_2038 : vector<1x128xf32>
      %concatenate3A_2040 = tpu.concatenate %get3A_1940, %get3A_1967, %get3A_1994, %get3A_2021 in 0 : vector<64x128xbf16>, vector<64x128xbf16>, vector<64x128xbf16>, vector<64x128xbf16> -> vector<256x128xbf16>
      %concatenate3A_2041 = tpu.concatenate %get3A_1945, %get3A_1972, %get3A_1999, %get3A_2026 in 0 : vector<64x128xbf16>, vector<64x128xbf16>, vector<64x128xbf16>, vector<64x128xbf16> -> vector<256x128xbf16>
      %dot_general3A_2042 = arith.constant dense<0.000000e+00> : vector<128x256xf32>
      %dot_general3A_2043 = tpu.matmul %get3A_1931, %concatenate3A_2040, %dot_general3A_2042 {dimension_numbers = #tpu.dot_dimension_numbers<[1], [1], [0], [0], [0, 0, 1, 0], [], []>, transpose_lhs_hint = false} : vector<128x128xbf16>, vector<256x128xbf16>, vector<128x256xf32> -> vector<128x256xf32>
      %mul3A_2044 = arith.constant 0.0883883461 : f32
      %mul3A_2045 = vector.broadcast %mul3A_2044 : f32 to vector<128x256xf32>
      %mul3A_2046 = arith.mulf %dot_general3A_2043, %mul3A_2045 : vector<128x256xf32>
      %reduce_max3A_2047 = arith.constant dense<0xFF800000> : vector<128xf32>
      %reduce_max3A_2048 = vector.multi_reduction <maximumf>, %mul3A_2046, %reduce_max3A_2047 [1] : vector<128x256xf32> to vector<128xf32>
      %broadcast_in_dim3A_2049 = vector.shape_cast %reduce_max3A_2048 : vector<128xf32> to vector<128x1xf32>
      %sub3A_2050 = vector.broadcast %broadcast_in_dim3A_2049 : vector<128x1xf32> to vector<128x256xf32>
      %sub3A_2051 = arith.subf %mul3A_2046, %sub3A_2050 : vector<128x256xf32>
      %exp3A_2052 = math.exp %sub3A_2051 : vector<128x256xf32>
      %reduce_sum3A_2053 = arith.constant dense<0.000000e+00> : vector<128xf32>
      %reduce_sum3A_2054 = vector.multi_reduction <add>, %exp3A_2052, %reduce_sum3A_2053 [1] : vector<128x256xf32> to vector<128xf32>
      %broadcast_in_dim3A_2055 = vector.shape_cast %reduce_sum3A_2054 : vector<128xf32> to vector<128x1xf32>
      %div3A_2056 = vector.broadcast %broadcast_in_dim3A_2055 : vector<128x1xf32> to vector<128x256xf32>
      %div3A_2057 = arith.divf %exp3A_2052, %div3A_2056 : vector<128x256xf32>
      %convert_element_type3A_2058 = arith.truncf %div3A_2057 : vector<128x256xf32> to vector<128x256xbf16>
      %dot_general3A_2059 = arith.constant dense<0.000000e+00> : vector<128x128xf32>
      %dot_general3A_2060 = tpu.matmul %convert_element_type3A_2058, %concatenate3A_2041, %dot_general3A_2059 {dimension_numbers = #tpu.dot_dimension_numbers<[1], [0], [0], [1], [0, 0, 1, 1], [], []>, transpose_lhs_hint = false} : vector<128x256xbf16>, vector<256x128xbf16>, vector<128x128xf32> -> vector<128x128xf32>
      %convert_element_type3A_2061 = arith.extf %get3A_1931 : vector<128x128xbf16> to vector<128x128xf32>
      %reduce_max3A_2062 = arith.constant dense<0xFF800000> : vector<128xf32>
      %reduce_max3A_2063 = vector.multi_reduction <maximumf>, %convert_element_type3A_2061, %reduce_max3A_2062 [1] : vector<128x128xf32> to vector<128xf32>
      %max3A_2064 = arith.constant 0xFF800000 : f32
      %max3A_2065 = vector.broadcast %max3A_2064 : f32 to vector<128xf32>
      %max3A_2066 = arith.maximumf %max3A_2065, %reduce_max3A_2063 : vector<128xf32>
      %broadcast_in_dim3A_2067 = vector.shape_cast %max3A_2066 : vector<128xf32> to vector<128x1xf32>
      %sub3A_2068 = vector.broadcast %broadcast_in_dim3A_2067 : vector<128x1xf32> to vector<128x128xf32>
      %sub3A_2069 = arith.subf %convert_element_type3A_2061, %sub3A_2068 : vector<128x128xf32>
      %exp3A_2070 = math.exp %sub3A_2069 : vector<128x128xf32>
      %reduce_sum3A_2071 = arith.constant dense<0.000000e+00> : vector<128xf32>
      %reduce_sum3A_2072 = vector.multi_reduction <add>, %exp3A_2070, %reduce_sum3A_2071 [1] : vector<128x128xf32> to vector<128xf32>
      %broadcast_in_dim3A_2073 = vector.shape_cast %reduce_sum3A_2072 : vector<128xf32> to vector<128x1xf32>
      %div3A_2074 = vector.broadcast %broadcast_in_dim3A_2073 : vector<128x1xf32> to vector<128x128xf32>
      %div3A_2075 = arith.divf %exp3A_2070, %div3A_2074 : vector<128x128xf32>
      %convert_element_type3A_2076 = arith.truncf %div3A_2075 : vector<128x128xf32> to vector<128x128xbf16>
      %convert_element_type3A_2077 = arith.truncf %sub3A_2033 : vector<128x128xf32> to vector<128x128xbf16>
      %dot_general3A_2078 = arith.constant dense<0.000000e+00> : vector<128x128xf32>
      %dot_general3A_2079 = tpu.matmul %convert_element_type3A_2076, %convert_element_type3A_2077, %dot_general3A_2078 {dimension_numbers = #tpu.dot_dimension_numbers<[1], [0], [0], [1], [0, 0, 1, 1], [], []>, transpose_lhs_hint = false} : vector<128x128xbf16>, vector<128x128xbf16>, vector<128x128xf32> -> vector<128x128xf32>
      %mul3A_2080 = vector.broadcast %sub3A_2039 : vector<1x128xf32> to vector<128x128xf32>
      %mul3A_2081 = arith.mulf %div3A_2075, %mul3A_2080 : vector<128x128xf32>
      %reduce_sum3A_2082 = arith.constant dense<0.000000e+00> : vector<128xf32>
      %reduce_sum3A_2083 = vector.multi_reduction <add>, %mul3A_2081, %reduce_sum3A_2082 [1] : vector<128x128xf32> to vector<128xf32>
      %broadcast_in_dim3A_2084 = vector.shape_cast %reduce_sum3A_2083 : vector<128xf32> to vector<128x1xf32>
      %add3A_2085 = arith.constant 9.99999997E-7 : f32
      %add3A_2086 = vector.broadcast %add3A_2085 : f32 to vector<128x1xf32>
      %add3A_2087 = arith.addf %broadcast_in_dim3A_2084, %add3A_2086 : vector<128x1xf32>
      %div3A_2088 = vector.broadcast %add3A_2087 : vector<128x1xf32> to vector<128x128xf32>
      %div3A_2089 = arith.divf %dot_general3A_2079, %div3A_2088 : vector<128x128xf32>
      %add3A_2090 = arith.addf %dot_general3A_2060, %div3A_2089 : vector<128x128xf32>
      %convert_element_type3A_2091 = arith.truncf %add3A_2090 : vector<128x128xf32> to vector<128x128xbf16>
      %swap3A_2092 = arith.constant 0 : index
      %swap3A_2093 = arith.constant 1408 : index
      %swap3A_2094 = arith.constant 0 : index
      %swap3A_2095 = vector.load %arg6[%swap3A_2092, %swap3A_2093, %swap3A_2094] : memref<1x2048x128xbf16, #tpu.memory_space<vmem>>, vector<1x128x128xbf16>
      %swap3A_2096 = vector.shape_cast %swap3A_2095 : vector<1x128x128xbf16> to vector<128x128xbf16>
      %swap3A_2097 = vector.shape_cast %convert_element_type3A_2091 : vector<128x128xbf16> to vector<1x128x128xbf16>
      tpu.vector_store %arg6[%swap3A_2092, %swap3A_2093, %swap3A_2094], %swap3A_2097 {strides = array<i32>} : memref<1x2048x128xbf16, #tpu.memory_space<vmem>>, vector<1x128x128xbf16>,
      %sub3A_2098 = arith.constant 1 : i32
      %sub3A_2099 = arith.subi %arg1, %sub3A_2098 : i32
      %mul3A_2100 = arith.constant 16 : i32
      %mul3A_2101 = arith.muli %sub3A_2099, %mul3A_2100 : i32
      %add3A_2102 = arith.constant 12 : i32
      %add3A_2103 = arith.addi %mul3A_2101, %add3A_2102 : i32
      %get3A_2104 = arith.constant 1536 : index
      %get3A_2105 = arith.constant 0 : index
      %get3A_2106 = vector.load %arg3[%get3A_2104, %get3A_2105] : memref<2048x128xbf16, #tpu.memory_space<vmem>>, vector<128x128xbf16>
      %get3A_2107 = arith.index_cast %arg0 : i32 to index
      %get3A_2108 = arith.index_cast %add3A_2103 : i32 to index
      %get3A_2109 = arith.constant 0 : index
      %get3A_2110 = memref.load %arg2[%get3A_2107, %get3A_2108, %get3A_2109] : memref<8x16x4xi32, #tpu.memory_space<smem>>
      %mul3A_2111 = arith.constant 64 : i32
      %mul3A_2112 = arith.muli %get3A_2110, %mul3A_2111 : i32
      %get3A_2113 = arith.index_cast %mul3A_2112 : i32 to index
      %get3A_2114 = arith.constant 0 : index
      %get3A_2115 = vector.load %arg4[%get3A_2113, %get3A_2114] : memref<2048x128xbf16, #tpu.memory_space<vmem>>, vector<64x128xbf16>
      %mul3A_2116 = arith.constant 64 : i32
      %mul3A_2117 = arith.muli %get3A_2110, %mul3A_2116 : i32
      %get3A_2118 = arith.index_cast %mul3A_2117 : i32 to index
      %get3A_2119 = arith.constant 0 : index
      %get3A_2120 = vector.load %arg5[%get3A_2118, %get3A_2119] : memref<2048x128xbf16, #tpu.memory_space<vmem>>, vector<64x128xbf16>
      %get3A_2121 = arith.index_cast %get3A_2110 : i32 to index
      %get3A_2122 = arith.constant 0 : index
      %get3A_2123 = arith.constant 0 : index
      %get3A_2124 = vector.load %arg7[%get3A_2121, %get3A_2122, %get3A_2123] : memref<32x128x128xbf16, #tpu.memory_space<vmem>>, vector<1x128x128xbf16>
      %squeeze3A_2125 = vector.shape_cast %get3A_2124 : vector<1x128x128xbf16> to vector<128x128xbf16>
      %convert_element_type3A_2126 = arith.extf %squeeze3A_2125 : vector<128x128xbf16> to vector<128x128xf32>
      %sub3A_2127 = arith.subf %get3A_7, %convert_element_type3A_2126 : vector<128x128xf32>
      %get3A_2128 = arith.index_cast %get3A_2110 : i32 to index
      %get3A_2129 = arith.constant 0 : index
      %get3A_2130 = arith.constant 0 : index
      %get3A_2131 = vector.load %arg8[%get3A_2128, %get3A_2129, %get3A_2130] : memref<32x1x128xf32, #tpu.memory_space<vmem>>, vector<1x1x128xf32>
      %get3A_2132 = vector.shape_cast %get3A_2131 : vector<1x1x128xf32> to vector<1x128xf32>
      %sub3A_2133 = arith.subf %get3A_10, %get3A_2132 : vector<1x128xf32>
      %get3A_2134 = arith.index_cast %arg0 : i32 to index
      %get3A_2135 = arith.index_cast %add3A_2103 : i32 to index
      %get3A_2136 = arith.constant 1 : index
      %get3A_2137 = memref.load %arg2[%get3A_2134, %get3A_2135, %get3A_2136] : memref<8x16x4xi32, #tpu.memory_space<smem>>
      %mul3A_2138 = arith.constant 64 : i32
      %mul3A_2139 = arith.muli %get3A_2137, %mul3A_2138 : i32
      %get3A_2140 = arith.index_cast %mul3A_2139 : i32 to index
      %get3A_2141 = arith.constant 0 : index
      %get3A_2142 = vector.load %arg4[%get3A_2140, %get3A_2141] : memref<2048x128xbf16, #tpu.memory_space<vmem>>, vector<64x128xbf16>
      %mul3A_2143 = arith.constant 64 : i32
      %mul3A_2144 = arith.muli %get3A_2137, %mul3A_2143 : i32
      %get3A_2145 = arith.index_cast %mul3A_2144 : i32 to index
      %get3A_2146 = arith.constant 0 : index
      %get3A_2147 = vector.load %arg5[%get3A_2145, %get3A_2146] : memref<2048x128xbf16, #tpu.memory_space<vmem>>, vector<64x128xbf16>
      %get3A_2148 = arith.index_cast %get3A_2137 : i32 to index
      %get3A_2149 = arith.constant 0 : index
      %get3A_2150 = arith.constant 0 : index
      %get3A_2151 = vector.load %arg7[%get3A_2148, %get3A_2149, %get3A_2150] : memref<32x128x128xbf16, #tpu.memory_space<vmem>>, vector<1x128x128xbf16>
      %squeeze3A_2152 = vector.shape_cast %get3A_2151 : vector<1x128x128xbf16> to vector<128x128xbf16>
      %convert_element_type3A_2153 = arith.extf %squeeze3A_2152 : vector<128x128xbf16> to vector<128x128xf32>
      %sub3A_2154 = arith.subf %sub3A_2127, %convert_element_type3A_2153 : vector<128x128xf32>
      %get3A_2155 = arith.index_cast %get3A_2137 : i32 to index
      %get3A_2156 = arith.constant 0 : index
      %get3A_2157 = arith.constant 0 : index
      %get3A_2158 = vector.load %arg8[%get3A_2155, %get3A_2156, %get3A_2157] : memref<32x1x128xf32, #tpu.memory_space<vmem>>, vector<1x1x128xf32>
      %get3A_2159 = vector.shape_cast %get3A_2158 : vector<1x1x128xf32> to vector<1x128xf32>
      %sub3A_2160 = arith.subf %sub3A_2133, %get3A_2159 : vector<1x128xf32>
      %get3A_2161 = arith.index_cast %arg0 : i32 to index
      %get3A_2162 = arith.index_cast %add3A_2103 : i32 to index
      %get3A_2163 = arith.constant 2 : index
      %get3A_2164 = memref.load %arg2[%get3A_2161, %get3A_2162, %get3A_2163] : memref<8x16x4xi32, #tpu.memory_space<smem>>
      %mul3A_2165 = arith.constant 64 : i32
      %mul3A_2166 = arith.muli %get3A_2164, %mul3A_2165 : i32
      %get3A_2167 = arith.index_cast %mul3A_2166 : i32 to index
      %get3A_2168 = arith.constant 0 : index
      %get3A_2169 = vector.load %arg4[%get3A_2167, %get3A_2168] : memref<2048x128xbf16, #tpu.memory_space<vmem>>, vector<64x128xbf16>
      %mul3A_2170 = arith.constant 64 : i32
      %mul3A_2171 = arith.muli %get3A_2164, %mul3A_2170 : i32
      %get3A_2172 = arith.index_cast %mul3A_2171 : i32 to index
      %get3A_2173 = arith.constant 0 : index
      %get3A_2174 = vector.load %arg5[%get3A_2172, %get3A_2173] : memref<2048x128xbf16, #tpu.memory_space<vmem>>, vector<64x128xbf16>
      %get3A_2175 = arith.index_cast %get3A_2164 : i32 to index
      %get3A_2176 = arith.constant 0 : index
      %get3A_2177 = arith.constant 0 : index
      %get3A_2178 = vector.load %arg7[%get3A_2175, %get3A_2176, %get3A_2177] : memref<32x128x128xbf16, #tpu.memory_space<vmem>>, vector<1x128x128xbf16>
      %squeeze3A_2179 = vector.shape_cast %get3A_2178 : vector<1x128x128xbf16> to vector<128x128xbf16>
      %convert_element_type3A_2180 = arith.extf %squeeze3A_2179 : vector<128x128xbf16> to vector<128x128xf32>
      %sub3A_2181 = arith.subf %sub3A_2154, %convert_element_type3A_2180 : vector<128x128xf32>
      %get3A_2182 = arith.index_cast %get3A_2164 : i32 to index
      %get3A_2183 = arith.constant 0 : index
      %get3A_2184 = arith.constant 0 : index
      %get3A_2185 = vector.load %arg8[%get3A_2182, %get3A_2183, %get3A_2184] : memref<32x1x128xf32, #tpu.memory_space<vmem>>, vector<1x1x128xf32>
      %get3A_2186 = vector.shape_cast %get3A_2185 : vector<1x1x128xf32> to vector<1x128xf32>
      %sub3A_2187 = arith.subf %sub3A_2160, %get3A_2186 : vector<1x128xf32>
      %get3A_2188 = arith.index_cast %arg0 : i32 to index
      %get3A_2189 = arith.index_cast %add3A_2103 : i32 to index
      %get3A_2190 = arith.constant 3 : index
      %get3A_2191 = memref.load %arg2[%get3A_2188, %get3A_2189, %get3A_2190] : memref<8x16x4xi32, #tpu.memory_space<smem>>
      %mul3A_2192 = arith.constant 64 : i32
      %mul3A_2193 = arith.muli %get3A_2191, %mul3A_2192 : i32
      %get3A_2194 = arith.index_cast %mul3A_2193 : i32 to index
      %get3A_2195 = arith.constant 0 : index
      %get3A_2196 = vector.load %arg4[%get3A_2194, %get3A_2195] : memref<2048x128xbf16, #tpu.memory_space<vmem>>, vector<64x128xbf16>
      %mul3A_2197 = arith.constant 64 : i32
      %mul3A_2198 = arith.muli %get3A_2191, %mul3A_2197 : i32
      %get3A_2199 = arith.index_cast %mul3A_2198 : i32 to index
      %get3A_2200 = arith.constant 0 : index
      %get3A_2201 = vector.load %arg5[%get3A_2199, %get3A_2200] : memref<2048x128xbf16, #tpu.memory_space<vmem>>, vector<64x128xbf16>
      %get3A_2202 = arith.index_cast %get3A_2191 : i32 to index
      %get3A_2203 = arith.constant 0 : index
      %get3A_2204 = arith.constant 0 : index
      %get3A_2205 = vector.load %arg7[%get3A_2202, %get3A_2203, %get3A_2204] : memref<32x128x128xbf16, #tpu.memory_space<vmem>>, vector<1x128x128xbf16>
      %squeeze3A_2206 = vector.shape_cast %get3A_2205 : vector<1x128x128xbf16> to vector<128x128xbf16>
      %convert_element_type3A_2207 = arith.extf %squeeze3A_2206 : vector<128x128xbf16> to vector<128x128xf32>
      %sub3A_2208 = arith.subf %sub3A_2181, %convert_element_type3A_2207 : vector<128x128xf32>
      %get3A_2209 = arith.index_cast %get3A_2191 : i32 to index
      %get3A_2210 = arith.constant 0 : index
      %get3A_2211 = arith.constant 0 : index
      %get3A_2212 = vector.load %arg8[%get3A_2209, %get3A_2210, %get3A_2211] : memref<32x1x128xf32, #tpu.memory_space<vmem>>, vector<1x1x128xf32>
      %get3A_2213 = vector.shape_cast %get3A_2212 : vector<1x1x128xf32> to vector<1x128xf32>
      %sub3A_2214 = arith.subf %sub3A_2187, %get3A_2213 : vector<1x128xf32>
      %concatenate3A_2215 = tpu.concatenate %get3A_2115, %get3A_2142, %get3A_2169, %get3A_2196 in 0 : vector<64x128xbf16>, vector<64x128xbf16>, vector<64x128xbf16>, vector<64x128xbf16> -> vector<256x128xbf16>
      %concatenate3A_2216 = tpu.concatenate %get3A_2120, %get3A_2147, %get3A_2174, %get3A_2201 in 0 : vector<64x128xbf16>, vector<64x128xbf16>, vector<64x128xbf16>, vector<64x128xbf16> -> vector<256x128xbf16>
      %dot_general3A_2217 = arith.constant dense<0.000000e+00> : vector<128x256xf32>
      %dot_general3A_2218 = tpu.matmul %get3A_2106, %concatenate3A_2215, %dot_general3A_2217 {dimension_numbers = #tpu.dot_dimension_numbers<[1], [1], [0], [0], [0, 0, 1, 0], [], []>, transpose_lhs_hint = false} : vector<128x128xbf16>, vector<256x128xbf16>, vector<128x256xf32> -> vector<128x256xf32>
      %mul3A_2219 = arith.constant 0.0883883461 : f32
      %mul3A_2220 = vector.broadcast %mul3A_2219 : f32 to vector<128x256xf32>
      %mul3A_2221 = arith.mulf %dot_general3A_2218, %mul3A_2220 : vector<128x256xf32>
      %reduce_max3A_2222 = arith.constant dense<0xFF800000> : vector<128xf32>
      %reduce_max3A_2223 = vector.multi_reduction <maximumf>, %mul3A_2221, %reduce_max3A_2222 [1] : vector<128x256xf32> to vector<128xf32>
      %broadcast_in_dim3A_2224 = vector.shape_cast %reduce_max3A_2223 : vector<128xf32> to vector<128x1xf32>
      %sub3A_2225 = vector.broadcast %broadcast_in_dim3A_2224 : vector<128x1xf32> to vector<128x256xf32>
      %sub3A_2226 = arith.subf %mul3A_2221, %sub3A_2225 : vector<128x256xf32>
      %exp3A_2227 = math.exp %sub3A_2226 : vector<128x256xf32>
      %reduce_sum3A_2228 = arith.constant dense<0.000000e+00> : vector<128xf32>
      %reduce_sum3A_2229 = vector.multi_reduction <add>, %exp3A_2227, %reduce_sum3A_2228 [1] : vector<128x256xf32> to vector<128xf32>
      %broadcast_in_dim3A_2230 = vector.shape_cast %reduce_sum3A_2229 : vector<128xf32> to vector<128x1xf32>
      %div3A_2231 = vector.broadcast %broadcast_in_dim3A_2230 : vector<128x1xf32> to vector<128x256xf32>
      %div3A_2232 = arith.divf %exp3A_2227, %div3A_2231 : vector<128x256xf32>
      %convert_element_type3A_2233 = arith.truncf %div3A_2232 : vector<128x256xf32> to vector<128x256xbf16>
      %dot_general3A_2234 = arith.constant dense<0.000000e+00> : vector<128x128xf32>
      %dot_general3A_2235 = tpu.matmul %convert_element_type3A_2233, %concatenate3A_2216, %dot_general3A_2234 {dimension_numbers = #tpu.dot_dimension_numbers<[1], [0], [0], [1], [0, 0, 1, 1], [], []>, transpose_lhs_hint = false} : vector<128x256xbf16>, vector<256x128xbf16>, vector<128x128xf32> -> vector<128x128xf32>
      %convert_element_type3A_2236 = arith.extf %get3A_2106 : vector<128x128xbf16> to vector<128x128xf32>
      %reduce_max3A_2237 = arith.constant dense<0xFF800000> : vector<128xf32>
      %reduce_max3A_2238 = vector.multi_reduction <maximumf>, %convert_element_type3A_2236, %reduce_max3A_2237 [1] : vector<128x128xf32> to vector<128xf32>
      %max3A_2239 = arith.constant 0xFF800000 : f32
      %max3A_2240 = vector.broadcast %max3A_2239 : f32 to vector<128xf32>
      %max3A_2241 = arith.maximumf %max3A_2240, %reduce_max3A_2238 : vector<128xf32>
      %broadcast_in_dim3A_2242 = vector.shape_cast %max3A_2241 : vector<128xf32> to vector<128x1xf32>
      %sub3A_2243 = vector.broadcast %broadcast_in_dim3A_2242 : vector<128x1xf32> to vector<128x128xf32>
      %sub3A_2244 = arith.subf %convert_element_type3A_2236, %sub3A_2243 : vector<128x128xf32>
      %exp3A_2245 = math.exp %sub3A_2244 : vector<128x128xf32>
      %reduce_sum3A_2246 = arith.constant dense<0.000000e+00> : vector<128xf32>
      %reduce_sum3A_2247 = vector.multi_reduction <add>, %exp3A_2245, %reduce_sum3A_2246 [1] : vector<128x128xf32> to vector<128xf32>
      %broadcast_in_dim3A_2248 = vector.shape_cast %reduce_sum3A_2247 : vector<128xf32> to vector<128x1xf32>
      %div3A_2249 = vector.broadcast %broadcast_in_dim3A_2248 : vector<128x1xf32> to vector<128x128xf32>
      %div3A_2250 = arith.divf %exp3A_2245, %div3A_2249 : vector<128x128xf32>
      %convert_element_type3A_2251 = arith.truncf %div3A_2250 : vector<128x128xf32> to vector<128x128xbf16>
      %convert_element_type3A_2252 = arith.truncf %sub3A_2208 : vector<128x128xf32> to vector<128x128xbf16>
      %dot_general3A_2253 = arith.constant dense<0.000000e+00> : vector<128x128xf32>
      %dot_general3A_2254 = tpu.matmul %convert_element_type3A_2251, %convert_element_type3A_2252, %dot_general3A_2253 {dimension_numbers = #tpu.dot_dimension_numbers<[1], [0], [0], [1], [0, 0, 1, 1], [], []>, transpose_lhs_hint = false} : vector<128x128xbf16>, vector<128x128xbf16>, vector<128x128xf32> -> vector<128x128xf32>
      %mul3A_2255 = vector.broadcast %sub3A_2214 : vector<1x128xf32> to vector<128x128xf32>
      %mul3A_2256 = arith.mulf %div3A_2250, %mul3A_2255 : vector<128x128xf32>
      %reduce_sum3A_2257 = arith.constant dense<0.000000e+00> : vector<128xf32>
      %reduce_sum3A_2258 = vector.multi_reduction <add>, %mul3A_2256, %reduce_sum3A_2257 [1] : vector<128x128xf32> to vector<128xf32>
      %broadcast_in_dim3A_2259 = vector.shape_cast %reduce_sum3A_2258 : vector<128xf32> to vector<128x1xf32>
      %add3A_2260 = arith.constant 9.99999997E-7 : f32
      %add3A_2261 = vector.broadcast %add3A_2260 : f32 to vector<128x1xf32>
      %add3A_2262 = arith.addf %broadcast_in_dim3A_2259, %add3A_2261 : vector<128x1xf32>
      %div3A_2263 = vector.broadcast %add3A_2262 : vector<128x1xf32> to vector<128x128xf32>
      %div3A_2264 = arith.divf %dot_general3A_2254, %div3A_2263 : vector<128x128xf32>
      %add3A_2265 = arith.addf %dot_general3A_2235, %div3A_2264 : vector<128x128xf32>
      %convert_element_type3A_2266 = arith.truncf %add3A_2265 : vector<128x128xf32> to vector<128x128xbf16>
      %swap3A_2267 = arith.constant 0 : index
      %swap3A_2268 = arith.constant 1536 : index
      %swap3A_2269 = arith.constant 0 : index
      %swap3A_2270 = vector.load %arg6[%swap3A_2267, %swap3A_2268, %swap3A_2269] : memref<1x2048x128xbf16, #tpu.memory_space<vmem>>, vector<1x128x128xbf16>
      %swap3A_2271 = vector.shape_cast %swap3A_2270 : vector<1x128x128xbf16> to vector<128x128xbf16>
      %swap3A_2272 = vector.shape_cast %convert_element_type3A_2266 : vector<128x128xbf16> to vector<1x128x128xbf16>
      tpu.vector_store %arg6[%swap3A_2267, %swap3A_2268, %swap3A_2269], %swap3A_2272 {strides = array<i32>} : memref<1x2048x128xbf16, #tpu.memory_space<vmem>>, vector<1x128x128xbf16>,
      %sub3A_2273 = arith.constant 1 : i32
      %sub3A_2274 = arith.subi %arg1, %sub3A_2273 : i32
      %mul3A_2275 = arith.constant 16 : i32
      %mul3A_2276 = arith.muli %sub3A_2274, %mul3A_2275 : i32
      %add3A_2277 = arith.constant 13 : i32
      %add3A_2278 = arith.addi %mul3A_2276, %add3A_2277 : i32
      %get3A_2279 = arith.constant 1664 : index
      %get3A_2280 = arith.constant 0 : index
      %get3A_2281 = vector.load %arg3[%get3A_2279, %get3A_2280] : memref<2048x128xbf16, #tpu.memory_space<vmem>>, vector<128x128xbf16>
      %get3A_2282 = arith.index_cast %arg0 : i32 to index
      %get3A_2283 = arith.index_cast %add3A_2278 : i32 to index
      %get3A_2284 = arith.constant 0 : index
      %get3A_2285 = memref.load %arg2[%get3A_2282, %get3A_2283, %get3A_2284] : memref<8x16x4xi32, #tpu.memory_space<smem>>
      %mul3A_2286 = arith.constant 64 : i32
      %mul3A_2287 = arith.muli %get3A_2285, %mul3A_2286 : i32
      %get3A_2288 = arith.index_cast %mul3A_2287 : i32 to index
      %get3A_2289 = arith.constant 0 : index
      %get3A_2290 = vector.load %arg4[%get3A_2288, %get3A_2289] : memref<2048x128xbf16, #tpu.memory_space<vmem>>, vector<64x128xbf16>
      %mul3A_2291 = arith.constant 64 : i32
      %mul3A_2292 = arith.muli %get3A_2285, %mul3A_2291 : i32
      %get3A_2293 = arith.index_cast %mul3A_2292 : i32 to index
      %get3A_2294 = arith.constant 0 : index
      %get3A_2295 = vector.load %arg5[%get3A_2293, %get3A_2294] : memref<2048x128xbf16, #tpu.memory_space<vmem>>, vector<64x128xbf16>
      %get3A_2296 = arith.index_cast %get3A_2285 : i32 to index
      %get3A_2297 = arith.constant 0 : index
      %get3A_2298 = arith.constant 0 : index
      %get3A_2299 = vector.load %arg7[%get3A_2296, %get3A_2297, %get3A_2298] : memref<32x128x128xbf16, #tpu.memory_space<vmem>>, vector<1x128x128xbf16>
      %squeeze3A_2300 = vector.shape_cast %get3A_2299 : vector<1x128x128xbf16> to vector<128x128xbf16>
      %convert_element_type3A_2301 = arith.extf %squeeze3A_2300 : vector<128x128xbf16> to vector<128x128xf32>
      %sub3A_2302 = arith.subf %get3A_7, %convert_element_type3A_2301 : vector<128x128xf32>
      %get3A_2303 = arith.index_cast %get3A_2285 : i32 to index
      %get3A_2304 = arith.constant 0 : index
      %get3A_2305 = arith.constant 0 : index
      %get3A_2306 = vector.load %arg8[%get3A_2303, %get3A_2304, %get3A_2305] : memref<32x1x128xf32, #tpu.memory_space<vmem>>, vector<1x1x128xf32>
      %get3A_2307 = vector.shape_cast %get3A_2306 : vector<1x1x128xf32> to vector<1x128xf32>
      %sub3A_2308 = arith.subf %get3A_10, %get3A_2307 : vector<1x128xf32>
      %get3A_2309 = arith.index_cast %arg0 : i32 to index
      %get3A_2310 = arith.index_cast %add3A_2278 : i32 to index
      %get3A_2311 = arith.constant 1 : index
      %get3A_2312 = memref.load %arg2[%get3A_2309, %get3A_2310, %get3A_2311] : memref<8x16x4xi32, #tpu.memory_space<smem>>
      %mul3A_2313 = arith.constant 64 : i32
      %mul3A_2314 = arith.muli %get3A_2312, %mul3A_2313 : i32
      %get3A_2315 = arith.index_cast %mul3A_2314 : i32 to index
      %get3A_2316 = arith.constant 0 : index
      %get3A_2317 = vector.load %arg4[%get3A_2315, %get3A_2316] : memref<2048x128xbf16, #tpu.memory_space<vmem>>, vector<64x128xbf16>
      %mul3A_2318 = arith.constant 64 : i32
      %mul3A_2319 = arith.muli %get3A_2312, %mul3A_2318 : i32
      %get3A_2320 = arith.index_cast %mul3A_2319 : i32 to index
      %get3A_2321 = arith.constant 0 : index
      %get3A_2322 = vector.load %arg5[%get3A_2320, %get3A_2321] : memref<2048x128xbf16, #tpu.memory_space<vmem>>, vector<64x128xbf16>
      %get3A_2323 = arith.index_cast %get3A_2312 : i32 to index
      %get3A_2324 = arith.constant 0 : index
      %get3A_2325 = arith.constant 0 : index
      %get3A_2326 = vector.load %arg7[%get3A_2323, %get3A_2324, %get3A_2325] : memref<32x128x128xbf16, #tpu.memory_space<vmem>>, vector<1x128x128xbf16>
      %squeeze3A_2327 = vector.shape_cast %get3A_2326 : vector<1x128x128xbf16> to vector<128x128xbf16>
      %convert_element_type3A_2328 = arith.extf %squeeze3A_2327 : vector<128x128xbf16> to vector<128x128xf32>
      %sub3A_2329 = arith.subf %sub3A_2302, %convert_element_type3A_2328 : vector<128x128xf32>
      %get3A_2330 = arith.index_cast %get3A_2312 : i32 to index
      %get3A_2331 = arith.constant 0 : index
      %get3A_2332 = arith.constant 0 : index
      %get3A_2333 = vector.load %arg8[%get3A_2330, %get3A_2331, %get3A_2332] : memref<32x1x128xf32, #tpu.memory_space<vmem>>, vector<1x1x128xf32>
      %get3A_2334 = vector.shape_cast %get3A_2333 : vector<1x1x128xf32> to vector<1x128xf32>
      %sub3A_2335 = arith.subf %sub3A_2308, %get3A_2334 : vector<1x128xf32>
      %get3A_2336 = arith.index_cast %arg0 : i32 to index
      %get3A_2337 = arith.index_cast %add3A_2278 : i32 to index
      %get3A_2338 = arith.constant 2 : index
      %get3A_2339 = memref.load %arg2[%get3A_2336, %get3A_2337, %get3A_2338] : memref<8x16x4xi32, #tpu.memory_space<smem>>
      %mul3A_2340 = arith.constant 64 : i32
      %mul3A_2341 = arith.muli %get3A_2339, %mul3A_2340 : i32
      %get3A_2342 = arith.index_cast %mul3A_2341 : i32 to index
      %get3A_2343 = arith.constant 0 : index
      %get3A_2344 = vector.load %arg4[%get3A_2342, %get3A_2343] : memref<2048x128xbf16, #tpu.memory_space<vmem>>, vector<64x128xbf16>
      %mul3A_2345 = arith.constant 64 : i32
      %mul3A_2346 = arith.muli %get3A_2339, %mul3A_2345 : i32
      %get3A_2347 = arith.index_cast %mul3A_2346 : i32 to index
      %get3A_2348 = arith.constant 0 : index
      %get3A_2349 = vector.load %arg5[%get3A_2347, %get3A_2348] : memref<2048x128xbf16, #tpu.memory_space<vmem>>, vector<64x128xbf16>
      %get3A_2350 = arith.index_cast %get3A_2339 : i32 to index
      %get3A_2351 = arith.constant 0 : index
      %get3A_2352 = arith.constant 0 : index
      %get3A_2353 = vector.load %arg7[%get3A_2350, %get3A_2351, %get3A_2352] : memref<32x128x128xbf16, #tpu.memory_space<vmem>>, vector<1x128x128xbf16>
      %squeeze3A_2354 = vector.shape_cast %get3A_2353 : vector<1x128x128xbf16> to vector<128x128xbf16>
      %convert_element_type3A_2355 = arith.extf %squeeze3A_2354 : vector<128x128xbf16> to vector<128x128xf32>
      %sub3A_2356 = arith.subf %sub3A_2329, %convert_element_type3A_2355 : vector<128x128xf32>
      %get3A_2357 = arith.index_cast %get3A_2339 : i32 to index
      %get3A_2358 = arith.constant 0 : index
      %get3A_2359 = arith.constant 0 : index
      %get3A_2360 = vector.load %arg8[%get3A_2357, %get3A_2358, %get3A_2359] : memref<32x1x128xf32, #tpu.memory_space<vmem>>, vector<1x1x128xf32>
      %get3A_2361 = vector.shape_cast %get3A_2360 : vector<1x1x128xf32> to vector<1x128xf32>
      %sub3A_2362 = arith.subf %sub3A_2335, %get3A_2361 : vector<1x128xf32>
      %get3A_2363 = arith.index_cast %arg0 : i32 to index
      %get3A_2364 = arith.index_cast %add3A_2278 : i32 to index
      %get3A_2365 = arith.constant 3 : index
      %get3A_2366 = memref.load %arg2[%get3A_2363, %get3A_2364, %get3A_2365] : memref<8x16x4xi32, #tpu.memory_space<smem>>
      %mul3A_2367 = arith.constant 64 : i32
      %mul3A_2368 = arith.muli %get3A_2366, %mul3A_2367 : i32
      %get3A_2369 = arith.index_cast %mul3A_2368 : i32 to index
      %get3A_2370 = arith.constant 0 : index
      %get3A_2371 = vector.load %arg4[%get3A_2369, %get3A_2370] : memref<2048x128xbf16, #tpu.memory_space<vmem>>, vector<64x128xbf16>
      %mul3A_2372 = arith.constant 64 : i32
      %mul3A_2373 = arith.muli %get3A_2366, %mul3A_2372 : i32
      %get3A_2374 = arith.index_cast %mul3A_2373 : i32 to index
      %get3A_2375 = arith.constant 0 : index
      %get3A_2376 = vector.load %arg5[%get3A_2374, %get3A_2375] : memref<2048x128xbf16, #tpu.memory_space<vmem>>, vector<64x128xbf16>
      %get3A_2377 = arith.index_cast %get3A_2366 : i32 to index
      %get3A_2378 = arith.constant 0 : index
      %get3A_2379 = arith.constant 0 : index
      %get3A_2380 = vector.load %arg7[%get3A_2377, %get3A_2378, %get3A_2379] : memref<32x128x128xbf16, #tpu.memory_space<vmem>>, vector<1x128x128xbf16>
      %squeeze3A_2381 = vector.shape_cast %get3A_2380 : vector<1x128x128xbf16> to vector<128x128xbf16>
      %convert_element_type3A_2382 = arith.extf %squeeze3A_2381 : vector<128x128xbf16> to vector<128x128xf32>
      %sub3A_2383 = arith.subf %sub3A_2356, %convert_element_type3A_2382 : vector<128x128xf32>
      %get3A_2384 = arith.index_cast %get3A_2366 : i32 to index
      %get3A_2385 = arith.constant 0 : index
      %get3A_2386 = arith.constant 0 : index
      %get3A_2387 = vector.load %arg8[%get3A_2384, %get3A_2385, %get3A_2386] : memref<32x1x128xf32, #tpu.memory_space<vmem>>, vector<1x1x128xf32>
      %get3A_2388 = vector.shape_cast %get3A_2387 : vector<1x1x128xf32> to vector<1x128xf32>
      %sub3A_2389 = arith.subf %sub3A_2362, %get3A_2388 : vector<1x128xf32>
      %concatenate3A_2390 = tpu.concatenate %get3A_2290, %get3A_2317, %get3A_2344, %get3A_2371 in 0 : vector<64x128xbf16>, vector<64x128xbf16>, vector<64x128xbf16>, vector<64x128xbf16> -> vector<256x128xbf16>
      %concatenate3A_2391 = tpu.concatenate %get3A_2295, %get3A_2322, %get3A_2349, %get3A_2376 in 0 : vector<64x128xbf16>, vector<64x128xbf16>, vector<64x128xbf16>, vector<64x128xbf16> -> vector<256x128xbf16>
      %dot_general3A_2392 = arith.constant dense<0.000000e+00> : vector<128x256xf32>
      %dot_general3A_2393 = tpu.matmul %get3A_2281, %concatenate3A_2390, %dot_general3A_2392 {dimension_numbers = #tpu.dot_dimension_numbers<[1], [1], [0], [0], [0, 0, 1, 0], [], []>, transpose_lhs_hint = false} : vector<128x128xbf16>, vector<256x128xbf16>, vector<128x256xf32> -> vector<128x256xf32>
      %mul3A_2394 = arith.constant 0.0883883461 : f32
      %mul3A_2395 = vector.broadcast %mul3A_2394 : f32 to vector<128x256xf32>
      %mul3A_2396 = arith.mulf %dot_general3A_2393, %mul3A_2395 : vector<128x256xf32>
      %reduce_max3A_2397 = arith.constant dense<0xFF800000> : vector<128xf32>
      %reduce_max3A_2398 = vector.multi_reduction <maximumf>, %mul3A_2396, %reduce_max3A_2397 [1] : vector<128x256xf32> to vector<128xf32>
      %broadcast_in_dim3A_2399 = vector.shape_cast %reduce_max3A_2398 : vector<128xf32> to vector<128x1xf32>
      %sub3A_2400 = vector.broadcast %broadcast_in_dim3A_2399 : vector<128x1xf32> to vector<128x256xf32>
      %sub3A_2401 = arith.subf %mul3A_2396, %sub3A_2400 : vector<128x256xf32>
      %exp3A_2402 = math.exp %sub3A_2401 : vector<128x256xf32>
      %reduce_sum3A_2403 = arith.constant dense<0.000000e+00> : vector<128xf32>
      %reduce_sum3A_2404 = vector.multi_reduction <add>, %exp3A_2402, %reduce_sum3A_2403 [1] : vector<128x256xf32> to vector<128xf32>
      %broadcast_in_dim3A_2405 = vector.shape_cast %reduce_sum3A_2404 : vector<128xf32> to vector<128x1xf32>
      %div3A_2406 = vector.broadcast %broadcast_in_dim3A_2405 : vector<128x1xf32> to vector<128x256xf32>
      %div3A_2407 = arith.divf %exp3A_2402, %div3A_2406 : vector<128x256xf32>
      %convert_element_type3A_2408 = arith.truncf %div3A_2407 : vector<128x256xf32> to vector<128x256xbf16>
      %dot_general3A_2409 = arith.constant dense<0.000000e+00> : vector<128x128xf32>
      %dot_general3A_2410 = tpu.matmul %convert_element_type3A_2408, %concatenate3A_2391, %dot_general3A_2409 {dimension_numbers = #tpu.dot_dimension_numbers<[1], [0], [0], [1], [0, 0, 1, 1], [], []>, transpose_lhs_hint = false} : vector<128x256xbf16>, vector<256x128xbf16>, vector<128x128xf32> -> vector<128x128xf32>
      %convert_element_type3A_2411 = arith.extf %get3A_2281 : vector<128x128xbf16> to vector<128x128xf32>
      %reduce_max3A_2412 = arith.constant dense<0xFF800000> : vector<128xf32>
      %reduce_max3A_2413 = vector.multi_reduction <maximumf>, %convert_element_type3A_2411, %reduce_max3A_2412 [1] : vector<128x128xf32> to vector<128xf32>
      %max3A_2414 = arith.constant 0xFF800000 : f32
      %max3A_2415 = vector.broadcast %max3A_2414 : f32 to vector<128xf32>
      %max3A_2416 = arith.maximumf %max3A_2415, %reduce_max3A_2413 : vector<128xf32>
      %broadcast_in_dim3A_2417 = vector.shape_cast %max3A_2416 : vector<128xf32> to vector<128x1xf32>
      %sub3A_2418 = vector.broadcast %broadcast_in_dim3A_2417 : vector<128x1xf32> to vector<128x128xf32>
      %sub3A_2419 = arith.subf %convert_element_type3A_2411, %sub3A_2418 : vector<128x128xf32>
      %exp3A_2420 = math.exp %sub3A_2419 : vector<128x128xf32>
      %reduce_sum3A_2421 = arith.constant dense<0.000000e+00> : vector<128xf32>
      %reduce_sum3A_2422 = vector.multi_reduction <add>, %exp3A_2420, %reduce_sum3A_2421 [1] : vector<128x128xf32> to vector<128xf32>
      %broadcast_in_dim3A_2423 = vector.shape_cast %reduce_sum3A_2422 : vector<128xf32> to vector<128x1xf32>
      %div3A_2424 = vector.broadcast %broadcast_in_dim3A_2423 : vector<128x1xf32> to vector<128x128xf32>
      %div3A_2425 = arith.divf %exp3A_2420, %div3A_2424 : vector<128x128xf32>
      %convert_element_type3A_2426 = arith.truncf %div3A_2425 : vector<128x128xf32> to vector<128x128xbf16>
      %convert_element_type3A_2427 = arith.truncf %sub3A_2383 : vector<128x128xf32> to vector<128x128xbf16>
      %dot_general3A_2428 = arith.constant dense<0.000000e+00> : vector<128x128xf32>
      %dot_general3A_2429 = tpu.matmul %convert_element_type3A_2426, %convert_element_type3A_2427, %dot_general3A_2428 {dimension_numbers = #tpu.dot_dimension_numbers<[1], [0], [0], [1], [0, 0, 1, 1], [], []>, transpose_lhs_hint = false} : vector<128x128xbf16>, vector<128x128xbf16>, vector<128x128xf32> -> vector<128x128xf32>
      %mul3A_2430 = vector.broadcast %sub3A_2389 : vector<1x128xf32> to vector<128x128xf32>
      %mul3A_2431 = arith.mulf %div3A_2425, %mul3A_2430 : vector<128x128xf32>
      %reduce_sum3A_2432 = arith.constant dense<0.000000e+00> : vector<128xf32>
      %reduce_sum3A_2433 = vector.multi_reduction <add>, %mul3A_2431, %reduce_sum3A_2432 [1] : vector<128x128xf32> to vector<128xf32>
      %broadcast_in_dim3A_2434 = vector.shape_cast %reduce_sum3A_2433 : vector<128xf32> to vector<128x1xf32>
      %add3A_2435 = arith.constant 9.99999997E-7 : f32
      %add3A_2436 = vector.broadcast %add3A_2435 : f32 to vector<128x1xf32>
      %add3A_2437 = arith.addf %broadcast_in_dim3A_2434, %add3A_2436 : vector<128x1xf32>
      %div3A_2438 = vector.broadcast %add3A_2437 : vector<128x1xf32> to vector<128x128xf32>
      %div3A_2439 = arith.divf %dot_general3A_2429, %div3A_2438 : vector<128x128xf32>
      %add3A_2440 = arith.addf %dot_general3A_2410, %div3A_2439 : vector<128x128xf32>
      %convert_element_type3A_2441 = arith.truncf %add3A_2440 : vector<128x128xf32> to vector<128x128xbf16>
      %swap3A_2442 = arith.constant 0 : index
      %swap3A_2443 = arith.constant 1664 : index
      %swap3A_2444 = arith.constant 0 : index
      %swap3A_2445 = vector.load %arg6[%swap3A_2442, %swap3A_2443, %swap3A_2444] : memref<1x2048x128xbf16, #tpu.memory_space<vmem>>, vector<1x128x128xbf16>
      %swap3A_2446 = vector.shape_cast %swap3A_2445 : vector<1x128x128xbf16> to vector<128x128xbf16>
      %swap3A_2447 = vector.shape_cast %convert_element_type3A_2441 : vector<128x128xbf16> to vector<1x128x128xbf16>
      tpu.vector_store %arg6[%swap3A_2442, %swap3A_2443, %swap3A_2444], %swap3A_2447 {strides = array<i32>} : memref<1x2048x128xbf16, #tpu.memory_space<vmem>>, vector<1x128x128xbf16>,
      %sub3A_2448 = arith.constant 1 : i32
      %sub3A_2449 = arith.subi %arg1, %sub3A_2448 : i32
      %mul3A_2450 = arith.constant 16 : i32
      %mul3A_2451 = arith.muli %sub3A_2449, %mul3A_2450 : i32
      %add3A_2452 = arith.constant 14 : i32
      %add3A_2453 = arith.addi %mul3A_2451, %add3A_2452 : i32
      %get3A_2454 = arith.constant 1792 : index
      %get3A_2455 = arith.constant 0 : index
      %get3A_2456 = vector.load %arg3[%get3A_2454, %get3A_2455] : memref<2048x128xbf16, #tpu.memory_space<vmem>>, vector<128x128xbf16>
      %get3A_2457 = arith.index_cast %arg0 : i32 to index
      %get3A_2458 = arith.index_cast %add3A_2453 : i32 to index
      %get3A_2459 = arith.constant 0 : index
      %get3A_2460 = memref.load %arg2[%get3A_2457, %get3A_2458, %get3A_2459] : memref<8x16x4xi32, #tpu.memory_space<smem>>
      %mul3A_2461 = arith.constant 64 : i32
      %mul3A_2462 = arith.muli %get3A_2460, %mul3A_2461 : i32
      %get3A_2463 = arith.index_cast %mul3A_2462 : i32 to index
      %get3A_2464 = arith.constant 0 : index
      %get3A_2465 = vector.load %arg4[%get3A_2463, %get3A_2464] : memref<2048x128xbf16, #tpu.memory_space<vmem>>, vector<64x128xbf16>
      %mul3A_2466 = arith.constant 64 : i32
      %mul3A_2467 = arith.muli %get3A_2460, %mul3A_2466 : i32
      %get3A_2468 = arith.index_cast %mul3A_2467 : i32 to index
      %get3A_2469 = arith.constant 0 : index
      %get3A_2470 = vector.load %arg5[%get3A_2468, %get3A_2469] : memref<2048x128xbf16, #tpu.memory_space<vmem>>, vector<64x128xbf16>
      %get3A_2471 = arith.index_cast %get3A_2460 : i32 to index
      %get3A_2472 = arith.constant 0 : index
      %get3A_2473 = arith.constant 0 : index
      %get3A_2474 = vector.load %arg7[%get3A_2471, %get3A_2472, %get3A_2473] : memref<32x128x128xbf16, #tpu.memory_space<vmem>>, vector<1x128x128xbf16>
      %squeeze3A_2475 = vector.shape_cast %get3A_2474 : vector<1x128x128xbf16> to vector<128x128xbf16>
      %convert_element_type3A_2476 = arith.extf %squeeze3A_2475 : vector<128x128xbf16> to vector<128x128xf32>
      %sub3A_2477 = arith.subf %get3A_7, %convert_element_type3A_2476 : vector<128x128xf32>
      %get3A_2478 = arith.index_cast %get3A_2460 : i32 to index
      %get3A_2479 = arith.constant 0 : index
      %get3A_2480 = arith.constant 0 : index
      %get3A_2481 = vector.load %arg8[%get3A_2478, %get3A_2479, %get3A_2480] : memref<32x1x128xf32, #tpu.memory_space<vmem>>, vector<1x1x128xf32>
      %get3A_2482 = vector.shape_cast %get3A_2481 : vector<1x1x128xf32> to vector<1x128xf32>
      %sub3A_2483 = arith.subf %get3A_10, %get3A_2482 : vector<1x128xf32>
      %get3A_2484 = arith.index_cast %arg0 : i32 to index
      %get3A_2485 = arith.index_cast %add3A_2453 : i32 to index
      %get3A_2486 = arith.constant 1 : index
      %get3A_2487 = memref.load %arg2[%get3A_2484, %get3A_2485, %get3A_2486] : memref<8x16x4xi32, #tpu.memory_space<smem>>
      %mul3A_2488 = arith.constant 64 : i32
      %mul3A_2489 = arith.muli %get3A_2487, %mul3A_2488 : i32
      %get3A_2490 = arith.index_cast %mul3A_2489 : i32 to index
      %get3A_2491 = arith.constant 0 : index
      %get3A_2492 = vector.load %arg4[%get3A_2490, %get3A_2491] : memref<2048x128xbf16, #tpu.memory_space<vmem>>, vector<64x128xbf16>
      %mul3A_2493 = arith.constant 64 : i32
      %mul3A_2494 = arith.muli %get3A_2487, %mul3A_2493 : i32
      %get3A_2495 = arith.index_cast %mul3A_2494 : i32 to index
      %get3A_2496 = arith.constant 0 : index
      %get3A_2497 = vector.load %arg5[%get3A_2495, %get3A_2496] : memref<2048x128xbf16, #tpu.memory_space<vmem>>, vector<64x128xbf16>
      %get3A_2498 = arith.index_cast %get3A_2487 : i32 to index
      %get3A_2499 = arith.constant 0 : index
      %get3A_2500 = arith.constant 0 : index
      %get3A_2501 = vector.load %arg7[%get3A_2498, %get3A_2499, %get3A_2500] : memref<32x128x128xbf16, #tpu.memory_space<vmem>>, vector<1x128x128xbf16>
      %squeeze3A_2502 = vector.shape_cast %get3A_2501 : vector<1x128x128xbf16> to vector<128x128xbf16>
      %convert_element_type3A_2503 = arith.extf %squeeze3A_2502 : vector<128x128xbf16> to vector<128x128xf32>
      %sub3A_2504 = arith.subf %sub3A_2477, %convert_element_type3A_2503 : vector<128x128xf32>
      %get3A_2505 = arith.index_cast %get3A_2487 : i32 to index
      %get3A_2506 = arith.constant 0 : index
      %get3A_2507 = arith.constant 0 : index
      %get3A_2508 = vector.load %arg8[%get3A_2505, %get3A_2506, %get3A_2507] : memref<32x1x128xf32, #tpu.memory_space<vmem>>, vector<1x1x128xf32>
      %get3A_2509 = vector.shape_cast %get3A_2508 : vector<1x1x128xf32> to vector<1x128xf32>
      %sub3A_2510 = arith.subf %sub3A_2483, %get3A_2509 : vector<1x128xf32>
      %get3A_2511 = arith.index_cast %arg0 : i32 to index
      %get3A_2512 = arith.index_cast %add3A_2453 : i32 to index
      %get3A_2513 = arith.constant 2 : index
      %get3A_2514 = memref.load %arg2[%get3A_2511, %get3A_2512, %get3A_2513] : memref<8x16x4xi32, #tpu.memory_space<smem>>
      %mul3A_2515 = arith.constant 64 : i32
      %mul3A_2516 = arith.muli %get3A_2514, %mul3A_2515 : i32
      %get3A_2517 = arith.index_cast %mul3A_2516 : i32 to index
      %get3A_2518 = arith.constant 0 : index
      %get3A_2519 = vector.load %arg4[%get3A_2517, %get3A_2518] : memref<2048x128xbf16, #tpu.memory_space<vmem>>, vector<64x128xbf16>
      %mul3A_2520 = arith.constant 64 : i32
      %mul3A_2521 = arith.muli %get3A_2514, %mul3A_2520 : i32
      %get3A_2522 = arith.index_cast %mul3A_2521 : i32 to index
      %get3A_2523 = arith.constant 0 : index
      %get3A_2524 = vector.load %arg5[%get3A_2522, %get3A_2523] : memref<2048x128xbf16, #tpu.memory_space<vmem>>, vector<64x128xbf16>
      %get3A_2525 = arith.index_cast %get3A_2514 : i32 to index
      %get3A_2526 = arith.constant 0 : index
      %get3A_2527 = arith.constant 0 : index
      %get3A_2528 = vector.load %arg7[%get3A_2525, %get3A_2526, %get3A_2527] : memref<32x128x128xbf16, #tpu.memory_space<vmem>>, vector<1x128x128xbf16>
      %squeeze3A_2529 = vector.shape_cast %get3A_2528 : vector<1x128x128xbf16> to vector<128x128xbf16>
      %convert_element_type3A_2530 = arith.extf %squeeze3A_2529 : vector<128x128xbf16> to vector<128x128xf32>
      %sub3A_2531 = arith.subf %sub3A_2504, %convert_element_type3A_2530 : vector<128x128xf32>
      %get3A_2532 = arith.index_cast %get3A_2514 : i32 to index
      %get3A_2533 = arith.constant 0 : index
      %get3A_2534 = arith.constant 0 : index
      %get3A_2535 = vector.load %arg8[%get3A_2532, %get3A_2533, %get3A_2534] : memref<32x1x128xf32, #tpu.memory_space<vmem>>, vector<1x1x128xf32>
      %get3A_2536 = vector.shape_cast %get3A_2535 : vector<1x1x128xf32> to vector<1x128xf32>
      %sub3A_2537 = arith.subf %sub3A_2510, %get3A_2536 : vector<1x128xf32>
      %get3A_2538 = arith.index_cast %arg0 : i32 to index
      %get3A_2539 = arith.index_cast %add3A_2453 : i32 to index
      %get3A_2540 = arith.constant 3 : index
      %get3A_2541 = memref.load %arg2[%get3A_2538, %get3A_2539, %get3A_2540] : memref<8x16x4xi32, #tpu.memory_space<smem>>
      %mul3A_2542 = arith.constant 64 : i32
      %mul3A_2543 = arith.muli %get3A_2541, %mul3A_2542 : i32
      %get3A_2544 = arith.index_cast %mul3A_2543 : i32 to index
      %get3A_2545 = arith.constant 0 : index
      %get3A_2546 = vector.load %arg4[%get3A_2544, %get3A_2545] : memref<2048x128xbf16, #tpu.memory_space<vmem>>, vector<64x128xbf16>
      %mul3A_2547 = arith.constant 64 : i32
      %mul3A_2548 = arith.muli %get3A_2541, %mul3A_2547 : i32
      %get3A_2549 = arith.index_cast %mul3A_2548 : i32 to index
      %get3A_2550 = arith.constant 0 : index
      %get3A_2551 = vector.load %arg5[%get3A_2549, %get3A_2550] : memref<2048x128xbf16, #tpu.memory_space<vmem>>, vector<64x128xbf16>
      %get3A_2552 = arith.index_cast %get3A_2541 : i32 to index
      %get3A_2553 = arith.constant 0 : index
      %get3A_2554 = arith.constant 0 : index
      %get3A_2555 = vector.load %arg7[%get3A_2552, %get3A_2553, %get3A_2554] : memref<32x128x128xbf16, #tpu.memory_space<vmem>>, vector<1x128x128xbf16>
      %squeeze3A_2556 = vector.shape_cast %get3A_2555 : vector<1x128x128xbf16> to vector<128x128xbf16>
      %convert_element_type3A_2557 = arith.extf %squeeze3A_2556 : vector<128x128xbf16> to vector<128x128xf32>
      %sub3A_2558 = arith.subf %sub3A_2531, %convert_element_type3A_2557 : vector<128x128xf32>
      %get3A_2559 = arith.index_cast %get3A_2541 : i32 to index
      %get3A_2560 = arith.constant 0 : index
      %get3A_2561 = arith.constant 0 : index
      %get3A_2562 = vector.load %arg8[%get3A_2559, %get3A_2560, %get3A_2561] : memref<32x1x128xf32, #tpu.memory_space<vmem>>, vector<1x1x128xf32>
      %get3A_2563 = vector.shape_cast %get3A_2562 : vector<1x1x128xf32> to vector<1x128xf32>
      %sub3A_2564 = arith.subf %sub3A_2537, %get3A_2563 : vector<1x128xf32>
      %concatenate3A_2565 = tpu.concatenate %get3A_2465, %get3A_2492, %get3A_2519, %get3A_2546 in 0 : vector<64x128xbf16>, vector<64x128xbf16>, vector<64x128xbf16>, vector<64x128xbf16> -> vector<256x128xbf16>
      %concatenate3A_2566 = tpu.concatenate %get3A_2470, %get3A_2497, %get3A_2524, %get3A_2551 in 0 : vector<64x128xbf16>, vector<64x128xbf16>, vector<64x128xbf16>, vector<64x128xbf16> -> vector<256x128xbf16>
      %dot_general3A_2567 = arith.constant dense<0.000000e+00> : vector<128x256xf32>
      %dot_general3A_2568 = tpu.matmul %get3A_2456, %concatenate3A_2565, %dot_general3A_2567 {dimension_numbers = #tpu.dot_dimension_numbers<[1], [1], [0], [0], [0, 0, 1, 0], [], []>, transpose_lhs_hint = false} : vector<128x128xbf16>, vector<256x128xbf16>, vector<128x256xf32> -> vector<128x256xf32>
      %mul3A_2569 = arith.constant 0.0883883461 : f32
      %mul3A_2570 = vector.broadcast %mul3A_2569 : f32 to vector<128x256xf32>
      %mul3A_2571 = arith.mulf %dot_general3A_2568, %mul3A_2570 : vector<128x256xf32>
      %reduce_max3A_2572 = arith.constant dense<0xFF800000> : vector<128xf32>
      %reduce_max3A_2573 = vector.multi_reduction <maximumf>, %mul3A_2571, %reduce_max3A_2572 [1] : vector<128x256xf32> to vector<128xf32>
      %broadcast_in_dim3A_2574 = vector.shape_cast %reduce_max3A_2573 : vector<128xf32> to vector<128x1xf32>
      %sub3A_2575 = vector.broadcast %broadcast_in_dim3A_2574 : vector<128x1xf32> to vector<128x256xf32>
      %sub3A_2576 = arith.subf %mul3A_2571, %sub3A_2575 : vector<128x256xf32>
      %exp3A_2577 = math.exp %sub3A_2576 : vector<128x256xf32>
      %reduce_sum3A_2578 = arith.constant dense<0.000000e+00> : vector<128xf32>
      %reduce_sum3A_2579 = vector.multi_reduction <add>, %exp3A_2577, %reduce_sum3A_2578 [1] : vector<128x256xf32> to vector<128xf32>
      %broadcast_in_dim3A_2580 = vector.shape_cast %reduce_sum3A_2579 : vector<128xf32> to vector<128x1xf32>
      %div3A_2581 = vector.broadcast %broadcast_in_dim3A_2580 : vector<128x1xf32> to vector<128x256xf32>
      %div3A_2582 = arith.divf %exp3A_2577, %div3A_2581 : vector<128x256xf32>
      %convert_element_type3A_2583 = arith.truncf %div3A_2582 : vector<128x256xf32> to vector<128x256xbf16>
      %dot_general3A_2584 = arith.constant dense<0.000000e+00> : vector<128x128xf32>
      %dot_general3A_2585 = tpu.matmul %convert_element_type3A_2583, %concatenate3A_2566, %dot_general3A_2584 {dimension_numbers = #tpu.dot_dimension_numbers<[1], [0], [0], [1], [0, 0, 1, 1], [], []>, transpose_lhs_hint = false} : vector<128x256xbf16>, vector<256x128xbf16>, vector<128x128xf32> -> vector<128x128xf32>
      %convert_element_type3A_2586 = arith.extf %get3A_2456 : vector<128x128xbf16> to vector<128x128xf32>
      %reduce_max3A_2587 = arith.constant dense<0xFF800000> : vector<128xf32>
      %reduce_max3A_2588 = vector.multi_reduction <maximumf>, %convert_element_type3A_2586, %reduce_max3A_2587 [1] : vector<128x128xf32> to vector<128xf32>
      %max3A_2589 = arith.constant 0xFF800000 : f32
      %max3A_2590 = vector.broadcast %max3A_2589 : f32 to vector<128xf32>
      %max3A_2591 = arith.maximumf %max3A_2590, %reduce_max3A_2588 : vector<128xf32>
      %broadcast_in_dim3A_2592 = vector.shape_cast %max3A_2591 : vector<128xf32> to vector<128x1xf32>
      %sub3A_2593 = vector.broadcast %broadcast_in_dim3A_2592 : vector<128x1xf32> to vector<128x128xf32>
      %sub3A_2594 = arith.subf %convert_element_type3A_2586, %sub3A_2593 : vector<128x128xf32>
      %exp3A_2595 = math.exp %sub3A_2594 : vector<128x128xf32>
      %reduce_sum3A_2596 = arith.constant dense<0.000000e+00> : vector<128xf32>
      %reduce_sum3A_2597 = vector.multi_reduction <add>, %exp3A_2595, %reduce_sum3A_2596 [1] : vector<128x128xf32> to vector<128xf32>
      %broadcast_in_dim3A_2598 = vector.shape_cast %reduce_sum3A_2597 : vector<128xf32> to vector<128x1xf32>
      %div3A_2599 = vector.broadcast %broadcast_in_dim3A_2598 : vector<128x1xf32> to vector<128x128xf32>
      %div3A_2600 = arith.divf %exp3A_2595, %div3A_2599 : vector<128x128xf32>
      %convert_element_type3A_2601 = arith.truncf %div3A_2600 : vector<128x128xf32> to vector<128x128xbf16>
      %convert_element_type3A_2602 = arith.truncf %sub3A_2558 : vector<128x128xf32> to vector<128x128xbf16>
      %dot_general3A_2603 = arith.constant dense<0.000000e+00> : vector<128x128xf32>
      %dot_general3A_2604 = tpu.matmul %convert_element_type3A_2601, %convert_element_type3A_2602, %dot_general3A_2603 {dimension_numbers = #tpu.dot_dimension_numbers<[1], [0], [0], [1], [0, 0, 1, 1], [], []>, transpose_lhs_hint = false} : vector<128x128xbf16>, vector<128x128xbf16>, vector<128x128xf32> -> vector<128x128xf32>
      %mul3A_2605 = vector.broadcast %sub3A_2564 : vector<1x128xf32> to vector<128x128xf32>
      %mul3A_2606 = arith.mulf %div3A_2600, %mul3A_2605 : vector<128x128xf32>
      %reduce_sum3A_2607 = arith.constant dense<0.000000e+00> : vector<128xf32>
      %reduce_sum3A_2608 = vector.multi_reduction <add>, %mul3A_2606, %reduce_sum3A_2607 [1] : vector<128x128xf32> to vector<128xf32>
      %broadcast_in_dim3A_2609 = vector.shape_cast %reduce_sum3A_2608 : vector<128xf32> to vector<128x1xf32>
      %add3A_2610 = arith.constant 9.99999997E-7 : f32
      %add3A_2611 = vector.broadcast %add3A_2610 : f32 to vector<128x1xf32>
      %add3A_2612 = arith.addf %broadcast_in_dim3A_2609, %add3A_2611 : vector<128x1xf32>
      %div3A_2613 = vector.broadcast %add3A_2612 : vector<128x1xf32> to vector<128x128xf32>
      %div3A_2614 = arith.divf %dot_general3A_2604, %div3A_2613 : vector<128x128xf32>
      %add3A_2615 = arith.addf %dot_general3A_2585, %div3A_2614 : vector<128x128xf32>
      %convert_element_type3A_2616 = arith.truncf %add3A_2615 : vector<128x128xf32> to vector<128x128xbf16>
      %swap3A_2617 = arith.constant 0 : index
      %swap3A_2618 = arith.constant 1792 : index
      %swap3A_2619 = arith.constant 0 : index
      %swap3A_2620 = vector.load %arg6[%swap3A_2617, %swap3A_2618, %swap3A_2619] : memref<1x2048x128xbf16, #tpu.memory_space<vmem>>, vector<1x128x128xbf16>
      %swap3A_2621 = vector.shape_cast %swap3A_2620 : vector<1x128x128xbf16> to vector<128x128xbf16>
      %swap3A_2622 = vector.shape_cast %convert_element_type3A_2616 : vector<128x128xbf16> to vector<1x128x128xbf16>
      tpu.vector_store %arg6[%swap3A_2617, %swap3A_2618, %swap3A_2619], %swap3A_2622 {strides = array<i32>} : memref<1x2048x128xbf16, #tpu.memory_space<vmem>>, vector<1x128x128xbf16>,
      %sub3A_2623 = arith.constant 1 : i32
      %sub3A_2624 = arith.subi %arg1, %sub3A_2623 : i32
      %mul3A_2625 = arith.constant 16 : i32
      %mul3A_2626 = arith.muli %sub3A_2624, %mul3A_2625 : i32
      %add3A_2627 = arith.constant 15 : i32
      %add3A_2628 = arith.addi %mul3A_2626, %add3A_2627 : i32
      %get3A_2629 = arith.constant 1920 : index
      %get3A_2630 = arith.constant 0 : index
      %get3A_2631 = vector.load %arg3[%get3A_2629, %get3A_2630] : memref<2048x128xbf16, #tpu.memory_space<vmem>>, vector<128x128xbf16>
      %get3A_2632 = arith.index_cast %arg0 : i32 to index
      %get3A_2633 = arith.index_cast %add3A_2628 : i32 to index
      %get3A_2634 = arith.constant 0 : index
      %get3A_2635 = memref.load %arg2[%get3A_2632, %get3A_2633, %get3A_2634] : memref<8x16x4xi32, #tpu.memory_space<smem>>
      %mul3A_2636 = arith.constant 64 : i32
      %mul3A_2637 = arith.muli %get3A_2635, %mul3A_2636 : i32
      %get3A_2638 = arith.index_cast %mul3A_2637 : i32 to index
      %get3A_2639 = arith.constant 0 : index
      %get3A_2640 = vector.load %arg4[%get3A_2638, %get3A_2639] : memref<2048x128xbf16, #tpu.memory_space<vmem>>, vector<64x128xbf16>
      %mul3A_2641 = arith.constant 64 : i32
      %mul3A_2642 = arith.muli %get3A_2635, %mul3A_2641 : i32
      %get3A_2643 = arith.index_cast %mul3A_2642 : i32 to index
      %get3A_2644 = arith.constant 0 : index
      %get3A_2645 = vector.load %arg5[%get3A_2643, %get3A_2644] : memref<2048x128xbf16, #tpu.memory_space<vmem>>, vector<64x128xbf16>
      %get3A_2646 = arith.index_cast %get3A_2635 : i32 to index
      %get3A_2647 = arith.constant 0 : index
      %get3A_2648 = arith.constant 0 : index
      %get3A_2649 = vector.load %arg7[%get3A_2646, %get3A_2647, %get3A_2648] : memref<32x128x128xbf16, #tpu.memory_space<vmem>>, vector<1x128x128xbf16>
      %squeeze3A_2650 = vector.shape_cast %get3A_2649 : vector<1x128x128xbf16> to vector<128x128xbf16>
      %convert_element_type3A_2651 = arith.extf %squeeze3A_2650 : vector<128x128xbf16> to vector<128x128xf32>
      %sub3A_2652 = arith.subf %get3A_7, %convert_element_type3A_2651 : vector<128x128xf32>
      %get3A_2653 = arith.index_cast %get3A_2635 : i32 to index
      %get3A_2654 = arith.constant 0 : index
      %get3A_2655 = arith.constant 0 : index
      %get3A_2656 = vector.load %arg8[%get3A_2653, %get3A_2654, %get3A_2655] : memref<32x1x128xf32, #tpu.memory_space<vmem>>, vector<1x1x128xf32>
      %get3A_2657 = vector.shape_cast %get3A_2656 : vector<1x1x128xf32> to vector<1x128xf32>
      %sub3A_2658 = arith.subf %get3A_10, %get3A_2657 : vector<1x128xf32>
      %get3A_2659 = arith.index_cast %arg0 : i32 to index
      %get3A_2660 = arith.index_cast %add3A_2628 : i32 to index
      %get3A_2661 = arith.constant 1 : index
      %get3A_2662 = memref.load %arg2[%get3A_2659, %get3A_2660, %get3A_2661] : memref<8x16x4xi32, #tpu.memory_space<smem>>
      %mul3A_2663 = arith.constant 64 : i32
      %mul3A_2664 = arith.muli %get3A_2662, %mul3A_2663 : i32
      %get3A_2665 = arith.index_cast %mul3A_2664 : i32 to index
      %get3A_2666 = arith.constant 0 : index
      %get3A_2667 = vector.load %arg4[%get3A_2665, %get3A_2666] : memref<2048x128xbf16, #tpu.memory_space<vmem>>, vector<64x128xbf16>
      %mul3A_2668 = arith.constant 64 : i32
      %mul3A_2669 = arith.muli %get3A_2662, %mul3A_2668 : i32
      %get3A_2670 = arith.index_cast %mul3A_2669 : i32 to index
      %get3A_2671 = arith.constant 0 : index
      %get3A_2672 = vector.load %arg5[%get3A_2670, %get3A_2671] : memref<2048x128xbf16, #tpu.memory_space<vmem>>, vector<64x128xbf16>
      %get3A_2673 = arith.index_cast %get3A_2662 : i32 to index
      %get3A_2674 = arith.constant 0 : index
      %get3A_2675 = arith.constant 0 : index
      %get3A_2676 = vector.load %arg7[%get3A_2673, %get3A_2674, %get3A_2675] : memref<32x128x128xbf16, #tpu.memory_space<vmem>>, vector<1x128x128xbf16>
      %squeeze3A_2677 = vector.shape_cast %get3A_2676 : vector<1x128x128xbf16> to vector<128x128xbf16>
      %convert_element_type3A_2678 = arith.extf %squeeze3A_2677 : vector<128x128xbf16> to vector<128x128xf32>
      %sub3A_2679 = arith.subf %sub3A_2652, %convert_element_type3A_2678 : vector<128x128xf32>
      %get3A_2680 = arith.index_cast %get3A_2662 : i32 to index
      %get3A_2681 = arith.constant 0 : index
      %get3A_2682 = arith.constant 0 : index
      %get3A_2683 = vector.load %arg8[%get3A_2680, %get3A_2681, %get3A_2682] : memref<32x1x128xf32, #tpu.memory_space<vmem>>, vector<1x1x128xf32>
      %get3A_2684 = vector.shape_cast %get3A_2683 : vector<1x1x128xf32> to vector<1x128xf32>
      %sub3A_2685 = arith.subf %sub3A_2658, %get3A_2684 : vector<1x128xf32>
      %get3A_2686 = arith.index_cast %arg0 : i32 to index
      %get3A_2687 = arith.index_cast %add3A_2628 : i32 to index
      %get3A_2688 = arith.constant 2 : index
      %get3A_2689 = memref.load %arg2[%get3A_2686, %get3A_2687, %get3A_2688] : memref<8x16x4xi32, #tpu.memory_space<smem>>
      %mul3A_2690 = arith.constant 64 : i32
      %mul3A_2691 = arith.muli %get3A_2689, %mul3A_2690 : i32
      %get3A_2692 = arith.index_cast %mul3A_2691 : i32 to index
      %get3A_2693 = arith.constant 0 : index
      %get3A_2694 = vector.load %arg4[%get3A_2692, %get3A_2693] : memref<2048x128xbf16, #tpu.memory_space<vmem>>, vector<64x128xbf16>
      %mul3A_2695 = arith.constant 64 : i32
      %mul3A_2696 = arith.muli %get3A_2689, %mul3A_2695 : i32
      %get3A_2697 = arith.index_cast %mul3A_2696 : i32 to index
      %get3A_2698 = arith.constant 0 : index
      %get3A_2699 = vector.load %arg5[%get3A_2697, %get3A_2698] : memref<2048x128xbf16, #tpu.memory_space<vmem>>, vector<64x128xbf16>
      %get3A_2700 = arith.index_cast %get3A_2689 : i32 to index
      %get3A_2701 = arith.constant 0 : index
      %get3A_2702 = arith.constant 0 : index
      %get3A_2703 = vector.load %arg7[%get3A_2700, %get3A_2701, %get3A_2702] : memref<32x128x128xbf16, #tpu.memory_space<vmem>>, vector<1x128x128xbf16>
      %squeeze3A_2704 = vector.shape_cast %get3A_2703 : vector<1x128x128xbf16> to vector<128x128xbf16>
      %convert_element_type3A_2705 = arith.extf %squeeze3A_2704 : vector<128x128xbf16> to vector<128x128xf32>
      %sub3A_2706 = arith.subf %sub3A_2679, %convert_element_type3A_2705 : vector<128x128xf32>
      %get3A_2707 = arith.index_cast %get3A_2689 : i32 to index
      %get3A_2708 = arith.constant 0 : index
      %get3A_2709 = arith.constant 0 : index
      %get3A_2710 = vector.load %arg8[%get3A_2707, %get3A_2708, %get3A_2709] : memref<32x1x128xf32, #tpu.memory_space<vmem>>, vector<1x1x128xf32>
      %get3A_2711 = vector.shape_cast %get3A_2710 : vector<1x1x128xf32> to vector<1x128xf32>
      %sub3A_2712 = arith.subf %sub3A_2685, %get3A_2711 : vector<1x128xf32>
      %get3A_2713 = arith.index_cast %arg0 : i32 to index
      %get3A_2714 = arith.index_cast %add3A_2628 : i32 to index
      %get3A_2715 = arith.constant 3 : index
      %get3A_2716 = memref.load %arg2[%get3A_2713, %get3A_2714, %get3A_2715] : memref<8x16x4xi32, #tpu.memory_space<smem>>
      %mul3A_2717 = arith.constant 64 : i32
      %mul3A_2718 = arith.muli %get3A_2716, %mul3A_2717 : i32
      %get3A_2719 = arith.index_cast %mul3A_2718 : i32 to index
      %get3A_2720 = arith.constant 0 : index
      %get3A_2721 = vector.load %arg4[%get3A_2719, %get3A_2720] : memref<2048x128xbf16, #tpu.memory_space<vmem>>, vector<64x128xbf16>
      %mul3A_2722 = arith.constant 64 : i32
      %mul3A_2723 = arith.muli %get3A_2716, %mul3A_2722 : i32
      %get3A_2724 = arith.index_cast %mul3A_2723 : i32 to index
      %get3A_2725 = arith.constant 0 : index
      %get3A_2726 = vector.load %arg5[%get3A_2724, %get3A_2725] : memref<2048x128xbf16, #tpu.memory_space<vmem>>, vector<64x128xbf16>
      %get3A_2727 = arith.index_cast %get3A_2716 : i32 to index
      %get3A_2728 = arith.constant 0 : index
      %get3A_2729 = arith.constant 0 : index
      %get3A_2730 = vector.load %arg7[%get3A_2727, %get3A_2728, %get3A_2729] : memref<32x128x128xbf16, #tpu.memory_space<vmem>>, vector<1x128x128xbf16>
      %squeeze3A_2731 = vector.shape_cast %get3A_2730 : vector<1x128x128xbf16> to vector<128x128xbf16>
      %convert_element_type3A_2732 = arith.extf %squeeze3A_2731 : vector<128x128xbf16> to vector<128x128xf32>
      %sub3A_2733 = arith.subf %sub3A_2706, %convert_element_type3A_2732 : vector<128x128xf32>
      %get3A_2734 = arith.index_cast %get3A_2716 : i32 to index
      %get3A_2735 = arith.constant 0 : index
      %get3A_2736 = arith.constant 0 : index
      %get3A_2737 = vector.load %arg8[%get3A_2734, %get3A_2735, %get3A_2736] : memref<32x1x128xf32, #tpu.memory_space<vmem>>, vector<1x1x128xf32>
      %get3A_2738 = vector.shape_cast %get3A_2737 : vector<1x1x128xf32> to vector<1x128xf32>
      %sub3A_2739 = arith.subf %sub3A_2712, %get3A_2738 : vector<1x128xf32>
      %concatenate3A_2740 = tpu.concatenate %get3A_2640, %get3A_2667, %get3A_2694, %get3A_2721 in 0 : vector<64x128xbf16>, vector<64x128xbf16>, vector<64x128xbf16>, vector<64x128xbf16> -> vector<256x128xbf16>
      %concatenate3A_2741 = tpu.concatenate %get3A_2645, %get3A_2672, %get3A_2699, %get3A_2726 in 0 : vector<64x128xbf16>, vector<64x128xbf16>, vector<64x128xbf16>, vector<64x128xbf16> -> vector<256x128xbf16>
      %dot_general3A_2742 = arith.constant dense<0.000000e+00> : vector<128x256xf32>
      %dot_general3A_2743 = tpu.matmul %get3A_2631, %concatenate3A_2740, %dot_general3A_2742 {dimension_numbers = #tpu.dot_dimension_numbers<[1], [1], [0], [0], [0, 0, 1, 0], [], []>, transpose_lhs_hint = false} : vector<128x128xbf16>, vector<256x128xbf16>, vector<128x256xf32> -> vector<128x256xf32>
      %mul3A_2744 = arith.constant 0.0883883461 : f32
      %mul3A_2745 = vector.broadcast %mul3A_2744 : f32 to vector<128x256xf32>
      %mul3A_2746 = arith.mulf %dot_general3A_2743, %mul3A_2745 : vector<128x256xf32>
      %reduce_max3A_2747 = arith.constant dense<0xFF800000> : vector<128xf32>
      %reduce_max3A_2748 = vector.multi_reduction <maximumf>, %mul3A_2746, %reduce_max3A_2747 [1] : vector<128x256xf32> to vector<128xf32>
      %broadcast_in_dim3A_2749 = vector.shape_cast %reduce_max3A_2748 : vector<128xf32> to vector<128x1xf32>
      %sub3A_2750 = vector.broadcast %broadcast_in_dim3A_2749 : vector<128x1xf32> to vector<128x256xf32>
      %sub3A_2751 = arith.subf %mul3A_2746, %sub3A_2750 : vector<128x256xf32>
      %exp3A_2752 = math.exp %sub3A_2751 : vector<128x256xf32>
      %reduce_sum3A_2753 = arith.constant dense<0.000000e+00> : vector<128xf32>
      %reduce_sum3A_2754 = vector.multi_reduction <add>, %exp3A_2752, %reduce_sum3A_2753 [1] : vector<128x256xf32> to vector<128xf32>
      %broadcast_in_dim3A_2755 = vector.shape_cast %reduce_sum3A_2754 : vector<128xf32> to vector<128x1xf32>
      %div3A_2756 = vector.broadcast %broadcast_in_dim3A_2755 : vector<128x1xf32> to vector<128x256xf32>
      %div3A_2757 = arith.divf %exp3A_2752, %div3A_2756 : vector<128x256xf32>
      %convert_element_type3A_2758 = arith.truncf %div3A_2757 : vector<128x256xf32> to vector<128x256xbf16>
      %dot_general3A_2759 = arith.constant dense<0.000000e+00> : vector<128x128xf32>
      %dot_general3A_2760 = tpu.matmul %convert_element_type3A_2758, %concatenate3A_2741, %dot_general3A_2759 {dimension_numbers = #tpu.dot_dimension_numbers<[1], [0], [0], [1], [0, 0, 1, 1], [], []>, transpose_lhs_hint = false} : vector<128x256xbf16>, vector<256x128xbf16>, vector<128x128xf32> -> vector<128x128xf32>
      %convert_element_type3A_2761 = arith.extf %get3A_2631 : vector<128x128xbf16> to vector<128x128xf32>
      %reduce_max3A_2762 = arith.constant dense<0xFF800000> : vector<128xf32>
      %reduce_max3A_2763 = vector.multi_reduction <maximumf>, %convert_element_type3A_2761, %reduce_max3A_2762 [1] : vector<128x128xf32> to vector<128xf32>
      %max3A_2764 = arith.constant 0xFF800000 : f32
      %max3A_2765 = vector.broadcast %max3A_2764 : f32 to vector<128xf32>
      %max3A_2766 = arith.maximumf %max3A_2765, %reduce_max3A_2763 : vector<128xf32>
      %broadcast_in_dim3A_2767 = vector.shape_cast %max3A_2766 : vector<128xf32> to vector<128x1xf32>
      %sub3A_2768 = vector.broadcast %broadcast_in_dim3A_2767 : vector<128x1xf32> to vector<128x128xf32>
      %sub3A_2769 = arith.subf %convert_element_type3A_2761, %sub3A_2768 : vector<128x128xf32>
      %exp3A_2770 = math.exp %sub3A_2769 : vector<128x128xf32>
      %reduce_sum3A_2771 = arith.constant dense<0.000000e+00> : vector<128xf32>
      %reduce_sum3A_2772 = vector.multi_reduction <add>, %exp3A_2770, %reduce_sum3A_2771 [1] : vector<128x128xf32> to vector<128xf32>
      %broadcast_in_dim3A_2773 = vector.shape_cast %reduce_sum3A_2772 : vector<128xf32> to vector<128x1xf32>
      %div3A_2774 = vector.broadcast %broadcast_in_dim3A_2773 : vector<128x1xf32> to vector<128x128xf32>
      %div3A_2775 = arith.divf %exp3A_2770, %div3A_2774 : vector<128x128xf32>
      %convert_element_type3A_2776 = arith.truncf %div3A_2775 : vector<128x128xf32> to vector<128x128xbf16>
      %convert_element_type3A_2777 = arith.truncf %sub3A_2733 : vector<128x128xf32> to vector<128x128xbf16>
      %dot_general3A_2778 = arith.constant dense<0.000000e+00> : vector<128x128xf32>
      %dot_general3A_2779 = tpu.matmul %convert_element_type3A_2776, %convert_element_type3A_2777, %dot_general3A_2778 {dimension_numbers = #tpu.dot_dimension_numbers<[1], [0], [0], [1], [0, 0, 1, 1], [], []>, transpose_lhs_hint = false} : vector<128x128xbf16>, vector<128x128xbf16>, vector<128x128xf32> -> vector<128x128xf32>
      %mul3A_2780 = vector.broadcast %sub3A_2739 : vector<1x128xf32> to vector<128x128xf32>
      %mul3A_2781 = arith.mulf %div3A_2775, %mul3A_2780 : vector<128x128xf32>
      %reduce_sum3A_2782 = arith.constant dense<0.000000e+00> : vector<128xf32>
      %reduce_sum3A_2783 = vector.multi_reduction <add>, %mul3A_2781, %reduce_sum3A_2782 [1] : vector<128x128xf32> to vector<128xf32>
      %broadcast_in_dim3A_2784 = vector.shape_cast %reduce_sum3A_2783 : vector<128xf32> to vector<128x1xf32>
      %add3A_2785 = arith.constant 9.99999997E-7 : f32
      %add3A_2786 = vector.broadcast %add3A_2785 : f32 to vector<128x1xf32>
      %add3A_2787 = arith.addf %broadcast_in_dim3A_2784, %add3A_2786 : vector<128x1xf32>
      %div3A_2788 = vector.broadcast %add3A_2787 : vector<128x1xf32> to vector<128x128xf32>
      %div3A_2789 = arith.divf %dot_general3A_2779, %div3A_2788 : vector<128x128xf32>
      %add3A_2790 = arith.addf %dot_general3A_2760, %div3A_2789 : vector<128x128xf32>
      %convert_element_type3A_2791 = arith.truncf %add3A_2790 : vector<128x128xf32> to vector<128x128xbf16>
      %swap3A_2792 = arith.constant 0 : index
      %swap3A_2793 = arith.constant 1920 : index
      %swap3A_2794 = arith.constant 0 : index
      %swap3A_2795 = vector.load %arg6[%swap3A_2792, %swap3A_2793, %swap3A_2794] : memref<1x2048x128xbf16, #tpu.memory_space<vmem>>, vector<1x128x128xbf16>
      %swap3A_2796 = vector.shape_cast %swap3A_2795 : vector<1x128x128xbf16> to vector<128x128xbf16>
      %swap3A_2797 = vector.shape_cast %convert_element_type3A_2791 : vector<128x128xbf16> to vector<1x128x128xbf16>
      tpu.vector_store %arg6[%swap3A_2792, %swap3A_2793, %swap3A_2794], %swap3A_2797 {strides = array<i32>} : memref<1x2048x128xbf16, #tpu.memory_space<vmem>>, vector<1x128x128xbf16>,
    } else {
    }
    return
  }
  func.func @transform_0(%arg0: i32, %arg1: i32, %arg2: memref<8x16x4xi32, #tpu.memory_space<smem>>) -> (i32, i32) {
    %sub3A = arith.constant 1 : i32
    %sub3A_0 = arith.subi %arg1, %sub3A : i32
    %max3A = arith.constant 0 : i32
    %max3A_1 = arith.maxsi %sub3A_0, %max3A : i32
    %c0_i32 = arith.constant 0 : i32
    return %max3A_1, %arg0 : i32, i32
  }
  func.func @transform_1(%arg0: i32, %arg1: i32, %arg2: memref<8x16x4xi32, #tpu.memory_space<smem>>) -> (i32, i32) {
    %c0_i32 = arith.constant 0 : i32
    %c0_i32_0 = arith.constant 0 : i32
    return %c0_i32, %arg0 : i32, i32
  }
  func.func @transform_2(%arg0: i32, %arg1: i32, %arg2: memref<8x16x4xi32, #tpu.memory_space<smem>>) -> (i32, i32) {
    %c0_i32 = arith.constant 0 : i32
    %c0_i32_0 = arith.constant 0 : i32
    return %c0_i32, %arg0 : i32, i32
  }
  func.func @transform_3(%arg0: i32, %arg1: i32, %arg2: memref<8x16x4xi32, #tpu.memory_space<smem>>) -> (i32, i32, i32) {
    %sub3A = arith.constant 1 : i32
    %sub3A_0 = arith.subi %arg1, %sub3A : i32
    %max3A = arith.constant 0 : i32
    %max3A_1 = arith.maxsi %sub3A_0, %max3A : i32
    %c0_i32 = arith.constant 0 : i32
    %c0_i32_2 = arith.constant 0 : i32
    return %arg0, %max3A_1, %c0_i32 : i32, i32, i32
  }
}

</mosaic_0001>

<sc_bundles>
// kernel: kernel.7.cloned.1.call-start
scs
__scs_entry_jumppad:
0x0: {  	(pc) =	sbr.rel $0x88, $3  }
0x1: {  	(tag) =	ssettag $0x0;
	lr =	simm.s32 $0x1  }
0x2: {  	[smem:$0x3F94] =	sst lr;
	_ =	strace $0xD0000000  }
0x3: {  	_ = 	snop  }
0x4: {  	_ = 	snop  }
0x5: {  	_ = 	snop  }
0x6: {  	_ = 	snop  }
0x7: {  	_ = 	snop  }
__scs_overlays_trampoline_lowered:
0x8: {  	[smem:$0x3FA3] =	sst s0  }
0x9: {  	[smem:$0x3FA4] =	sst s1  }
0xa: {  	[smem:$0x3FA5] =	sst s2  }
0xb: {  	[smem:$0x3FA6] =	sst s3  }
0xc: {  	[smem:$0x3FA7] =	sst s4  }
0xd: {  	[smem:$0x3FA8] =	sst s5  }
0xe: {  	[smem:$0x3FA9] =	sst s6  }
0xf: {  	[smem:$0x3FAA] =	sst s7  }
0x10: {  	[smem:$0x3FAB] =	sst s8  }
0x11: {  	[smem:$0x3FAC] =	sst s9;
	s0 =	simm.s32 @!p0 $0x0  }
0x12: {  	s1 =	sld [smem:$0x3F92];
	s0 =	simm.s32 @p0 $0x1  }
0x13: {  	[smem:$0x3FAD] =	sst s0;
	s0 =	simm.s32 @!p1 $0x0  }
0x14: {  	s2 =	sld [smem:$0x3F91];
	s0 =	simm.s32 @p1 $0x1  }
0x15: {  	[smem:$0x3FAE] =	sst s0;
	s0 =	simm.s32 @!p2 $0x0  }
0x16: {  	s3 =	sld [smem:$0x3FDB];
	s0 =	simm.s32 @p2 $0x1  }
0x17: {  	s4 =	simm.s32 $0x1BF5;
	[smem:$0x3FB0] =	sst s0  }
0x18: {  	s0 =	sld [smem:$0x3F93];
	_ =	swait.ge [sflag:s4], $0x0  }
0x19: {  	s7 =	sld [smem:$0x3F94]  }
0x1a: {  	s8 =	sadd.s32 $0xFFFFE003, lr  }
0x1b: {  	s9 =	sadd.s32 $0xFFFFFEF7, lr;
	s5 =	simm.s32 $0xFFFFFFFF;
	p2 =	slt.u32 s8, $0xFFFFF086  }
0x1c: {  	p1 =	slt.u32 s9, $0xF7A;
	s5 =	simm.s32 @!p2 $0x0  }
0x1d: {  	s5 =	simm.s32 @p1 $0x1;
	p0 =	seq.s32 s7, s2  }
0x1e: {  	s7 =	smul.u32 @!p0 $0xF7A, s2;
	p2 =	seq.s32 @!p0 s5, $0x0  }
0x1f: {  	s9 =	smul.u32 $0xF7A, s1;
	s8 =	simm.s32 @!p0 $0x1BF5;
	p2 =	por !p2, p0  }
0x20: {  	[sflag:s8] =	ssyncset.s32 @!p0 $0xFFFFF086;
	s6 =	sadd.s32 @!p0 s3, s7;
	s7 =	simm.s32 @!p0 $0x108  }
0x21: {  	s3 =	sadd.s32 s3, s9;
	s6 =	sadd.s32 @!p0 $0x88, s6;
	s7 =	simm.s32 @p2 $0x1082  }
0x22: {  	[simem:s7], [sflag:s8] =	dma.local @!p0 [hbm:s6], $0xF7A  }
0x23: {  	s9 =	sor.u32 $0xD0000000, s2;
	s6 =	simm.s32 $0x108;
	_ =	swait.ge @!p0 [sflag:s8], $0x0  }
0x24: {  	s3 =	sadd.s32 $0x88, s3;
	s6 =	simm.s32 @!p1 $0x1082;
	[sflag:s4] =	ssyncset.s32 $0xFFFFF086  }
0x25: {  	[simem:s6], [sflag:s4] =	dma.local [hbm:s3], $0xF7A  }
0x26: {  	[smem:$0x3F94] =	sst s1;
	(tag) =	ssettag s2;
	_ =	strace s9  }
0x27: {  	s1 =	sld [smem:$0x3FA4]  }
0x28: {  	s2 =	sld [smem:$0x3FA5]  }
0x29: {  	s4 =	sld [smem:$0x3FA7]  }
0x2a: {  	p0 =	seq.s32 s5, $0x0;
	s5 =	sld [smem:$0x3FA8]  }
0x2b: {  	s6 =	sld [smem:$0x3FA9]  }
0x2c: {  	s7 =	sld [smem:$0x3FAA]  }
0x2d: {  	s3 =	simm.s32 $0x108;
	s8 =	sld [smem:$0x3FAB]  }
0x2e: {  	s3 =	simm.s32 @!p0 $0x1082;
	s9 =	sld [smem:$0x3FAC]  }
0x2f: {  	lr =	sadd.s32 s0, s3;
	s0 =	sld [smem:$0x3FA3]  }
0x30: {  	s3 =	sld [smem:$0x3FA6]  }
0x31: {  	[smem:$0x3FAF] =	sst s10  }
0x32: {  	s10 =	sld [smem:$0x3FAD];
	_ =	sdelay $0x3  }
0x33: {  	p0 =	seq.s32 s10, $0x1;
	s10 =	sld [smem:$0x3FAF];
	_ =	sdelay $0x3  }
0x34: {  	[smem:$0x3FAF] =	sst s10  }
0x35: {  	s10 =	sld [smem:$0x3FAE];
	_ =	sdelay $0x3  }
0x36: {  	p1 =	seq.s32 s10, $0x1;
	s10 =	sld [smem:$0x3FAF];
	_ =	sdelay $0x3  }
0x37: {  	[smem:$0x3FAF] =	sst s10  }
0x38: {  	s10 =	sld [smem:$0x3FB0]  }
0x39: {  	_ = 	snop;
	(pc) =	sbr.ind lr, $3  }
0x3a: {  	_ = 	snop  }
0x3b: {  	_ = 	snop  }
0x3c: {  	p2 =	seq.s32 s10, $0x1;
	s10 =	sld [smem:$0x3FAF]  }
0x3d: {  	_ =	shalt  }
0x3e: {  	_ =	shalt  }
0x3f: {  	_ =	shalt  }
0x40: {  	_ =	shalt  }
0x41: {  	_ =	shalt  }
0x42: {  	_ =	shalt  }
0x43: {  	_ =	shalt  }
0x44: {  	_ =	shalt  }
0x45: {  	_ =	shalt  }
0x46: {  	_ =	shalt  }
0x47: {  	_ =	shalt  }
0x48: {  	_ =	shalt  }
0x49: {  	_ =	shalt  }
0x4a: {  	_ =	shalt  }
0x4b: {  	_ =	shalt  }
0x4c: {  	_ =	shalt  }
0x4d: {  	_ =	shalt  }
0x4e: {  	_ =	shalt  }
0x4f: {  	_ =	shalt  }
0x50: {  	_ =	shalt  }
0x51: {  	_ =	shalt  }
0x52: {  	_ =	shalt  }
0x53: {  	_ =	shalt  }
0x54: {  	_ =	shalt  }
0x55: {  	_ =	shalt  }
0x56: {  	_ =	shalt  }
0x57: {  	_ =	shalt  }
0x58: {  	_ =	shalt  }
0x59: {  	_ =	shalt  }
0x5a: {  	_ =	shalt  }
0x5b: {  	_ =	shalt  }
0x5c: {  	_ =	shalt  }
0x5d: {  	_ =	shalt  }
0x5e: {  	_ =	shalt  }
0x5f: {  	_ =	shalt  }
0x60: {  	_ =	shalt  }
0x61: {  	_ =	shalt  }
0x62: {  	_ =	shalt  }
0x63: {  	_ =	shalt  }
0x64: {  	_ =	shalt  }
0x65: {  	_ =	shalt  }
0x66: {  	_ =	shalt  }
0x67: {  	_ =	shalt  }
0x68: {  	_ =	shalt  }
0x69: {  	_ =	shalt  }
0x6a: {  	_ =	shalt  }
0x6b: {  	_ =	shalt  }
0x6c: {  	_ =	shalt  }
0x6d: {  	_ =	shalt  }
0x6e: {  	_ =	shalt  }
0x6f: {  	_ =	shalt  }
0x70: {  	_ =	shalt  }
0x71: {  	_ =	shalt  }
0x72: {  	_ =	shalt  }
0x73: {  	_ =	shalt  }
0x74: {  	_ =	shalt  }
0x75: {  	_ =	shalt  }
0x76: {  	_ =	shalt  }
0x77: {  	_ =	shalt  }
0x78: {  	_ =	shalt  }
0x79: {  	_ =	shalt  }
0x7a: {  	_ =	shalt  }
0x7b: {  	_ =	shalt  }
0x7c: {  	_ =	shalt  }
0x7d: {  	_ =	shalt  }
0x7e: {  	_ =	shalt  }
0x7f: {  	_ =	shalt  }
0x80: {  	_ =	shalt  }
0x81: {  	_ =	shalt  }
0x82: {  	_ =	shalt  }
0x83: {  	_ =	shalt  }
0x84: {  	_ =	shalt  }
0x85: {  	_ =	shalt  }
0x86: {  	_ =	shalt  }
0x87: {  	_ =	shalt  }
.Lfunc_end0:
.L_simem_size_0:
called_computation_lowered:
.L_overlay_start_0:
0x88: {  	s2 =	sld [smem:$0x3FD9]  }
0x89: {  	s3 =	sld [smem:$0x3FFE];
	_ =	sdelay $0x1  }
0x8a: {  	s1 =	srdreg.scid  }
0x8b: {  	s0 =	sand.u32 $0x1, s1  }
0x8c: {  	s17 =	sshll.u32 s0, $0xA;
	s2 =	sadd.s32 s3, s2  }
0x8d: {  	s2 =	sadd.s32 s2, s17  }
0x8e: {  	[smem:$0x3FBB] =	sst s2  }
0x8f: {  	_ = 	snop  }
0x90: {  	s2 =	sld [smem:$0x3FD0];
	(tm) =	ssettm $0x1  }
0x91: {  	s18 =	sld [smem:$0x3FFB];
	_ =	sdelay $0x3  }
0x92: {  	_ =	strace s18  }
0x93: {  	s3 =	sld [smem:$0x3FFC];
	_ =	sdelay $0x3  }
0x94: {  	_ =	strace s3  }
0x95: {  	s3 =	sld [smem:$0x3FFD];
	_ =	sdelay $0x3  }
0x96: {  	_ =	strace s3  }
0x97: {  	_ =	strace $0x8FFFFFFF  }
0x98: {  	s19 =	sld [smem:$0x3FDB];
	_ =	sdelay $0x1  }
0x99: {  	s4 =	simm.s32 $_scs_section_size  }
0x9a: {  	s5 =	simm.s32 $_size__tile_overlayer_lowered;
	s6 =	simm.s32 $_tile_overlayer_lowered  }
0x9b: {  	s22 =	simm.s32 $0x1BFF;
	s21 =	sshll.u32 s6, $0x1;
	s3 =	sadd.s32 s4, s19  }
0x9c: {  	s7 =	simm.s32 $0x0;
	s20 =	sshll.u32 s5, $0x1;
	s5 =	sadd.s32 s21, s3  }
0x9d: {  	[timem:s7], [sflag:s22] =	dma.local [hbm:s5], s20  }
0x9e: {  	_ =	swait.ge [sflag:s22], s20  }
0x9f: {  	s4 =	ssub.s32 $0x0, s20;
	[sflag:s22] =	ssyncset.done $0x0  }
0xa0: {  	[sflag:s22] =	ssyncadd.s32 s4;
	_ =	sdelay $0x1  }
0xa1: {  	s23 =	simm.s32 $0x1B8B  }
0xa2: {  	_ =	swait.ge [sflag:s23], $0x1  }
0xa3: {  	[sflag:s23] =	ssyncset.done $0x0  }
0xa4: {  	s25 =	simm.s32 $0x1B8E;
	s24 =	sld [smem:$0x3FFE];
	[sflag:s23] =	ssyncadd.s32 $0xFFFFFFFF  }
0xa5: {  	s26 =	simm.s32 $execute0_lowered;
	[smem:$0x3FD2] =	sst s25  }
0xa6: {  	s5 =	sshll.u32 s26, $0x1;
	_ =	strace $0x80000046;
	[dreg:$0x1] =	wrdreg $0xFFFFFFFF  }
0xa7: {  	s28 =	simm.s32 $_size_execute0_lowered;
	s3 =	sadd.s32 s3, s5;
	[dreg:$0x0] =	wrdreg $0x0  }
0xa8: {  	s5 =	sshll.u32 s28, $0x1;
	[dreg:$0x2] =	wrdreg s3  }
0xa9: {  	[dreg:$0x3] =	wrdreg s5  }
0xaa: {  	[dreg:$0x4] =	wrdreg $0xC0  }
0xab: {  	_ =	task [dreg:s7], $0x5FFFF  }
0xac: {  	[dreg:$0x1] =	wrdreg $0xFFFFFFFF  }
0xad: {  	[dreg:$0x0] =	wrdreg $0x60  }
0xae: {  	[dreg:$0x2] =	wrdreg s2  }
0xaf: {  	[dreg:$0x3] =	wrdreg s24  }
0xb0: {  	[dreg:$0x4] =	wrdreg $0x9  }
0xb1: {  	_ =	task.clear_ibuf [dreg:s7], $0x5FFFF;
	_ =	strace $0x90000046  }
0xb2: {  	s29 =	simm.s32 $0x9;
	_ =	strace $0x80000048  }
0xb3: {  	_ =	swait.ge [sflag:s29], $0x1  }
0xb4: {  	[sflag:s29] =	ssyncadd.s32 $0xFFFFFFFF  }
0xb5: {  	_ =	strace $0x90000048  }
0xb6: {  	_ =	sfence  }
0xb7: {  	s30 =	sld [smem:$0x0];
	_ =	sdelay $0x2  }
0xb8: {  	s31 =	sshll.u32 s1, $0xD;
	s1 =	sshrl.u32 s1, $0x2  }
0xb9: {  	s3 =	sand.u32 $0x4000, s31;
	s1 =	sadd.s32 s1, s30  }
0xba: {  	s0 =	sor.u32 s3, s0;
	s1 =	sshll.u32 s1, $0x11  }
0xbb: {  	s0 =	sor.u32 s1, s0  }
0xbc: {  	s0 =	sadd.s32 $0x8F2B, s0  }
0xbd: {  	[sflag:s0] =	ssyncadd.remote.s32 $0x1  }
0xbe: {  	_ =	sfence.sel $0xFFFF  }
0xbf: {  	[dreg:$0x0] =	wrdreg $0xFFFFFFFF;
	(pc) =	sbr.abs _section_cstart, $3  }
0xc0: {  	[dreg:$0x1] =	wrdreg $0xFFFFFFFF  }
0xc1: {  	_ =	task.clear_ibuf [dreg:s7], $0x2FFFF;
	_ =	strace $0x9FFFFFFF  }
0xc2: {  	(tm) =	ssettm $0x7FFFFFFF  }
0xc3: {  	_ =	shalt  }
tec
execute0_lowered:
.L_overlay_start_1:
0x0: {  	(tag) =	ssettag $0x1  }
0x1: {  	s1 =	stileid.u32  }
0x2: {  	p0 =	sgt.u32 s1, $0x3  }
.Ltmp0:
0x3: {  	_ = 	snop;
	(pc) =	sbr.rel @p0 .LBB2_3-.Ltmp0, $4  }
0x4: {  	s4 =	rddreg [dreg:$0x0]  }
0x5: {  	s3 =	rddreg [dreg:$0x1];
	s2 =	simm.s32 $0x0  }
0x6: {  	[smem:$0x7FF] =	sst s2  }
0x7: {  	s0 =	rddreg [dreg:$0x2];
	_ =	strace $0x80000047  }
0x8: {  	s5 =	srdreg.scid  }
0x9: {  	s6 =	sshll.u32 s1, $0x1;
	s5 =	sand.u32 $0x1, s5  }
0xa: {  	s6 =	sor.u32 s5, s6  }
0xb: {  	s5 =	ssub.s32 $0x2, s5;
	s7 =	sshll.u32 s6, $0x6  }
0xc: {  	s31 =	sshrl.u32 s5, $0x1;
	s6 =	sshll.u32 s6, $0x9;
	s3 =	sadd.s32 s7, s3  }
0xd: {  	s5 =	ssub.s32 s5, s31;
	s4 =	sadd.s32 s4, s6;
	s6 =	simm.s32 $0x1  }
0xe: {  	v0 =	vimm.s32 $0x0;
	s7 =	simm.s32 $0x1000;
	s3 =	sadd.s32 $0x2600, s3;
	s5 =	smax.u32 s5, $0x1  }
.LBB2_2:
0xf: {  	[tilespmem:s2], [sflag:$0x1] =	stream.linear.gather [hbm4b:s4+s2], $0x1000, $0x38;
	[tilespmem:$0x1200] =	vst v63  }
0x10: {  	_ =	swait.ge [sflag:s6], $0x1000  }
0x11: {  	[sflag:s6] =	ssyncset.done $0x0  }
0x12: {  	[sflag:s6] =	ssyncadd.s32 $0xFFFFF000  }
0x13: {  	v1 =	vld [tilespmem:$0x0];
	_ =	sdelay $0x1  }
0x14: {  	v2 =	vld [tilespmem:$0x80];
	_ =	sdelay $0x2  }
0x15: {  	v3 =	vld [tilespmem:$0x100];
	vm0 =	vgt.f32 v1, $-3.000000010e+38  }
0x16: {  	v1 =	vnsel vm0, $0xFF61B1E6, v1  }
0x17: {  	vm0 =	vgt.f32 v2, v1  }
0x18: {  	v4 =	vsel vm0, v1, v2  }
0x19: {  	vm1 =	vmneg vm0;
	v1 =	vsel vm0, v2, v1;
	v2 =	vld [tilespmem:$0x180];
	vm2 =	vgt.f32 v4, $-3.000000010e+38  }
0x1a: {  	v5 =	vsel vm0, $0x1, v0;
	vm5 =	vgt.f32 v3, v1;
	vm4 =	vmand vm2, vm1  }
0x1b: {  	v4 =	vnsel vm2, $0xFF61B1E6, v4;
	v7 =	vsel vm5, v1, v3;
	v1 =	vsel vm5, v3, v1  }
0x1c: {  	v9 =	vld [tilespmem:$0x200];
	v3 =	vsel vm5, $0x2, v5;
	v5 =	vnsel vm5, $0x2, v5;
	vm6 =	vgt.f32 v7, v4  }
0x1d: {  	v6 =	vsel vm4, $0x1, v0;
	v8 =	vsel vm6, v7, v4;
	v4 =	vsel vm6, v4, v7  }
0x1e: {  	v29 =	vsel vm6, v5, v6;
	vm7 =	vgt.f32 v4, $-3.000000010e+38;
	vm8 =	vgt.f32 v2, v1  }
0x1f: {  	v5 =	vsel vm6, v6, v5;
	v4 =	vnsel vm7, $0xFF61B1E6, v4;
	v30 =	vsel vm8, v1, v2  }
0x20: {  	v11 =	vld [tilespmem:$0x280];
	v5 =	vnsel vm7, $0x0, v5;
	v1 =	vsel vm8, v2, v1;
	v2 =	vsel vm8, $0x3, v3  }
0x21: {  	v3 =	vnsel vm8, $0x3, v3;
	vm9 =	vgt.f32 v30, v8;
	vm12 =	vgt.f32 v9, v1  }
0x22: {  	v10 =	vsel vm9, v8, v30;
	v6 =	vsel vm9, v30, v8;
	v31 =	vsel vm9, v3, v29  }
0x23: {  	v3 =	vsel vm9, v29, v3;
	v34 =	vsel vm12, v1, v9;
	v1 =	vsel vm12, v9, v1  }
0x24: {  	v35 =	vsel vm12, $0x4, v2;
	v2 =	vnsel vm12, $0x4, v2;
	vm10 =	vgt.f32 v10, v4  }
0x25: {  	v40 =	vld [tilespmem:$0x300];
	vm13 =	vgt.f32 v34, v6;
	vm4 =	vgt.f32 v11, v1;
	v32 =	vsel vm10, v10, v4  }
0x26: {  	v4 =	vsel vm10, v4, v10;
	v33 =	vsel vm10, v3, v5;
	v3 =	vsel vm10, v5, v3  }
0x27: {  	v12 =	vsel vm13, v6, v34;
	v5 =	vsel vm13, v34, v6;
	v36 =	vsel vm13, v2, v31  }
0x28: {  	v2 =	vsel vm13, v31, v2;
	v39 =	vsel vm4, v1, v11;
	v1 =	vsel vm4, v11, v1  }
0x29: {  	v9 =	vnsel vm4, $0x5, v35;
	vm11 =	vgt.f32 v4, $-3.000000010e+38;
	vm14 =	vgt.f32 v12, v32  }
0x2a: {  	v46 =	vld [tilespmem:$0x380];
	vm5 =	vgt.f32 v39, v5;
	vm8 =	vgt.f32 v40, v1;
	v4 =	vnsel vm11, $0xFF61B1E6, v4  }
0x2b: {  	v3 =	vnsel vm11, $0x0, v3;
	v37 =	vsel vm14, v12, v32;
	v7 =	vsel vm14, v32, v12  }
0x2c: {  	v38 =	vsel vm14, v2, v33;
	v2 =	vsel vm14, v33, v2;
	v41 =	vsel vm5, v5, v39  }
0x2d: {  	v5 =	vsel vm5, v39, v5;
	v42 =	vsel vm5, v9, v36;
	v6 =	vsel vm5, v36, v9  }
0x2e: {  	v45 =	vsel vm8, v1, v40;
	v1 =	vsel vm8, v40, v1;
	vm15 =	vgt.f32 v7, v4  }
0x2f: {  	vm6 =	vgt.f32 v41, v37;
	vm9 =	vgt.f32 v45, v5;
	vm12 =	vgt.f32 v46, v1  }
0x30: {  	v53 =	vld [tilespmem:$0x400];
	v4 =	vsel vm15, v7, v4;
	v2 =	vsel vm15, v2, v3;
	v3 =	vsel vm4, $0x5, v35  }
0x31: {  	v43 =	vsel vm6, v41, v37;
	v8 =	vsel vm6, v37, v41;
	v44 =	vsel vm6, v6, v38  }
0x32: {  	v6 =	vsel vm6, v38, v6;
	v48 =	vsel vm9, v5, v45;
	v5 =	vsel vm9, v45, v5  }
0x33: {  	v52 =	vsel vm12, v1, v46;
	v1 =	vsel vm12, v46, v1;
	vm7 =	vgt.f32 v8, v4  }
0x34: {  	v47 =	vsel vm8, $0x6, v3;
	v3 =	vnsel vm8, $0x6, v3;
	vm10 =	vgt.f32 v48, v43  }
0x35: {  	vm13 =	vgt.f32 v52, v5;
	vm4 =	vgt.f32 v53, v1;
	v4 =	vsel vm7, v8, v4  }
0x36: {  	v59 =	vld [tilespmem:$0x480];
	v2 =	vsel vm7, v6, v2;
	v49 =	vsel vm9, v3, v42;
	v3 =	vsel vm9, v42, v3  }
0x37: {  	v50 =	vsel vm10, v48, v43;
	v9 =	vsel vm10, v43, v48;
	v6 =	vnsel vm12, $0x7, v47  }
0x38: {  	v54 =	vsel vm13, v5, v52;
	v5 =	vsel vm13, v52, v5;
	v58 =	vsel vm4, v1, v53  }
0x39: {  	v1 =	vsel vm4, v53, v1;
	v51 =	vsel vm10, v3, v44;
	vm11 =	vgt.f32 v9, v4  }
0x3a: {  	v3 =	vsel vm10, v44, v3;
	v55 =	vsel vm13, v6, v49;
	vm14 =	vgt.f32 v54, v50  }
0x3b: {  	v6 =	vsel vm13, v49, v6;
	vm5 =	vgt.f32 v58, v5;
	vm8 =	vgt.f32 v59, v1  }
0x3c: {  	v18 =	vld [tilespmem:$0x500];
	v4 =	vsel vm11, v9, v4;
	v2 =	vsel vm11, v3, v2;
	v3 =	vsel vm12, $0x7, v47  }
0x3d: {  	v56 =	vsel vm14, v54, v50;
	v7 =	vsel vm14, v50, v54;
	v57 =	vsel vm14, v6, v51  }
0x3e: {  	v6 =	vsel vm14, v51, v6;
	v61 =	vsel vm5, v5, v58;
	v5 =	vsel vm5, v58, v5  }
0x3f: {  	v17 =	vsel vm8, v1, v59;
	v1 =	vsel vm8, v59, v1;
	vm15 =	vgt.f32 v7, v4  }
0x40: {  	v60 =	vsel vm4, $0x8, v3;
	v3 =	vnsel vm4, $0x8, v3;
	vm6 =	vgt.f32 v61, v56  }
0x41: {  	vm9 =	vgt.f32 v17, v5;
	vm12 =	vgt.f32 v18, v1;
	v4 =	vsel vm15, v7, v4  }
0x42: {  	v24 =	vld [tilespmem:$0x580];
	v2 =	vsel vm15, v6, v2;
	v62 =	vsel vm5, v3, v55;
	v3 =	vsel vm5, v55, v3  }
0x43: {  	v63 =	vsel vm6, v61, v56;
	v8 =	vsel vm6, v56, v61;
	v6 =	vnsel vm8, $0x9, v60  }
0x44: {  	v19 =	vsel vm9, v5, v17;
	v5 =	vsel vm9, v17, v5;
	v23 =	vsel vm12, v1, v18  }
0x45: {  	v1 =	vsel vm12, v18, v1;
	v16 =	vsel vm6, v3, v57;
	vm7 =	vgt.f32 v8, v4  }
0x46: {  	v3 =	vsel vm6, v57, v3;
	v20 =	vsel vm9, v6, v62;
	vm10 =	vgt.f32 v19, v63  }
0x47: {  	v6 =	vsel vm9, v62, v6;
	vm13 =	vgt.f32 v23, v5;
	vm4 =	vgt.f32 v24, v1  }
0x48: {  	v31 =	vld [tilespmem:$0x600];
	v4 =	vsel vm7, v8, v4;
	v2 =	vsel vm7, v3, v2;
	v3 =	vsel vm8, $0x9, v60  }
0x49: {  	v21 =	vsel vm10, v19, v63;
	v9 =	vsel vm10, v63, v19;
	v22 =	vsel vm10, v6, v16  }
0x4a: {  	v6 =	vsel vm10, v16, v6;
	v26 =	vsel vm13, v5, v23;
	v5 =	vsel vm13, v23, v5  }
0x4b: {  	v30 =	vsel vm4, v1, v24;
	v1 =	vsel vm4, v24, v1;
	vm11 =	vgt.f32 v9, v4  }
0x4c: {  	v25 =	vsel vm12, $0xA, v3;
	v3 =	vnsel vm12, $0xA, v3;
	vm14 =	vgt.f32 v26, v21  }
0x4d: {  	vm5 =	vgt.f32 v30, v5;
	vm8 =	vgt.f32 v31, v1;
	v4 =	vsel vm11, v9, v4  }
0x4e: {  	v37 =	vld [tilespmem:$0x680];
	v2 =	vsel vm11, v6, v2;
	v27 =	vsel vm13, v3, v20;
	v3 =	vsel vm13, v20, v3  }
0x4f: {  	v28 =	vsel vm14, v26, v21;
	v7 =	vsel vm14, v21, v26;
	v6 =	vnsel vm4, $0xB, v25  }
0x50: {  	v32 =	vsel vm5, v5, v30;
	v5 =	vsel vm5, v30, v5;
	v36 =	vsel vm8, v1, v31  }
0x51: {  	v1 =	vsel vm8, v31, v1;
	v29 =	vsel vm14, v3, v22;
	vm15 =	vgt.f32 v7, v4  }
0x52: {  	v3 =	vsel vm14, v22, v3;
	v33 =	vsel vm5, v6, v27;
	vm6 =	vgt.f32 v32, v28  }
0x53: {  	v6 =	vsel vm5, v27, v6;
	vm9 =	vgt.f32 v36, v5;
	vm12 =	vgt.f32 v37, v1  }
0x54: {  	v44 =	vld [tilespmem:$0x700];
	v4 =	vsel vm15, v7, v4;
	v2 =	vsel vm15, v3, v2;
	v3 =	vsel vm4, $0xB, v25  }
0x55: {  	v34 =	vsel vm6, v32, v28;
	v8 =	vsel vm6, v28, v32;
	v35 =	vsel vm6, v6, v29  }
0x56: {  	v6 =	vsel vm6, v29, v6;
	v39 =	vsel vm9, v5, v36;
	v5 =	vsel vm9, v36, v5  }
0x57: {  	v43 =	vsel vm12, v1, v37;
	v1 =	vsel vm12, v37, v1;
	vm7 =	vgt.f32 v8, v4  }
0x58: {  	v38 =	vsel vm8, $0xC, v3;
	v3 =	vnsel vm8, $0xC, v3;
	vm10 =	vgt.f32 v39, v34  }
0x59: {  	vm13 =	vgt.f32 v43, v5;
	vm4 =	vgt.f32 v44, v1;
	v4 =	vsel vm7, v8, v4  }
0x5a: {  	v50 =	vld [tilespmem:$0x780];
	v2 =	vsel vm7, v6, v2;
	v40 =	vsel vm9, v3, v33;
	v3 =	vsel vm9, v33, v3  }
0x5b: {  	v41 =	vsel vm10, v39, v34;
	v9 =	vsel vm10, v34, v39;
	v6 =	vnsel vm12, $0xD, v38  }
0x5c: {  	v45 =	vsel vm13, v5, v43;
	v5 =	vsel vm13, v43, v5;
	v49 =	vsel vm4, v1, v44  }
0x5d: {  	v1 =	vsel vm4, v44, v1;
	v42 =	vsel vm10, v3, v35;
	vm11 =	vgt.f32 v9, v4  }
0x5e: {  	v3 =	vsel vm10, v35, v3;
	v46 =	vsel vm13, v6, v40;
	vm14 =	vgt.f32 v45, v41  }
0x5f: {  	v6 =	vsel vm13, v40, v6;
	vm5 =	vgt.f32 v49, v5;
	vm8 =	vgt.f32 v50, v1  }
0x60: {  	v57 =	vld [tilespmem:$0x800];
	v4 =	vsel vm11, v9, v4;
	v2 =	vsel vm11, v3, v2;
	v3 =	vsel vm12, $0xD, v38  }
0x61: {  	v47 =	vsel vm14, v45, v41;
	v7 =	vsel vm14, v41, v45;
	v48 =	vsel vm14, v6, v42  }
0x62: {  	v6 =	vsel vm14, v42, v6;
	v52 =	vsel vm5, v5, v49;
	v5 =	vsel vm5, v49, v5  }
0x63: {  	v56 =	vsel vm8, v1, v50;
	v1 =	vsel vm8, v50, v1;
	vm15 =	vgt.f32 v7, v4  }
0x64: {  	v51 =	vsel vm4, $0xE, v3;
	v3 =	vnsel vm4, $0xE, v3;
	vm6 =	vgt.f32 v52, v47  }
0x65: {  	vm9 =	vgt.f32 v56, v5;
	vm12 =	vgt.f32 v57, v1;
	v4 =	vsel vm15, v7, v4  }
0x66: {  	v63 =	vld [tilespmem:$0x880];
	v2 =	vsel vm15, v6, v2;
	v53 =	vsel vm5, v3, v46;
	v3 =	vsel vm5, v46, v3  }
0x67: {  	v54 =	vsel vm6, v52, v47;
	v8 =	vsel vm6, v47, v52;
	v6 =	vnsel vm8, $0xF, v51  }
0x68: {  	v58 =	vsel vm9, v5, v56;
	v5 =	vsel vm9, v56, v5;
	v62 =	vsel vm12, v1, v57  }
0x69: {  	v1 =	vsel vm12, v57, v1;
	v55 =	vsel vm6, v3, v48;
	vm7 =	vgt.f32 v8, v4  }
0x6a: {  	v3 =	vsel vm6, v48, v3;
	v59 =	vsel vm9, v6, v53;
	vm10 =	vgt.f32 v58, v54  }
0x6b: {  	v6 =	vsel vm9, v53, v6;
	vm13 =	vgt.f32 v62, v5;
	vm4 =	vgt.f32 v63, v1  }
0x6c: {  	v22 =	vld [tilespmem:$0x900];
	v4 =	vsel vm7, v8, v4;
	v2 =	vsel vm7, v3, v2;
	v3 =	vsel vm8, $0xF, v51  }
0x6d: {  	v60 =	vsel vm10, v58, v54;
	v9 =	vsel vm10, v54, v58;
	v61 =	vsel vm10, v6, v55  }
0x6e: {  	v6 =	vsel vm10, v55, v6;
	v17 =	vsel vm13, v5, v62;
	v5 =	vsel vm13, v62, v5  }
0x6f: {  	v21 =	vsel vm4, v1, v63;
	v1 =	vsel vm4, v63, v1;
	vm11 =	vgt.f32 v9, v4  }
0x70: {  	v16 =	vsel vm12, $0x10, v3;
	v3 =	vnsel vm12, $0x10, v3;
	vm14 =	vgt.f32 v17, v60  }
0x71: {  	vm5 =	vgt.f32 v21, v5;
	vm8 =	vgt.f32 v22, v1;
	v4 =	vsel vm11, v9, v4  }
0x72: {  	v28 =	vld [tilespmem:$0x980];
	v2 =	vsel vm11, v6, v2;
	v18 =	vsel vm13, v3, v59;
	v3 =	vsel vm13, v59, v3  }
0x73: {  	v19 =	vsel vm14, v17, v60;
	v7 =	vsel vm14, v60, v17;
	v6 =	vnsel vm4, $0x11, v16  }
0x74: {  	v23 =	vsel vm5, v5, v21;
	v5 =	vsel vm5, v21, v5;
	v27 =	vsel vm8, v1, v22  }
0x75: {  	v1 =	vsel vm8, v22, v1;
	v20 =	vsel vm14, v3, v61;
	vm15 =	vgt.f32 v7, v4  }
0x76: {  	v3 =	vsel vm14, v61, v3;
	v24 =	vsel vm5, v6, v18;
	vm6 =	vgt.f32 v23, v19  }
0x77: {  	v6 =	vsel vm5, v18, v6;
	vm9 =	vgt.f32 v27, v5;
	vm12 =	vgt.f32 v28, v1  }
0x78: {  	v35 =	vld [tilespmem:$0xA00];
	v4 =	vsel vm15, v7, v4;
	v2 =	vsel vm15, v3, v2;
	v3 =	vsel vm4, $0x11, v16  }
0x79: {  	v25 =	vsel vm6, v23, v19;
	v8 =	vsel vm6, v19, v23;
	v26 =	vsel vm6, v6, v20  }
0x7a: {  	v6 =	vsel vm6, v20, v6;
	v30 =	vsel vm9, v5, v27;
	v5 =	vsel vm9, v27, v5  }
0x7b: {  	v34 =	vsel vm12, v1, v28;
	v1 =	vsel vm12, v28, v1;
	vm7 =	vgt.f32 v8, v4  }
0x7c: {  	v29 =	vsel vm8, $0x12, v3;
	v3 =	vnsel vm8, $0x12, v3;
	vm10 =	vgt.f32 v30, v25  }
0x7d: {  	vm13 =	vgt.f32 v34, v5;
	vm4 =	vgt.f32 v35, v1;
	v4 =	vsel vm7, v8, v4  }
0x7e: {  	v41 =	vld [tilespmem:$0xA80];
	v2 =	vsel vm7, v6, v2;
	v31 =	vsel vm9, v3, v24;
	v3 =	vsel vm9, v24, v3  }
0x7f: {  	v32 =	vsel vm10, v30, v25;
	v9 =	vsel vm10, v25, v30;
	v6 =	vnsel vm12, $0x13, v29  }
0x80: {  	v36 =	vsel vm13, v5, v34;
	v5 =	vsel vm13, v34, v5;
	v40 =	vsel vm4, v1, v35  }
0x81: {  	v1 =	vsel vm4, v35, v1;
	v33 =	vsel vm10, v3, v26;
	vm11 =	vgt.f32 v9, v4  }
0x82: {  	v3 =	vsel vm10, v26, v3;
	v37 =	vsel vm13, v6, v31;
	vm14 =	vgt.f32 v36, v32  }
0x83: {  	v6 =	vsel vm13, v31, v6;
	vm5 =	vgt.f32 v40, v5;
	vm8 =	vgt.f32 v41, v1  }
0x84: {  	v48 =	vld [tilespmem:$0xB00];
	v4 =	vsel vm11, v9, v4;
	v2 =	vsel vm11, v3, v2;
	v3 =	vsel vm12, $0x13, v29  }
0x85: {  	v38 =	vsel vm14, v36, v32;
	v7 =	vsel vm14, v32, v36;
	v39 =	vsel vm14, v6, v33  }
0x86: {  	v6 =	vsel vm14, v33, v6;
	v43 =	vsel vm5, v5, v40;
	v5 =	vsel vm5, v40, v5  }
0x87: {  	v47 =	vsel vm8, v1, v41;
	v1 =	vsel vm8, v41, v1;
	vm15 =	vgt.f32 v7, v4  }
0x88: {  	v42 =	vsel vm4, $0x14, v3;
	v3 =	vnsel vm4, $0x14, v3;
	vm6 =	vgt.f32 v43, v38  }
0x89: {  	vm9 =	vgt.f32 v47, v5;
	vm12 =	vgt.f32 v48, v1;
	v4 =	vsel vm15, v7, v4  }
0x8a: {  	v54 =	vld [tilespmem:$0xB80];
	v2 =	vsel vm15, v6, v2;
	v44 =	vsel vm5, v3, v37;
	v3 =	vsel vm5, v37, v3  }
0x8b: {  	v45 =	vsel vm6, v43, v38;
	v8 =	vsel vm6, v38, v43;
	v6 =	vnsel vm8, $0x15, v42  }
0x8c: {  	v49 =	vsel vm9, v5, v47;
	v5 =	vsel vm9, v47, v5;
	v53 =	vsel vm12, v1, v48  }
0x8d: {  	v1 =	vsel vm12, v48, v1;
	v46 =	vsel vm6, v3, v39;
	vm7 =	vgt.f32 v8, v4  }
0x8e: {  	v3 =	vsel vm6, v39, v3;
	v50 =	vsel vm9, v6, v44;
	vm10 =	vgt.f32 v49, v45  }
0x8f: {  	v6 =	vsel vm9, v44, v6;
	vm13 =	vgt.f32 v53, v5;
	vm4 =	vgt.f32 v54, v1  }
0x90: {  	v61 =	vld [tilespmem:$0xC00];
	v4 =	vsel vm7, v8, v4;
	v2 =	vsel vm7, v3, v2;
	v3 =	vsel vm8, $0x15, v42  }
0x91: {  	v51 =	vsel vm10, v49, v45;
	v9 =	vsel vm10, v45, v49;
	v52 =	vsel vm10, v6, v46  }
0x92: {  	v6 =	vsel vm10, v46, v6;
	v56 =	vsel vm13, v5, v53;
	v5 =	vsel vm13, v53, v5  }
0x93: {  	v60 =	vsel vm4, v1, v54;
	v1 =	vsel vm4, v54, v1;
	vm11 =	vgt.f32 v9, v4  }
0x94: {  	v55 =	vsel vm12, $0x16, v3;
	v3 =	vnsel vm12, $0x16, v3;
	vm14 =	vgt.f32 v56, v51  }
0x95: {  	vm5 =	vgt.f32 v60, v5;
	vm8 =	vgt.f32 v61, v1;
	v4 =	vsel vm11, v9, v4  }
0x96: {  	v19 =	vld [tilespmem:$0xC80];
	v2 =	vsel vm11, v6, v2;
	v57 =	vsel vm13, v3, v50;
	v3 =	vsel vm13, v50, v3  }
0x97: {  	v58 =	vsel vm14, v56, v51;
	v7 =	vsel vm14, v51, v56;
	v6 =	vnsel vm4, $0x17, v55  }
0x98: {  	v62 =	vsel vm5, v5, v60;
	v5 =	vsel vm5, v60, v5;
	v18 =	vsel vm8, v1, v61  }
0x99: {  	v1 =	vsel vm8, v61, v1;
	v59 =	vsel vm14, v3, v52;
	vm15 =	vgt.f32 v7, v4  }
0x9a: {  	v3 =	vsel vm14, v52, v3;
	v63 =	vsel vm5, v6, v57;
	vm6 =	vgt.f32 v62, v58  }
0x9b: {  	v6 =	vsel vm5, v57, v6;
	vm9 =	vgt.f32 v18, v5;
	vm12 =	vgt.f32 v19, v1  }
0x9c: {  	v26 =	vld [tilespmem:$0xD00];
	v4 =	vsel vm15, v7, v4;
	v2 =	vsel vm15, v3, v2;
	v3 =	vsel vm4, $0x17, v55  }
0x9d: {  	v16 =	vsel vm6, v62, v58;
	v8 =	vsel vm6, v58, v62;
	v17 =	vsel vm6, v6, v59  }
0x9e: {  	v6 =	vsel vm6, v59, v6;
	v21 =	vsel vm9, v5, v18;
	v5 =	vsel vm9, v18, v5  }
0x9f: {  	v25 =	vsel vm12, v1, v19;
	v1 =	vsel vm12, v19, v1;
	vm7 =	vgt.f32 v8, v4  }
0xa0: {  	v20 =	vsel vm8, $0x18, v3;
	v3 =	vnsel vm8, $0x18, v3;
	vm10 =	vgt.f32 v21, v16  }
0xa1: {  	vm13 =	vgt.f32 v25, v5;
	vm4 =	vgt.f32 v26, v1;
	v4 =	vsel vm7, v8, v4  }
0xa2: {  	v32 =	vld [tilespmem:$0xD80];
	v2 =	vsel vm7, v6, v2;
	v22 =	vsel vm9, v3, v63;
	v3 =	vsel vm9, v63, v3  }
0xa3: {  	v23 =	vsel vm10, v21, v16;
	v9 =	vsel vm10, v16, v21;
	v6 =	vnsel vm12, $0x19, v20  }
0xa4: {  	v27 =	vsel vm13, v5, v25;
	v5 =	vsel vm13, v25, v5;
	v31 =	vsel vm4, v1, v26  }
0xa5: {  	v1 =	vsel vm4, v26, v1;
	v24 =	vsel vm10, v3, v17;
	vm11 =	vgt.f32 v9, v4  }
0xa6: {  	v3 =	vsel vm10, v17, v3;
	v28 =	vsel vm13, v6, v22;
	vm14 =	vgt.f32 v27, v23  }
0xa7: {  	v6 =	vsel vm13, v22, v6;
	vm5 =	vgt.f32 v31, v5;
	vm8 =	vgt.f32 v32, v1  }
0xa8: {  	v39 =	vld [tilespmem:$0xE00];
	v4 =	vsel vm11, v9, v4;
	v2 =	vsel vm11, v3, v2;
	v3 =	vsel vm12, $0x19, v20  }
0xa9: {  	v29 =	vsel vm14, v27, v23;
	v7 =	vsel vm14, v23, v27;
	v30 =	vsel vm14, v6, v24  }
0xaa: {  	v6 =	vsel vm14, v24, v6;
	v34 =	vsel vm5, v5, v31;
	v5 =	vsel vm5, v31, v5  }
0xab: {  	v38 =	vsel vm8, v1, v32;
	v1 =	vsel vm8, v32, v1;
	vm15 =	vgt.f32 v7, v4  }
0xac: {  	v33 =	vsel vm4, $0x1A, v3;
	v3 =	vnsel vm4, $0x1A, v3;
	vm6 =	vgt.f32 v34, v29  }
0xad: {  	vm9 =	vgt.f32 v38, v5;
	vm12 =	vgt.f32 v39, v1;
	v4 =	vsel vm15, v7, v4  }
0xae: {  	v45 =	vld [tilespmem:$0xE80];
	v2 =	vsel vm15, v6, v2;
	v35 =	vsel vm5, v3, v28;
	v3 =	vsel vm5, v28, v3  }
0xaf: {  	v36 =	vsel vm6, v34, v29;
	v8 =	vsel vm6, v29, v34;
	v6 =	vnsel vm8, $0x1B, v33  }
0xb0: {  	v40 =	vsel vm9, v5, v38;
	v5 =	vsel vm9, v38, v5;
	v44 =	vsel vm12, v1, v39  }
0xb1: {  	v1 =	vsel vm12, v39, v1;
	v37 =	vsel vm6, v3, v30;
	vm7 =	vgt.f32 v8, v4  }
0xb2: {  	v3 =	vsel vm6, v30, v3;
	v41 =	vsel vm9, v6, v35;
	vm10 =	vgt.f32 v40, v36  }
0xb3: {  	v6 =	vsel vm9, v35, v6;
	vm13 =	vgt.f32 v44, v5;
	vm4 =	vgt.f32 v45, v1  }
0xb4: {  	v52 =	vld [tilespmem:$0xF00];
	v4 =	vsel vm7, v8, v4;
	v2 =	vsel vm7, v3, v2;
	v3 =	vsel vm8, $0x1B, v33  }
0xb5: {  	v42 =	vsel vm10, v40, v36;
	v9 =	vsel vm10, v36, v40;
	v43 =	vsel vm10, v6, v37  }
0xb6: {  	v6 =	vsel vm10, v37, v6;
	v47 =	vsel vm13, v5, v44;
	v5 =	vsel vm13, v44, v5  }
0xb7: {  	v51 =	vsel vm4, v1, v45;
	v1 =	vsel vm4, v45, v1;
	vm11 =	vgt.f32 v9, v4  }
0xb8: {  	v46 =	vsel vm12, $0x1C, v3;
	v3 =	vnsel vm12, $0x1C, v3;
	vm14 =	vgt.f32 v47, v42  }
0xb9: {  	vm5 =	vgt.f32 v51, v5;
	vm8 =	vgt.f32 v52, v1;
	v4 =	vsel vm11, v9, v4  }
0xba: {  	v57 =	vld [tilespmem:$0xF80];
	v2 =	vsel vm11, v6, v2;
	v48 =	vsel vm13, v3, v41;
	v3 =	vsel vm13, v41, v3  }
0xbb: {  	v49 =	vsel vm14, v47, v42;
	v7 =	vsel vm14, v42, v47;
	v53 =	vsel vm5, v51, v5  }
0xbc: {  	v5 =	vsel vm5, v5, v51;
	v6 =	vsel vm4, $0x1D, v46;
	v58 =	vsel vm8, v1, v52  }
0xbd: {  	v1 =	vsel vm8, v52, v1;
	v50 =	vsel vm14, v3, v43;
	vm15 =	vgt.f32 v7, v4  }
0xbe: {  	v3 =	vsel vm14, v43, v3;
	vm6 =	vgt.f32 v5, v49;
	vm9 =	vgt.f32 v58, v53  }
0xbf: {  	vm11 =	vgt.f32 v57, v1;
	v4 =	vsel vm15, v7, v4;
	v2 =	vsel vm15, v3, v2  }
0xc0: {  	v3 =	vnsel vm4, $0x1D, v46;
	v55 =	vsel vm6, v5, v49;
	v5 =	vsel vm6, v49, v5  }
0xc1: {  	v59 =	vsel vm9, v58, v53;
	v1 =	vsel vm11, v1, v57;
	v54 =	vsel vm5, v3, v48  }
0xc2: {  	v3 =	vsel vm5, v48, v3;
	vm7 =	vgt.f32 v5, v4;
	vm13 =	vgt.f32 v1, v59  }
0xc3: {  	v56 =	vsel vm6, v3, v50;
	v3 =	vsel vm6, v50, v3;
	v4 =	vsel vm7, v5, v4  }
0xc4: {  	v5 =	vsel vm9, v53, v58;
	v1 =	vsel vm13, v59, v1;
	v2 =	vsel vm7, v3, v2  }
0xc5: {  	v3 =	vnsel vm8, $0x1E, v6;
	vm10 =	vgt.f32 v5, v55;
	v6 =	vsel vm8, $0x1E, v6  }
0xc6: {  	v60 =	vsel vm9, v3, v54;
	v3 =	vsel vm9, v54, v3;
	v61 =	vsel vm10, v5, v55  }
0xc7: {  	v5 =	vsel vm10, v55, v5;
	v63 =	vnsel vm11, $0x1F, v6;
	v62 =	vsel vm10, v3, v56  }
0xc8: {  	v3 =	vsel vm10, v56, v3;
	vm12 =	vgt.f32 v5, v4;
	vm14 =	vgt.f32 v1, v61  }
0xc9: {  	v4 =	vsel vm12, v5, v4;
	v2 =	vsel vm12, v3, v2;
	v3 =	vsel vm11, $0x1F, v6  }
0xca: {  	v6 =	vsel vm13, v63, v60;
	v5 =	vsel vm13, v60, v63;
	v1 =	vsel vm14, v61, v1;
	[tilespmem:$0x1000] =	vst v3  }
0xcb: {  	v3 =	vsel vm14, v5, v62;
	v5 =	vsel vm14, v62, v5;
	vm15 =	vgt.f32 v1, v4;
	[tilespmem:$0x1080] =	vst v6  }
0xcc: {  	p0 =	sne.s32 s5, $0x1;
	v1 =	vsel vm15, v5, v2;
	[tilespmem:$0x1100] =	vst v3  }
.Ltmp1:
0xcd: {  	[tilespmem:$0x1180] =	vst v1;
	(pc) =	sbr.rel @p0 .LBB2_2-.Ltmp1, $4  }
0xce: {  	[hbm4b:s3+s2] =	stream.linear.scatter [tilespmem:s7], [sflag:$0x1], $0x200, $0x38;
	[tilespmem:$0x1200] =	vst v63  }
0xcf: {  	_ =	swait.ge [sflag:s6], $0x200  }
0xd0: {  	[sflag:s6] =	ssyncset.done $0x0  }
0xd1: {  	s5 =	sadd.s32 $0xFFFFFFFF, s5;
	[sflag:s6] =	ssyncadd.s32 $0xFFFFFE00  }
.LBB2_3:
0xd2: {  	_ =	sfence.sel $0x180000  }
0xd3: {  	[bflag:$0x0] =	sbarrier.arrive $0xFFFF  }
0xd4: {  	p0 =	sne.s32 s1, $0x0;
	_ =	strace $0x90000047  }
0xd5: {  	s0 =	sadd.s32 @!p0 $0x100000, s0;
	[bflag:$0x2] =	sbarrier.arrive $0xFFFF  }
0xd6: {  	[sflag:s0] =	ssyncadd.tile.s32 @!p0 $0x1;
	_ =	shalt  }
.Lfunc_end2:
_tile_overlayer_lowered:
.L_overlay_start_2:
0xd7: {  	(tag) =	ssettag $0x2  }
0xd8: {  	s0 =	rddreg [dreg:$0x0];
	s2 =	stileid.u32  }
0xd9: {  	s1 =	rddreg [dreg:$0x1];
	p0 =	sne.s32 s2, $0x0  }
0xda: {  	s3 =	rddreg [dreg:$0x2];
	[bflag:$0x3] =	sbarrier.arrive $0xFFFF;
	s2 =	simm.s32 @!p0 $0x1C01  }
0xdb: {  	[timem:s3], [sflag:s2] =	dma.local @!p0 [hbm:s0], s1  }
0xdc: {  	s0 =	simm.s32 @!p0 $0x1  }
0xdd: {  	_ =	swait.ge @!p0 [sflag:s0], s1  }
0xde: {  	s1 =	ssub.s32 @!p0 $0x0, s1;
	[sflag:s0] =	ssyncset.done @!p0 $0x0  }
0xdf: {  	[sflag:s0] =	ssyncadd.s32 @!p0 s1  }
0xe0: {  	[bflag:$0x3] =	sbarrier.arrive $0xFFFF  }
0xe1: {  	_ =	shalt  }

</sc_bundles>
